<compile_context>
chip_gen: v7x
topology: tpu7x:2x2x1
jax: 0.10.2.dev20260603
libtpu: 0.0.44.dev20260713+nightly
codegen_flags: <defaults>
</compile_context>

<pallas_src>
import jax
import jax.numpy as jnp
from jax import lax
from jax.experimental import pallas as pl
from jax.experimental.pallas import tpu as pltpu
from jax.experimental.pallas import tpu_sc as plsc

N = 10000
E = 160000
D = 256
HD = 128
NC = 2
NS = 16
CH = 128
EPAD = 163840
ACC_R = 10240
DEG_R = 10240

_MESH = dict(core_axis_name="c", subcore_axis_name="s",
             num_cores=NC, num_subcores=NS)


def _deg_body(dst_hbm, ones_hbm, zeros_hbm, deg_hbm, dstb, ones, stage, s16, deg_sh):
    c = lax.axis_index("c")
    s = lax.axis_index("s")
    w = c * NS + s
    pltpu.sync_copy(dst_hbm.at[w], dstb)
    pltpu.sync_copy(ones_hbm, ones)
    pltpu.sync_copy(zeros_hbm, stage)

    def zero(i, carry):
        pltpu.sync_copy(stage, deg_sh.at[pl.ds((s * 10 + i) * 64, 64)])
        return carry

    lax.fori_loop(0, 10, zero, 0)
    plsc.subcore_barrier()

    def scat(j, carry):
        pltpu.sync_copy(ones, deg_sh.at[dstb.at[j]], add=True)
        return carry

    lax.fori_loop(0, 40, scat, 0)
    plsc.subcore_barrier()

    def drain(i, carry):
        r0 = (s * 10 + i) * 64
        pltpu.sync_copy(deg_sh.at[pl.ds(r0, 64)], stage)

        def extract(r, carry2):
            s16[r, pl.ds(0, 16)] = stage[r, pl.ds(0, 16)]
            return carry2

        lax.fori_loop(0, 64, extract, 0)
        pltpu.sync_copy(s16, deg_hbm.at[c, pl.ds(r0, 64)])
        return carry

    lax.fori_loop(0, 10, drain, 0)


_deg_call = pl.kernel(
    _deg_body,
    out_type=jax.ShapeDtypeStruct((NC, DEG_R, 16), jnp.float32),
    mesh=plsc.VectorSubcoreMesh(**_MESH),
    scratch_types=[
        pltpu.VMEM((40, CH), jnp.int32),
        pltpu.VMEM((CH, HD), jnp.float32),
        pltpu.VMEM((64, HD), jnp.float32),
        pltpu.VMEM((64, 16), jnp.float32),
        pltpu.VMEM_SHARED((DEG_R, HD), jnp.float32),
    ],
)


def _agg_body(h2_hbm, src_hbm, dst_hbm, zeros_hbm, acc_hbm,
              srcb, dstb, gb0, gb1, sem0, sem1, acc_sh):
    c = lax.axis_index("c")
    s = lax.axis_index("s")
    pltpu.sync_copy(zeros_hbm, gb0)

    def zero(i, carry):
        pltpu.sync_copy(gb0, acc_sh.at[pl.ds((s * 5 + i) * CH, CH)])
        return carry

    lax.fori_loop(0, 5, zero, 0)
    plsc.subcore_barrier()

    h2h = h2_hbm.at[c]
    for p in range(4):
        pltpu.sync_copy(src_hbm.at[s * 4 + p], srcb)
        pltpu.sync_copy(dst_hbm.at[s * 4 + p], dstb)
        pltpu.async_copy(h2h.at[srcb.at[0]], gb0, sem0)

        def pair(k, carry):
            j0 = 2 * k
            j1 = j0 + 1
            pltpu.make_async_copy(h2h.at[srcb.at[j0]], gb0, sem0).wait()
            pltpu.async_copy(h2h.at[srcb.at[j1]], gb1, sem1)
            pltpu.sync_copy(gb0, acc_sh.at[dstb.at[j0]], add=True)
            pltpu.make_async_copy(h2h.at[srcb.at[j1]], gb1, sem1).wait()

            @pl.when(k < 9)
            def _():
                pltpu.async_copy(h2h.at[srcb.at[j0 + 2]], gb0, sem0)

            pltpu.sync_copy(gb1, acc_sh.at[dstb.at[j1]], add=True)
            return carry

        lax.fori_loop(0, 10, pair, 0)
    plsc.subcore_barrier()

    def drain(i, carry):
        r0 = (s * 5 + i) * CH
        pltpu.sync_copy(acc_sh.at[pl.ds(r0, CH)], gb0)
        pltpu.sync_copy(gb0, acc_hbm.at[c, pl.ds(r0, CH)])
        return carry

    lax.fori_loop(0, 5, drain, 0)


_agg_call = pl.kernel(
    _agg_body,
    out_type=jax.ShapeDtypeStruct((NC, ACC_R, HD), jnp.float32),
    mesh=plsc.VectorSubcoreMesh(**_MESH),
    scratch_types=[
        pltpu.VMEM((20, CH), jnp.int32),
        pltpu.VMEM((20, CH), jnp.int32),
        pltpu.VMEM((CH, HD), jnp.float32),
        pltpu.VMEM((CH, HD), jnp.float32),
        pltpu.SemaphoreType.DMA,
        pltpu.SemaphoreType.DMA,
        pltpu.VMEM_SHARED((ACC_R, HD), jnp.float32),
    ],
)


def _h2_body(x_ref, w_ref, deg_ref, h2_ref):
    dp = deg_ref[...]
    deg = dp[0, :, 0] + dp[1, :, 0] + 1.0
    dis = lax.rsqrt(deg)
    h = jnp.dot(x_ref[...], w_ref[...], preferred_element_type=jnp.float32)
    h2 = h * dis[:, None]
    h2_ref[0, :, :] = h2[:, :HD]
    h2_ref[1, :, :] = h2[:, HD:]


def _fin_body(acc_ref, h2_ref, deg_ref, b_ref, out_ref):
    dp = deg_ref[...]
    deg = dp[0, :, 0] + dp[1, :, 0] + 1.0
    dis = lax.rsqrt(deg)
    a = acc_ref[...]
    h = h2_ref[...]
    s = jnp.concatenate([a[0] + h[0], a[1] + h[1]], axis=-1)
    out_ref[...] = s * dis[:, None] + b_ref[...]


_MB = 1000


def _h2_call(x, W, dega):
    return pl.pallas_call(
        _h2_body,
        grid=(N // _MB,),
        in_specs=[
            pl.BlockSpec((_MB, D), lambda m: (m, 0)),
            pl.BlockSpec((D, D), lambda m: (0, 0)),
            pl.BlockSpec((NC, _MB, 16), lambda m: (0, m, 0)),
        ],
        out_specs=pl.BlockSpec((NC, _MB, HD), lambda m: (0, m, 0)),
        out_shape=jax.ShapeDtypeStruct((NC, N, HD), jnp.float32),
    )(x, W, dega)


def _fin_call(acc, h2, dega, b2):
    return pl.pallas_call(
        _fin_body,
        grid=(N // _MB,),
        in_specs=[
            pl.BlockSpec((NC, _MB, HD), lambda m: (0, m, 0)),
            pl.BlockSpec((NC, _MB, HD), lambda m: (0, m, 0)),
            pl.BlockSpec((NC, _MB, 16), lambda m: (0, m, 0)),
            pl.BlockSpec((1, D), lambda m: (0, 0)),
        ],
        out_specs=pl.BlockSpec((_MB, D), lambda m: (m, 0)),
        out_shape=jax.ShapeDtypeStruct((N, D), jnp.float32),
    )(acc, h2, dega, b2)


def kernel(x, edge_index, W, b):
    src = edge_index[0].astype(jnp.int32)
    dst = edge_index[1].astype(jnp.int32)
    pad = EPAD - E
    pad_src = (jnp.arange(pad, dtype=jnp.int32) * 131) & 8191
    pad_dst = N + (jnp.arange(pad, dtype=jnp.int32) & 63)
    src_p = jnp.concatenate([src, pad_src])
    dst_p = jnp.concatenate([dst, pad_dst])
    dst_a = dst_p.reshape(NC * NS, 40, CH)
    src_c = src_p.reshape(NS * 4, 20, CH)
    dst_c = dst_p.reshape(NS * 4, 20, CH)
    ones_h = jnp.ones((CH, HD), jnp.float32)
    zeros_h = jnp.zeros((CH, HD), jnp.float32)

    dega = _deg_call(dst_a, ones_h, zeros_h[:64])
    h2 = _h2_call(x, W, dega)
    acc = _agg_call(h2, src_c, dst_c, zeros_h)
    return _fin_call(acc, h2, dega, b.reshape(1, D))

# --- scband reference (transcript-rebuilt; emitter-appended) ---
"""Pipeline reference for scband-gcnconv-19619410608390 (READ-ONLY COPY).

The authoritative reference and input builder live on the scoring server;
editing this copy changes nothing except your own understanding.
"""

import jax, jax.numpy as jnp
import numpy as np

N_NODES = 10000
N_EDGES = 160000
D_IN = 256
D_OUT = 256


def setup_inputs(seed: int = 0) -> dict:
    key = jax.random.key(seed)
    k1, k2, k3 = jax.random.split(key, 3)
    x = jax.random.normal(k1, (N_NODES, D_IN), dtype=jnp.float32)
    edge_index = jax.random.randint(k2, (2, N_EDGES), 0, N_NODES).astype(jnp.int64)
    # GCNConv linear weight (Glorot init) and bias
    limit = float(np.sqrt(6.0 / (D_IN + D_OUT)))
    W = jax.random.uniform(k3, (D_IN, D_OUT), dtype=jnp.float32, minval=-limit, maxval=limit)
    b = jnp.zeros((D_OUT,), dtype=jnp.float32)
    return {"x": x, "edge_index": edge_index, "W": W, "b": b}


def reference(x, edge_index, W, b):
    # Faithful translation of torch_geometric.nn.GCNConv with
    # add_self_loops=True, normalize=True, edge_weight=None.
    N = x.shape[0]
    loop = jnp.arange(N, dtype=edge_index.dtype)
    src = jnp.concatenate([edge_index[0], loop])
    dst = jnp.concatenate([edge_index[1], loop])
    w = jnp.ones(src.shape[0], dtype=x.dtype)
    # symmetric normalization: deg computed over dst (col) after self-loops
    deg = jax.ops.segment_sum(w, dst, num_segments=N)
    deg_inv_sqrt = jnp.where(deg > 0, deg ** -0.5, 0.0)
    norm = deg_inv_sqrt[src] * w * deg_inv_sqrt[dst]
    # linear transform first, then propagate (sum aggregation)
    h = x @ W
    msgs = h[src] * norm[:, None]
    out = jax.ops.segment_sum(msgs, dst, num_segments=N)
    out = out + b
    return out

if __name__ == "__main__":
    import jax
    _d = setup_inputs()
    print(jax.jit(kernel)(*tuple(_d.values())))

</pallas_src>

<mosaic_0001>
#map = affine_map<(d0, d1) -> (0, 0, 0)>
#map1 = affine_map<(d0, d1) -> (0, 0)>
module attributes {stable_mosaic.version = 14 : i64} {
  func.func @_deg_body(%arg0: i32, %arg1: i32, %arg2: memref<32x40x128xi32, #tpu.memory_space<hbm>>, %arg3: memref<128x128xf32, #tpu.memory_space<hbm>>, %arg4: memref<64x128xf32, #tpu.memory_space<hbm>>, %arg5: memref<2x10240x16xf32, #tpu.memory_space<hbm>>, %arg6: memref<40x128xi32, #tpu.memory_space<vmem>>, %arg7: memref<128x128xf32, #tpu.memory_space<vmem>>, %arg8: memref<64x128xf32, #tpu.memory_space<vmem>>, %arg9: memref<64x16xf32, #tpu.memory_space<vmem>>, %arg10: memref<10240x128xf32, #tpu.memory_space<vmem_shared>>) attributes {dimension_semantics = [#tpu.dimension_semantics<core_parallel>, #tpu.dimension_semantics<subcore_parallel>], iteration_bounds = array<i64: 2, 16>, scalar_prefetch = 0 : i64, scratch_operands = 5 : i64, tpu.core_type = #tpu.core_type<sc_vector_subcore>, window_params = [{transform_indices = #map}, {transform_indices = #map1}, {transform_indices = #map1}, {transform_indices = #map}]} {
    %mul3A = arith.constant 16 : i32
    %mul3A_0 = arith.muli %arg0, %mul3A : i32
    %add3A = arith.addi %mul3A_0, %arg1 : i32
    "tpu.region"() ({
      %run_scoped3A = tpu.sem_alloc : memref<!tpu.dma_semaphore, #tpu.memory_space<semaphore_mem>>
      %dma_start3A = arith.constant 0 : i32
      %dma_start3A_19 = arith.constant 0 : i32
      %dma_start3A_20 = tpu.memref_slice %arg2[%add3A, %dma_start3A, %dma_start3A_19] : memref<32x40x128xi32, #tpu.memory_space<hbm>> -> memref<1x40x128xi32, #tpu.memory_space<hbm>>
      %dma_start3A_21 = tpu.memref_squeeze %dma_start3A_20 : memref<1x40x128xi32, #tpu.memory_space<hbm>> -> memref<40x128xi32, #tpu.memory_space<hbm>>
      %dma_start3A_22 = arith.constant 0 : i32
      %dma_start3A_23 = arith.constant 0 : i32
      %dma_start3A_24 = tpu.memref_slice %arg2[%add3A, %dma_start3A_22, %dma_start3A_23] : memref<32x40x128xi32, #tpu.memory_space<hbm>> -> memref<1x40x128xi32, #tpu.memory_space<hbm>>
      %dma_start3A_25 = tpu.memref_squeeze %dma_start3A_24 : memref<1x40x128xi32, #tpu.memory_space<hbm>> -> memref<40x128xi32, #tpu.memory_space<hbm>>
      tpu.enqueue_dma source(%dma_start3A_25 : memref<40x128xi32, #tpu.memory_space<hbm>>) target(%arg6 : memref<40x128xi32, #tpu.memory_space<vmem>>) target_semaphore(%run_scoped3A : memref<!tpu.dma_semaphore, #tpu.memory_space<semaphore_mem>>)
      %dma_wait3A = arith.constant 0 : i32
      %dma_wait3A_26 = arith.constant 0 : i32
      %dma_wait3A_27 = tpu.memref_slice %arg2[%add3A, %dma_wait3A, %dma_wait3A_26] : memref<32x40x128xi32, #tpu.memory_space<hbm>> -> memref<1x40x128xi32, #tpu.memory_space<hbm>>
      %dma_wait3A_28 = tpu.memref_squeeze %dma_wait3A_27 : memref<1x40x128xi32, #tpu.memory_space<hbm>> -> memref<40x128xi32, #tpu.memory_space<hbm>>
      %dma_wait3A_29 = arith.constant 0 : i32
      %dma_wait3A_30 = arith.constant 0 : i32
      %dma_wait3A_31 = tpu.memref_slice %arg2[%add3A, %dma_wait3A_29, %dma_wait3A_30] : memref<32x40x128xi32, #tpu.memory_space<hbm>> -> memref<1x40x128xi32, #tpu.memory_space<hbm>>
      %dma_wait3A_32 = tpu.memref_squeeze %dma_wait3A_31 : memref<1x40x128xi32, #tpu.memory_space<hbm>> -> memref<40x128xi32, #tpu.memory_space<hbm>>
      tpu.wait_dma2 semaphore(%run_scoped3A : memref<!tpu.dma_semaphore, #tpu.memory_space<semaphore_mem>>) src(%dma_wait3A_32 : memref<40x128xi32, #tpu.memory_space<hbm>>) dst(%arg6 : memref<40x128xi32, #tpu.memory_space<vmem>>)
      tpu.yield
    }) : () -> ()
    "tpu.region"() ({
      %run_scoped3A = tpu.sem_alloc : memref<!tpu.dma_semaphore, #tpu.memory_space<semaphore_mem>>
      tpu.enqueue_dma source(%arg3 : memref<128x128xf32, #tpu.memory_space<hbm>>) target(%arg7 : memref<128x128xf32, #tpu.memory_space<vmem>>) target_semaphore(%run_scoped3A : memref<!tpu.dma_semaphore, #tpu.memory_space<semaphore_mem>>)
      tpu.wait_dma2 semaphore(%run_scoped3A : memref<!tpu.dma_semaphore, #tpu.memory_space<semaphore_mem>>) src(%arg3 : memref<128x128xf32, #tpu.memory_space<hbm>>) dst(%arg7 : memref<128x128xf32, #tpu.memory_space<vmem>>)
      tpu.yield
    }) : () -> ()
    "tpu.region"() ({
      %run_scoped3A = tpu.sem_alloc : memref<!tpu.dma_semaphore, #tpu.memory_space<semaphore_mem>>
      tpu.enqueue_dma source(%arg4 : memref<64x128xf32, #tpu.memory_space<hbm>>) target(%arg8 : memref<64x128xf32, #tpu.memory_space<vmem>>) target_semaphore(%run_scoped3A : memref<!tpu.dma_semaphore, #tpu.memory_space<semaphore_mem>>)
      tpu.wait_dma2 semaphore(%run_scoped3A : memref<!tpu.dma_semaphore, #tpu.memory_space<semaphore_mem>>) src(%arg4 : memref<64x128xf32, #tpu.memory_space<hbm>>) dst(%arg8 : memref<64x128xf32, #tpu.memory_space<vmem>>)
      tpu.yield
    }) : () -> ()
    %scan3A = arith.constant 0 : i32
    %scan3A_1 = arith.constant 0 : i32
    %scan3A_2 = arith.constant 10 : i32
    %scan3A_3 = arith.addi %scan3A_1, %scan3A_2 : i32
    %scan3A_4 = arith.constant 1 : i32
    scf.for %scan3A_19 = %scan3A_1 to %scan3A_3 step %scan3A_4  : i32 {
      %mul3A_20 = arith.constant 10 : i32
      %mul3A_21 = arith.muli %arg1, %mul3A_20 : i32
      %add3A_22 = arith.addi %mul3A_21, %scan3A_19 : i32
      %mul3A_23 = arith.constant 64 : i32
      %mul3A_24 = arith.muli %add3A_22, %mul3A_23 : i32
      "tpu.region"() ({
        %run_scoped3A = tpu.sem_alloc : memref<!tpu.dma_semaphore, #tpu.memory_space<semaphore_mem>>
        %dma_start3A = arith.constant 0 : i32
        %dma_start3A_25 = tpu.memref_slice %arg10[%mul3A_24, %dma_start3A] : memref<10240x128xf32, #tpu.memory_space<vmem_shared>> -> memref<64x128xf32, #tpu.memory_space<vmem_shared>>
        %dma_start3A_26 = arith.constant 0 : i32
        %dma_start3A_27 = tpu.memref_slice %arg10[%mul3A_24, %dma_start3A_26] : memref<10240x128xf32, #tpu.memory_space<vmem_shared>> -> memref<64x128xf32, #tpu.memory_space<vmem_shared>>
        tpu.enqueue_dma source(%arg8 : memref<64x128xf32, #tpu.memory_space<vmem>>) target(%dma_start3A_27 : memref<64x128xf32, #tpu.memory_space<vmem_shared>>) target_semaphore(%run_scoped3A : memref<!tpu.dma_semaphore, #tpu.memory_space<semaphore_mem>>)
        %dma_wait3A = arith.constant 0 : i32
        %dma_wait3A_28 = tpu.memref_slice %arg10[%mul3A_24, %dma_wait3A] : memref<10240x128xf32, #tpu.memory_space<vmem_shared>> -> memref<64x128xf32, #tpu.memory_space<vmem_shared>>
        %dma_wait3A_29 = arith.constant 0 : i32
        %dma_wait3A_30 = tpu.memref_slice %arg10[%mul3A_24, %dma_wait3A_29] : memref<10240x128xf32, #tpu.memory_space<vmem_shared>> -> memref<64x128xf32, #tpu.memory_space<vmem_shared>>
        tpu.wait_dma2 semaphore(%run_scoped3A : memref<!tpu.dma_semaphore, #tpu.memory_space<semaphore_mem>>) src(%arg8 : memref<64x128xf32, #tpu.memory_space<vmem>>) dst(%dma_wait3A_30 : memref<64x128xf32, #tpu.memory_space<vmem_shared>>)
        tpu.yield
      }) : () -> ()
    }
    %scan3A_5 = arith.constant 10 : i32
    %barrier3A = arith.constant 0 : index
    tpu.barrier barrier_id(%barrier3A)
    %scan3A_6 = arith.constant 0 : i32
    %scan3A_7 = arith.constant 0 : i32
    %scan3A_8 = arith.constant 40 : i32
    %scan3A_9 = arith.addi %scan3A_7, %scan3A_8 : i32
    %scan3A_10 = arith.constant 1 : i32
    scf.for %scan3A_19 = %scan3A_7 to %scan3A_9 step %scan3A_10  : i32 {
      "tpu.region"() ({
        %run_scoped3A = tpu.sem_alloc : memref<!tpu.dma_semaphore, #tpu.memory_space<semaphore_mem>>
        %dma_start3A = arith.constant 0 : i32
        %dma_start3A_20 = tpu.memref_slice %arg6[%scan3A_19, %dma_start3A] : memref<40x128xi32, #tpu.memory_space<vmem>> -> memref<1x128xi32, #tpu.memory_space<vmem>>
        %dma_start3A_21 = tpu.memref_squeeze %dma_start3A_20 : memref<1x128xi32, #tpu.memory_space<vmem>> -> memref<128xi32, #tpu.memory_space<vmem>>
        %dma_start3A_22 = arith.constant 0 : i32
        %dma_start3A_23 = arith.constant 0 : i32
        %dma_start3A_24 = tpu.memref_slice %arg10[%dma_start3A_22, %dma_start3A_23] : memref<10240x128xf32, #tpu.memory_space<vmem_shared>> -> memref<10240x128xf32, #tpu.memory_space<vmem_shared>>
        tpu.enqueue_indirect_dma source(%arg7 : memref<128x128xf32, #tpu.memory_space<vmem>>) target(%dma_start3A_24 : memref<10240x128xf32, #tpu.memory_space<vmem_shared>>) offsets(%dma_start3A_21 : memref<128xi32, #tpu.memory_space<vmem>>) semaphore(%run_scoped3A : memref<!tpu.dma_semaphore, #tpu.memory_space<semaphore_mem>>) {add = true}
        %dma_wait3A = arith.constant 0 : i32
        %dma_wait3A_25 = tpu.memref_slice %arg6[%scan3A_19, %dma_wait3A] : memref<40x128xi32, #tpu.memory_space<vmem>> -> memref<1x128xi32, #tpu.memory_space<vmem>>
        %dma_wait3A_26 = tpu.memref_squeeze %dma_wait3A_25 : memref<1x128xi32, #tpu.memory_space<vmem>> -> memref<128xi32, #tpu.memory_space<vmem>>
        %dma_wait3A_27 = arith.constant 0 : i32
        %dma_wait3A_28 = arith.constant 0 : i32
        %dma_wait3A_29 = tpu.memref_slice %arg10[%dma_wait3A_27, %dma_wait3A_28] : memref<10240x128xf32, #tpu.memory_space<vmem_shared>> -> memref<10240x128xf32, #tpu.memory_space<vmem_shared>>
        tpu.wait_indirect_dma semaphore(%run_scoped3A : memref<!tpu.dma_semaphore, #tpu.memory_space<semaphore_mem>>) src(%arg7 : memref<128x128xf32, #tpu.memory_space<vmem>>) dst(%dma_wait3A_29 : memref<10240x128xf32, #tpu.memory_space<vmem_shared>>)
        tpu.yield
      }) : () -> ()
    }
    %scan3A_11 = arith.constant 40 : i32
    %barrier3A_12 = arith.constant 0 : index
    tpu.barrier barrier_id(%barrier3A_12)
    %scan3A_13 = arith.constant 0 : i32
    %scan3A_14 = arith.constant 0 : i32
    %scan3A_15 = arith.constant 10 : i32
    %scan3A_16 = arith.addi %scan3A_14, %scan3A_15 : i32
    %scan3A_17 = arith.constant 1 : i32
    scf.for %scan3A_19 = %scan3A_14 to %scan3A_16 step %scan3A_17  : i32 {
      %mul3A_20 = arith.constant 10 : i32
      %mul3A_21 = arith.muli %arg1, %mul3A_20 : i32
      %add3A_22 = arith.addi %mul3A_21, %scan3A_19 : i32
      %mul3A_23 = arith.constant 64 : i32
      %mul3A_24 = arith.muli %add3A_22, %mul3A_23 : i32
      "tpu.region"() ({
        %run_scoped3A = tpu.sem_alloc : memref<!tpu.dma_semaphore, #tpu.memory_space<semaphore_mem>>
        %dma_start3A = arith.constant 0 : i32
        %dma_start3A_31 = tpu.memref_slice %arg10[%mul3A_24, %dma_start3A] : memref<10240x128xf32, #tpu.memory_space<vmem_shared>> -> memref<64x128xf32, #tpu.memory_space<vmem_shared>>
        %dma_start3A_32 = arith.constant 0 : i32
        %dma_start3A_33 = tpu.memref_slice %arg10[%mul3A_24, %dma_start3A_32] : memref<10240x128xf32, #tpu.memory_space<vmem_shared>> -> memref<64x128xf32, #tpu.memory_space<vmem_shared>>
        tpu.enqueue_dma source(%dma_start3A_33 : memref<64x128xf32, #tpu.memory_space<vmem_shared>>) target(%arg8 : memref<64x128xf32, #tpu.memory_space<vmem>>) target_semaphore(%run_scoped3A : memref<!tpu.dma_semaphore, #tpu.memory_space<semaphore_mem>>)
        %dma_wait3A = arith.constant 0 : i32
        %dma_wait3A_34 = tpu.memref_slice %arg10[%mul3A_24, %dma_wait3A] : memref<10240x128xf32, #tpu.memory_space<vmem_shared>> -> memref<64x128xf32, #tpu.memory_space<vmem_shared>>
        %dma_wait3A_35 = arith.constant 0 : i32
        %dma_wait3A_36 = tpu.memref_slice %arg10[%mul3A_24, %dma_wait3A_35] : memref<10240x128xf32, #tpu.memory_space<vmem_shared>> -> memref<64x128xf32, #tpu.memory_space<vmem_shared>>
        tpu.wait_dma2 semaphore(%run_scoped3A : memref<!tpu.dma_semaphore, #tpu.memory_space<semaphore_mem>>) src(%dma_wait3A_36 : memref<64x128xf32, #tpu.memory_space<vmem_shared>>) dst(%arg8 : memref<64x128xf32, #tpu.memory_space<vmem>>)
        tpu.yield
      }) : () -> ()
      %scan3A_25 = arith.constant 0 : i32
      %scan3A_26 = arith.constant 0 : i32
      %scan3A_27 = arith.constant 64 : i32
      %scan3A_28 = arith.addi %scan3A_26, %scan3A_27 : i32
      %scan3A_29 = arith.constant 1 : i32
      scf.for %scan3A_31 = %scan3A_26 to %scan3A_28 step %scan3A_29  : i32 {
        %get3A = arith.index_cast %scan3A_31 : i32 to index
        %get3A_32 = arith.constant 0 : index
        %get3A_33 = tpu.vector_load %arg8[%get3A, %get3A_32] {strides = array<i32>} : memref<64x128xf32, #tpu.memory_space<vmem>>, vector<1x16xf32>,
        %get3A_34 = vector.shape_cast %get3A_33 : vector<1x16xf32> to vector<16xf32>
        %swap3A = arith.index_cast %scan3A_31 : i32 to index
        %swap3A_35 = arith.constant 0 : index
        %swap3A_36 = tpu.vector_load %arg9[%swap3A, %swap3A_35] {strides = array<i32>} : memref<64x16xf32, #tpu.memory_space<vmem>>, vector<1x16xf32>,
        %swap3A_37 = vector.shape_cast %swap3A_36 : vector<1x16xf32> to vector<16xf32>
        %swap3A_38 = vector.shape_cast %get3A_34 : vector<16xf32> to vector<1x16xf32>
        tpu.vector_store %arg9[%swap3A, %swap3A_35], %swap3A_38 {strides = array<i32>} : memref<64x16xf32, #tpu.memory_space<vmem>>, vector<1x16xf32>,
      }
      %scan3A_30 = arith.constant 64 : i32
      "tpu.region"() ({
        %run_scoped3A = tpu.sem_alloc : memref<!tpu.dma_semaphore, #tpu.memory_space<semaphore_mem>>
        %dma_start3A = arith.constant 0 : i32
        %dma_start3A_31 = tpu.memref_slice %arg5[%arg0, %mul3A_24, %dma_start3A] : memref<2x10240x16xf32, #tpu.memory_space<hbm>> -> memref<1x64x16xf32, #tpu.memory_space<hbm>>
        %dma_start3A_32 = tpu.memref_squeeze %dma_start3A_31 : memref<1x64x16xf32, #tpu.memory_space<hbm>> -> memref<64x16xf32, #tpu.memory_space<hbm>>
        %dma_start3A_33 = arith.constant 0 : i32
        %dma_start3A_34 = tpu.memref_slice %arg5[%arg0, %mul3A_24, %dma_start3A_33] : memref<2x10240x16xf32, #tpu.memory_space<hbm>> -> memref<1x64x16xf32, #tpu.memory_space<hbm>>
        %dma_start3A_35 = tpu.memref_squeeze %dma_start3A_34 : memref<1x64x16xf32, #tpu.memory_space<hbm>> -> memref<64x16xf32, #tpu.memory_space<hbm>>
        tpu.enqueue_dma source(%arg9 : memref<64x16xf32, #tpu.memory_space<vmem>>) target(%dma_start3A_35 : memref<64x16xf32, #tpu.memory_space<hbm>>) target_semaphore(%run_scoped3A : memref<!tpu.dma_semaphore, #tpu.memory_space<semaphore_mem>>)
        %dma_wait3A = arith.constant 0 : i32
        %dma_wait3A_36 = tpu.memref_slice %arg5[%arg0, %mul3A_24, %dma_wait3A] : memref<2x10240x16xf32, #tpu.memory_space<hbm>> -> memref<1x64x16xf32, #tpu.memory_space<hbm>>
        %dma_wait3A_37 = tpu.memref_squeeze %dma_wait3A_36 : memref<1x64x16xf32, #tpu.memory_space<hbm>> -> memref<64x16xf32, #tpu.memory_space<hbm>>
        %dma_wait3A_38 = arith.constant 0 : i32
        %dma_wait3A_39 = tpu.memref_slice %arg5[%arg0, %mul3A_24, %dma_wait3A_38] : memref<2x10240x16xf32, #tpu.memory_space<hbm>> -> memref<1x64x16xf32, #tpu.memory_space<hbm>>
        %dma_wait3A_40 = tpu.memref_squeeze %dma_wait3A_39 : memref<1x64x16xf32, #tpu.memory_space<hbm>> -> memref<64x16xf32, #tpu.memory_space<hbm>>
        tpu.wait_dma2 semaphore(%run_scoped3A : memref<!tpu.dma_semaphore, #tpu.memory_space<semaphore_mem>>) src(%arg9 : memref<64x16xf32, #tpu.memory_space<vmem>>) dst(%dma_wait3A_40 : memref<64x16xf32, #tpu.memory_space<hbm>>)
        tpu.yield
      }) : () -> ()
    }
    %scan3A_18 = arith.constant 10 : i32
    return
  }
}

#map = affine_map<(d0, d1) -> (0, 0, 0)>
#map1 = affine_map<(d0, d1) -> (0, 0)>
module attributes {stable_mosaic.version = 14 : i64} {
  func.func @_agg_body(%arg0: i32, %arg1: i32, %arg2: memref<2x10000x128xf32, #tpu.memory_space<hbm>>, %arg3: memref<64x20x128xi32, #tpu.memory_space<hbm>>, %arg4: memref<64x20x128xi32, #tpu.memory_space<hbm>>, %arg5: memref<128x128xf32, #tpu.memory_space<hbm>>, %arg6: memref<2x10240x128xf32, #tpu.memory_space<hbm>>, %arg7: memref<20x128xi32, #tpu.memory_space<vmem>>, %arg8: memref<20x128xi32, #tpu.memory_space<vmem>>, %arg9: memref<128x128xf32, #tpu.memory_space<vmem>>, %arg10: memref<128x128xf32, #tpu.memory_space<vmem>>, %arg11: memref<!tpu.dma_semaphore, #tpu.memory_space<semaphore_mem>>, %arg12: memref<!tpu.dma_semaphore, #tpu.memory_space<semaphore_mem>>, %arg13: memref<10240x128xf32, #tpu.memory_space<vmem_shared>>) attributes {dimension_semantics = [#tpu.dimension_semantics<core_parallel>, #tpu.dimension_semantics<subcore_parallel>], iteration_bounds = array<i64: 2, 16>, scalar_prefetch = 0 : i64, scratch_operands = 7 : i64, tpu.core_type = #tpu.core_type<sc_vector_subcore>, window_params = [{transform_indices = #map}, {transform_indices = #map}, {transform_indices = #map}, {transform_indices = #map1}, {transform_indices = #map}]} {
    "tpu.region"() ({
      %run_scoped3A = tpu.sem_alloc : memref<!tpu.dma_semaphore, #tpu.memory_space<semaphore_mem>>
      tpu.enqueue_dma source(%arg5 : memref<128x128xf32, #tpu.memory_space<hbm>>) target(%arg9 : memref<128x128xf32, #tpu.memory_space<vmem>>) target_semaphore(%run_scoped3A : memref<!tpu.dma_semaphore, #tpu.memory_space<semaphore_mem>>)
      tpu.wait_dma2 semaphore(%run_scoped3A : memref<!tpu.dma_semaphore, #tpu.memory_space<semaphore_mem>>) src(%arg5 : memref<128x128xf32, #tpu.memory_space<hbm>>) dst(%arg9 : memref<128x128xf32, #tpu.memory_space<vmem>>)
      tpu.yield
    }) : () -> ()
    %scan3A = arith.constant 0 : i32
    %scan3A_0 = arith.constant 0 : i32
    %scan3A_1 = arith.constant 5 : i32
    %scan3A_2 = arith.addi %scan3A_0, %scan3A_1 : i32
    %scan3A_3 = arith.constant 1 : i32
    scf.for %scan3A_109 = %scan3A_0 to %scan3A_2 step %scan3A_3  : i32 {
      %mul3A_110 = arith.constant 5 : i32
      %mul3A_111 = arith.muli %arg1, %mul3A_110 : i32
      %add3A_112 = arith.addi %mul3A_111, %scan3A_109 : i32
      %mul3A_113 = arith.constant 128 : i32
      %mul3A_114 = arith.muli %add3A_112, %mul3A_113 : i32
      "tpu.region"() ({
        %run_scoped3A = tpu.sem_alloc : memref<!tpu.dma_semaphore, #tpu.memory_space<semaphore_mem>>
        %dma_start3A_115 = arith.constant 0 : i32
        %dma_start3A_116 = tpu.memref_slice %arg13[%mul3A_114, %dma_start3A_115] : memref<10240x128xf32, #tpu.memory_space<vmem_shared>> -> memref<128x128xf32, #tpu.memory_space<vmem_shared>>
        %dma_start3A_117 = arith.constant 0 : i32
        %dma_start3A_118 = tpu.memref_slice %arg13[%mul3A_114, %dma_start3A_117] : memref<10240x128xf32, #tpu.memory_space<vmem_shared>> -> memref<128x128xf32, #tpu.memory_space<vmem_shared>>
        tpu.enqueue_dma source(%arg9 : memref<128x128xf32, #tpu.memory_space<vmem>>) target(%dma_start3A_118 : memref<128x128xf32, #tpu.memory_space<vmem_shared>>) target_semaphore(%run_scoped3A : memref<!tpu.dma_semaphore, #tpu.memory_space<semaphore_mem>>)
        %dma_wait3A = arith.constant 0 : i32
        %dma_wait3A_119 = tpu.memref_slice %arg13[%mul3A_114, %dma_wait3A] : memref<10240x128xf32, #tpu.memory_space<vmem_shared>> -> memref<128x128xf32, #tpu.memory_space<vmem_shared>>
        %dma_wait3A_120 = arith.constant 0 : i32
        %dma_wait3A_121 = tpu.memref_slice %arg13[%mul3A_114, %dma_wait3A_120] : memref<10240x128xf32, #tpu.memory_space<vmem_shared>> -> memref<128x128xf32, #tpu.memory_space<vmem_shared>>
        tpu.wait_dma2 semaphore(%run_scoped3A : memref<!tpu.dma_semaphore, #tpu.memory_space<semaphore_mem>>) src(%arg9 : memref<128x128xf32, #tpu.memory_space<vmem>>) dst(%dma_wait3A_121 : memref<128x128xf32, #tpu.memory_space<vmem_shared>>)
        tpu.yield
      }) : () -> ()
    }
    %scan3A_4 = arith.constant 5 : i32
    %barrier3A = arith.constant 0 : index
    tpu.barrier barrier_id(%barrier3A)
    %mul3A = arith.constant 4 : i32
    %mul3A_5 = arith.muli %arg1, %mul3A : i32
    %add3A = arith.constant 0 : i32
    %add3A_6 = arith.addi %mul3A_5, %add3A : i32
    "tpu.region"() ({
      %run_scoped3A = tpu.sem_alloc : memref<!tpu.dma_semaphore, #tpu.memory_space<semaphore_mem>>
      %dma_start3A_109 = arith.constant 0 : i32
      %dma_start3A_110 = arith.constant 0 : i32
      %dma_start3A_111 = tpu.memref_slice %arg3[%add3A_6, %dma_start3A_109, %dma_start3A_110] : memref<64x20x128xi32, #tpu.memory_space<hbm>> -> memref<1x20x128xi32, #tpu.memory_space<hbm>>
      %dma_start3A_112 = tpu.memref_squeeze %dma_start3A_111 : memref<1x20x128xi32, #tpu.memory_space<hbm>> -> memref<20x128xi32, #tpu.memory_space<hbm>>
      %dma_start3A_113 = arith.constant 0 : i32
      %dma_start3A_114 = arith.constant 0 : i32
      %dma_start3A_115 = tpu.memref_slice %arg3[%add3A_6, %dma_start3A_113, %dma_start3A_114] : memref<64x20x128xi32, #tpu.memory_space<hbm>> -> memref<1x20x128xi32, #tpu.memory_space<hbm>>
      %dma_start3A_116 = tpu.memref_squeeze %dma_start3A_115 : memref<1x20x128xi32, #tpu.memory_space<hbm>> -> memref<20x128xi32, #tpu.memory_space<hbm>>
      tpu.enqueue_dma source(%dma_start3A_116 : memref<20x128xi32, #tpu.memory_space<hbm>>) target(%arg7 : memref<20x128xi32, #tpu.memory_space<vmem>>) target_semaphore(%run_scoped3A : memref<!tpu.dma_semaphore, #tpu.memory_space<semaphore_mem>>)
      %dma_wait3A = arith.constant 0 : i32
      %dma_wait3A_117 = arith.constant 0 : i32
      %dma_wait3A_118 = tpu.memref_slice %arg3[%add3A_6, %dma_wait3A, %dma_wait3A_117] : memref<64x20x128xi32, #tpu.memory_space<hbm>> -> memref<1x20x128xi32, #tpu.memory_space<hbm>>
      %dma_wait3A_119 = tpu.memref_squeeze %dma_wait3A_118 : memref<1x20x128xi32, #tpu.memory_space<hbm>> -> memref<20x128xi32, #tpu.memory_space<hbm>>
      %dma_wait3A_120 = arith.constant 0 : i32
      %dma_wait3A_121 = arith.constant 0 : i32
      %dma_wait3A_122 = tpu.memref_slice %arg3[%add3A_6, %dma_wait3A_120, %dma_wait3A_121] : memref<64x20x128xi32, #tpu.memory_space<hbm>> -> memref<1x20x128xi32, #tpu.memory_space<hbm>>
      %dma_wait3A_123 = tpu.memref_squeeze %dma_wait3A_122 : memref<1x20x128xi32, #tpu.memory_space<hbm>> -> memref<20x128xi32, #tpu.memory_space<hbm>>
      tpu.wait_dma2 semaphore(%run_scoped3A : memref<!tpu.dma_semaphore, #tpu.memory_space<semaphore_mem>>) src(%dma_wait3A_123 : memref<20x128xi32, #tpu.memory_space<hbm>>) dst(%arg7 : memref<20x128xi32, #tpu.memory_space<vmem>>)
      tpu.yield
    }) : () -> ()
    %mul3A_7 = arith.constant 4 : i32
    %mul3A_8 = arith.muli %arg1, %mul3A_7 : i32
    %add3A_9 = arith.constant 0 : i32
    %add3A_10 = arith.addi %mul3A_8, %add3A_9 : i32
    "tpu.region"() ({
      %run_scoped3A = tpu.sem_alloc : memref<!tpu.dma_semaphore, #tpu.memory_space<semaphore_mem>>
      %dma_start3A_109 = arith.constant 0 : i32
      %dma_start3A_110 = arith.constant 0 : i32
      %dma_start3A_111 = tpu.memref_slice %arg4[%add3A_10, %dma_start3A_109, %dma_start3A_110] : memref<64x20x128xi32, #tpu.memory_space<hbm>> -> memref<1x20x128xi32, #tpu.memory_space<hbm>>
      %dma_start3A_112 = tpu.memref_squeeze %dma_start3A_111 : memref<1x20x128xi32, #tpu.memory_space<hbm>> -> memref<20x128xi32, #tpu.memory_space<hbm>>
      %dma_start3A_113 = arith.constant 0 : i32
      %dma_start3A_114 = arith.constant 0 : i32
      %dma_start3A_115 = tpu.memref_slice %arg4[%add3A_10, %dma_start3A_113, %dma_start3A_114] : memref<64x20x128xi32, #tpu.memory_space<hbm>> -> memref<1x20x128xi32, #tpu.memory_space<hbm>>
      %dma_start3A_116 = tpu.memref_squeeze %dma_start3A_115 : memref<1x20x128xi32, #tpu.memory_space<hbm>> -> memref<20x128xi32, #tpu.memory_space<hbm>>
      tpu.enqueue_dma source(%dma_start3A_116 : memref<20x128xi32, #tpu.memory_space<hbm>>) target(%arg8 : memref<20x128xi32, #tpu.memory_space<vmem>>) target_semaphore(%run_scoped3A : memref<!tpu.dma_semaphore, #tpu.memory_space<semaphore_mem>>)
      %dma_wait3A = arith.constant 0 : i32
      %dma_wait3A_117 = arith.constant 0 : i32
      %dma_wait3A_118 = tpu.memref_slice %arg4[%add3A_10, %dma_wait3A, %dma_wait3A_117] : memref<64x20x128xi32, #tpu.memory_space<hbm>> -> memref<1x20x128xi32, #tpu.memory_space<hbm>>
      %dma_wait3A_119 = tpu.memref_squeeze %dma_wait3A_118 : memref<1x20x128xi32, #tpu.memory_space<hbm>> -> memref<20x128xi32, #tpu.memory_space<hbm>>
      %dma_wait3A_120 = arith.constant 0 : i32
      %dma_wait3A_121 = arith.constant 0 : i32
      %dma_wait3A_122 = tpu.memref_slice %arg4[%add3A_10, %dma_wait3A_120, %dma_wait3A_121] : memref<64x20x128xi32, #tpu.memory_space<hbm>> -> memref<1x20x128xi32, #tpu.memory_space<hbm>>
      %dma_wait3A_123 = tpu.memref_squeeze %dma_wait3A_122 : memref<1x20x128xi32, #tpu.memory_space<hbm>> -> memref<20x128xi32, #tpu.memory_space<hbm>>
      tpu.wait_dma2 semaphore(%run_scoped3A : memref<!tpu.dma_semaphore, #tpu.memory_space<semaphore_mem>>) src(%dma_wait3A_123 : memref<20x128xi32, #tpu.memory_space<hbm>>) dst(%arg8 : memref<20x128xi32, #tpu.memory_space<vmem>>)
      tpu.yield
    }) : () -> ()
    %dma_start3A = arith.constant 0 : i32
    %dma_start3A_11 = arith.constant 0 : i32
    %dma_start3A_12 = tpu.memref_slice %arg7[%dma_start3A, %dma_start3A_11] : memref<20x128xi32, #tpu.memory_space<vmem>> -> memref<1x128xi32, #tpu.memory_space<vmem>>
    %dma_start3A_13 = tpu.memref_squeeze %dma_start3A_12 : memref<1x128xi32, #tpu.memory_space<vmem>> -> memref<128xi32, #tpu.memory_space<vmem>>
    %dma_start3A_14 = arith.constant 0 : i32
    %dma_start3A_15 = arith.constant 0 : i32
    %dma_start3A_16 = tpu.memref_slice %arg2[%arg0, %dma_start3A_14, %dma_start3A_15] : memref<2x10000x128xf32, #tpu.memory_space<hbm>> -> memref<1x10000x128xf32, #tpu.memory_space<hbm>>
    %dma_start3A_17 = tpu.memref_squeeze %dma_start3A_16 : memref<1x10000x128xf32, #tpu.memory_space<hbm>> -> memref<10000x128xf32, #tpu.memory_space<hbm>>
    %dma_start3A_18 = arith.constant 0 : i32
    %dma_start3A_19 = arith.constant 0 : i32
    %dma_start3A_20 = tpu.memref_slice %dma_start3A_17[%dma_start3A_18, %dma_start3A_19] : memref<10000x128xf32, #tpu.memory_space<hbm>> -> memref<10000x128xf32, #tpu.memory_space<hbm>>
    tpu.enqueue_indirect_dma source(%dma_start3A_20 : memref<10000x128xf32, #tpu.memory_space<hbm>>) target(%arg9 : memref<128x128xf32, #tpu.memory_space<vmem>>) offsets(%dma_start3A_13 : memref<128xi32, #tpu.memory_space<vmem>>) semaphore(%arg11 : memref<!tpu.dma_semaphore, #tpu.memory_space<semaphore_mem>>)
    %scan3A_21 = arith.constant 0 : i32
    %scan3A_22 = arith.constant 0 : i32
    %scan3A_23 = arith.constant 10 : i32
    %scan3A_24 = arith.addi %scan3A_22, %scan3A_23 : i32
    %scan3A_25 = arith.constant 1 : i32
    scf.for %scan3A_109 = %scan3A_22 to %scan3A_24 step %scan3A_25  : i32 {
      %mul3A_110 = arith.constant 2 : i32
      %mul3A_111 = arith.muli %mul3A_110, %scan3A_109 : i32
      %add3A_112 = arith.constant 1 : i32
      %add3A_113 = arith.addi %mul3A_111, %add3A_112 : i32
      %dma_wait3A = arith.constant 0 : i32
      %dma_wait3A_114 = tpu.memref_slice %arg7[%mul3A_111, %dma_wait3A] : memref<20x128xi32, #tpu.memory_space<vmem>> -> memref<1x128xi32, #tpu.memory_space<vmem>>
      %dma_wait3A_115 = tpu.memref_squeeze %dma_wait3A_114 : memref<1x128xi32, #tpu.memory_space<vmem>> -> memref<128xi32, #tpu.memory_space<vmem>>
      %dma_wait3A_116 = arith.constant 0 : i32
      %dma_wait3A_117 = arith.constant 0 : i32
      %dma_wait3A_118 = tpu.memref_slice %arg2[%arg0, %dma_wait3A_116, %dma_wait3A_117] : memref<2x10000x128xf32, #tpu.memory_space<hbm>> -> memref<1x10000x128xf32, #tpu.memory_space<hbm>>
      %dma_wait3A_119 = tpu.memref_squeeze %dma_wait3A_118 : memref<1x10000x128xf32, #tpu.memory_space<hbm>> -> memref<10000x128xf32, #tpu.memory_space<hbm>>
      %dma_wait3A_120 = arith.constant 0 : i32
      %dma_wait3A_121 = arith.constant 0 : i32
      %dma_wait3A_122 = tpu.memref_slice %dma_wait3A_119[%dma_wait3A_120, %dma_wait3A_121] : memref<10000x128xf32, #tpu.memory_space<hbm>> -> memref<10000x128xf32, #tpu.memory_space<hbm>>
      tpu.wait_indirect_dma semaphore(%arg11 : memref<!tpu.dma_semaphore, #tpu.memory_space<semaphore_mem>>) src(%dma_wait3A_122 : memref<10000x128xf32, #tpu.memory_space<hbm>>) dst(%arg9 : memref<128x128xf32, #tpu.memory_space<vmem>>)
      %dma_start3A_123 = arith.constant 0 : i32
      %dma_start3A_124 = tpu.memref_slice %arg7[%add3A_113, %dma_start3A_123] : memref<20x128xi32, #tpu.memory_space<vmem>> -> memref<1x128xi32, #tpu.memory_space<vmem>>
      %dma_start3A_125 = tpu.memref_squeeze %dma_start3A_124 : memref<1x128xi32, #tpu.memory_space<vmem>> -> memref<128xi32, #tpu.memory_space<vmem>>
      %dma_start3A_126 = arith.constant 0 : i32
      %dma_start3A_127 = arith.constant 0 : i32
      %dma_start3A_128 = tpu.memref_slice %arg2[%arg0, %dma_start3A_126, %dma_start3A_127] : memref<2x10000x128xf32, #tpu.memory_space<hbm>> -> memref<1x10000x128xf32, #tpu.memory_space<hbm>>
      %dma_start3A_129 = tpu.memref_squeeze %dma_start3A_128 : memref<1x10000x128xf32, #tpu.memory_space<hbm>> -> memref<10000x128xf32, #tpu.memory_space<hbm>>
      %dma_start3A_130 = arith.constant 0 : i32
      %dma_start3A_131 = arith.constant 0 : i32
      %dma_start3A_132 = tpu.memref_slice %dma_start3A_129[%dma_start3A_130, %dma_start3A_131] : memref<10000x128xf32, #tpu.memory_space<hbm>> -> memref<10000x128xf32, #tpu.memory_space<hbm>>
      tpu.enqueue_indirect_dma source(%dma_start3A_132 : memref<10000x128xf32, #tpu.memory_space<hbm>>) target(%arg10 : memref<128x128xf32, #tpu.memory_space<vmem>>) offsets(%dma_start3A_125 : memref<128xi32, #tpu.memory_space<vmem>>) semaphore(%arg12 : memref<!tpu.dma_semaphore, #tpu.memory_space<semaphore_mem>>)
      "tpu.region"() ({
        %run_scoped3A = tpu.sem_alloc : memref<!tpu.dma_semaphore, #tpu.memory_space<semaphore_mem>>
        %dma_start3A_145 = arith.constant 0 : i32
        %dma_start3A_146 = tpu.memref_slice %arg8[%mul3A_111, %dma_start3A_145] : memref<20x128xi32, #tpu.memory_space<vmem>> -> memref<1x128xi32, #tpu.memory_space<vmem>>
        %dma_start3A_147 = tpu.memref_squeeze %dma_start3A_146 : memref<1x128xi32, #tpu.memory_space<vmem>> -> memref<128xi32, #tpu.memory_space<vmem>>
        %dma_start3A_148 = arith.constant 0 : i32
        %dma_start3A_149 = arith.constant 0 : i32
        %dma_start3A_150 = tpu.memref_slice %arg13[%dma_start3A_148, %dma_start3A_149] : memref<10240x128xf32, #tpu.memory_space<vmem_shared>> -> memref<10240x128xf32, #tpu.memory_space<vmem_shared>>
        tpu.enqueue_indirect_dma source(%arg9 : memref<128x128xf32, #tpu.memory_space<vmem>>) target(%dma_start3A_150 : memref<10240x128xf32, #tpu.memory_space<vmem_shared>>) offsets(%dma_start3A_147 : memref<128xi32, #tpu.memory_space<vmem>>) semaphore(%run_scoped3A : memref<!tpu.dma_semaphore, #tpu.memory_space<semaphore_mem>>) {add = true}
        %dma_wait3A_151 = arith.constant 0 : i32
        %dma_wait3A_152 = tpu.memref_slice %arg8[%mul3A_111, %dma_wait3A_151] : memref<20x128xi32, #tpu.memory_space<vmem>> -> memref<1x128xi32, #tpu.memory_space<vmem>>
        %dma_wait3A_153 = tpu.memref_squeeze %dma_wait3A_152 : memref<1x128xi32, #tpu.memory_space<vmem>> -> memref<128xi32, #tpu.memory_space<vmem>>
        %dma_wait3A_154 = arith.constant 0 : i32
        %dma_wait3A_155 = arith.constant 0 : i32
        %dma_wait3A_156 = tpu.memref_slice %arg13[%dma_wait3A_154, %dma_wait3A_155] : memref<10240x128xf32, #tpu.memory_space<vmem_shared>> -> memref<10240x128xf32, #tpu.memory_space<vmem_shared>>
        tpu.wait_indirect_dma semaphore(%run_scoped3A : memref<!tpu.dma_semaphore, #tpu.memory_space<semaphore_mem>>) src(%arg9 : memref<128x128xf32, #tpu.memory_space<vmem>>) dst(%dma_wait3A_156 : memref<10240x128xf32, #tpu.memory_space<vmem_shared>>)
        tpu.yield
      }) : () -> ()
      %dma_wait3A_133 = arith.constant 0 : i32
      %dma_wait3A_134 = tpu.memref_slice %arg7[%add3A_113, %dma_wait3A_133] : memref<20x128xi32, #tpu.memory_space<vmem>> -> memref<1x128xi32, #tpu.memory_space<vmem>>
      %dma_wait3A_135 = tpu.memref_squeeze %dma_wait3A_134 : memref<1x128xi32, #tpu.memory_space<vmem>> -> memref<128xi32, #tpu.memory_space<vmem>>
      %dma_wait3A_136 = arith.constant 0 : i32
      %dma_wait3A_137 = arith.constant 0 : i32
      %dma_wait3A_138 = tpu.memref_slice %arg2[%arg0, %dma_wait3A_136, %dma_wait3A_137] : memref<2x10000x128xf32, #tpu.memory_space<hbm>> -> memref<1x10000x128xf32, #tpu.memory_space<hbm>>
      %dma_wait3A_139 = tpu.memref_squeeze %dma_wait3A_138 : memref<1x10000x128xf32, #tpu.memory_space<hbm>> -> memref<10000x128xf32, #tpu.memory_space<hbm>>
      %dma_wait3A_140 = arith.constant 0 : i32
      %dma_wait3A_141 = arith.constant 0 : i32
      %dma_wait3A_142 = tpu.memref_slice %dma_wait3A_139[%dma_wait3A_140, %dma_wait3A_141] : memref<10000x128xf32, #tpu.memory_space<hbm>> -> memref<10000x128xf32, #tpu.memory_space<hbm>>
      tpu.wait_indirect_dma semaphore(%arg12 : memref<!tpu.dma_semaphore, #tpu.memory_space<semaphore_mem>>) src(%dma_wait3A_142 : memref<10000x128xf32, #tpu.memory_space<hbm>>) dst(%arg10 : memref<128x128xf32, #tpu.memory_space<vmem>>)
      %lt3A = arith.constant 9 : i32
      %lt3A_143 = arith.cmpi slt, %scan3A_109, %lt3A : i32
      %convert_element_type3A = arith.extui %lt3A_143 : i1 to i32
      %cond3A = arith.constant 0 : i32
      %cond3A_144 = arith.cmpi ne, %convert_element_type3A, %cond3A : i32
      scf.if %cond3A_144 {
        %add3A_145 = arith.constant 2 : i32
        %add3A_146 = arith.addi %mul3A_111, %add3A_145 : i32
        %dma_start3A_147 = arith.constant 0 : i32
        %dma_start3A_148 = tpu.memref_slice %arg7[%add3A_146, %dma_start3A_147] : memref<20x128xi32, #tpu.memory_space<vmem>> -> memref<1x128xi32, #tpu.memory_space<vmem>>
        %dma_start3A_149 = tpu.memref_squeeze %dma_start3A_148 : memref<1x128xi32, #tpu.memory_space<vmem>> -> memref<128xi32, #tpu.memory_space<vmem>>
        %dma_start3A_150 = arith.constant 0 : i32
        %dma_start3A_151 = arith.constant 0 : i32
        %dma_start3A_152 = tpu.memref_slice %arg2[%arg0, %dma_start3A_150, %dma_start3A_151] : memref<2x10000x128xf32, #tpu.memory_space<hbm>> -> memref<1x10000x128xf32, #tpu.memory_space<hbm>>
        %dma_start3A_153 = tpu.memref_squeeze %dma_start3A_152 : memref<1x10000x128xf32, #tpu.memory_space<hbm>> -> memref<10000x128xf32, #tpu.memory_space<hbm>>
        %dma_start3A_154 = arith.constant 0 : i32
        %dma_start3A_155 = arith.constant 0 : i32
        %dma_start3A_156 = tpu.memref_slice %dma_start3A_153[%dma_start3A_154, %dma_start3A_155] : memref<10000x128xf32, #tpu.memory_space<hbm>> -> memref<10000x128xf32, #tpu.memory_space<hbm>>
        tpu.enqueue_indirect_dma source(%dma_start3A_156 : memref<10000x128xf32, #tpu.memory_space<hbm>>) target(%arg9 : memref<128x128xf32, #tpu.memory_space<vmem>>) offsets(%dma_start3A_149 : memref<128xi32, #tpu.memory_space<vmem>>) semaphore(%arg11 : memref<!tpu.dma_semaphore, #tpu.memory_space<semaphore_mem>>)
      } else {
      }
      "tpu.region"() ({
        %run_scoped3A = tpu.sem_alloc : memref<!tpu.dma_semaphore, #tpu.memory_space<semaphore_mem>>
        %dma_start3A_145 = arith.constant 0 : i32
        %dma_start3A_146 = tpu.memref_slice %arg8[%add3A_113, %dma_start3A_145] : memref<20x128xi32, #tpu.memory_space<vmem>> -> memref<1x128xi32, #tpu.memory_space<vmem>>
        %dma_start3A_147 = tpu.memref_squeeze %dma_start3A_146 : memref<1x128xi32, #tpu.memory_space<vmem>> -> memref<128xi32, #tpu.memory_space<vmem>>
        %dma_start3A_148 = arith.constant 0 : i32
        %dma_start3A_149 = arith.constant 0 : i32
        %dma_start3A_150 = tpu.memref_slice %arg13[%dma_start3A_148, %dma_start3A_149] : memref<10240x128xf32, #tpu.memory_space<vmem_shared>> -> memref<10240x128xf32, #tpu.memory_space<vmem_shared>>
        tpu.enqueue_indirect_dma source(%arg10 : memref<128x128xf32, #tpu.memory_space<vmem>>) target(%dma_start3A_150 : memref<10240x128xf32, #tpu.memory_space<vmem_shared>>) offsets(%dma_start3A_147 : memref<128xi32, #tpu.memory_space<vmem>>) semaphore(%run_scoped3A : memref<!tpu.dma_semaphore, #tpu.memory_space<semaphore_mem>>) {add = true}
        %dma_wait3A_151 = arith.constant 0 : i32
        %dma_wait3A_152 = tpu.memref_slice %arg8[%add3A_113, %dma_wait3A_151] : memref<20x128xi32, #tpu.memory_space<vmem>> -> memref<1x128xi32, #tpu.memory_space<vmem>>
        %dma_wait3A_153 = tpu.memref_squeeze %dma_wait3A_152 : memref<1x128xi32, #tpu.memory_space<vmem>> -> memref<128xi32, #tpu.memory_space<vmem>>
        %dma_wait3A_154 = arith.constant 0 : i32
        %dma_wait3A_155 = arith.constant 0 : i32
        %dma_wait3A_156 = tpu.memref_slice %arg13[%dma_wait3A_154, %dma_wait3A_155] : memref<10240x128xf32, #tpu.memory_space<vmem_shared>> -> memref<10240x128xf32, #tpu.memory_space<vmem_shared>>
        tpu.wait_indirect_dma semaphore(%run_scoped3A : memref<!tpu.dma_semaphore, #tpu.memory_space<semaphore_mem>>) src(%arg10 : memref<128x128xf32, #tpu.memory_space<vmem>>) dst(%dma_wait3A_156 : memref<10240x128xf32, #tpu.memory_space<vmem_shared>>)
        tpu.yield
      }) : () -> ()
    }
    %scan3A_26 = arith.constant 10 : i32
    %mul3A_27 = arith.constant 4 : i32
    %mul3A_28 = arith.muli %arg1, %mul3A_27 : i32
    %add3A_29 = arith.constant 1 : i32
    %add3A_30 = arith.addi %mul3A_28, %add3A_29 : i32
    "tpu.region"() ({
      %run_scoped3A = tpu.sem_alloc : memref<!tpu.dma_semaphore, #tpu.memory_space<semaphore_mem>>
      %dma_start3A_109 = arith.constant 0 : i32
      %dma_start3A_110 = arith.constant 0 : i32
      %dma_start3A_111 = tpu.memref_slice %arg3[%add3A_30, %dma_start3A_109, %dma_start3A_110] : memref<64x20x128xi32, #tpu.memory_space<hbm>> -> memref<1x20x128xi32, #tpu.memory_space<hbm>>
      %dma_start3A_112 = tpu.memref_squeeze %dma_start3A_111 : memref<1x20x128xi32, #tpu.memory_space<hbm>> -> memref<20x128xi32, #tpu.memory_space<hbm>>
      %dma_start3A_113 = arith.constant 0 : i32
      %dma_start3A_114 = arith.constant 0 : i32
      %dma_start3A_115 = tpu.memref_slice %arg3[%add3A_30, %dma_start3A_113, %dma_start3A_114] : memref<64x20x128xi32, #tpu.memory_space<hbm>> -> memref<1x20x128xi32, #tpu.memory_space<hbm>>
      %dma_start3A_116 = tpu.memref_squeeze %dma_start3A_115 : memref<1x20x128xi32, #tpu.memory_space<hbm>> -> memref<20x128xi32, #tpu.memory_space<hbm>>
      tpu.enqueue_dma source(%dma_start3A_116 : memref<20x128xi32, #tpu.memory_space<hbm>>) target(%arg7 : memref<20x128xi32, #tpu.memory_space<vmem>>) target_semaphore(%run_scoped3A : memref<!tpu.dma_semaphore, #tpu.memory_space<semaphore_mem>>)
      %dma_wait3A = arith.constant 0 : i32
      %dma_wait3A_117 = arith.constant 0 : i32
      %dma_wait3A_118 = tpu.memref_slice %arg3[%add3A_30, %dma_wait3A, %dma_wait3A_117] : memref<64x20x128xi32, #tpu.memory_space<hbm>> -> memref<1x20x128xi32, #tpu.memory_space<hbm>>
      %dma_wait3A_119 = tpu.memref_squeeze %dma_wait3A_118 : memref<1x20x128xi32, #tpu.memory_space<hbm>> -> memref<20x128xi32, #tpu.memory_space<hbm>>
      %dma_wait3A_120 = arith.constant 0 : i32
      %dma_wait3A_121 = arith.constant 0 : i32
      %dma_wait3A_122 = tpu.memref_slice %arg3[%add3A_30, %dma_wait3A_120, %dma_wait3A_121] : memref<64x20x128xi32, #tpu.memory_space<hbm>> -> memref<1x20x128xi32, #tpu.memory_space<hbm>>
      %dma_wait3A_123 = tpu.memref_squeeze %dma_wait3A_122 : memref<1x20x128xi32, #tpu.memory_space<hbm>> -> memref<20x128xi32, #tpu.memory_space<hbm>>
      tpu.wait_dma2 semaphore(%run_scoped3A : memref<!tpu.dma_semaphore, #tpu.memory_space<semaphore_mem>>) src(%dma_wait3A_123 : memref<20x128xi32, #tpu.memory_space<hbm>>) dst(%arg7 : memref<20x128xi32, #tpu.memory_space<vmem>>)
      tpu.yield
    }) : () -> ()
    %mul3A_31 = arith.constant 4 : i32
    %mul3A_32 = arith.muli %arg1, %mul3A_31 : i32
    %add3A_33 = arith.constant 1 : i32
    %add3A_34 = arith.addi %mul3A_32, %add3A_33 : i32
    "tpu.region"() ({
      %run_scoped3A = tpu.sem_alloc : memref<!tpu.dma_semaphore, #tpu.memory_space<semaphore_mem>>
      %dma_start3A_109 = arith.constant 0 : i32
      %dma_start3A_110 = arith.constant 0 : i32
      %dma_start3A_111 = tpu.memref_slice %arg4[%add3A_34, %dma_start3A_109, %dma_start3A_110] : memref<64x20x128xi32, #tpu.memory_space<hbm>> -> memref<1x20x128xi32, #tpu.memory_space<hbm>>
      %dma_start3A_112 = tpu.memref_squeeze %dma_start3A_111 : memref<1x20x128xi32, #tpu.memory_space<hbm>> -> memref<20x128xi32, #tpu.memory_space<hbm>>
      %dma_start3A_113 = arith.constant 0 : i32
      %dma_start3A_114 = arith.constant 0 : i32
      %dma_start3A_115 = tpu.memref_slice %arg4[%add3A_34, %dma_start3A_113, %dma_start3A_114] : memref<64x20x128xi32, #tpu.memory_space<hbm>> -> memref<1x20x128xi32, #tpu.memory_space<hbm>>
      %dma_start3A_116 = tpu.memref_squeeze %dma_start3A_115 : memref<1x20x128xi32, #tpu.memory_space<hbm>> -> memref<20x128xi32, #tpu.memory_space<hbm>>
      tpu.enqueue_dma source(%dma_start3A_116 : memref<20x128xi32, #tpu.memory_space<hbm>>) target(%arg8 : memref<20x128xi32, #tpu.memory_space<vmem>>) target_semaphore(%run_scoped3A : memref<!tpu.dma_semaphore, #tpu.memory_space<semaphore_mem>>)
      %dma_wait3A = arith.constant 0 : i32
      %dma_wait3A_117 = arith.constant 0 : i32
      %dma_wait3A_118 = tpu.memref_slice %arg4[%add3A_34, %dma_wait3A, %dma_wait3A_117] : memref<64x20x128xi32, #tpu.memory_space<hbm>> -> memref<1x20x128xi32, #tpu.memory_space<hbm>>
      %dma_wait3A_119 = tpu.memref_squeeze %dma_wait3A_118 : memref<1x20x128xi32, #tpu.memory_space<hbm>> -> memref<20x128xi32, #tpu.memory_space<hbm>>
      %dma_wait3A_120 = arith.constant 0 : i32
      %dma_wait3A_121 = arith.constant 0 : i32
      %dma_wait3A_122 = tpu.memref_slice %arg4[%add3A_34, %dma_wait3A_120, %dma_wait3A_121] : memref<64x20x128xi32, #tpu.memory_space<hbm>> -> memref<1x20x128xi32, #tpu.memory_space<hbm>>
      %dma_wait3A_123 = tpu.memref_squeeze %dma_wait3A_122 : memref<1x20x128xi32, #tpu.memory_space<hbm>> -> memref<20x128xi32, #tpu.memory_space<hbm>>
      tpu.wait_dma2 semaphore(%run_scoped3A : memref<!tpu.dma_semaphore, #tpu.memory_space<semaphore_mem>>) src(%dma_wait3A_123 : memref<20x128xi32, #tpu.memory_space<hbm>>) dst(%arg8 : memref<20x128xi32, #tpu.memory_space<vmem>>)
      tpu.yield
    }) : () -> ()
    %dma_start3A_35 = arith.constant 0 : i32
    %dma_start3A_36 = arith.constant 0 : i32
    %dma_start3A_37 = tpu.memref_slice %arg7[%dma_start3A_35, %dma_start3A_36] : memref<20x128xi32, #tpu.memory_space<vmem>> -> memref<1x128xi32, #tpu.memory_space<vmem>>
    %dma_start3A_38 = tpu.memref_squeeze %dma_start3A_37 : memref<1x128xi32, #tpu.memory_space<vmem>> -> memref<128xi32, #tpu.memory_space<vmem>>
    %dma_start3A_39 = arith.constant 0 : i32
    %dma_start3A_40 = arith.constant 0 : i32
    %dma_start3A_41 = tpu.memref_slice %arg2[%arg0, %dma_start3A_39, %dma_start3A_40] : memref<2x10000x128xf32, #tpu.memory_space<hbm>> -> memref<1x10000x128xf32, #tpu.memory_space<hbm>>
    %dma_start3A_42 = tpu.memref_squeeze %dma_start3A_41 : memref<1x10000x128xf32, #tpu.memory_space<hbm>> -> memref<10000x128xf32, #tpu.memory_space<hbm>>
    %dma_start3A_43 = arith.constant 0 : i32
    %dma_start3A_44 = arith.constant 0 : i32
    %dma_start3A_45 = tpu.memref_slice %dma_start3A_42[%dma_start3A_43, %dma_start3A_44] : memref<10000x128xf32, #tpu.memory_space<hbm>> -> memref<10000x128xf32, #tpu.memory_space<hbm>>
    tpu.enqueue_indirect_dma source(%dma_start3A_45 : memref<10000x128xf32, #tpu.memory_space<hbm>>) target(%arg9 : memref<128x128xf32, #tpu.memory_space<vmem>>) offsets(%dma_start3A_38 : memref<128xi32, #tpu.memory_space<vmem>>) semaphore(%arg11 : memref<!tpu.dma_semaphore, #tpu.memory_space<semaphore_mem>>)
    %scan3A_46 = arith.constant 0 : i32
    %scan3A_47 = arith.constant 0 : i32
    %scan3A_48 = arith.constant 10 : i32
    %scan3A_49 = arith.addi %scan3A_47, %scan3A_48 : i32
    %scan3A_50 = arith.constant 1 : i32
    scf.for %scan3A_109 = %scan3A_47 to %scan3A_49 step %scan3A_50  : i32 {
      %mul3A_110 = arith.constant 2 : i32
      %mul3A_111 = arith.muli %mul3A_110, %scan3A_109 : i32
      %add3A_112 = arith.constant 1 : i32
      %add3A_113 = arith.addi %mul3A_111, %add3A_112 : i32
      %dma_wait3A = arith.constant 0 : i32
      %dma_wait3A_114 = tpu.memref_slice %arg7[%mul3A_111, %dma_wait3A] : memref<20x128xi32, #tpu.memory_space<vmem>> -> memref<1x128xi32, #tpu.memory_space<vmem>>
      %dma_wait3A_115 = tpu.memref_squeeze %dma_wait3A_114 : memref<1x128xi32, #tpu.memory_space<vmem>> -> memref<128xi32, #tpu.memory_space<vmem>>
      %dma_wait3A_116 = arith.constant 0 : i32
      %dma_wait3A_117 = arith.constant 0 : i32
      %dma_wait3A_118 = tpu.memref_slice %arg2[%arg0, %dma_wait3A_116, %dma_wait3A_117] : memref<2x10000x128xf32, #tpu.memory_space<hbm>> -> memref<1x10000x128xf32, #tpu.memory_space<hbm>>
      %dma_wait3A_119 = tpu.memref_squeeze %dma_wait3A_118 : memref<1x10000x128xf32, #tpu.memory_space<hbm>> -> memref<10000x128xf32, #tpu.memory_space<hbm>>
      %dma_wait3A_120 = arith.constant 0 : i32
      %dma_wait3A_121 = arith.constant 0 : i32
      %dma_wait3A_122 = tpu.memref_slice %dma_wait3A_119[%dma_wait3A_120, %dma_wait3A_121] : memref<10000x128xf32, #tpu.memory_space<hbm>> -> memref<10000x128xf32, #tpu.memory_space<hbm>>
      tpu.wait_indirect_dma semaphore(%arg11 : memref<!tpu.dma_semaphore, #tpu.memory_space<semaphore_mem>>) src(%dma_wait3A_122 : memref<10000x128xf32, #tpu.memory_space<hbm>>) dst(%arg9 : memref<128x128xf32, #tpu.memory_space<vmem>>)
      %dma_start3A_123 = arith.constant 0 : i32
      %dma_start3A_124 = tpu.memref_slice %arg7[%add3A_113, %dma_start3A_123] : memref<20x128xi32, #tpu.memory_space<vmem>> -> memref<1x128xi32, #tpu.memory_space<vmem>>
      %dma_start3A_125 = tpu.memref_squeeze %dma_start3A_124 : memref<1x128xi32, #tpu.memory_space<vmem>> -> memref<128xi32, #tpu.memory_space<vmem>>
      %dma_start3A_126 = arith.constant 0 : i32
      %dma_start3A_127 = arith.constant 0 : i32
      %dma_start3A_128 = tpu.memref_slice %arg2[%arg0, %dma_start3A_126, %dma_start3A_127] : memref<2x10000x128xf32, #tpu.memory_space<hbm>> -> memref<1x10000x128xf32, #tpu.memory_space<hbm>>
      %dma_start3A_129 = tpu.memref_squeeze %dma_start3A_128 : memref<1x10000x128xf32, #tpu.memory_space<hbm>> -> memref<10000x128xf32, #tpu.memory_space<hbm>>
      %dma_start3A_130 = arith.constant 0 : i32
      %dma_start3A_131 = arith.constant 0 : i32
      %dma_start3A_132 = tpu.memref_slice %dma_start3A_129[%dma_start3A_130, %dma_start3A_131] : memref<10000x128xf32, #tpu.memory_space<hbm>> -> memref<10000x128xf32, #tpu.memory_space<hbm>>
      tpu.enqueue_indirect_dma source(%dma_start3A_132 : memref<10000x128xf32, #tpu.memory_space<hbm>>) target(%arg10 : memref<128x128xf32, #tpu.memory_space<vmem>>) offsets(%dma_start3A_125 : memref<128xi32, #tpu.memory_space<vmem>>) semaphore(%arg12 : memref<!tpu.dma_semaphore, #tpu.memory_space<semaphore_mem>>)
      "tpu.region"() ({
        %run_scoped3A = tpu.sem_alloc : memref<!tpu.dma_semaphore, #tpu.memory_space<semaphore_mem>>
        %dma_start3A_145 = arith.constant 0 : i32
        %dma_start3A_146 = tpu.memref_slice %arg8[%mul3A_111, %dma_start3A_145] : memref<20x128xi32, #tpu.memory_space<vmem>> -> memref<1x128xi32, #tpu.memory_space<vmem>>
        %dma_start3A_147 = tpu.memref_squeeze %dma_start3A_146 : memref<1x128xi32, #tpu.memory_space<vmem>> -> memref<128xi32, #tpu.memory_space<vmem>>
        %dma_start3A_148 = arith.constant 0 : i32
        %dma_start3A_149 = arith.constant 0 : i32
        %dma_start3A_150 = tpu.memref_slice %arg13[%dma_start3A_148, %dma_start3A_149] : memref<10240x128xf32, #tpu.memory_space<vmem_shared>> -> memref<10240x128xf32, #tpu.memory_space<vmem_shared>>
        tpu.enqueue_indirect_dma source(%arg9 : memref<128x128xf32, #tpu.memory_space<vmem>>) target(%dma_start3A_150 : memref<10240x128xf32, #tpu.memory_space<vmem_shared>>) offsets(%dma_start3A_147 : memref<128xi32, #tpu.memory_space<vmem>>) semaphore(%run_scoped3A : memref<!tpu.dma_semaphore, #tpu.memory_space<semaphore_mem>>) {add = true}
        %dma_wait3A_151 = arith.constant 0 : i32
        %dma_wait3A_152 = tpu.memref_slice %arg8[%mul3A_111, %dma_wait3A_151] : memref<20x128xi32, #tpu.memory_space<vmem>> -> memref<1x128xi32, #tpu.memory_space<vmem>>
        %dma_wait3A_153 = tpu.memref_squeeze %dma_wait3A_152 : memref<1x128xi32, #tpu.memory_space<vmem>> -> memref<128xi32, #tpu.memory_space<vmem>>
        %dma_wait3A_154 = arith.constant 0 : i32
        %dma_wait3A_155 = arith.constant 0 : i32
        %dma_wait3A_156 = tpu.memref_slice %arg13[%dma_wait3A_154, %dma_wait3A_155] : memref<10240x128xf32, #tpu.memory_space<vmem_shared>> -> memref<10240x128xf32, #tpu.memory_space<vmem_shared>>
        tpu.wait_indirect_dma semaphore(%run_scoped3A : memref<!tpu.dma_semaphore, #tpu.memory_space<semaphore_mem>>) src(%arg9 : memref<128x128xf32, #tpu.memory_space<vmem>>) dst(%dma_wait3A_156 : memref<10240x128xf32, #tpu.memory_space<vmem_shared>>)
        tpu.yield
      }) : () -> ()
      %dma_wait3A_133 = arith.constant 0 : i32
      %dma_wait3A_134 = tpu.memref_slice %arg7[%add3A_113, %dma_wait3A_133] : memref<20x128xi32, #tpu.memory_space<vmem>> -> memref<1x128xi32, #tpu.memory_space<vmem>>
      %dma_wait3A_135 = tpu.memref_squeeze %dma_wait3A_134 : memref<1x128xi32, #tpu.memory_space<vmem>> -> memref<128xi32, #tpu.memory_space<vmem>>
      %dma_wait3A_136 = arith.constant 0 : i32
      %dma_wait3A_137 = arith.constant 0 : i32
      %dma_wait3A_138 = tpu.memref_slice %arg2[%arg0, %dma_wait3A_136, %dma_wait3A_137] : memref<2x10000x128xf32, #tpu.memory_space<hbm>> -> memref<1x10000x128xf32, #tpu.memory_space<hbm>>
      %dma_wait3A_139 = tpu.memref_squeeze %dma_wait3A_138 : memref<1x10000x128xf32, #tpu.memory_space<hbm>> -> memref<10000x128xf32, #tpu.memory_space<hbm>>
      %dma_wait3A_140 = arith.constant 0 : i32
      %dma_wait3A_141 = arith.constant 0 : i32
      %dma_wait3A_142 = tpu.memref_slice %dma_wait3A_139[%dma_wait3A_140, %dma_wait3A_141] : memref<10000x128xf32, #tpu.memory_space<hbm>> -> memref<10000x128xf32, #tpu.memory_space<hbm>>
      tpu.wait_indirect_dma semaphore(%arg12 : memref<!tpu.dma_semaphore, #tpu.memory_space<semaphore_mem>>) src(%dma_wait3A_142 : memref<10000x128xf32, #tpu.memory_space<hbm>>) dst(%arg10 : memref<128x128xf32, #tpu.memory_space<vmem>>)
      %lt3A = arith.constant 9 : i32
      %lt3A_143 = arith.cmpi slt, %scan3A_109, %lt3A : i32
      %convert_element_type3A = arith.extui %lt3A_143 : i1 to i32
      %cond3A = arith.constant 0 : i32
      %cond3A_144 = arith.cmpi ne, %convert_element_type3A, %cond3A : i32
      scf.if %cond3A_144 {
        %add3A_145 = arith.constant 2 : i32
        %add3A_146 = arith.addi %mul3A_111, %add3A_145 : i32
        %dma_start3A_147 = arith.constant 0 : i32
        %dma_start3A_148 = tpu.memref_slice %arg7[%add3A_146, %dma_start3A_147] : memref<20x128xi32, #tpu.memory_space<vmem>> -> memref<1x128xi32, #tpu.memory_space<vmem>>
        %dma_start3A_149 = tpu.memref_squeeze %dma_start3A_148 : memref<1x128xi32, #tpu.memory_space<vmem>> -> memref<128xi32, #tpu.memory_space<vmem>>
        %dma_start3A_150 = arith.constant 0 : i32
        %dma_start3A_151 = arith.constant 0 : i32
        %dma_start3A_152 = tpu.memref_slice %arg2[%arg0, %dma_start3A_150, %dma_start3A_151] : memref<2x10000x128xf32, #tpu.memory_space<hbm>> -> memref<1x10000x128xf32, #tpu.memory_space<hbm>>
        %dma_start3A_153 = tpu.memref_squeeze %dma_start3A_152 : memref<1x10000x128xf32, #tpu.memory_space<hbm>> -> memref<10000x128xf32, #tpu.memory_space<hbm>>
        %dma_start3A_154 = arith.constant 0 : i32
        %dma_start3A_155 = arith.constant 0 : i32
        %dma_start3A_156 = tpu.memref_slice %dma_start3A_153[%dma_start3A_154, %dma_start3A_155] : memref<10000x128xf32, #tpu.memory_space<hbm>> -> memref<10000x128xf32, #tpu.memory_space<hbm>>
        tpu.enqueue_indirect_dma source(%dma_start3A_156 : memref<10000x128xf32, #tpu.memory_space<hbm>>) target(%arg9 : memref<128x128xf32, #tpu.memory_space<vmem>>) offsets(%dma_start3A_149 : memref<128xi32, #tpu.memory_space<vmem>>) semaphore(%arg11 : memref<!tpu.dma_semaphore, #tpu.memory_space<semaphore_mem>>)
      } else {
      }
      "tpu.region"() ({
        %run_scoped3A = tpu.sem_alloc : memref<!tpu.dma_semaphore, #tpu.memory_space<semaphore_mem>>
        %dma_start3A_145 = arith.constant 0 : i32
        %dma_start3A_146 = tpu.memref_slice %arg8[%add3A_113, %dma_start3A_145] : memref<20x128xi32, #tpu.memory_space<vmem>> -> memref<1x128xi32, #tpu.memory_space<vmem>>
        %dma_start3A_147 = tpu.memref_squeeze %dma_start3A_146 : memref<1x128xi32, #tpu.memory_space<vmem>> -> memref<128xi32, #tpu.memory_space<vmem>>
        %dma_start3A_148 = arith.constant 0 : i32
        %dma_start3A_149 = arith.constant 0 : i32
        %dma_start3A_150 = tpu.memref_slice %arg13[%dma_start3A_148, %dma_start3A_149] : memref<10240x128xf32, #tpu.memory_space<vmem_shared>> -> memref<10240x128xf32, #tpu.memory_space<vmem_shared>>
        tpu.enqueue_indirect_dma source(%arg10 : memref<128x128xf32, #tpu.memory_space<vmem>>) target(%dma_start3A_150 : memref<10240x128xf32, #tpu.memory_space<vmem_shared>>) offsets(%dma_start3A_147 : memref<128xi32, #tpu.memory_space<vmem>>) semaphore(%run_scoped3A : memref<!tpu.dma_semaphore, #tpu.memory_space<semaphore_mem>>) {add = true}
        %dma_wait3A_151 = arith.constant 0 : i32
        %dma_wait3A_152 = tpu.memref_slice %arg8[%add3A_113, %dma_wait3A_151] : memref<20x128xi32, #tpu.memory_space<vmem>> -> memref<1x128xi32, #tpu.memory_space<vmem>>
        %dma_wait3A_153 = tpu.memref_squeeze %dma_wait3A_152 : memref<1x128xi32, #tpu.memory_space<vmem>> -> memref<128xi32, #tpu.memory_space<vmem>>
        %dma_wait3A_154 = arith.constant 0 : i32
        %dma_wait3A_155 = arith.constant 0 : i32
        %dma_wait3A_156 = tpu.memref_slice %arg13[%dma_wait3A_154, %dma_wait3A_155] : memref<10240x128xf32, #tpu.memory_space<vmem_shared>> -> memref<10240x128xf32, #tpu.memory_space<vmem_shared>>
        tpu.wait_indirect_dma semaphore(%run_scoped3A : memref<!tpu.dma_semaphore, #tpu.memory_space<semaphore_mem>>) src(%arg10 : memref<128x128xf32, #tpu.memory_space<vmem>>) dst(%dma_wait3A_156 : memref<10240x128xf32, #tpu.memory_space<vmem_shared>>)
        tpu.yield
      }) : () -> ()
    }
    %scan3A_51 = arith.constant 10 : i32
    %mul3A_52 = arith.constant 4 : i32
    %mul3A_53 = arith.muli %arg1, %mul3A_52 : i32
    %add3A_54 = arith.constant 2 : i32
    %add3A_55 = arith.addi %mul3A_53, %add3A_54 : i32
    "tpu.region"() ({
      %run_scoped3A = tpu.sem_alloc : memref<!tpu.dma_semaphore, #tpu.memory_space<semaphore_mem>>
      %dma_start3A_109 = arith.constant 0 : i32
      %dma_start3A_110 = arith.constant 0 : i32
      %dma_start3A_111 = tpu.memref_slice %arg3[%add3A_55, %dma_start3A_109, %dma_start3A_110] : memref<64x20x128xi32, #tpu.memory_space<hbm>> -> memref<1x20x128xi32, #tpu.memory_space<hbm>>
      %dma_start3A_112 = tpu.memref_squeeze %dma_start3A_111 : memref<1x20x128xi32, #tpu.memory_space<hbm>> -> memref<20x128xi32, #tpu.memory_space<hbm>>
      %dma_start3A_113 = arith.constant 0 : i32
      %dma_start3A_114 = arith.constant 0 : i32
      %dma_start3A_115 = tpu.memref_slice %arg3[%add3A_55, %dma_start3A_113, %dma_start3A_114] : memref<64x20x128xi32, #tpu.memory_space<hbm>> -> memref<1x20x128xi32, #tpu.memory_space<hbm>>
      %dma_start3A_116 = tpu.memref_squeeze %dma_start3A_115 : memref<1x20x128xi32, #tpu.memory_space<hbm>> -> memref<20x128xi32, #tpu.memory_space<hbm>>
      tpu.enqueue_dma source(%dma_start3A_116 : memref<20x128xi32, #tpu.memory_space<hbm>>) target(%arg7 : memref<20x128xi32, #tpu.memory_space<vmem>>) target_semaphore(%run_scoped3A : memref<!tpu.dma_semaphore, #tpu.memory_space<semaphore_mem>>)
      %dma_wait3A = arith.constant 0 : i32
      %dma_wait3A_117 = arith.constant 0 : i32
      %dma_wait3A_118 = tpu.memref_slice %arg3[%add3A_55, %dma_wait3A, %dma_wait3A_117] : memref<64x20x128xi32, #tpu.memory_space<hbm>> -> memref<1x20x128xi32, #tpu.memory_space<hbm>>
      %dma_wait3A_119 = tpu.memref_squeeze %dma_wait3A_118 : memref<1x20x128xi32, #tpu.memory_space<hbm>> -> memref<20x128xi32, #tpu.memory_space<hbm>>
      %dma_wait3A_120 = arith.constant 0 : i32
      %dma_wait3A_121 = arith.constant 0 : i32
      %dma_wait3A_122 = tpu.memref_slice %arg3[%add3A_55, %dma_wait3A_120, %dma_wait3A_121] : memref<64x20x128xi32, #tpu.memory_space<hbm>> -> memref<1x20x128xi32, #tpu.memory_space<hbm>>
      %dma_wait3A_123 = tpu.memref_squeeze %dma_wait3A_122 : memref<1x20x128xi32, #tpu.memory_space<hbm>> -> memref<20x128xi32, #tpu.memory_space<hbm>>
      tpu.wait_dma2 semaphore(%run_scoped3A : memref<!tpu.dma_semaphore, #tpu.memory_space<semaphore_mem>>) src(%dma_wait3A_123 : memref<20x128xi32, #tpu.memory_space<hbm>>) dst(%arg7 : memref<20x128xi32, #tpu.memory_space<vmem>>)
      tpu.yield
    }) : () -> ()
    %mul3A_56 = arith.constant 4 : i32
    %mul3A_57 = arith.muli %arg1, %mul3A_56 : i32
    %add3A_58 = arith.constant 2 : i32
    %add3A_59 = arith.addi %mul3A_57, %add3A_58 : i32
    "tpu.region"() ({
      %run_scoped3A = tpu.sem_alloc : memref<!tpu.dma_semaphore, #tpu.memory_space<semaphore_mem>>
      %dma_start3A_109 = arith.constant 0 : i32
      %dma_start3A_110 = arith.constant 0 : i32
      %dma_start3A_111 = tpu.memref_slice %arg4[%add3A_59, %dma_start3A_109, %dma_start3A_110] : memref<64x20x128xi32, #tpu.memory_space<hbm>> -> memref<1x20x128xi32, #tpu.memory_space<hbm>>
      %dma_start3A_112 = tpu.memref_squeeze %dma_start3A_111 : memref<1x20x128xi32, #tpu.memory_space<hbm>> -> memref<20x128xi32, #tpu.memory_space<hbm>>
      %dma_start3A_113 = arith.constant 0 : i32
      %dma_start3A_114 = arith.constant 0 : i32
      %dma_start3A_115 = tpu.memref_slice %arg4[%add3A_59, %dma_start3A_113, %dma_start3A_114] : memref<64x20x128xi32, #tpu.memory_space<hbm>> -> memref<1x20x128xi32, #tpu.memory_space<hbm>>
      %dma_start3A_116 = tpu.memref_squeeze %dma_start3A_115 : memref<1x20x128xi32, #tpu.memory_space<hbm>> -> memref<20x128xi32, #tpu.memory_space<hbm>>
      tpu.enqueue_dma source(%dma_start3A_116 : memref<20x128xi32, #tpu.memory_space<hbm>>) target(%arg8 : memref<20x128xi32, #tpu.memory_space<vmem>>) target_semaphore(%run_scoped3A : memref<!tpu.dma_semaphore, #tpu.memory_space<semaphore_mem>>)
      %dma_wait3A = arith.constant 0 : i32
      %dma_wait3A_117 = arith.constant 0 : i32
      %dma_wait3A_118 = tpu.memref_slice %arg4[%add3A_59, %dma_wait3A, %dma_wait3A_117] : memref<64x20x128xi32, #tpu.memory_space<hbm>> -> memref<1x20x128xi32, #tpu.memory_space<hbm>>
      %dma_wait3A_119 = tpu.memref_squeeze %dma_wait3A_118 : memref<1x20x128xi32, #tpu.memory_space<hbm>> -> memref<20x128xi32, #tpu.memory_space<hbm>>
      %dma_wait3A_120 = arith.constant 0 : i32
      %dma_wait3A_121 = arith.constant 0 : i32
      %dma_wait3A_122 = tpu.memref_slice %arg4[%add3A_59, %dma_wait3A_120, %dma_wait3A_121] : memref<64x20x128xi32, #tpu.memory_space<hbm>> -> memref<1x20x128xi32, #tpu.memory_space<hbm>>
      %dma_wait3A_123 = tpu.memref_squeeze %dma_wait3A_122 : memref<1x20x128xi32, #tpu.memory_space<hbm>> -> memref<20x128xi32, #tpu.memory_space<hbm>>
      tpu.wait_dma2 semaphore(%run_scoped3A : memref<!tpu.dma_semaphore, #tpu.memory_space<semaphore_mem>>) src(%dma_wait3A_123 : memref<20x128xi32, #tpu.memory_space<hbm>>) dst(%arg8 : memref<20x128xi32, #tpu.memory_space<vmem>>)
      tpu.yield
    }) : () -> ()
    %dma_start3A_60 = arith.constant 0 : i32
    %dma_start3A_61 = arith.constant 0 : i32
    %dma_start3A_62 = tpu.memref_slice %arg7[%dma_start3A_60, %dma_start3A_61] : memref<20x128xi32, #tpu.memory_space<vmem>> -> memref<1x128xi32, #tpu.memory_space<vmem>>
    %dma_start3A_63 = tpu.memref_squeeze %dma_start3A_62 : memref<1x128xi32, #tpu.memory_space<vmem>> -> memref<128xi32, #tpu.memory_space<vmem>>
    %dma_start3A_64 = arith.constant 0 : i32
    %dma_start3A_65 = arith.constant 0 : i32
    %dma_start3A_66 = tpu.memref_slice %arg2[%arg0, %dma_start3A_64, %dma_start3A_65] : memref<2x10000x128xf32, #tpu.memory_space<hbm>> -> memref<1x10000x128xf32, #tpu.memory_space<hbm>>
    %dma_start3A_67 = tpu.memref_squeeze %dma_start3A_66 : memref<1x10000x128xf32, #tpu.memory_space<hbm>> -> memref<10000x128xf32, #tpu.memory_space<hbm>>
    %dma_start3A_68 = arith.constant 0 : i32
    %dma_start3A_69 = arith.constant 0 : i32
    %dma_start3A_70 = tpu.memref_slice %dma_start3A_67[%dma_start3A_68, %dma_start3A_69] : memref<10000x128xf32, #tpu.memory_space<hbm>> -> memref<10000x128xf32, #tpu.memory_space<hbm>>
    tpu.enqueue_indirect_dma source(%dma_start3A_70 : memref<10000x128xf32, #tpu.memory_space<hbm>>) target(%arg9 : memref<128x128xf32, #tpu.memory_space<vmem>>) offsets(%dma_start3A_63 : memref<128xi32, #tpu.memory_space<vmem>>) semaphore(%arg11 : memref<!tpu.dma_semaphore, #tpu.memory_space<semaphore_mem>>)
    %scan3A_71 = arith.constant 0 : i32
    %scan3A_72 = arith.constant 0 : i32
    %scan3A_73 = arith.constant 10 : i32
    %scan3A_74 = arith.addi %scan3A_72, %scan3A_73 : i32
    %scan3A_75 = arith.constant 1 : i32
    scf.for %scan3A_109 = %scan3A_72 to %scan3A_74 step %scan3A_75  : i32 {
      %mul3A_110 = arith.constant 2 : i32
      %mul3A_111 = arith.muli %mul3A_110, %scan3A_109 : i32
      %add3A_112 = arith.constant 1 : i32
      %add3A_113 = arith.addi %mul3A_111, %add3A_112 : i32
      %dma_wait3A = arith.constant 0 : i32
      %dma_wait3A_114 = tpu.memref_slice %arg7[%mul3A_111, %dma_wait3A] : memref<20x128xi32, #tpu.memory_space<vmem>> -> memref<1x128xi32, #tpu.memory_space<vmem>>
      %dma_wait3A_115 = tpu.memref_squeeze %dma_wait3A_114 : memref<1x128xi32, #tpu.memory_space<vmem>> -> memref<128xi32, #tpu.memory_space<vmem>>
      %dma_wait3A_116 = arith.constant 0 : i32
      %dma_wait3A_117 = arith.constant 0 : i32
      %dma_wait3A_118 = tpu.memref_slice %arg2[%arg0, %dma_wait3A_116, %dma_wait3A_117] : memref<2x10000x128xf32, #tpu.memory_space<hbm>> -> memref<1x10000x128xf32, #tpu.memory_space<hbm>>
      %dma_wait3A_119 = tpu.memref_squeeze %dma_wait3A_118 : memref<1x10000x128xf32, #tpu.memory_space<hbm>> -> memref<10000x128xf32, #tpu.memory_space<hbm>>
      %dma_wait3A_120 = arith.constant 0 : i32
      %dma_wait3A_121 = arith.constant 0 : i32
      %dma_wait3A_122 = tpu.memref_slice %dma_wait3A_119[%dma_wait3A_120, %dma_wait3A_121] : memref<10000x128xf32, #tpu.memory_space<hbm>> -> memref<10000x128xf32, #tpu.memory_space<hbm>>
      tpu.wait_indirect_dma semaphore(%arg11 : memref<!tpu.dma_semaphore, #tpu.memory_space<semaphore_mem>>) src(%dma_wait3A_122 : memref<10000x128xf32, #tpu.memory_space<hbm>>) dst(%arg9 : memref<128x128xf32, #tpu.memory_space<vmem>>)
      %dma_start3A_123 = arith.constant 0 : i32
      %dma_start3A_124 = tpu.memref_slice %arg7[%add3A_113, %dma_start3A_123] : memref<20x128xi32, #tpu.memory_space<vmem>> -> memref<1x128xi32, #tpu.memory_space<vmem>>
      %dma_start3A_125 = tpu.memref_squeeze %dma_start3A_124 : memref<1x128xi32, #tpu.memory_space<vmem>> -> memref<128xi32, #tpu.memory_space<vmem>>
      %dma_start3A_126 = arith.constant 0 : i32
      %dma_start3A_127 = arith.constant 0 : i32
      %dma_start3A_128 = tpu.memref_slice %arg2[%arg0, %dma_start3A_126, %dma_start3A_127] : memref<2x10000x128xf32, #tpu.memory_space<hbm>> -> memref<1x10000x128xf32, #tpu.memory_space<hbm>>
      %dma_start3A_129 = tpu.memref_squeeze %dma_start3A_128 : memref<1x10000x128xf32, #tpu.memory_space<hbm>> -> memref<10000x128xf32, #tpu.memory_space<hbm>>
      %dma_start3A_130 = arith.constant 0 : i32
      %dma_start3A_131 = arith.constant 0 : i32
      %dma_start3A_132 = tpu.memref_slice %dma_start3A_129[%dma_start3A_130, %dma_start3A_131] : memref<10000x128xf32, #tpu.memory_space<hbm>> -> memref<10000x128xf32, #tpu.memory_space<hbm>>
      tpu.enqueue_indirect_dma source(%dma_start3A_132 : memref<10000x128xf32, #tpu.memory_space<hbm>>) target(%arg10 : memref<128x128xf32, #tpu.memory_space<vmem>>) offsets(%dma_start3A_125 : memref<128xi32, #tpu.memory_space<vmem>>) semaphore(%arg12 : memref<!tpu.dma_semaphore, #tpu.memory_space<semaphore_mem>>)
      "tpu.region"() ({
        %run_scoped3A = tpu.sem_alloc : memref<!tpu.dma_semaphore, #tpu.memory_space<semaphore_mem>>
        %dma_start3A_145 = arith.constant 0 : i32
        %dma_start3A_146 = tpu.memref_slice %arg8[%mul3A_111, %dma_start3A_145] : memref<20x128xi32, #tpu.memory_space<vmem>> -> memref<1x128xi32, #tpu.memory_space<vmem>>
        %dma_start3A_147 = tpu.memref_squeeze %dma_start3A_146 : memref<1x128xi32, #tpu.memory_space<vmem>> -> memref<128xi32, #tpu.memory_space<vmem>>
        %dma_start3A_148 = arith.constant 0 : i32
        %dma_start3A_149 = arith.constant 0 : i32
        %dma_start3A_150 = tpu.memref_slice %arg13[%dma_start3A_148, %dma_start3A_149] : memref<10240x128xf32, #tpu.memory_space<vmem_shared>> -> memref<10240x128xf32, #tpu.memory_space<vmem_shared>>
        tpu.enqueue_indirect_dma source(%arg9 : memref<128x128xf32, #tpu.memory_space<vmem>>) target(%dma_start3A_150 : memref<10240x128xf32, #tpu.memory_space<vmem_shared>>) offsets(%dma_start3A_147 : memref<128xi32, #tpu.memory_space<vmem>>) semaphore(%run_scoped3A : memref<!tpu.dma_semaphore, #tpu.memory_space<semaphore_mem>>) {add = true}
        %dma_wait3A_151 = arith.constant 0 : i32
        %dma_wait3A_152 = tpu.memref_slice %arg8[%mul3A_111, %dma_wait3A_151] : memref<20x128xi32, #tpu.memory_space<vmem>> -> memref<1x128xi32, #tpu.memory_space<vmem>>
        %dma_wait3A_153 = tpu.memref_squeeze %dma_wait3A_152 : memref<1x128xi32, #tpu.memory_space<vmem>> -> memref<128xi32, #tpu.memory_space<vmem>>
        %dma_wait3A_154 = arith.constant 0 : i32
        %dma_wait3A_155 = arith.constant 0 : i32
        %dma_wait3A_156 = tpu.memref_slice %arg13[%dma_wait3A_154, %dma_wait3A_155] : memref<10240x128xf32, #tpu.memory_space<vmem_shared>> -> memref<10240x128xf32, #tpu.memory_space<vmem_shared>>
        tpu.wait_indirect_dma semaphore(%run_scoped3A : memref<!tpu.dma_semaphore, #tpu.memory_space<semaphore_mem>>) src(%arg9 : memref<128x128xf32, #tpu.memory_space<vmem>>) dst(%dma_wait3A_156 : memref<10240x128xf32, #tpu.memory_space<vmem_shared>>)
        tpu.yield
      }) : () -> ()
      %dma_wait3A_133 = arith.constant 0 : i32
      %dma_wait3A_134 = tpu.memref_slice %arg7[%add3A_113, %dma_wait3A_133] : memref<20x128xi32, #tpu.memory_space<vmem>> -> memref<1x128xi32, #tpu.memory_space<vmem>>
      %dma_wait3A_135 = tpu.memref_squeeze %dma_wait3A_134 : memref<1x128xi32, #tpu.memory_space<vmem>> -> memref<128xi32, #tpu.memory_space<vmem>>
      %dma_wait3A_136 = arith.constant 0 : i32
      %dma_wait3A_137 = arith.constant 0 : i32
      %dma_wait3A_138 = tpu.memref_slice %arg2[%arg0, %dma_wait3A_136, %dma_wait3A_137] : memref<2x10000x128xf32, #tpu.memory_space<hbm>> -> memref<1x10000x128xf32, #tpu.memory_space<hbm>>
      %dma_wait3A_139 = tpu.memref_squeeze %dma_wait3A_138 : memref<1x10000x128xf32, #tpu.memory_space<hbm>> -> memref<10000x128xf32, #tpu.memory_space<hbm>>
      %dma_wait3A_140 = arith.constant 0 : i32
      %dma_wait3A_141 = arith.constant 0 : i32
      %dma_wait3A_142 = tpu.memref_slice %dma_wait3A_139[%dma_wait3A_140, %dma_wait3A_141] : memref<10000x128xf32, #tpu.memory_space<hbm>> -> memref<10000x128xf32, #tpu.memory_space<hbm>>
      tpu.wait_indirect_dma semaphore(%arg12 : memref<!tpu.dma_semaphore, #tpu.memory_space<semaphore_mem>>) src(%dma_wait3A_142 : memref<10000x128xf32, #tpu.memory_space<hbm>>) dst(%arg10 : memref<128x128xf32, #tpu.memory_space<vmem>>)
      %lt3A = arith.constant 9 : i32
      %lt3A_143 = arith.cmpi slt, %scan3A_109, %lt3A : i32
      %convert_element_type3A = arith.extui %lt3A_143 : i1 to i32
      %cond3A = arith.constant 0 : i32
      %cond3A_144 = arith.cmpi ne, %convert_element_type3A, %cond3A : i32
      scf.if %cond3A_144 {
        %add3A_145 = arith.constant 2 : i32
        %add3A_146 = arith.addi %mul3A_111, %add3A_145 : i32
        %dma_start3A_147 = arith.constant 0 : i32
        %dma_start3A_148 = tpu.memref_slice %arg7[%add3A_146, %dma_start3A_147] : memref<20x128xi32, #tpu.memory_space<vmem>> -> memref<1x128xi32, #tpu.memory_space<vmem>>
        %dma_start3A_149 = tpu.memref_squeeze %dma_start3A_148 : memref<1x128xi32, #tpu.memory_space<vmem>> -> memref<128xi32, #tpu.memory_space<vmem>>
        %dma_start3A_150 = arith.constant 0 : i32
        %dma_start3A_151 = arith.constant 0 : i32
        %dma_start3A_152 = tpu.memref_slice %arg2[%arg0, %dma_start3A_150, %dma_start3A_151] : memref<2x10000x128xf32, #tpu.memory_space<hbm>> -> memref<1x10000x128xf32, #tpu.memory_space<hbm>>
        %dma_start3A_153 = tpu.memref_squeeze %dma_start3A_152 : memref<1x10000x128xf32, #tpu.memory_space<hbm>> -> memref<10000x128xf32, #tpu.memory_space<hbm>>
        %dma_start3A_154 = arith.constant 0 : i32
        %dma_start3A_155 = arith.constant 0 : i32
        %dma_start3A_156 = tpu.memref_slice %dma_start3A_153[%dma_start3A_154, %dma_start3A_155] : memref<10000x128xf32, #tpu.memory_space<hbm>> -> memref<10000x128xf32, #tpu.memory_space<hbm>>
        tpu.enqueue_indirect_dma source(%dma_start3A_156 : memref<10000x128xf32, #tpu.memory_space<hbm>>) target(%arg9 : memref<128x128xf32, #tpu.memory_space<vmem>>) offsets(%dma_start3A_149 : memref<128xi32, #tpu.memory_space<vmem>>) semaphore(%arg11 : memref<!tpu.dma_semaphore, #tpu.memory_space<semaphore_mem>>)
      } else {
      }
      "tpu.region"() ({
        %run_scoped3A = tpu.sem_alloc : memref<!tpu.dma_semaphore, #tpu.memory_space<semaphore_mem>>
        %dma_start3A_145 = arith.constant 0 : i32
        %dma_start3A_146 = tpu.memref_slice %arg8[%add3A_113, %dma_start3A_145] : memref<20x128xi32, #tpu.memory_space<vmem>> -> memref<1x128xi32, #tpu.memory_space<vmem>>
        %dma_start3A_147 = tpu.memref_squeeze %dma_start3A_146 : memref<1x128xi32, #tpu.memory_space<vmem>> -> memref<128xi32, #tpu.memory_space<vmem>>
        %dma_start3A_148 = arith.constant 0 : i32
        %dma_start3A_149 = arith.constant 0 : i32
        %dma_start3A_150 = tpu.memref_slice %arg13[%dma_start3A_148, %dma_start3A_149] : memref<10240x128xf32, #tpu.memory_space<vmem_shared>> -> memref<10240x128xf32, #tpu.memory_space<vmem_shared>>
        tpu.enqueue_indirect_dma source(%arg10 : memref<128x128xf32, #tpu.memory_space<vmem>>) target(%dma_start3A_150 : memref<10240x128xf32, #tpu.memory_space<vmem_shared>>) offsets(%dma_start3A_147 : memref<128xi32, #tpu.memory_space<vmem>>) semaphore(%run_scoped3A : memref<!tpu.dma_semaphore, #tpu.memory_space<semaphore_mem>>) {add = true}
        %dma_wait3A_151 = arith.constant 0 : i32
        %dma_wait3A_152 = tpu.memref_slice %arg8[%add3A_113, %dma_wait3A_151] : memref<20x128xi32, #tpu.memory_space<vmem>> -> memref<1x128xi32, #tpu.memory_space<vmem>>
        %dma_wait3A_153 = tpu.memref_squeeze %dma_wait3A_152 : memref<1x128xi32, #tpu.memory_space<vmem>> -> memref<128xi32, #tpu.memory_space<vmem>>
        %dma_wait3A_154 = arith.constant 0 : i32
        %dma_wait3A_155 = arith.constant 0 : i32
        %dma_wait3A_156 = tpu.memref_slice %arg13[%dma_wait3A_154, %dma_wait3A_155] : memref<10240x128xf32, #tpu.memory_space<vmem_shared>> -> memref<10240x128xf32, #tpu.memory_space<vmem_shared>>
        tpu.wait_indirect_dma semaphore(%run_scoped3A : memref<!tpu.dma_semaphore, #tpu.memory_space<semaphore_mem>>) src(%arg10 : memref<128x128xf32, #tpu.memory_space<vmem>>) dst(%dma_wait3A_156 : memref<10240x128xf32, #tpu.memory_space<vmem_shared>>)
        tpu.yield
      }) : () -> ()
    }
    %scan3A_76 = arith.constant 10 : i32
    %mul3A_77 = arith.constant 4 : i32
    %mul3A_78 = arith.muli %arg1, %mul3A_77 : i32
    %add3A_79 = arith.constant 3 : i32
    %add3A_80 = arith.addi %mul3A_78, %add3A_79 : i32
    "tpu.region"() ({
      %run_scoped3A = tpu.sem_alloc : memref<!tpu.dma_semaphore, #tpu.memory_space<semaphore_mem>>
      %dma_start3A_109 = arith.constant 0 : i32
      %dma_start3A_110 = arith.constant 0 : i32
      %dma_start3A_111 = tpu.memref_slice %arg3[%add3A_80, %dma_start3A_109, %dma_start3A_110] : memref<64x20x128xi32, #tpu.memory_space<hbm>> -> memref<1x20x128xi32, #tpu.memory_space<hbm>>
      %dma_start3A_112 = tpu.memref_squeeze %dma_start3A_111 : memref<1x20x128xi32, #tpu.memory_space<hbm>> -> memref<20x128xi32, #tpu.memory_space<hbm>>
      %dma_start3A_113 = arith.constant 0 : i32
      %dma_start3A_114 = arith.constant 0 : i32
      %dma_start3A_115 = tpu.memref_slice %arg3[%add3A_80, %dma_start3A_113, %dma_start3A_114] : memref<64x20x128xi32, #tpu.memory_space<hbm>> -> memref<1x20x128xi32, #tpu.memory_space<hbm>>
      %dma_start3A_116 = tpu.memref_squeeze %dma_start3A_115 : memref<1x20x128xi32, #tpu.memory_space<hbm>> -> memref<20x128xi32, #tpu.memory_space<hbm>>
      tpu.enqueue_dma source(%dma_start3A_116 : memref<20x128xi32, #tpu.memory_space<hbm>>) target(%arg7 : memref<20x128xi32, #tpu.memory_space<vmem>>) target_semaphore(%run_scoped3A : memref<!tpu.dma_semaphore, #tpu.memory_space<semaphore_mem>>)
      %dma_wait3A = arith.constant 0 : i32
      %dma_wait3A_117 = arith.constant 0 : i32
      %dma_wait3A_118 = tpu.memref_slice %arg3[%add3A_80, %dma_wait3A, %dma_wait3A_117] : memref<64x20x128xi32, #tpu.memory_space<hbm>> -> memref<1x20x128xi32, #tpu.memory_space<hbm>>
      %dma_wait3A_119 = tpu.memref_squeeze %dma_wait3A_118 : memref<1x20x128xi32, #tpu.memory_space<hbm>> -> memref<20x128xi32, #tpu.memory_space<hbm>>
      %dma_wait3A_120 = arith.constant 0 : i32
      %dma_wait3A_121 = arith.constant 0 : i32
      %dma_wait3A_122 = tpu.memref_slice %arg3[%add3A_80, %dma_wait3A_120, %dma_wait3A_121] : memref<64x20x128xi32, #tpu.memory_space<hbm>> -> memref<1x20x128xi32, #tpu.memory_space<hbm>>
      %dma_wait3A_123 = tpu.memref_squeeze %dma_wait3A_122 : memref<1x20x128xi32, #tpu.memory_space<hbm>> -> memref<20x128xi32, #tpu.memory_space<hbm>>
      tpu.wait_dma2 semaphore(%run_scoped3A : memref<!tpu.dma_semaphore, #tpu.memory_space<semaphore_mem>>) src(%dma_wait3A_123 : memref<20x128xi32, #tpu.memory_space<hbm>>) dst(%arg7 : memref<20x128xi32, #tpu.memory_space<vmem>>)
      tpu.yield
    }) : () -> ()
    %mul3A_81 = arith.constant 4 : i32
    %mul3A_82 = arith.muli %arg1, %mul3A_81 : i32
    %add3A_83 = arith.constant 3 : i32
    %add3A_84 = arith.addi %mul3A_82, %add3A_83 : i32
    "tpu.region"() ({
      %run_scoped3A = tpu.sem_alloc : memref<!tpu.dma_semaphore, #tpu.memory_space<semaphore_mem>>
      %dma_start3A_109 = arith.constant 0 : i32
      %dma_start3A_110 = arith.constant 0 : i32
      %dma_start3A_111 = tpu.memref_slice %arg4[%add3A_84, %dma_start3A_109, %dma_start3A_110] : memref<64x20x128xi32, #tpu.memory_space<hbm>> -> memref<1x20x128xi32, #tpu.memory_space<hbm>>
      %dma_start3A_112 = tpu.memref_squeeze %dma_start3A_111 : memref<1x20x128xi32, #tpu.memory_space<hbm>> -> memref<20x128xi32, #tpu.memory_space<hbm>>
      %dma_start3A_113 = arith.constant 0 : i32
      %dma_start3A_114 = arith.constant 0 : i32
      %dma_start3A_115 = tpu.memref_slice %arg4[%add3A_84, %dma_start3A_113, %dma_start3A_114] : memref<64x20x128xi32, #tpu.memory_space<hbm>> -> memref<1x20x128xi32, #tpu.memory_space<hbm>>
      %dma_start3A_116 = tpu.memref_squeeze %dma_start3A_115 : memref<1x20x128xi32, #tpu.memory_space<hbm>> -> memref<20x128xi32, #tpu.memory_space<hbm>>
      tpu.enqueue_dma source(%dma_start3A_116 : memref<20x128xi32, #tpu.memory_space<hbm>>) target(%arg8 : memref<20x128xi32, #tpu.memory_space<vmem>>) target_semaphore(%run_scoped3A : memref<!tpu.dma_semaphore, #tpu.memory_space<semaphore_mem>>)
      %dma_wait3A = arith.constant 0 : i32
      %dma_wait3A_117 = arith.constant 0 : i32
      %dma_wait3A_118 = tpu.memref_slice %arg4[%add3A_84, %dma_wait3A, %dma_wait3A_117] : memref<64x20x128xi32, #tpu.memory_space<hbm>> -> memref<1x20x128xi32, #tpu.memory_space<hbm>>
      %dma_wait3A_119 = tpu.memref_squeeze %dma_wait3A_118 : memref<1x20x128xi32, #tpu.memory_space<hbm>> -> memref<20x128xi32, #tpu.memory_space<hbm>>
      %dma_wait3A_120 = arith.constant 0 : i32
      %dma_wait3A_121 = arith.constant 0 : i32
      %dma_wait3A_122 = tpu.memref_slice %arg4[%add3A_84, %dma_wait3A_120, %dma_wait3A_121] : memref<64x20x128xi32, #tpu.memory_space<hbm>> -> memref<1x20x128xi32, #tpu.memory_space<hbm>>
      %dma_wait3A_123 = tpu.memref_squeeze %dma_wait3A_122 : memref<1x20x128xi32, #tpu.memory_space<hbm>> -> memref<20x128xi32, #tpu.memory_space<hbm>>
      tpu.wait_dma2 semaphore(%run_scoped3A : memref<!tpu.dma_semaphore, #tpu.memory_space<semaphore_mem>>) src(%dma_wait3A_123 : memref<20x128xi32, #tpu.memory_space<hbm>>) dst(%arg8 : memref<20x128xi32, #tpu.memory_space<vmem>>)
      tpu.yield
    }) : () -> ()
    %dma_start3A_85 = arith.constant 0 : i32
    %dma_start3A_86 = arith.constant 0 : i32
    %dma_start3A_87 = tpu.memref_slice %arg7[%dma_start3A_85, %dma_start3A_86] : memref<20x128xi32, #tpu.memory_space<vmem>> -> memref<1x128xi32, #tpu.memory_space<vmem>>
    %dma_start3A_88 = tpu.memref_squeeze %dma_start3A_87 : memref<1x128xi32, #tpu.memory_space<vmem>> -> memref<128xi32, #tpu.memory_space<vmem>>
    %dma_start3A_89 = arith.constant 0 : i32
    %dma_start3A_90 = arith.constant 0 : i32
    %dma_start3A_91 = tpu.memref_slice %arg2[%arg0, %dma_start3A_89, %dma_start3A_90] : memref<2x10000x128xf32, #tpu.memory_space<hbm>> -> memref<1x10000x128xf32, #tpu.memory_space<hbm>>
    %dma_start3A_92 = tpu.memref_squeeze %dma_start3A_91 : memref<1x10000x128xf32, #tpu.memory_space<hbm>> -> memref<10000x128xf32, #tpu.memory_space<hbm>>
    %dma_start3A_93 = arith.constant 0 : i32
    %dma_start3A_94 = arith.constant 0 : i32
    %dma_start3A_95 = tpu.memref_slice %dma_start3A_92[%dma_start3A_93, %dma_start3A_94] : memref<10000x128xf32, #tpu.memory_space<hbm>> -> memref<10000x128xf32, #tpu.memory_space<hbm>>
    tpu.enqueue_indirect_dma source(%dma_start3A_95 : memref<10000x128xf32, #tpu.memory_space<hbm>>) target(%arg9 : memref<128x128xf32, #tpu.memory_space<vmem>>) offsets(%dma_start3A_88 : memref<128xi32, #tpu.memory_space<vmem>>) semaphore(%arg11 : memref<!tpu.dma_semaphore, #tpu.memory_space<semaphore_mem>>)
    %scan3A_96 = arith.constant 0 : i32
    %scan3A_97 = arith.constant 0 : i32
    %scan3A_98 = arith.constant 10 : i32
    %scan3A_99 = arith.addi %scan3A_97, %scan3A_98 : i32
    %scan3A_100 = arith.constant 1 : i32
    scf.for %scan3A_109 = %scan3A_97 to %scan3A_99 step %scan3A_100  : i32 {
      %mul3A_110 = arith.constant 2 : i32
      %mul3A_111 = arith.muli %mul3A_110, %scan3A_109 : i32
      %add3A_112 = arith.constant 1 : i32
      %add3A_113 = arith.addi %mul3A_111, %add3A_112 : i32
      %dma_wait3A = arith.constant 0 : i32
      %dma_wait3A_114 = tpu.memref_slice %arg7[%mul3A_111, %dma_wait3A] : memref<20x128xi32, #tpu.memory_space<vmem>> -> memref<1x128xi32, #tpu.memory_space<vmem>>
      %dma_wait3A_115 = tpu.memref_squeeze %dma_wait3A_114 : memref<1x128xi32, #tpu.memory_space<vmem>> -> memref<128xi32, #tpu.memory_space<vmem>>
      %dma_wait3A_116 = arith.constant 0 : i32
      %dma_wait3A_117 = arith.constant 0 : i32
      %dma_wait3A_118 = tpu.memref_slice %arg2[%arg0, %dma_wait3A_116, %dma_wait3A_117] : memref<2x10000x128xf32, #tpu.memory_space<hbm>> -> memref<1x10000x128xf32, #tpu.memory_space<hbm>>
      %dma_wait3A_119 = tpu.memref_squeeze %dma_wait3A_118 : memref<1x10000x128xf32, #tpu.memory_space<hbm>> -> memref<10000x128xf32, #tpu.memory_space<hbm>>
      %dma_wait3A_120 = arith.constant 0 : i32
      %dma_wait3A_121 = arith.constant 0 : i32
      %dma_wait3A_122 = tpu.memref_slice %dma_wait3A_119[%dma_wait3A_120, %dma_wait3A_121] : memref<10000x128xf32, #tpu.memory_space<hbm>> -> memref<10000x128xf32, #tpu.memory_space<hbm>>
      tpu.wait_indirect_dma semaphore(%arg11 : memref<!tpu.dma_semaphore, #tpu.memory_space<semaphore_mem>>) src(%dma_wait3A_122 : memref<10000x128xf32, #tpu.memory_space<hbm>>) dst(%arg9 : memref<128x128xf32, #tpu.memory_space<vmem>>)
      %dma_start3A_123 = arith.constant 0 : i32
      %dma_start3A_124 = tpu.memref_slice %arg7[%add3A_113, %dma_start3A_123] : memref<20x128xi32, #tpu.memory_space<vmem>> -> memref<1x128xi32, #tpu.memory_space<vmem>>
      %dma_start3A_125 = tpu.memref_squeeze %dma_start3A_124 : memref<1x128xi32, #tpu.memory_space<vmem>> -> memref<128xi32, #tpu.memory_space<vmem>>
      %dma_start3A_126 = arith.constant 0 : i32
      %dma_start3A_127 = arith.constant 0 : i32
      %dma_start3A_128 = tpu.memref_slice %arg2[%arg0, %dma_start3A_126, %dma_start3A_127] : memref<2x10000x128xf32, #tpu.memory_space<hbm>> -> memref<1x10000x128xf32, #tpu.memory_space<hbm>>
      %dma_start3A_129 = tpu.memref_squeeze %dma_start3A_128 : memref<1x10000x128xf32, #tpu.memory_space<hbm>> -> memref<10000x128xf32, #tpu.memory_space<hbm>>
      %dma_start3A_130 = arith.constant 0 : i32
      %dma_start3A_131 = arith.constant 0 : i32
      %dma_start3A_132 = tpu.memref_slice %dma_start3A_129[%dma_start3A_130, %dma_start3A_131] : memref<10000x128xf32, #tpu.memory_space<hbm>> -> memref<10000x128xf32, #tpu.memory_space<hbm>>
      tpu.enqueue_indirect_dma source(%dma_start3A_132 : memref<10000x128xf32, #tpu.memory_space<hbm>>) target(%arg10 : memref<128x128xf32, #tpu.memory_space<vmem>>) offsets(%dma_start3A_125 : memref<128xi32, #tpu.memory_space<vmem>>) semaphore(%arg12 : memref<!tpu.dma_semaphore, #tpu.memory_space<semaphore_mem>>)
      "tpu.region"() ({
        %run_scoped3A = tpu.sem_alloc : memref<!tpu.dma_semaphore, #tpu.memory_space<semaphore_mem>>
        %dma_start3A_145 = arith.constant 0 : i32
        %dma_start3A_146 = tpu.memref_slice %arg8[%mul3A_111, %dma_start3A_145] : memref<20x128xi32, #tpu.memory_space<vmem>> -> memref<1x128xi32, #tpu.memory_space<vmem>>
        %dma_start3A_147 = tpu.memref_squeeze %dma_start3A_146 : memref<1x128xi32, #tpu.memory_space<vmem>> -> memref<128xi32, #tpu.memory_space<vmem>>
        %dma_start3A_148 = arith.constant 0 : i32
        %dma_start3A_149 = arith.constant 0 : i32
        %dma_start3A_150 = tpu.memref_slice %arg13[%dma_start3A_148, %dma_start3A_149] : memref<10240x128xf32, #tpu.memory_space<vmem_shared>> -> memref<10240x128xf32, #tpu.memory_space<vmem_shared>>
        tpu.enqueue_indirect_dma source(%arg9 : memref<128x128xf32, #tpu.memory_space<vmem>>) target(%dma_start3A_150 : memref<10240x128xf32, #tpu.memory_space<vmem_shared>>) offsets(%dma_start3A_147 : memref<128xi32, #tpu.memory_space<vmem>>) semaphore(%run_scoped3A : memref<!tpu.dma_semaphore, #tpu.memory_space<semaphore_mem>>) {add = true}
        %dma_wait3A_151 = arith.constant 0 : i32
        %dma_wait3A_152 = tpu.memref_slice %arg8[%mul3A_111, %dma_wait3A_151] : memref<20x128xi32, #tpu.memory_space<vmem>> -> memref<1x128xi32, #tpu.memory_space<vmem>>
        %dma_wait3A_153 = tpu.memref_squeeze %dma_wait3A_152 : memref<1x128xi32, #tpu.memory_space<vmem>> -> memref<128xi32, #tpu.memory_space<vmem>>
        %dma_wait3A_154 = arith.constant 0 : i32
        %dma_wait3A_155 = arith.constant 0 : i32
        %dma_wait3A_156 = tpu.memref_slice %arg13[%dma_wait3A_154, %dma_wait3A_155] : memref<10240x128xf32, #tpu.memory_space<vmem_shared>> -> memref<10240x128xf32, #tpu.memory_space<vmem_shared>>
        tpu.wait_indirect_dma semaphore(%run_scoped3A : memref<!tpu.dma_semaphore, #tpu.memory_space<semaphore_mem>>) src(%arg9 : memref<128x128xf32, #tpu.memory_space<vmem>>) dst(%dma_wait3A_156 : memref<10240x128xf32, #tpu.memory_space<vmem_shared>>)
        tpu.yield
      }) : () -> ()
      %dma_wait3A_133 = arith.constant 0 : i32
      %dma_wait3A_134 = tpu.memref_slice %arg7[%add3A_113, %dma_wait3A_133] : memref<20x128xi32, #tpu.memory_space<vmem>> -> memref<1x128xi32, #tpu.memory_space<vmem>>
      %dma_wait3A_135 = tpu.memref_squeeze %dma_wait3A_134 : memref<1x128xi32, #tpu.memory_space<vmem>> -> memref<128xi32, #tpu.memory_space<vmem>>
      %dma_wait3A_136 = arith.constant 0 : i32
      %dma_wait3A_137 = arith.constant 0 : i32
      %dma_wait3A_138 = tpu.memref_slice %arg2[%arg0, %dma_wait3A_136, %dma_wait3A_137] : memref<2x10000x128xf32, #tpu.memory_space<hbm>> -> memref<1x10000x128xf32, #tpu.memory_space<hbm>>
      %dma_wait3A_139 = tpu.memref_squeeze %dma_wait3A_138 : memref<1x10000x128xf32, #tpu.memory_space<hbm>> -> memref<10000x128xf32, #tpu.memory_space<hbm>>
      %dma_wait3A_140 = arith.constant 0 : i32
      %dma_wait3A_141 = arith.constant 0 : i32
      %dma_wait3A_142 = tpu.memref_slice %dma_wait3A_139[%dma_wait3A_140, %dma_wait3A_141] : memref<10000x128xf32, #tpu.memory_space<hbm>> -> memref<10000x128xf32, #tpu.memory_space<hbm>>
      tpu.wait_indirect_dma semaphore(%arg12 : memref<!tpu.dma_semaphore, #tpu.memory_space<semaphore_mem>>) src(%dma_wait3A_142 : memref<10000x128xf32, #tpu.memory_space<hbm>>) dst(%arg10 : memref<128x128xf32, #tpu.memory_space<vmem>>)
      %lt3A = arith.constant 9 : i32
      %lt3A_143 = arith.cmpi slt, %scan3A_109, %lt3A : i32
      %convert_element_type3A = arith.extui %lt3A_143 : i1 to i32
      %cond3A = arith.constant 0 : i32
      %cond3A_144 = arith.cmpi ne, %convert_element_type3A, %cond3A : i32
      scf.if %cond3A_144 {
        %add3A_145 = arith.constant 2 : i32
        %add3A_146 = arith.addi %mul3A_111, %add3A_145 : i32
        %dma_start3A_147 = arith.constant 0 : i32
        %dma_start3A_148 = tpu.memref_slice %arg7[%add3A_146, %dma_start3A_147] : memref<20x128xi32, #tpu.memory_space<vmem>> -> memref<1x128xi32, #tpu.memory_space<vmem>>
        %dma_start3A_149 = tpu.memref_squeeze %dma_start3A_148 : memref<1x128xi32, #tpu.memory_space<vmem>> -> memref<128xi32, #tpu.memory_space<vmem>>
        %dma_start3A_150 = arith.constant 0 : i32
        %dma_start3A_151 = arith.constant 0 : i32
        %dma_start3A_152 = tpu.memref_slice %arg2[%arg0, %dma_start3A_150, %dma_start3A_151] : memref<2x10000x128xf32, #tpu.memory_space<hbm>> -> memref<1x10000x128xf32, #tpu.memory_space<hbm>>
        %dma_start3A_153 = tpu.memref_squeeze %dma_start3A_152 : memref<1x10000x128xf32, #tpu.memory_space<hbm>> -> memref<10000x128xf32, #tpu.memory_space<hbm>>
        %dma_start3A_154 = arith.constant 0 : i32
        %dma_start3A_155 = arith.constant 0 : i32
        %dma_start3A_156 = tpu.memref_slice %dma_start3A_153[%dma_start3A_154, %dma_start3A_155] : memref<10000x128xf32, #tpu.memory_space<hbm>> -> memref<10000x128xf32, #tpu.memory_space<hbm>>
        tpu.enqueue_indirect_dma source(%dma_start3A_156 : memref<10000x128xf32, #tpu.memory_space<hbm>>) target(%arg9 : memref<128x128xf32, #tpu.memory_space<vmem>>) offsets(%dma_start3A_149 : memref<128xi32, #tpu.memory_space<vmem>>) semaphore(%arg11 : memref<!tpu.dma_semaphore, #tpu.memory_space<semaphore_mem>>)
      } else {
      }
      "tpu.region"() ({
        %run_scoped3A = tpu.sem_alloc : memref<!tpu.dma_semaphore, #tpu.memory_space<semaphore_mem>>
        %dma_start3A_145 = arith.constant 0 : i32
        %dma_start3A_146 = tpu.memref_slice %arg8[%add3A_113, %dma_start3A_145] : memref<20x128xi32, #tpu.memory_space<vmem>> -> memref<1x128xi32, #tpu.memory_space<vmem>>
        %dma_start3A_147 = tpu.memref_squeeze %dma_start3A_146 : memref<1x128xi32, #tpu.memory_space<vmem>> -> memref<128xi32, #tpu.memory_space<vmem>>
        %dma_start3A_148 = arith.constant 0 : i32
        %dma_start3A_149 = arith.constant 0 : i32
        %dma_start3A_150 = tpu.memref_slice %arg13[%dma_start3A_148, %dma_start3A_149] : memref<10240x128xf32, #tpu.memory_space<vmem_shared>> -> memref<10240x128xf32, #tpu.memory_space<vmem_shared>>
        tpu.enqueue_indirect_dma source(%arg10 : memref<128x128xf32, #tpu.memory_space<vmem>>) target(%dma_start3A_150 : memref<10240x128xf32, #tpu.memory_space<vmem_shared>>) offsets(%dma_start3A_147 : memref<128xi32, #tpu.memory_space<vmem>>) semaphore(%run_scoped3A : memref<!tpu.dma_semaphore, #tpu.memory_space<semaphore_mem>>) {add = true}
        %dma_wait3A_151 = arith.constant 0 : i32
        %dma_wait3A_152 = tpu.memref_slice %arg8[%add3A_113, %dma_wait3A_151] : memref<20x128xi32, #tpu.memory_space<vmem>> -> memref<1x128xi32, #tpu.memory_space<vmem>>
        %dma_wait3A_153 = tpu.memref_squeeze %dma_wait3A_152 : memref<1x128xi32, #tpu.memory_space<vmem>> -> memref<128xi32, #tpu.memory_space<vmem>>
        %dma_wait3A_154 = arith.constant 0 : i32
        %dma_wait3A_155 = arith.constant 0 : i32
        %dma_wait3A_156 = tpu.memref_slice %arg13[%dma_wait3A_154, %dma_wait3A_155] : memref<10240x128xf32, #tpu.memory_space<vmem_shared>> -> memref<10240x128xf32, #tpu.memory_space<vmem_shared>>
        tpu.wait_indirect_dma semaphore(%run_scoped3A : memref<!tpu.dma_semaphore, #tpu.memory_space<semaphore_mem>>) src(%arg10 : memref<128x128xf32, #tpu.memory_space<vmem>>) dst(%dma_wait3A_156 : memref<10240x128xf32, #tpu.memory_space<vmem_shared>>)
        tpu.yield
      }) : () -> ()
    }
    %scan3A_101 = arith.constant 10 : i32
    %barrier3A_102 = arith.constant 0 : index
    tpu.barrier barrier_id(%barrier3A_102)
    %scan3A_103 = arith.constant 0 : i32
    %scan3A_104 = arith.constant 0 : i32
    %scan3A_105 = arith.constant 5 : i32
    %scan3A_106 = arith.addi %scan3A_104, %scan3A_105 : i32
    %scan3A_107 = arith.constant 1 : i32
    scf.for %scan3A_109 = %scan3A_104 to %scan3A_106 step %scan3A_107  : i32 {
      %mul3A_110 = arith.constant 5 : i32
      %mul3A_111 = arith.muli %arg1, %mul3A_110 : i32
      %add3A_112 = arith.addi %mul3A_111, %scan3A_109 : i32
      %mul3A_113 = arith.constant 128 : i32
      %mul3A_114 = arith.muli %add3A_112, %mul3A_113 : i32
      "tpu.region"() ({
        %run_scoped3A = tpu.sem_alloc : memref<!tpu.dma_semaphore, #tpu.memory_space<semaphore_mem>>
        %dma_start3A_115 = arith.constant 0 : i32
        %dma_start3A_116 = tpu.memref_slice %arg13[%mul3A_114, %dma_start3A_115] : memref<10240x128xf32, #tpu.memory_space<vmem_shared>> -> memref<128x128xf32, #tpu.memory_space<vmem_shared>>
        %dma_start3A_117 = arith.constant 0 : i32
        %dma_start3A_118 = tpu.memref_slice %arg13[%mul3A_114, %dma_start3A_117] : memref<10240x128xf32, #tpu.memory_space<vmem_shared>> -> memref<128x128xf32, #tpu.memory_space<vmem_shared>>
        tpu.enqueue_dma source(%dma_start3A_118 : memref<128x128xf32, #tpu.memory_space<vmem_shared>>) target(%arg9 : memref<128x128xf32, #tpu.memory_space<vmem>>) target_semaphore(%run_scoped3A : memref<!tpu.dma_semaphore, #tpu.memory_space<semaphore_mem>>)
        %dma_wait3A = arith.constant 0 : i32
        %dma_wait3A_119 = tpu.memref_slice %arg13[%mul3A_114, %dma_wait3A] : memref<10240x128xf32, #tpu.memory_space<vmem_shared>> -> memref<128x128xf32, #tpu.memory_space<vmem_shared>>
        %dma_wait3A_120 = arith.constant 0 : i32
        %dma_wait3A_121 = tpu.memref_slice %arg13[%mul3A_114, %dma_wait3A_120] : memref<10240x128xf32, #tpu.memory_space<vmem_shared>> -> memref<128x128xf32, #tpu.memory_space<vmem_shared>>
        tpu.wait_dma2 semaphore(%run_scoped3A : memref<!tpu.dma_semaphore, #tpu.memory_space<semaphore_mem>>) src(%dma_wait3A_121 : memref<128x128xf32, #tpu.memory_space<vmem_shared>>) dst(%arg9 : memref<128x128xf32, #tpu.memory_space<vmem>>)
        tpu.yield
      }) : () -> ()
      "tpu.region"() ({
        %run_scoped3A = tpu.sem_alloc : memref<!tpu.dma_semaphore, #tpu.memory_space<semaphore_mem>>
        %dma_start3A_115 = arith.constant 0 : i32
        %dma_start3A_116 = tpu.memref_slice %arg6[%arg0, %mul3A_114, %dma_start3A_115] : memref<2x10240x128xf32, #tpu.memory_space<hbm>> -> memref<1x128x128xf32, #tpu.memory_space<hbm>>
        %dma_start3A_117 = tpu.memref_squeeze %dma_start3A_116 : memref<1x128x128xf32, #tpu.memory_space<hbm>> -> memref<128x128xf32, #tpu.memory_space<hbm>>
        %dma_start3A_118 = arith.constant 0 : i32
        %dma_start3A_119 = tpu.memref_slice %arg6[%arg0, %mul3A_114, %dma_start3A_118] : memref<2x10240x128xf32, #tpu.memory_space<hbm>> -> memref<1x128x128xf32, #tpu.memory_space<hbm>>
        %dma_start3A_120 = tpu.memref_squeeze %dma_start3A_119 : memref<1x128x128xf32, #tpu.memory_space<hbm>> -> memref<128x128xf32, #tpu.memory_space<hbm>>
        tpu.enqueue_dma source(%arg9 : memref<128x128xf32, #tpu.memory_space<vmem>>) target(%dma_start3A_120 : memref<128x128xf32, #tpu.memory_space<hbm>>) target_semaphore(%run_scoped3A : memref<!tpu.dma_semaphore, #tpu.memory_space<semaphore_mem>>)
        %dma_wait3A = arith.constant 0 : i32
        %dma_wait3A_121 = tpu.memref_slice %arg6[%arg0, %mul3A_114, %dma_wait3A] : memref<2x10240x128xf32, #tpu.memory_space<hbm>> -> memref<1x128x128xf32, #tpu.memory_space<hbm>>
        %dma_wait3A_122 = tpu.memref_squeeze %dma_wait3A_121 : memref<1x128x128xf32, #tpu.memory_space<hbm>> -> memref<128x128xf32, #tpu.memory_space<hbm>>
        %dma_wait3A_123 = arith.constant 0 : i32
        %dma_wait3A_124 = tpu.memref_slice %arg6[%arg0, %mul3A_114, %dma_wait3A_123] : memref<2x10240x128xf32, #tpu.memory_space<hbm>> -> memref<1x128x128xf32, #tpu.memory_space<hbm>>
        %dma_wait3A_125 = tpu.memref_squeeze %dma_wait3A_124 : memref<1x128x128xf32, #tpu.memory_space<hbm>> -> memref<128x128xf32, #tpu.memory_space<hbm>>
        tpu.wait_dma2 semaphore(%run_scoped3A : memref<!tpu.dma_semaphore, #tpu.memory_space<semaphore_mem>>) src(%arg9 : memref<128x128xf32, #tpu.memory_space<vmem>>) dst(%dma_wait3A_125 : memref<128x128xf32, #tpu.memory_space<hbm>>)
        tpu.yield
      }) : () -> ()
    }
    %scan3A_108 = arith.constant 5 : i32
    return
  }
}

module attributes {stable_mosaic.version = 14 : i64} {
  func.func @_h2_body(%arg0: i32, %arg1: memref<1000x256xf32, #tpu.memory_space<vmem>>, %arg2: memref<256x256xf32, #tpu.memory_space<vmem>>, %arg3: memref<2x1000x16xf32, #tpu.memory_space<vmem>>, %arg4: memref<2x1000x128xf32, #tpu.memory_space<vmem>>) attributes {dimension_semantics = [#tpu.dimension_semantics<arbitrary>], iteration_bounds = array<i64: 10>, scalar_prefetch = 0 : i64, scratch_operands = 0 : i64, tpu.core_type = #tpu.core_type<tc>, window_params = [{transform_indices = @transform_0, window_bounds = array<i64: 1000, 256>}, {pipeline_mode = #tpu.pipeline_mode<synchronous>, transform_indices = @transform_1, window_bounds = array<i64: 256, 256>}, {transform_indices = @transform_2, window_bounds = array<i64: 2, 1000, 16>}, {transform_indices = @transform_3, window_bounds = array<i64: 2, 1000, 128>}]} {
    %get3A = arith.constant 0 : index
    %get3A_0 = arith.constant 0 : index
    %get3A_1 = arith.constant 0 : index
    %get3A_2 = vector.load %arg3[%get3A, %get3A_0, %get3A_1] : memref<2x1000x16xf32, #tpu.memory_space<vmem>>, vector<2x1000x16xf32>
    %slice3A = vector.extract_strided_slice %get3A_2 {offsets = [0, 0, 0], sizes = [1, 1000, 1], strides = [1, 1, 1]} : vector<2x1000x16xf32> to vector<1x1000x1xf32>
    %squeeze3A = vector.shape_cast %slice3A : vector<1x1000x1xf32> to vector<1000xf32>
    %slice3A_3 = vector.extract_strided_slice %get3A_2 {offsets = [1, 0, 0], sizes = [1, 1000, 1], strides = [1, 1, 1]} : vector<2x1000x16xf32> to vector<1x1000x1xf32>
    %squeeze3A_4 = vector.shape_cast %slice3A_3 : vector<1x1000x1xf32> to vector<1000xf32>
    %add3A = arith.addf %squeeze3A, %squeeze3A_4 : vector<1000xf32>
    %add3A_5 = arith.constant 1.000000e+00 : f32
    %add3A_6 = vector.broadcast %add3A_5 : f32 to vector<1000xf32>
    %add3A_7 = arith.addf %add3A, %add3A_6 : vector<1000xf32>
    %rsqrt3A = math.rsqrt %add3A_7 : vector<1000xf32>
    %get3A_8 = arith.constant 0 : index
    %get3A_9 = arith.constant 0 : index
    %get3A_10 = vector.load %arg1[%get3A_8, %get3A_9] : memref<1000x256xf32, #tpu.memory_space<vmem>>, vector<1000x256xf32>
    %get3A_11 = arith.constant 0 : index
    %get3A_12 = arith.constant 0 : index
    %get3A_13 = vector.load %arg2[%get3A_11, %get3A_12] : memref<256x256xf32, #tpu.memory_space<vmem>>, vector<256x256xf32>
    %dot_general3A = arith.constant dense<0.000000e+00> : vector<1000x256xf32>
    %dot_general3A_14 = tpu.matmul %get3A_10, %get3A_13, %dot_general3A {dimension_numbers = #tpu.dot_dimension_numbers<[1], [0], [0], [1], [0, 0, 1, 1], [], []>, transpose_lhs_hint = false} : vector<1000x256xf32>, vector<256x256xf32>, vector<1000x256xf32> -> vector<1000x256xf32>
    %broadcast_in_dim3A = vector.shape_cast %rsqrt3A : vector<1000xf32> to vector<1000x1xf32>
    %mul3A = vector.broadcast %broadcast_in_dim3A : vector<1000x1xf32> to vector<1000x256xf32>
    %mul3A_15 = arith.mulf %dot_general3A_14, %mul3A : vector<1000x256xf32>
    %slice3A_16 = vector.extract_strided_slice %mul3A_15 {offsets = [0, 0], sizes = [1000, 128], strides = [1, 1]} : vector<1000x256xf32> to vector<1000x128xf32>
    %swap3A = arith.constant 0 : index
    %swap3A_17 = arith.constant 0 : index
    %swap3A_18 = arith.constant 0 : index
    %swap3A_19 = vector.load %arg4[%swap3A, %swap3A_17, %swap3A_18] : memref<2x1000x128xf32, #tpu.memory_space<vmem>>, vector<1x1000x128xf32>
    %swap3A_20 = vector.shape_cast %swap3A_19 : vector<1x1000x128xf32> to vector<1000x128xf32>
    %swap3A_21 = vector.shape_cast %slice3A_16 : vector<1000x128xf32> to vector<1x1000x128xf32>
    tpu.vector_store %arg4[%swap3A, %swap3A_17, %swap3A_18], %swap3A_21 {strides = array<i32>} : memref<2x1000x128xf32, #tpu.memory_space<vmem>>, vector<1x1000x128xf32>,
    %slice3A_22 = vector.extract_strided_slice %mul3A_15 {offsets = [0, 128], sizes = [1000, 128], strides = [1, 1]} : vector<1000x256xf32> to vector<1000x128xf32>
    %swap3A_23 = arith.constant 1 : index
    %swap3A_24 = arith.constant 0 : index
    %swap3A_25 = arith.constant 0 : index
    %swap3A_26 = vector.load %arg4[%swap3A_23, %swap3A_24, %swap3A_25] : memref<2x1000x128xf32, #tpu.memory_space<vmem>>, vector<1x1000x128xf32>
    %swap3A_27 = vector.shape_cast %swap3A_26 : vector<1x1000x128xf32> to vector<1000x128xf32>
    %swap3A_28 = vector.shape_cast %slice3A_22 : vector<1000x128xf32> to vector<1x1000x128xf32>
    tpu.vector_store %arg4[%swap3A_23, %swap3A_24, %swap3A_25], %swap3A_28 {strides = array<i32>} : memref<2x1000x128xf32, #tpu.memory_space<vmem>>, vector<1x1000x128xf32>,
    return
  }
  func.func @transform_0(%arg0: i32) -> (i32, i32) {
    %c0_i32 = arith.constant 0 : i32
    %c0_i32_0 = arith.constant 0 : i32
    return %arg0, %c0_i32 : i32, i32
  }
  func.func @transform_1(%arg0: i32) -> (i32, i32) {
    %c0_i32 = arith.constant 0 : i32
    %c0_i32_0 = arith.constant 0 : i32
    %c0_i32_1 = arith.constant 0 : i32
    return %c0_i32, %c0_i32_0 : i32, i32
  }
  func.func @transform_2(%arg0: i32) -> (i32, i32, i32) {
    %c0_i32 = arith.constant 0 : i32
    %c0_i32_0 = arith.constant 0 : i32
    %c0_i32_1 = arith.constant 0 : i32
    return %c0_i32, %arg0, %c0_i32_0 : i32, i32, i32
  }
  func.func @transform_3(%arg0: i32) -> (i32, i32, i32) {
    %c0_i32 = arith.constant 0 : i32
    %c0_i32_0 = arith.constant 0 : i32
    %c0_i32_1 = arith.constant 0 : i32
    return %c0_i32, %arg0, %c0_i32_0 : i32, i32, i32
  }
}

module attributes {stable_mosaic.version = 14 : i64} {
  func.func @_fin_body(%arg0: i32, %arg1: memref<2x1000x128xf32, #tpu.memory_space<vmem>>, %arg2: memref<2x1000x128xf32, #tpu.memory_space<vmem>>, %arg3: memref<2x1000x16xf32, #tpu.memory_space<vmem>>, %arg4: memref<1x256xf32, #tpu.memory_space<vmem>>, %arg5: memref<1000x256xf32, #tpu.memory_space<vmem>>) attributes {dimension_semantics = [#tpu.dimension_semantics<arbitrary>], iteration_bounds = array<i64: 10>, scalar_prefetch = 0 : i64, scratch_operands = 0 : i64, tpu.core_type = #tpu.core_type<tc>, window_params = [{transform_indices = @transform_0, window_bounds = array<i64: 2, 1000, 128>}, {transform_indices = @transform_1, window_bounds = array<i64: 2, 1000, 128>}, {transform_indices = @transform_2, window_bounds = array<i64: 2, 1000, 16>}, {pipeline_mode = #tpu.pipeline_mode<synchronous>, transform_indices = @transform_3, window_bounds = array<i64: 1, 256>}, {transform_indices = @transform_4, window_bounds = array<i64: 1000, 256>}]} {
    %get3A = arith.constant 0 : index
    %get3A_0 = arith.constant 0 : index
    %get3A_1 = arith.constant 0 : index
    %get3A_2 = vector.load %arg3[%get3A, %get3A_0, %get3A_1] : memref<2x1000x16xf32, #tpu.memory_space<vmem>>, vector<2x1000x16xf32>
    %slice3A = vector.extract_strided_slice %get3A_2 {offsets = [0, 0, 0], sizes = [1, 1000, 1], strides = [1, 1, 1]} : vector<2x1000x16xf32> to vector<1x1000x1xf32>
    %squeeze3A = vector.shape_cast %slice3A : vector<1x1000x1xf32> to vector<1000xf32>
    %slice3A_3 = vector.extract_strided_slice %get3A_2 {offsets = [1, 0, 0], sizes = [1, 1000, 1], strides = [1, 1, 1]} : vector<2x1000x16xf32> to vector<1x1000x1xf32>
    %squeeze3A_4 = vector.shape_cast %slice3A_3 : vector<1x1000x1xf32> to vector<1000xf32>
    %add3A = arith.addf %squeeze3A, %squeeze3A_4 : vector<1000xf32>
    %add3A_5 = arith.constant 1.000000e+00 : f32
    %add3A_6 = vector.broadcast %add3A_5 : f32 to vector<1000xf32>
    %add3A_7 = arith.addf %add3A, %add3A_6 : vector<1000xf32>
    %rsqrt3A = math.rsqrt %add3A_7 : vector<1000xf32>
    %get3A_8 = arith.constant 0 : index
    %get3A_9 = arith.constant 0 : index
    %get3A_10 = arith.constant 0 : index
    %get3A_11 = vector.load %arg1[%get3A_8, %get3A_9, %get3A_10] : memref<2x1000x128xf32, #tpu.memory_space<vmem>>, vector<2x1000x128xf32>
    %get3A_12 = arith.constant 0 : index
    %get3A_13 = arith.constant 0 : index
    %get3A_14 = arith.constant 0 : index
    %get3A_15 = vector.load %arg2[%get3A_12, %get3A_13, %get3A_14] : memref<2x1000x128xf32, #tpu.memory_space<vmem>>, vector<2x1000x128xf32>
    %slice3A_16 = vector.extract_strided_slice %get3A_11 {offsets = [0, 0, 0], sizes = [1, 1000, 128], strides = [1, 1, 1]} : vector<2x1000x128xf32> to vector<1x1000x128xf32>
    %squeeze3A_17 = vector.shape_cast %slice3A_16 : vector<1x1000x128xf32> to vector<1000x128xf32>
    %slice3A_18 = vector.extract_strided_slice %get3A_15 {offsets = [0, 0, 0], sizes = [1, 1000, 128], strides = [1, 1, 1]} : vector<2x1000x128xf32> to vector<1x1000x128xf32>
    %squeeze3A_19 = vector.shape_cast %slice3A_18 : vector<1x1000x128xf32> to vector<1000x128xf32>
    %add3A_20 = arith.addf %squeeze3A_17, %squeeze3A_19 : vector<1000x128xf32>
    %slice3A_21 = vector.extract_strided_slice %get3A_11 {offsets = [1, 0, 0], sizes = [1, 1000, 128], strides = [1, 1, 1]} : vector<2x1000x128xf32> to vector<1x1000x128xf32>
    %squeeze3A_22 = vector.shape_cast %slice3A_21 : vector<1x1000x128xf32> to vector<1000x128xf32>
    %slice3A_23 = vector.extract_strided_slice %get3A_15 {offsets = [1, 0, 0], sizes = [1, 1000, 128], strides = [1, 1, 1]} : vector<2x1000x128xf32> to vector<1x1000x128xf32>
    %squeeze3A_24 = vector.shape_cast %slice3A_23 : vector<1x1000x128xf32> to vector<1000x128xf32>
    %add3A_25 = arith.addf %squeeze3A_22, %squeeze3A_24 : vector<1000x128xf32>
    %concatenate3A = tpu.concatenate %add3A_20, %add3A_25 in 1 : vector<1000x128xf32>, vector<1000x128xf32> -> vector<1000x256xf32>
    %broadcast_in_dim3A = vector.shape_cast %rsqrt3A : vector<1000xf32> to vector<1000x1xf32>
    %mul3A = vector.broadcast %broadcast_in_dim3A : vector<1000x1xf32> to vector<1000x256xf32>
    %mul3A_26 = arith.mulf %concatenate3A, %mul3A : vector<1000x256xf32>
    %get3A_27 = arith.constant 0 : index
    %get3A_28 = arith.constant 0 : index
    %get3A_29 = vector.load %arg4[%get3A_27, %get3A_28] : memref<1x256xf32, #tpu.memory_space<vmem>>, vector<1x256xf32>
    %add3A_30 = vector.broadcast %get3A_29 : vector<1x256xf32> to vector<1000x256xf32>
    %add3A_31 = arith.addf %mul3A_26, %add3A_30 : vector<1000x256xf32>
    %swap3A = arith.constant 0 : index
    %swap3A_32 = arith.constant 0 : index
    %swap3A_33 = vector.load %arg5[%swap3A, %swap3A_32] : memref<1000x256xf32, #tpu.memory_space<vmem>>, vector<1000x256xf32>
    tpu.vector_store %arg5[%swap3A, %swap3A_32], %add3A_31 {strides = array<i32>} : memref<1000x256xf32, #tpu.memory_space<vmem>>, vector<1000x256xf32>,
    return
  }
  func.func @transform_0(%arg0: i32) -> (i32, i32, i32) {
    %c0_i32 = arith.constant 0 : i32
    %c0_i32_0 = arith.constant 0 : i32
    %c0_i32_1 = arith.constant 0 : i32
    return %c0_i32, %arg0, %c0_i32_0 : i32, i32, i32
  }
  func.func @transform_1(%arg0: i32) -> (i32, i32, i32) {
    %c0_i32 = arith.constant 0 : i32
    %c0_i32_0 = arith.constant 0 : i32
    %c0_i32_1 = arith.constant 0 : i32
    return %c0_i32, %arg0, %c0_i32_0 : i32, i32, i32
  }
  func.func @transform_2(%arg0: i32) -> (i32, i32, i32) {
    %c0_i32 = arith.constant 0 : i32
    %c0_i32_0 = arith.constant 0 : i32
    %c0_i32_1 = arith.constant 0 : i32
    return %c0_i32, %arg0, %c0_i32_0 : i32, i32, i32
  }
  func.func @transform_3(%arg0: i32) -> (i32, i32) {
    %c0_i32 = arith.constant 0 : i32
    %c0_i32_0 = arith.constant 0 : i32
    %c0_i32_1 = arith.constant 0 : i32
    return %c0_i32, %c0_i32_0 : i32, i32
  }
  func.func @transform_4(%arg0: i32) -> (i32, i32) {
    %c0_i32 = arith.constant 0 : i32
    %c0_i32_0 = arith.constant 0 : i32
    return %arg0, %c0_i32 : i32, i32
  }
}

</mosaic_0001>

<sc_bundles>
// kernel: kernel.6.cloned.1.call-start
scs
__scs_entry_jumppad:
0x0: {  	(pc) =	sbr.rel $0x88, $3  }
0x1: {  	(tag) =	ssettag $0x0;
	lr =	simm.s32 $0x1  }
0x2: {  	[smem:$0x3F9D] =	sst lr;
	_ =	strace $0xD0000000  }
0x3: {  	_ = 	snop  }
0x4: {  	_ = 	snop  }
0x5: {  	_ = 	snop  }
0x6: {  	_ = 	snop  }
0x7: {  	_ = 	snop  }
__scs_overlays_trampoline_lowered:
0x8: {  	[smem:$0x3FAC] =	sst s0  }
0x9: {  	[smem:$0x3FAD] =	sst s1  }
0xa: {  	[smem:$0x3FAE] =	sst s2  }
0xb: {  	[smem:$0x3FAF] =	sst s3  }
0xc: {  	[smem:$0x3FB0] =	sst s4  }
0xd: {  	[smem:$0x3FB1] =	sst s5  }
0xe: {  	[smem:$0x3FB2] =	sst s6  }
0xf: {  	[smem:$0x3FB3] =	sst s7  }
0x10: {  	[smem:$0x3FB4] =	sst s8  }
0x11: {  	[smem:$0x3FB5] =	sst s9;
	s0 =	simm.s32 @!p0 $0x0  }
0x12: {  	s1 =	sld [smem:$0x3F9B];
	s0 =	simm.s32 @p0 $0x1  }
0x13: {  	[smem:$0x3FB6] =	sst s0;
	s0 =	simm.s32 @!p1 $0x0  }
0x14: {  	s2 =	sld [smem:$0x3F9A];
	s0 =	simm.s32 @p1 $0x1  }
0x15: {  	[smem:$0x3FB7] =	sst s0;
	s0 =	simm.s32 @!p2 $0x0  }
0x16: {  	s3 =	sld [smem:$0x3FDB];
	s0 =	simm.s32 @p2 $0x1  }
0x17: {  	s4 =	simm.s32 $0x1BF5;
	[smem:$0x3FB9] =	sst s0  }
0x18: {  	s0 =	sld [smem:$0x3F9C];
	_ =	swait.ge [sflag:s4], $0x0  }
0x19: {  	s7 =	sld [smem:$0x3F9D]  }
0x1a: {  	s8 =	sadd.s32 $0xFFFFE003, lr  }
0x1b: {  	s9 =	sadd.s32 $0xFFFFFEF7, lr;
	s5 =	simm.s32 $0xFFFFFFFF;
	p2 =	slt.u32 s8, $0xFFFFF086  }
0x1c: {  	p1 =	slt.u32 s9, $0xF7A;
	s5 =	simm.s32 @!p2 $0x0  }
0x1d: {  	s5 =	simm.s32 @p1 $0x1;
	p0 =	seq.s32 s7, s2  }
0x1e: {  	s7 =	smul.u32 @!p0 $0xF7A, s2;
	p2 =	seq.s32 @!p0 s5, $0x0  }
0x1f: {  	s9 =	smul.u32 $0xF7A, s1;
	s8 =	simm.s32 @!p0 $0x1BF5;
	p2 =	por !p2, p0  }
0x20: {  	[sflag:s8] =	ssyncset.s32 @!p0 $0xFFFFF086;
	s6 =	sadd.s32 @!p0 s3, s7;
	s7 =	simm.s32 @!p0 $0x108  }
0x21: {  	s3 =	sadd.s32 s3, s9;
	s6 =	sadd.s32 @!p0 $0x88, s6;
	s7 =	simm.s32 @p2 $0x1082  }
0x22: {  	[simem:s7], [sflag:s8] =	dma.local @!p0 [hbm:s6], $0xF7A  }
0x23: {  	s9 =	sor.u32 $0xD0000000, s2;
	s6 =	simm.s32 $0x108;
	_ =	swait.ge @!p0 [sflag:s8], $0x0  }
0x24: {  	s3 =	sadd.s32 $0x88, s3;
	s6 =	simm.s32 @!p1 $0x1082;
	[sflag:s4] =	ssyncset.s32 $0xFFFFF086  }
0x25: {  	[simem:s6], [sflag:s4] =	dma.local [hbm:s3], $0xF7A  }
0x26: {  	[smem:$0x3F9D] =	sst s1;
	(tag) =	ssettag s2;
	_ =	strace s9  }
0x27: {  	s1 =	sld [smem:$0x3FAD]  }
0x28: {  	s2 =	sld [smem:$0x3FAE]  }
0x29: {  	s4 =	sld [smem:$0x3FB0]  }
0x2a: {  	p0 =	seq.s32 s5, $0x0;
	s5 =	sld [smem:$0x3FB1]  }
0x2b: {  	s6 =	sld [smem:$0x3FB2]  }
0x2c: {  	s7 =	sld [smem:$0x3FB3]  }
0x2d: {  	s3 =	simm.s32 $0x108;
	s8 =	sld [smem:$0x3FB4]  }
0x2e: {  	s3 =	simm.s32 @!p0 $0x1082;
	s9 =	sld [smem:$0x3FB5]  }
0x2f: {  	lr =	sadd.s32 s0, s3;
	s0 =	sld [smem:$0x3FAC]  }
0x30: {  	s3 =	sld [smem:$0x3FAF]  }
0x31: {  	[smem:$0x3FB8] =	sst s10  }
0x32: {  	s10 =	sld [smem:$0x3FB6];
	_ =	sdelay $0x3  }
0x33: {  	p0 =	seq.s32 s10, $0x1;
	s10 =	sld [smem:$0x3FB8];
	_ =	sdelay $0x3  }
0x34: {  	[smem:$0x3FB8] =	sst s10  }
0x35: {  	s10 =	sld [smem:$0x3FB7];
	_ =	sdelay $0x3  }
0x36: {  	p1 =	seq.s32 s10, $0x1;
	s10 =	sld [smem:$0x3FB8];
	_ =	sdelay $0x3  }
0x37: {  	[smem:$0x3FB8] =	sst s10  }
0x38: {  	s10 =	sld [smem:$0x3FB9]  }
0x39: {  	_ = 	snop;
	(pc) =	sbr.ind lr, $3  }
0x3a: {  	_ = 	snop  }
0x3b: {  	_ = 	snop  }
0x3c: {  	p2 =	seq.s32 s10, $0x1;
	s10 =	sld [smem:$0x3FB8]  }
0x3d: {  	_ =	shalt  }
0x3e: {  	_ =	shalt  }
0x3f: {  	_ =	shalt  }
0x40: {  	_ =	shalt  }
0x41: {  	_ =	shalt  }
0x42: {  	_ =	shalt  }
0x43: {  	_ =	shalt  }
0x44: {  	_ =	shalt  }
0x45: {  	_ =	shalt  }
0x46: {  	_ =	shalt  }
0x47: {  	_ =	shalt  }
0x48: {  	_ =	shalt  }
0x49: {  	_ =	shalt  }
0x4a: {  	_ =	shalt  }
0x4b: {  	_ =	shalt  }
0x4c: {  	_ =	shalt  }
0x4d: {  	_ =	shalt  }
0x4e: {  	_ =	shalt  }
0x4f: {  	_ =	shalt  }
0x50: {  	_ =	shalt  }
0x51: {  	_ =	shalt  }
0x52: {  	_ =	shalt  }
0x53: {  	_ =	shalt  }
0x54: {  	_ =	shalt  }
0x55: {  	_ =	shalt  }
0x56: {  	_ =	shalt  }
0x57: {  	_ =	shalt  }
0x58: {  	_ =	shalt  }
0x59: {  	_ =	shalt  }
0x5a: {  	_ =	shalt  }
0x5b: {  	_ =	shalt  }
0x5c: {  	_ =	shalt  }
0x5d: {  	_ =	shalt  }
0x5e: {  	_ =	shalt  }
0x5f: {  	_ =	shalt  }
0x60: {  	_ =	shalt  }
0x61: {  	_ =	shalt  }
0x62: {  	_ =	shalt  }
0x63: {  	_ =	shalt  }
0x64: {  	_ =	shalt  }
0x65: {  	_ =	shalt  }
0x66: {  	_ =	shalt  }
0x67: {  	_ =	shalt  }
0x68: {  	_ =	shalt  }
0x69: {  	_ =	shalt  }
0x6a: {  	_ =	shalt  }
0x6b: {  	_ =	shalt  }
0x6c: {  	_ =	shalt  }
0x6d: {  	_ =	shalt  }
0x6e: {  	_ =	shalt  }
0x6f: {  	_ =	shalt  }
0x70: {  	_ =	shalt  }
0x71: {  	_ =	shalt  }
0x72: {  	_ =	shalt  }
0x73: {  	_ =	shalt  }
0x74: {  	_ =	shalt  }
0x75: {  	_ =	shalt  }
0x76: {  	_ =	shalt  }
0x77: {  	_ =	shalt  }
0x78: {  	_ =	shalt  }
0x79: {  	_ =	shalt  }
0x7a: {  	_ =	shalt  }
0x7b: {  	_ =	shalt  }
0x7c: {  	_ =	shalt  }
0x7d: {  	_ =	shalt  }
0x7e: {  	_ =	shalt  }
0x7f: {  	_ =	shalt  }
0x80: {  	_ =	shalt  }
0x81: {  	_ =	shalt  }
0x82: {  	_ =	shalt  }
0x83: {  	_ =	shalt  }
0x84: {  	_ =	shalt  }
0x85: {  	_ =	shalt  }
0x86: {  	_ =	shalt  }
0x87: {  	_ =	shalt  }
.Lfunc_end0:
.L_simem_size_0:
called_computation_lowered:
.L_overlay_start_0:
0x88: {  	s2 =	sld [smem:$0x3FD9]  }
0x89: {  	s3 =	sld [smem:$0x3FFE];
	_ =	sdelay $0x1  }
0x8a: {  	s1 =	srdreg.scid  }
0x8b: {  	s0 =	sand.u32 $0x1, s1  }
0x8c: {  	s17 =	sshll.u32 s0, $0xA;
	s2 =	sadd.s32 s3, s2  }
0x8d: {  	s2 =	sadd.s32 s2, s17  }
0x8e: {  	[smem:$0x3FC4] =	sst s2  }
0x8f: {  	_ = 	snop  }
0x90: {  	s2 =	sld [smem:$0x3FD0];
	(tm) =	ssettm $0x1  }
0x91: {  	s18 =	sld [smem:$0x3FFB];
	_ =	sdelay $0x3  }
0x92: {  	_ =	strace s18  }
0x93: {  	s3 =	sld [smem:$0x3FFC];
	_ =	sdelay $0x3  }
0x94: {  	_ =	strace s3  }
0x95: {  	s3 =	sld [smem:$0x3FFD];
	_ =	sdelay $0x3  }
0x96: {  	_ =	strace s3  }
0x97: {  	_ =	strace $0x8FFFFFFF  }
0x98: {  	s19 =	sld [smem:$0x3FDB];
	_ =	sdelay $0x1  }
0x99: {  	s4 =	simm.s32 $_scs_section_size  }
0x9a: {  	s5 =	simm.s32 $_size__tile_overlayer_lowered;
	s6 =	simm.s32 $_tile_overlayer_lowered  }
0x9b: {  	s22 =	simm.s32 $0x1BFF;
	s21 =	sshll.u32 s6, $0x1;
	s3 =	sadd.s32 s4, s19  }
0x9c: {  	s7 =	simm.s32 $0x0;
	s20 =	sshll.u32 s5, $0x1;
	s5 =	sadd.s32 s21, s3  }
0x9d: {  	[timem:s7], [sflag:s22] =	dma.local [hbm:s5], s20  }
0x9e: {  	_ =	swait.ge [sflag:s22], s20  }
0x9f: {  	s4 =	ssub.s32 $0x0, s20;
	[sflag:s22] =	ssyncset.done $0x0  }
0xa0: {  	[sflag:s22] =	ssyncadd.s32 s4;
	_ =	sdelay $0x1  }
0xa1: {  	s23 =	simm.s32 $0x1B8B  }
0xa2: {  	_ =	swait.ge [sflag:s23], $0x1  }
0xa3: {  	[sflag:s23] =	ssyncset.done $0x0  }
0xa4: {  	s25 =	simm.s32 $0x1B8E;
	s24 =	sld [smem:$0x3FFE];
	[sflag:s23] =	ssyncadd.s32 $0xFFFFFFFF  }
0xa5: {  	s26 =	simm.s32 $execute0_lowered;
	[smem:$0x3FD2] =	sst s25  }
0xa6: {  	s5 =	sshll.u32 s26, $0x1;
	_ =	strace $0x80000046;
	[dreg:$0x1] =	wrdreg $0xFFFFFFFF  }
0xa7: {  	s28 =	simm.s32 $_size_execute0_lowered;
	s3 =	sadd.s32 s3, s5;
	[dreg:$0x0] =	wrdreg $0x0  }
0xa8: {  	s5 =	sshll.u32 s28, $0x1;
	[dreg:$0x2] =	wrdreg s3  }
0xa9: {  	[dreg:$0x3] =	wrdreg s5  }
0xaa: {  	[dreg:$0x4] =	wrdreg $0xC0  }
0xab: {  	_ =	task [dreg:s7], $0x5FFFF  }
0xac: {  	[dreg:$0x1] =	wrdreg $0xFFFFFFFF  }
0xad: {  	[dreg:$0x0] =	wrdreg $0x60  }
0xae: {  	[dreg:$0x2] =	wrdreg s2  }
0xaf: {  	[dreg:$0x3] =	wrdreg s24  }
0xb0: {  	[dreg:$0x4] =	wrdreg $0x94000  }
0xb1: {  	[dreg:$0x5] =	wrdreg $0x9  }
0xb2: {  	_ =	task.clear_ibuf [dreg:s7], $0x6FFFF;
	_ =	strace $0x90000046  }
0xb3: {  	s29 =	simm.s32 $0x9;
	_ =	strace $0x80000048  }
0xb4: {  	_ =	swait.ge [sflag:s29], $0x1  }
0xb5: {  	[sflag:s29] =	ssyncadd.s32 $0xFFFFFFFF  }
0xb6: {  	_ =	strace $0x90000048  }
0xb7: {  	_ =	sfence  }
0xb8: {  	s30 =	sld [smem:$0x0];
	_ =	sdelay $0x2  }
0xb9: {  	s31 =	sshll.u32 s1, $0xD;
	s1 =	sshrl.u32 s1, $0x2  }
0xba: {  	s3 =	sand.u32 $0x4000, s31;
	s1 =	sadd.s32 s1, s30  }
0xbb: {  	s0 =	sor.u32 s3, s0;
	s1 =	sshll.u32 s1, $0x11  }
0xbc: {  	s0 =	sor.u32 s1, s0  }
0xbd: {  	s0 =	sadd.s32 $0x8F2B, s0  }
0xbe: {  	[sflag:s0] =	ssyncadd.remote.s32 $0x1  }
0xbf: {  	_ =	sfence.sel $0xFFFF  }
0xc0: {  	[dreg:$0x0] =	wrdreg $0xFFFFFFFF;
	(pc) =	sbr.abs _section_cstart, $3  }
0xc1: {  	[dreg:$0x1] =	wrdreg $0xFFFFFFFF  }
0xc2: {  	_ =	task.clear_ibuf [dreg:s7], $0x2FFFF;
	_ =	strace $0x9FFFFFFF  }
0xc3: {  	(tm) =	ssettm $0x7FFFFFFF  }
tec
execute0_lowered:
.L_overlay_start_1:
0x0: {  	(tag) =	ssettag $0x1  }
0x1: {  	s7 =	rddreg [dreg:$0x0]  }
0x2: {  	s6 =	rddreg [dreg:$0x1]  }
0x3: {  	s1 =	rddreg [dreg:$0x2]  }
0x4: {  	s2 =	srdreg.scid;
	s0 =	rddreg [dreg:$0x3]  }
0x5: {  	s3 =	simm.s32 $0x0;
	s21 =	simm.s32 $0x1;
	s22 =	simm.s32 $0x1400  }
0x6: {  	s23 =	simm.s32 $0x5400;
	s24 =	simm.s32 $0x80;
	s25 =	simm.s32 $0x7400  }
0x7: {  	s26 =	simm.s32 $0x0;
	s9 =	sand.u32 $0x1, s2;
	s2 =	stileid.u32  }
0x8: {  	[smem:$0x7FF] =	sst s3;
	s5 =	sadd.s32 $0x1A00, s6;
	s4 =	sshll.u32 s9, $0x4  }
0x9: {  	_ =	strace $0x80000047;
	s8 =	ssub.s32 $0x2, s9;
	s12 =	smul.u32 $0x50000, s2  }
0xa: {  	s9 =	smul.u32 $0x140000, s9;
	s4 =	sor.u32 s2, s4;
	s11 =	sshrl.u32 s8, $0x1  }
0xb: {  	s10 =	smul.u32 $0x280, s4;
	s4 =	sadd.s32 $0x1E00, s6;
	s6 =	sadd.s32 $0x2600, s6  }
0xc: {  	s11 =	ssub.s32 s8, s11;
	s8 =	smul.u32 $0xA, s2;
	s12 =	sshrl.u32 s12, $0x2  }
0xd: {  	s7 =	sadd.s32 s7, s10;
	s10 =	smax.u32 s11, $0x1;
	s11 =	sadd.s32 s12, s1  }
0xe: {  	s12 =	sadd.s32 $0x2000, s11;
	s13 =	sadd.s32 $0x4000, s11;
	s14 =	sadd.s32 $0x6000, s11  }
0xf: {  	s15 =	sadd.s32 $0x8000, s11;
	s16 =	sadd.s32 $0xA000, s11;
	s17 =	sadd.s32 $0xC000, s11  }
0x10: {  	s18 =	sadd.s32 $0xE000, s11;
	s19 =	sadd.s32 $0x10000, s11;
	s20 =	sadd.s32 $0x12000, s11  }
.LBB2_1:
0x11: {  	[tilespmem:s3], [sflag:$0x1] =	stream.linear.gather [hbm4b:s7+s3], $0x1400, $0x38;
	[tilespmem:$0x1D400] =	vst v63  }
0x12: {  	_ =	swait.ge [sflag:s21], $0x1400  }
0x13: {  	[sflag:s21] =	ssyncset.done $0x0  }
0x14: {  	[sflag:s21] =	ssyncadd.s32 $0xFFFFEC00  }
0x15: {  	[tilespmem:s22], [sflag:$0x1] =	stream.linear.gather [hbm4b:s4+s3], $0x4000, $0x38;
	[tilespmem:$0x1D400] =	vst v63  }
0x16: {  	_ =	swait.ge [sflag:s21], $0x4000  }
0x17: {  	[sflag:s21] =	ssyncset.done $0x0  }
0x18: {  	[sflag:s21] =	ssyncadd.s32 $0xFFFFC000  }
0x19: {  	[tilespmem:s23], [sflag:$0x1] =	stream.linear.gather [hbm4b:s5+s3], $0x2000, $0x38;
	[tilespmem:$0x1D400] =	vst v63  }
0x1a: {  	_ =	swait.ge [sflag:s21], $0x2000  }
0x1b: {  	[sflag:s21] =	ssyncset.done $0x0  }
0x1c: {  	[sflag:s21] =	ssyncadd.s32 $0xFFFFE000  }
0x1d: {  	[spmem:s11] =	stream.linear.scatter [tilespmem:s23], [sflag:$0x1], $0x2000, $0x38;
	[tilespmem:$0x1D400] =	vst v63  }
0x1e: {  	_ =	swait.ge [sflag:s21], $0x2000  }
0x1f: {  	[sflag:s21] =	ssyncset.done $0x0  }
0x20: {  	[sflag:s21] =	ssyncadd.s32 $0xFFFFE000  }
0x21: {  	[spmem:s12] =	stream.linear.scatter [tilespmem:s23], [sflag:$0x1], $0x2000, $0x38;
	[tilespmem:$0x1D400] =	vst v63  }
0x22: {  	_ =	swait.ge [sflag:s21], $0x2000  }
0x23: {  	[sflag:s21] =	ssyncset.done $0x0  }
0x24: {  	[sflag:s21] =	ssyncadd.s32 $0xFFFFE000  }
0x25: {  	[spmem:s13] =	stream.linear.scatter [tilespmem:s23], [sflag:$0x1], $0x2000, $0x38;
	[tilespmem:$0x1D400] =	vst v63  }
0x26: {  	_ =	swait.ge [sflag:s21], $0x2000  }
0x27: {  	[sflag:s21] =	ssyncset.done $0x0  }
0x28: {  	[sflag:s21] =	ssyncadd.s32 $0xFFFFE000  }
0x29: {  	[spmem:s14] =	stream.linear.scatter [tilespmem:s23], [sflag:$0x1], $0x2000, $0x38;
	[tilespmem:$0x1D400] =	vst v63  }
0x2a: {  	_ =	swait.ge [sflag:s21], $0x2000  }
0x2b: {  	[sflag:s21] =	ssyncset.done $0x0  }
0x2c: {  	[sflag:s21] =	ssyncadd.s32 $0xFFFFE000  }
0x2d: {  	[spmem:s15] =	stream.linear.scatter [tilespmem:s23], [sflag:$0x1], $0x2000, $0x38;
	[tilespmem:$0x1D400] =	vst v63  }
0x2e: {  	_ =	swait.ge [sflag:s21], $0x2000  }
0x2f: {  	[sflag:s21] =	ssyncset.done $0x0  }
0x30: {  	[sflag:s21] =	ssyncadd.s32 $0xFFFFE000  }
0x31: {  	[spmem:s16] =	stream.linear.scatter [tilespmem:s23], [sflag:$0x1], $0x2000, $0x38;
	[tilespmem:$0x1D400] =	vst v63  }
0x32: {  	_ =	swait.ge [sflag:s21], $0x2000  }
0x33: {  	[sflag:s21] =	ssyncset.done $0x0  }
0x34: {  	[sflag:s21] =	ssyncadd.s32 $0xFFFFE000  }
0x35: {  	[spmem:s17] =	stream.linear.scatter [tilespmem:s23], [sflag:$0x1], $0x2000, $0x38;
	[tilespmem:$0x1D400] =	vst v63  }
0x36: {  	_ =	swait.ge [sflag:s21], $0x2000  }
0x37: {  	[sflag:s21] =	ssyncset.done $0x0  }
0x38: {  	[sflag:s21] =	ssyncadd.s32 $0xFFFFE000  }
0x39: {  	[spmem:s18] =	stream.linear.scatter [tilespmem:s23], [sflag:$0x1], $0x2000, $0x38;
	[tilespmem:$0x1D400] =	vst v63  }
0x3a: {  	_ =	swait.ge [sflag:s21], $0x2000  }
0x3b: {  	[sflag:s21] =	ssyncset.done $0x0  }
0x3c: {  	[sflag:s21] =	ssyncadd.s32 $0xFFFFE000  }
0x3d: {  	[spmem:s19] =	stream.linear.scatter [tilespmem:s23], [sflag:$0x1], $0x2000, $0x38;
	[tilespmem:$0x1D400] =	vst v63  }
0x3e: {  	_ =	swait.ge [sflag:s21], $0x2000  }
0x3f: {  	[sflag:s21] =	ssyncset.done $0x0  }
0x40: {  	[sflag:s21] =	ssyncadd.s32 $0xFFFFE000  }
0x41: {  	[spmem:s20] =	stream.linear.scatter [tilespmem:s23], [sflag:$0x1], $0x2000, $0x38;
	[tilespmem:$0x1D400] =	vst v63  }
0x42: {  	_ =	swait.ge [sflag:s21], $0x2000  }
0x43: {  	[sflag:s21] =	ssyncset.done $0x0  }
0x44: {  	[sflag:s21] =	ssyncadd.s32 $0xFFFFE000  }
0x45: {  	s28 =	simm.s32 $0x0;
	[bflag:$0x0] =	sbarrier.arrive $0xFFFF  }
0x46: {  	[spmem:s1] =	stream.indirect.scatter.add.f32 [tilespmem:s22], [sflag:$0x1], $0x80, s28, s24, $0xb8;
	[tilespmem:$0x1D400] =	vst v63  }
0x47: {  	_ =	swait.ge [sflag:s21], $0x4000  }
0x48: {  	s28 =	simm.s32 $0x200;
	[sflag:s21] =	ssyncset.done $0x0  }
.LBB2_2:
0x49: {  	s29 =	sshra.s32 s28, $0x2;
	[sflag:s21] =	ssyncadd.s32 $0xFFFFC000;
	p0 =	sne.s32 s28, $0x4E00  }
0x4a: {  	[spmem:s1] =	stream.indirect.scatter.add.f32 [tilespmem:s22], [sflag:$0x1], $0x80, s29, s24, $0xb8;
	[tilespmem:$0x1D400] =	vst v63  }
.Ltmp0:
0x4b: {  	_ = 	snop;
	(pc) =	sbr.rel @p0 .LBB2_2-.Ltmp0, $4  }
0x4c: {  	_ = 	snop  }
0x4d: {  	s28 =	sadd.s32 $0x200, s28  }
0x4e: {  	_ =	swait.ge [sflag:s21], $0x4000  }
0x4f: {  	[sflag:s21] =	ssyncset.done $0x0  }
0x50: {  	[sflag:s21] =	ssyncadd.s32 $0xFFFFC000  }
0x51: {  	s28 =	simm.s32 $0x0;
	[bflag:$0x0] =	sbarrier.arrive $0xFFFF  }
.LBB2_4:
0x52: {  	s29 =	sadd.s32 s8, s28  }
0x53: {  	s29 =	sshll.u32 s29, $0xD  }
0x54: {  	s30 =	sand.u32 $0x3FFFE000, s29  }
0x55: {  	s30 =	sadd.s32 s30, s1  }
0x56: {  	[tilespmem:s23], [sflag:$0x1] =	stream.linear.gather [spmem:s30], $0x2000, $0x38;
	[tilespmem:$0x1D400] =	vst v63  }
0x57: {  	_ =	swait.ge [sflag:s21], $0x2000  }
0x58: {  	[sflag:s21] =	ssyncset.done $0x0  }
0x59: {  	s30 =	simm.s32 $0x0;
	[sflag:s21] =	ssyncadd.s32 $0xFFFFE000  }
0x5a: {  	s31 =	simm.s32 $0x200;
	v0 =	vld [tilespmem:s30+$0x5400]  }
.LBB2_5:
0x5b: {  	p0 =	sne.s32 s31, $0x7E00  }
.Ltmp1:
0x5c: {  	_ = 	snop;
	(pc) =	sbr.rel @p0 .LBB2_5-.Ltmp1, $3  }
0x5d: {  	_ =	sdelay $0x1  }
0x5e: {  	[tilespmem:s30+$0x7400] =	vst v0;
	s30 =	sshra.s32 s31, $0x2;
	s31 =	sadd.s32 $0x200, s31  }
0x5f: {  	v0 =	vld [tilespmem:s30+$0x5400]  }
0x60: {  	_ =	sdelay $0x1  }
0x61: {  	s29 =	sadd.s32 s9, s29;
	s28 =	sadd.s32 $0x1, s28  }
0x62: {  	s29 =	sshrl.u32 s29, $0x3;
	p0 =	sne.s32 s28, $0xA  }
.Ltmp2:
0x63: {  	s29 =	sadd.s32 s6, s29;
	[tilespmem:s30+$0x7400] =	vst v0;
	(pc) =	sbr.rel @p0 .LBB2_4-.Ltmp2, $4  }
0x64: {  	[hbm4b:s29+s3] =	stream.linear.scatter [tilespmem:s25], [sflag:$0x1], $0x2000, $0x38;
	[tilespmem:$0x1D400] =	vst v63  }
0x65: {  	_ =	swait.ge [sflag:s21], $0x2000  }
0x66: {  	[sflag:s21] =	ssyncset.done $0x0  }
0x67: {  	[sflag:s21] =	ssyncadd.s32 $0xFFFFE000  }
0x68: {  	s26 =	sadd.s32 $0x1, s26  }
0x69: {  	p0 =	sne.s32 s26, s10  }
.Ltmp3:
0x6a: {  	_ = 	snop;
	(pc) =	sbr.rel @p0 .LBB2_1-.Ltmp3, $1  }
0x6b: {  	_ =	sdelay $0x3  }
0x6c: {  	_ =	sfence.sel $0x180000  }
0x6d: {  	[bflag:$0x0] =	sbarrier.arrive $0xFFFF  }
0x6e: {  	p0 =	sne.s32 s2, $0x0;
	_ =	strace $0x90000047  }
0x6f: {  	s0 =	sadd.s32 @!p0 $0x100000, s0;
	[bflag:$0x2] =	sbarrier.arrive $0xFFFF  }
0x70: {  	[sflag:s0] =	ssyncadd.tile.s32 @!p0 $0x1;
	_ =	shalt  }
.Lfunc_end2:
_tile_overlayer_lowered:
.L_overlay_start_2:
0x71: {  	(tag) =	ssettag $0x2  }
0x72: {  	s0 =	rddreg [dreg:$0x0];
	s2 =	stileid.u32  }
0x73: {  	s1 =	rddreg [dreg:$0x1];
	p0 =	sne.s32 s2, $0x0  }
0x74: {  	s3 =	rddreg [dreg:$0x2];
	[bflag:$0x3] =	sbarrier.arrive $0xFFFF;
	s2 =	simm.s32 @!p0 $0x1C01  }
0x75: {  	[timem:s3], [sflag:s2] =	dma.local @!p0 [hbm:s0], s1  }
0x76: {  	s0 =	simm.s32 @!p0 $0x1  }
0x77: {  	_ =	swait.ge @!p0 [sflag:s0], s1  }
0x78: {  	s1 =	ssub.s32 @!p0 $0x0, s1;
	[sflag:s0] =	ssyncset.done @!p0 $0x0  }
0x79: {  	[sflag:s0] =	ssyncadd.s32 @!p0 s1  }
0x7a: {  	[bflag:$0x3] =	sbarrier.arrive $0xFFFF  }
0x7b: {  	_ =	shalt  }

// kernel: kernel.9.cloned.1.call-start
scs
__scs_entry_jumppad:
0x0: {  	(pc) =	sbr.rel $0x88, $3  }
0x1: {  	(tag) =	ssettag $0x0;
	lr =	simm.s32 $0x1  }
0x2: {  	[smem:$0x3F9D] =	sst lr;
	_ =	strace $0xD0000000  }
0x3: {  	_ = 	snop  }
0x4: {  	_ = 	snop  }
0x5: {  	_ = 	snop  }
0x6: {  	_ = 	snop  }
0x7: {  	_ = 	snop  }
__scs_overlays_trampoline_lowered:
0x8: {  	[smem:$0x3FAC] =	sst s0  }
0x9: {  	[smem:$0x3FAD] =	sst s1  }
0xa: {  	[smem:$0x3FAE] =	sst s2  }
0xb: {  	[smem:$0x3FAF] =	sst s3  }
0xc: {  	[smem:$0x3FB0] =	sst s4  }
0xd: {  	[smem:$0x3FB1] =	sst s5  }
0xe: {  	[smem:$0x3FB2] =	sst s6  }
0xf: {  	[smem:$0x3FB3] =	sst s7  }
0x10: {  	[smem:$0x3FB4] =	sst s8  }
0x11: {  	[smem:$0x3FB5] =	sst s9;
	s0 =	simm.s32 @!p0 $0x0  }
0x12: {  	s1 =	sld [smem:$0x3F9B];
	s0 =	simm.s32 @p0 $0x1  }
0x13: {  	[smem:$0x3FB6] =	sst s0;
	s0 =	simm.s32 @!p1 $0x0  }
0x14: {  	s2 =	sld [smem:$0x3F9A];
	s0 =	simm.s32 @p1 $0x1  }
0x15: {  	[smem:$0x3FB7] =	sst s0;
	s0 =	simm.s32 @!p2 $0x0  }
0x16: {  	s3 =	sld [smem:$0x3FDB];
	s0 =	simm.s32 @p2 $0x1  }
0x17: {  	s4 =	simm.s32 $0x1BF5;
	[smem:$0x3FB9] =	sst s0  }
0x18: {  	s0 =	sld [smem:$0x3F9C];
	_ =	swait.ge [sflag:s4], $0x0  }
0x19: {  	s7 =	sld [smem:$0x3F9D]  }
0x1a: {  	s8 =	sadd.s32 $0xFFFFE003, lr  }
0x1b: {  	s9 =	sadd.s32 $0xFFFFFEF7, lr;
	s5 =	simm.s32 $0xFFFFFFFF;
	p2 =	slt.u32 s8, $0xFFFFF086  }
0x1c: {  	p1 =	slt.u32 s9, $0xF7A;
	s5 =	simm.s32 @!p2 $0x0  }
0x1d: {  	s5 =	simm.s32 @p1 $0x1;
	p0 =	seq.s32 s7, s2  }
0x1e: {  	s7 =	smul.u32 @!p0 $0xF7A, s2;
	p2 =	seq.s32 @!p0 s5, $0x0  }
0x1f: {  	s9 =	smul.u32 $0xF7A, s1;
	s8 =	simm.s32 @!p0 $0x1BF5;
	p2 =	por !p2, p0  }
0x20: {  	[sflag:s8] =	ssyncset.s32 @!p0 $0xFFFFF086;
	s6 =	sadd.s32 @!p0 s3, s7;
	s7 =	simm.s32 @!p0 $0x108  }
0x21: {  	s3 =	sadd.s32 s3, s9;
	s6 =	sadd.s32 @!p0 $0x88, s6;
	s7 =	simm.s32 @p2 $0x1082  }
0x22: {  	[simem:s7], [sflag:s8] =	dma.local @!p0 [hbm:s6], $0xF7A  }
0x23: {  	s9 =	sor.u32 $0xD0000000, s2;
	s6 =	simm.s32 $0x108;
	_ =	swait.ge @!p0 [sflag:s8], $0x0  }
0x24: {  	s3 =	sadd.s32 $0x88, s3;
	s6 =	simm.s32 @!p1 $0x1082;
	[sflag:s4] =	ssyncset.s32 $0xFFFFF086  }
0x25: {  	[simem:s6], [sflag:s4] =	dma.local [hbm:s3], $0xF7A  }
0x26: {  	[smem:$0x3F9D] =	sst s1;
	(tag) =	ssettag s2;
	_ =	strace s9  }
0x27: {  	s1 =	sld [smem:$0x3FAD]  }
0x28: {  	s2 =	sld [smem:$0x3FAE]  }
0x29: {  	s4 =	sld [smem:$0x3FB0]  }
0x2a: {  	p0 =	seq.s32 s5, $0x0;
	s5 =	sld [smem:$0x3FB1]  }
0x2b: {  	s6 =	sld [smem:$0x3FB2]  }
0x2c: {  	s7 =	sld [smem:$0x3FB3]  }
0x2d: {  	s3 =	simm.s32 $0x108;
	s8 =	sld [smem:$0x3FB4]  }
0x2e: {  	s3 =	simm.s32 @!p0 $0x1082;
	s9 =	sld [smem:$0x3FB5]  }
0x2f: {  	lr =	sadd.s32 s0, s3;
	s0 =	sld [smem:$0x3FAC]  }
0x30: {  	s3 =	sld [smem:$0x3FAF]  }
0x31: {  	[smem:$0x3FB8] =	sst s10  }
0x32: {  	s10 =	sld [smem:$0x3FB6];
	_ =	sdelay $0x3  }
0x33: {  	p0 =	seq.s32 s10, $0x1;
	s10 =	sld [smem:$0x3FB8];
	_ =	sdelay $0x3  }
0x34: {  	[smem:$0x3FB8] =	sst s10  }
0x35: {  	s10 =	sld [smem:$0x3FB7];
	_ =	sdelay $0x3  }
0x36: {  	p1 =	seq.s32 s10, $0x1;
	s10 =	sld [smem:$0x3FB8];
	_ =	sdelay $0x3  }
0x37: {  	[smem:$0x3FB8] =	sst s10  }
0x38: {  	s10 =	sld [smem:$0x3FB9]  }
0x39: {  	_ = 	snop;
	(pc) =	sbr.ind lr, $3  }
0x3a: {  	_ = 	snop  }
0x3b: {  	_ = 	snop  }
0x3c: {  	p2 =	seq.s32 s10, $0x1;
	s10 =	sld [smem:$0x3FB8]  }
0x3d: {  	_ =	shalt  }
0x3e: {  	_ =	shalt  }
0x3f: {  	_ =	shalt  }
0x40: {  	_ =	shalt  }
0x41: {  	_ =	shalt  }
0x42: {  	_ =	shalt  }
0x43: {  	_ =	shalt  }
0x44: {  	_ =	shalt  }
0x45: {  	_ =	shalt  }
0x46: {  	_ =	shalt  }
0x47: {  	_ =	shalt  }
0x48: {  	_ =	shalt  }
0x49: {  	_ =	shalt  }
0x4a: {  	_ =	shalt  }
0x4b: {  	_ =	shalt  }
0x4c: {  	_ =	shalt  }
0x4d: {  	_ =	shalt  }
0x4e: {  	_ =	shalt  }
0x4f: {  	_ =	shalt  }
0x50: {  	_ =	shalt  }
0x51: {  	_ =	shalt  }
0x52: {  	_ =	shalt  }
0x53: {  	_ =	shalt  }
0x54: {  	_ =	shalt  }
0x55: {  	_ =	shalt  }
0x56: {  	_ =	shalt  }
0x57: {  	_ =	shalt  }
0x58: {  	_ =	shalt  }
0x59: {  	_ =	shalt  }
0x5a: {  	_ =	shalt  }
0x5b: {  	_ =	shalt  }
0x5c: {  	_ =	shalt  }
0x5d: {  	_ =	shalt  }
0x5e: {  	_ =	shalt  }
0x5f: {  	_ =	shalt  }
0x60: {  	_ =	shalt  }
0x61: {  	_ =	shalt  }
0x62: {  	_ =	shalt  }
0x63: {  	_ =	shalt  }
0x64: {  	_ =	shalt  }
0x65: {  	_ =	shalt  }
0x66: {  	_ =	shalt  }
0x67: {  	_ =	shalt  }
0x68: {  	_ =	shalt  }
0x69: {  	_ =	shalt  }
0x6a: {  	_ =	shalt  }
0x6b: {  	_ =	shalt  }
0x6c: {  	_ =	shalt  }
0x6d: {  	_ =	shalt  }
0x6e: {  	_ =	shalt  }
0x6f: {  	_ =	shalt  }
0x70: {  	_ =	shalt  }
0x71: {  	_ =	shalt  }
0x72: {  	_ =	shalt  }
0x73: {  	_ =	shalt  }
0x74: {  	_ =	shalt  }
0x75: {  	_ =	shalt  }
0x76: {  	_ =	shalt  }
0x77: {  	_ =	shalt  }
0x78: {  	_ =	shalt  }
0x79: {  	_ =	shalt  }
0x7a: {  	_ =	shalt  }
0x7b: {  	_ =	shalt  }
0x7c: {  	_ =	shalt  }
0x7d: {  	_ =	shalt  }
0x7e: {  	_ =	shalt  }
0x7f: {  	_ =	shalt  }
0x80: {  	_ =	shalt  }
0x81: {  	_ =	shalt  }
0x82: {  	_ =	shalt  }
0x83: {  	_ =	shalt  }
0x84: {  	_ =	shalt  }
0x85: {  	_ =	shalt  }
0x86: {  	_ =	shalt  }
0x87: {  	_ =	shalt  }
.Lfunc_end0:
.L_simem_size_0:
called_computation.1_lowered:
.L_overlay_start_0:
0x88: {  	s2 =	sld [smem:$0x3FD9]  }
0x89: {  	s3 =	sld [smem:$0x3FFE];
	_ =	sdelay $0x1  }
0x8a: {  	s1 =	srdreg.scid  }
0x8b: {  	s0 =	sand.u32 $0x1, s1  }
0x8c: {  	s17 =	sshll.u32 s0, $0xA;
	s2 =	sadd.s32 s3, s2  }
0x8d: {  	s2 =	sadd.s32 s2, s17  }
0x8e: {  	[smem:$0x3FC4] =	sst s2  }
0x8f: {  	_ = 	snop  }
0x90: {  	s2 =	sld [smem:$0x3FD0];
	(tm) =	ssettm $0x1  }
0x91: {  	s18 =	sld [smem:$0x3FFB];
	_ =	sdelay $0x3  }
0x92: {  	_ =	strace s18  }
0x93: {  	s3 =	sld [smem:$0x3FFC];
	_ =	sdelay $0x3  }
0x94: {  	_ =	strace s3  }
0x95: {  	s3 =	sld [smem:$0x3FFD];
	_ =	sdelay $0x3  }
0x96: {  	_ =	strace s3  }
0x97: {  	_ =	strace $0x8FFFFFFF  }
0x98: {  	s19 =	sld [smem:$0x3FDB];
	_ =	sdelay $0x1  }
0x99: {  	s4 =	simm.s32 $_scs_section_size  }
0x9a: {  	s5 =	simm.s32 $_size__tile_overlayer_lowered;
	s6 =	simm.s32 $_tile_overlayer_lowered  }
0x9b: {  	s22 =	simm.s32 $0x1BFF;
	s21 =	sshll.u32 s6, $0x1;
	s3 =	sadd.s32 s4, s19  }
0x9c: {  	s7 =	simm.s32 $0x0;
	s20 =	sshll.u32 s5, $0x1;
	s5 =	sadd.s32 s21, s3  }
0x9d: {  	[timem:s7], [sflag:s22] =	dma.local [hbm:s5], s20  }
0x9e: {  	_ =	swait.ge [sflag:s22], s20  }
0x9f: {  	s4 =	ssub.s32 $0x0, s20;
	[sflag:s22] =	ssyncset.done $0x0  }
0xa0: {  	[sflag:s22] =	ssyncadd.s32 s4;
	_ =	sdelay $0x1  }
0xa1: {  	s23 =	simm.s32 $0x1B8B  }
0xa2: {  	_ =	swait.ge [sflag:s23], $0x1  }
0xa3: {  	[sflag:s23] =	ssyncset.done $0x0  }
0xa4: {  	s25 =	simm.s32 $0x1B8E;
	s24 =	sld [smem:$0x3FFE];
	[sflag:s23] =	ssyncadd.s32 $0xFFFFFFFF  }
0xa5: {  	s26 =	simm.s32 $execute0_lowered;
	[smem:$0x3FD2] =	sst s25  }
0xa6: {  	s5 =	sshll.u32 s26, $0x1;
	_ =	strace $0x80000049;
	[dreg:$0x1] =	wrdreg $0xFFFFFFFF  }
0xa7: {  	s28 =	simm.s32 $_size_execute0_lowered;
	s3 =	sadd.s32 s3, s5;
	[dreg:$0x0] =	wrdreg $0x0  }
0xa8: {  	s5 =	sshll.u32 s28, $0x1;
	[dreg:$0x2] =	wrdreg s3  }
0xa9: {  	[dreg:$0x3] =	wrdreg s5  }
0xaa: {  	[dreg:$0x4] =	wrdreg $0xC0  }
0xab: {  	_ =	task [dreg:s7], $0x5FFFF  }
0xac: {  	[dreg:$0x1] =	wrdreg $0xFFFFFFFF  }
0xad: {  	[dreg:$0x0] =	wrdreg $0x60  }
0xae: {  	[dreg:$0x2] =	wrdreg s2  }
0xaf: {  	[dreg:$0x3] =	wrdreg s24  }
0xb0: {  	[dreg:$0x4] =	wrdreg $0x98000  }
0xb1: {  	[dreg:$0x5] =	wrdreg $0x9  }
0xb2: {  	_ =	task.clear_ibuf [dreg:s7], $0x6FFFF;
	_ =	strace $0x90000049  }
0xb3: {  	s29 =	simm.s32 $0x9;
	_ =	strace $0x8000004B  }
0xb4: {  	_ =	swait.ge [sflag:s29], $0x1  }
0xb5: {  	[sflag:s29] =	ssyncadd.s32 $0xFFFFFFFF  }
0xb6: {  	_ =	strace $0x9000004B  }
0xb7: {  	_ =	sfence  }
0xb8: {  	s30 =	sld [smem:$0x0];
	_ =	sdelay $0x2  }
0xb9: {  	s31 =	sshll.u32 s1, $0xD;
	s1 =	sshrl.u32 s1, $0x2  }
0xba: {  	s3 =	sand.u32 $0x4000, s31;
	s1 =	sadd.s32 s1, s30  }
0xbb: {  	s0 =	sor.u32 s3, s0;
	s1 =	sshll.u32 s1, $0x11  }
0xbc: {  	s0 =	sor.u32 s1, s0  }
0xbd: {  	s0 =	sadd.s32 $0x8F2B, s0  }
0xbe: {  	[sflag:s0] =	ssyncadd.remote.s32 $0x1  }
0xbf: {  	_ =	sfence.sel $0xFFFF  }
0xc0: {  	[dreg:$0x0] =	wrdreg $0xFFFFFFFF;
	(pc) =	sbr.abs _section_cstart, $3  }
0xc1: {  	[dreg:$0x1] =	wrdreg $0xFFFFFFFF  }
0xc2: {  	_ =	task.clear_ibuf [dreg:s7], $0x2FFFF;
	_ =	strace $0x9FFFFFFF  }
0xc3: {  	(tm) =	ssettm $0x7FFFFFFF  }
tec
execute0_lowered:
.L_overlay_start_1:
0x0: {  	(tag) =	ssettag $0x1  }
0x1: {  	s0 =	rddreg [dreg:$0x0]  }
0x2: {  	s1 =	rddreg [dreg:$0x1]  }
0x3: {  	s3 =	rddreg [dreg:$0x2];
	s2 =	simm.s32 $0x0;
	s12 =	stileid.u32  }
0x4: {  	s5 =	srdreg.scid;
	p0 =	por $0x0, $0x0;
	s7 =	smul.u32 $0x600, s12  }
0x5: {  	[smem:$0x7FF] =	sst s2;
	s4 =	sadd.s32 $0x58600, s1;
	s11 =	smul.u32 $0x3000, s12  }
0x6: {  	s6 =	sadd.s32 $0x1A00, s1;
	s5 =	sand.u32 $0x1, s5;
	s17 =	smul.u32 $0x50000, s12  }
0x7: {  	s9 =	sadd.s32 $0x52600, s1;
	s1 =	sadd.s32 $0x5E600, s1;
	s19 =	smul.u32 $0x14000, s12  }
0x8: {  	_ =	strace $0x8000004A;
	s26 =	ssub.s32 $0x2, s5;
	s29 =	smul.u32 $0x27100, s5  }
0x9: {  	[dreg:$0x4] =	wrdreg s6;
	s20 =	smul.u32 $0x140000, s5;
	s8 =	sshrl.u32 s26, $0x1  }
0xa: {  	s10 =	sadd.s32 s4, s7;
	s28 =	sadd.s32 s9, s7;
	s7 =	sor.u32 $0x180, s7  }
0xb: {  	s11 =	sshrl.u32 s11, $0x3;
	s21 =	sadd.s32 $0x4000, s19;
	s23 =	sadd.s32 $0x8000, s19  }
0xc: {  	s12 =	sadd.s32 $0xC000, s19;
	[dreg:$0x5] =	wrdreg s10;
	s6 =	ssub.s32 s26, s8  }
0xd: {  	[dreg:$0x6] =	wrdreg s28;
	s30 =	sadd.s32 s4, s7;
	s7 =	sadd.s32 s9, s7  }
0xe: {  	s31 =	sadd.s32 $0x300, s11;
	s8 =	sadd.s32 s0, s29;
	s15 =	sadd.s32 $0x480, s11  }
0xf: {  	s22 =	sadd.s32 s21, s3;
	s24 =	sadd.s32 s20, s19;
	s25 =	sadd.s32 s20, s23  }
0x10: {  	s28 =	sadd.s32 s20, s12;
	s5 =	sadd.s32 s23, s3;
	[dreg:$0x7] =	wrdreg s30  }
0x11: {  	[dreg:$0x8] =	wrdreg s7;
	s13 =	sadd.s32 s4, s31;
	s14 =	sadd.s32 s9, s31  }
0x12: {  	s16 =	sadd.s32 s4, s15;
	s18 =	sadd.s32 s9, s15;
	[dreg:$0x13] =	wrdreg s22  }
0x13: {  	s4 =	sshrl.u32 s17, $0x2;
	s6 =	smax.u32 s6, $0x1;
	[dreg:$0x15] =	wrdreg s5  }
0x14: {  	s11 =	sshrl.u32 s24, $0x3;
	s7 =	sadd.s32 $0x10000, s19;
	[dreg:$0x9] =	wrdreg s13  }
0x15: {  	s26 =	sshrl.u32 s25, $0x3;
	s30 =	sadd.s32 s12, s3;
	[dreg:$0xa] =	wrdreg s14  }
0x16: {  	s5 =	simm.s32 $0x1800;
	s12 =	simm.s32 $0x80;
	[dreg:$0xb] =	wrdreg s16  }
0x17: {  	[dreg:$0xc] =	wrdreg s18;
	s4 =	sadd.s32 s4, s3;
	s11 =	sadd.s32 s1, s11  }
0x18: {  	s0 =	sadd.s32 s20, s7;
	[dreg:$0x16] =	wrdreg s30;
	s31 =	sadd.s32 s7, s3  }
0x19: {  	p1 =	sne.s32 s6, $0x1;
	[dreg:$0x12] =	wrdreg s4;
	s4 =	sadd.s32 s20, s21  }
0x1a: {  	[dreg:$0xd] =	wrdreg s11;
	s11 =	sshrl.u32 s28, $0x3;
	s0 =	sshrl.u32 s0, $0x3  }
0x1b: {  	[dreg:$0x14] =	wrdreg s31;
	s4 =	sshrl.u32 s4, $0x3;
	s29 =	sadd.s32 s1, s11  }
.Ltmp0:
0x1c: {  	s0 =	sadd.s32 s1, s0;
	[dreg:$0x10] =	wrdreg s29;
	(pc) =	sbr.rel @!p1 .LBB2_1-.Ltmp0, $4  }
0x1d: {  	s15 =	simm.s32 $0x1;
	s4 =	sadd.s32 s1, s4;
	[dreg:$0x11] =	wrdreg s0  }
0x1e: {  	s13 =	simm.s32 $0x5800;
	s14 =	simm.s32 $0x2;
	[dreg:$0xe] =	wrdreg s4  }
0x1f: {  	s4 =	sadd.s32 s1, s26;
	s1 =	sadd.s32 $0xFFFFFFFF, s6;
	s6 =	rddreg [dreg:$0x4]  }
0x20: {  	s0 =	simm.s32 $0xC00;
	[dreg:$0xf] =	wrdreg s4;
	s4 =	simm.s32 $0x3  }
0x21: {  	[tilespmem:s5], [sflag:$0x3] =	stream.linear.gather [hbm4b:s6+s2], $0x4000, $0x38;
	[tilespmem:$0x1D800] =	vst v63  }
0x22: {  	_ =	swait.ge [sflag:s4], $0x4000  }
0x23: {  	[sflag:s4] =	ssyncset.done $0x0  }
0x24: {  	s31 =	rddreg [dreg:$0x12];
	[sflag:s4] =	ssyncadd.s32 $0xFFFFC000  }
0x25: {  	[spmem:s31] =	stream.linear.scatter [tilespmem:s5], [sflag:$0x3], $0x4000, $0x38;
	[tilespmem:$0x1D800] =	vst v63  }
0x26: {  	_ =	swait.ge [sflag:s4], $0x4000  }
0x27: {  	[sflag:s4] =	ssyncset.done $0x0  }
0x28: {  	s7 =	rddreg [dreg:$0x13];
	[sflag:s4] =	ssyncadd.s32 $0xFFFFC000  }
0x29: {  	[spmem:s7] =	stream.linear.scatter [tilespmem:s5], [sflag:$0x3], $0x4000, $0x38;
	[tilespmem:$0x1D800] =	vst v63  }
0x2a: {  	_ =	swait.ge [sflag:s4], $0x4000  }
0x2b: {  	[sflag:s4] =	ssyncset.done $0x0  }
0x2c: {  	s9 =	rddreg [dreg:$0x15];
	[sflag:s4] =	ssyncadd.s32 $0xFFFFC000  }
0x2d: {  	[spmem:s9] =	stream.linear.scatter [tilespmem:s5], [sflag:$0x3], $0x4000, $0x38;
	[tilespmem:$0x1D800] =	vst v63  }
0x2e: {  	_ =	swait.ge [sflag:s4], $0x4000  }
0x2f: {  	[sflag:s4] =	ssyncset.done $0x0  }
0x30: {  	s10 =	rddreg [dreg:$0x16];
	[sflag:s4] =	ssyncadd.s32 $0xFFFFC000  }
0x31: {  	[spmem:s10] =	stream.linear.scatter [tilespmem:s5], [sflag:$0x3], $0x4000, $0x38;
	[tilespmem:$0x1D800] =	vst v63  }
0x32: {  	_ =	swait.ge [sflag:s4], $0x4000  }
0x33: {  	[sflag:s4] =	ssyncset.done $0x0  }
0x34: {  	s11 =	rddreg [dreg:$0x14];
	[sflag:s4] =	ssyncadd.s32 $0xFFFFC000  }
0x35: {  	[spmem:s11] =	stream.linear.scatter [tilespmem:s5], [sflag:$0x3], $0x4000, $0x38;
	[tilespmem:$0x1D800] =	vst v63  }
0x36: {  	_ =	swait.ge [sflag:s4], $0x4000  }
0x37: {  	[sflag:s4] =	ssyncset.done $0x0  }
0x38: {  	[sflag:s4] =	ssyncadd.s32 $0xFFFFC000  }
0x39: {  	[bflag:$0x0] =	sbarrier.arrive $0xFFFF  }
0x3a: {  	s16 =	rddreg [dreg:$0x5]  }
0x3b: {  	[tilespmem:s2], [sflag:$0x3] =	stream.linear.gather [hbm4b:s16+s2], $0xA00, $0x38;
	[tilespmem:$0x1D800] =	vst v63  }
0x3c: {  	_ =	swait.ge [sflag:s4], $0xA00  }
0x3d: {  	[sflag:s4] =	ssyncset.done $0x0  }
0x3e: {  	s0 =	simm.s32 $0xC00;
	s17 =	rddreg [dreg:$0x6];
	[sflag:s4] =	ssyncadd.s32 $0xFFFFF600  }
0x3f: {  	[tilespmem:s0], [sflag:$0x3] =	stream.linear.gather [hbm4b:s17+s2], $0xA00, $0x38;
	[tilespmem:$0x1D800] =	vst v63  }
0x40: {  	_ =	swait.ge [sflag:s4], $0xA00  }
0x41: {  	[sflag:s4] =	ssyncset.done $0x0  }
0x42: {  	[sflag:s4] =	ssyncadd.s32 $0xFFFFF600  }
0x43: {  	[tilespmem:s5], [sflag:$0x1] =	stream.indirect.gather [hbm4b:s8+s12], $0x80, s2, s12, $0xb8;
	[tilespmem:$0x1D800] =	vst v63  }
0x44: {  	_ =	swait.ge [sflag:s15], $0x4000  }
0x45: {  	[sflag:s15] =	ssyncset.done $0x0  }
0x46: {  	[sflag:s15] =	ssyncadd.s32 $0xFFFFC000  }
0x47: {  	[tilespmem:s13], [sflag:$0x2] =	stream.indirect.gather [hbm4b:s8+s12], $0x80, s12, s12, $0xb8;
	[tilespmem:$0x1D800] =	vst v63  }
0x48: {  	_ = 	snop  }
0x49: {  	[spmem:s3] =	stream.indirect.scatter.add.f32 [tilespmem:s5], [sflag:$0x3], $0x80, s0, s12, $0xb8;
	[tilespmem:$0x1D800] =	vst v63  }
0x4a: {  	_ =	swait.ge [sflag:s4], $0x4000  }
0x4b: {  	[sflag:s4] =	ssyncset.done $0x0  }
0x4c: {  	[sflag:s4] =	ssyncadd.s32 $0xFFFFC000  }
0x4d: {  	_ =	swait.ge [sflag:s14], $0x4000  }
0x4e: {  	[sflag:s14] =	ssyncset.done $0x0  }
0x4f: {  	s18 =	simm.s32 $0x100;
	[sflag:s14] =	ssyncadd.s32 $0xFFFFC000  }
0x50: {  	[tilespmem:s5], [sflag:$0x1] =	stream.indirect.gather [hbm4b:s8+s12], $0x80, s18, s12, $0xb8;
	[tilespmem:$0x1D800] =	vst v63  }
0x51: {  	s19 =	simm.s32 $0xC80  }
0x52: {  	[spmem:s3] =	stream.indirect.scatter.add.f32 [tilespmem:s13], [sflag:$0x3], $0x80, s19, s12, $0xb8;
	[tilespmem:$0x1D800] =	vst v63  }
0x53: {  	_ =	swait.ge [sflag:s4], $0x4000  }
0x54: {  	[sflag:s4] =	ssyncset.done $0x0  }
0x55: {  	[sflag:s4] =	ssyncadd.s32 $0xFFFFC000  }
0x56: {  	_ =	swait.ge [sflag:s15], $0x4000  }
0x57: {  	[sflag:s15] =	ssyncset.done $0x0  }
0x58: {  	s20 =	simm.s32 $0x180;
	[sflag:s15] =	ssyncadd.s32 $0xFFFFC000  }
0x59: {  	[tilespmem:s13], [sflag:$0x2] =	stream.indirect.gather [hbm4b:s8+s12], $0x80, s20, s12, $0xb8;
	[tilespmem:$0x1D800] =	vst v63  }
0x5a: {  	s21 =	simm.s32 $0xD00  }
0x5b: {  	[spmem:s3] =	stream.indirect.scatter.add.f32 [tilespmem:s5], [sflag:$0x3], $0x80, s21, s12, $0xb8;
	[tilespmem:$0x1D800] =	vst v63  }
0x5c: {  	_ =	swait.ge [sflag:s4], $0x4000  }
0x5d: {  	[sflag:s4] =	ssyncset.done $0x0  }
0x5e: {  	[sflag:s4] =	ssyncadd.s32 $0xFFFFC000  }
0x5f: {  	_ =	swait.ge [sflag:s14], $0x4000  }
0x60: {  	[sflag:s14] =	ssyncset.done $0x0  }
0x61: {  	s22 =	simm.s32 $0x200;
	[sflag:s14] =	ssyncadd.s32 $0xFFFFC000  }
0x62: {  	[tilespmem:s5], [sflag:$0x1] =	stream.indirect.gather [hbm4b:s8+s12], $0x80, s22, s12, $0xb8;
	[tilespmem:$0x1D800] =	vst v63  }
0x63: {  	s23 =	simm.s32 $0xD80  }
0x64: {  	[spmem:s3] =	stream.indirect.scatter.add.f32 [tilespmem:s13], [sflag:$0x3], $0x80, s23, s12, $0xb8;
	[tilespmem:$0x1D800] =	vst v63  }
0x65: {  	_ =	swait.ge [sflag:s4], $0x4000  }
0x66: {  	[sflag:s4] =	ssyncset.done $0x0  }
0x67: {  	[sflag:s4] =	ssyncadd.s32 $0xFFFFC000  }
0x68: {  	_ =	swait.ge [sflag:s15], $0x4000  }
0x69: {  	[sflag:s15] =	ssyncset.done $0x0  }
0x6a: {  	s24 =	simm.s32 $0x280;
	[sflag:s15] =	ssyncadd.s32 $0xFFFFC000  }
0x6b: {  	[tilespmem:s13], [sflag:$0x2] =	stream.indirect.gather [hbm4b:s8+s12], $0x80, s24, s12, $0xb8;
	[tilespmem:$0x1D800] =	vst v63  }
0x6c: {  	s25 =	simm.s32 $0xE00  }
0x6d: {  	[spmem:s3] =	stream.indirect.scatter.add.f32 [tilespmem:s5], [sflag:$0x3], $0x80, s25, s12, $0xb8;
	[tilespmem:$0x1D800] =	vst v63  }
0x6e: {  	_ =	swait.ge [sflag:s4], $0x4000  }
0x6f: {  	[sflag:s4] =	ssyncset.done $0x0  }
0x70: {  	[sflag:s4] =	ssyncadd.s32 $0xFFFFC000  }
0x71: {  	_ =	swait.ge [sflag:s14], $0x4000  }
0x72: {  	[sflag:s14] =	ssyncset.done $0x0  }
0x73: {  	s26 =	simm.s32 $0x300;
	[sflag:s14] =	ssyncadd.s32 $0xFFFFC000  }
0x74: {  	[tilespmem:s5], [sflag:$0x1] =	stream.indirect.gather [hbm4b:s8+s12], $0x80, s26, s12, $0xb8;
	[tilespmem:$0x1D800] =	vst v63  }
0x75: {  	s28 =	simm.s32 $0xE80;
	[dreg:$0x17] =	wrdreg s1  }
0x76: {  	[spmem:s3] =	stream.indirect.scatter.add.f32 [tilespmem:s13], [sflag:$0x3], $0x80, s28, s12, $0xb8;
	[tilespmem:$0x1D800] =	vst v63  }
0x77: {  	_ =	swait.ge [sflag:s4], $0x4000  }
0x78: {  	[sflag:s4] =	ssyncset.done $0x0  }
0x79: {  	[sflag:s4] =	ssyncadd.s32 $0xFFFFC000  }
0x7a: {  	_ =	swait.ge [sflag:s15], $0x4000  }
0x7b: {  	[sflag:s15] =	ssyncset.done $0x0  }
0x7c: {  	s29 =	simm.s32 $0x380;
	[sflag:s15] =	ssyncadd.s32 $0xFFFFC000  }
0x7d: {  	[tilespmem:s13], [sflag:$0x2] =	stream.indirect.gather [hbm4b:s8+s12], $0x80, s29, s12, $0xb8;
	[tilespmem:$0x1D800] =	vst v63  }
0x7e: {  	s30 =	simm.s32 $0xF00  }
0x7f: {  	[spmem:s3] =	stream.indirect.scatter.add.f32 [tilespmem:s5], [sflag:$0x3], $0x80, s30, s12, $0xb8;
	[tilespmem:$0x1D800] =	vst v63  }
0x80: {  	_ =	swait.ge [sflag:s4], $0x4000  }
0x81: {  	[sflag:s4] =	ssyncset.done $0x0  }
0x82: {  	[sflag:s4] =	ssyncadd.s32 $0xFFFFC000  }
0x83: {  	_ =	swait.ge [sflag:s14], $0x4000  }
0x84: {  	[sflag:s14] =	ssyncset.done $0x0  }
0x85: {  	s31 =	simm.s32 $0x400;
	[sflag:s14] =	ssyncadd.s32 $0xFFFFC000  }
0x86: {  	[tilespmem:s5], [sflag:$0x1] =	stream.indirect.gather [hbm4b:s8+s12], $0x80, s31, s12, $0xb8;
	[tilespmem:$0x1D800] =	vst v63  }
0x87: {  	s6 =	simm.s32 $0xF80  }
0x88: {  	[spmem:s3] =	stream.indirect.scatter.add.f32 [tilespmem:s13], [sflag:$0x3], $0x80, s6, s12, $0xb8;
	[tilespmem:$0x1D800] =	vst v63  }
0x89: {  	_ =	swait.ge [sflag:s4], $0x4000  }
0x8a: {  	[sflag:s4] =	ssyncset.done $0x0  }
0x8b: {  	[sflag:s4] =	ssyncadd.s32 $0xFFFFC000  }
0x8c: {  	_ =	swait.ge [sflag:s15], $0x4000  }
0x8d: {  	[sflag:s15] =	ssyncset.done $0x0  }
0x8e: {  	s9 =	simm.s32 $0x480;
	[sflag:s15] =	ssyncadd.s32 $0xFFFFC000  }
0x8f: {  	[tilespmem:s13], [sflag:$0x2] =	stream.indirect.gather [hbm4b:s8+s12], $0x80, s9, s12, $0xb8;
	[tilespmem:$0x1D800] =	vst v63  }
0x90: {  	s19 =	simm.s32 $0x1000  }
0x91: {  	[spmem:s3] =	stream.indirect.scatter.add.f32 [tilespmem:s5], [sflag:$0x3], $0x80, s19, s12, $0xb8;
	[tilespmem:$0x1D800] =	vst v63  }
0x92: {  	_ =	swait.ge [sflag:s4], $0x4000  }
0x93: {  	[sflag:s4] =	ssyncset.done $0x0  }
0x94: {  	[sflag:s4] =	ssyncadd.s32 $0xFFFFC000  }
0x95: {  	_ =	swait.ge [sflag:s14], $0x4000  }
0x96: {  	[sflag:s14] =	ssyncset.done $0x0  }
0x97: {  	s20 =	simm.s32 $0x500;
	[sflag:s14] =	ssyncadd.s32 $0xFFFFC000  }
0x98: {  	[tilespmem:s5], [sflag:$0x1] =	stream.indirect.gather [hbm4b:s8+s12], $0x80, s20, s12, $0xb8;
	[tilespmem:$0x1D800] =	vst v63  }
0x99: {  	s21 =	simm.s32 $0x1080  }
0x9a: {  	[spmem:s3] =	stream.indirect.scatter.add.f32 [tilespmem:s13], [sflag:$0x3], $0x80, s21, s12, $0xb8;
	[tilespmem:$0x1D800] =	vst v63  }
0x9b: {  	_ =	swait.ge [sflag:s4], $0x4000  }
0x9c: {  	[sflag:s4] =	ssyncset.done $0x0  }
0x9d: {  	[sflag:s4] =	ssyncadd.s32 $0xFFFFC000  }
0x9e: {  	_ =	swait.ge [sflag:s15], $0x4000  }
0x9f: {  	[sflag:s15] =	ssyncset.done $0x0  }
0xa0: {  	s22 =	simm.s32 $0x580;
	[sflag:s15] =	ssyncadd.s32 $0xFFFFC000  }
0xa1: {  	[tilespmem:s13], [sflag:$0x2] =	stream.indirect.gather [hbm4b:s8+s12], $0x80, s22, s12, $0xb8;
	[tilespmem:$0x1D800] =	vst v63  }
0xa2: {  	s23 =	simm.s32 $0x1100  }
0xa3: {  	[spmem:s3] =	stream.indirect.scatter.add.f32 [tilespmem:s5], [sflag:$0x3], $0x80, s23, s12, $0xb8;
	[tilespmem:$0x1D800] =	vst v63  }
0xa4: {  	_ =	swait.ge [sflag:s4], $0x4000  }
0xa5: {  	[sflag:s4] =	ssyncset.done $0x0  }
0xa6: {  	[sflag:s4] =	ssyncadd.s32 $0xFFFFC000  }
0xa7: {  	_ =	swait.ge [sflag:s14], $0x4000  }
0xa8: {  	[sflag:s14] =	ssyncset.done $0x0  }
0xa9: {  	s24 =	simm.s32 $0x600;
	[sflag:s14] =	ssyncadd.s32 $0xFFFFC000  }
0xaa: {  	[tilespmem:s5], [sflag:$0x1] =	stream.indirect.gather [hbm4b:s8+s12], $0x80, s24, s12, $0xb8;
	[tilespmem:$0x1D800] =	vst v63  }
0xab: {  	s25 =	simm.s32 $0x1180  }
0xac: {  	[spmem:s3] =	stream.indirect.scatter.add.f32 [tilespmem:s13], [sflag:$0x3], $0x80, s25, s12, $0xb8;
	[tilespmem:$0x1D800] =	vst v63  }
0xad: {  	_ =	swait.ge [sflag:s4], $0x4000  }
0xae: {  	[sflag:s4] =	ssyncset.done $0x0  }
0xaf: {  	[sflag:s4] =	ssyncadd.s32 $0xFFFFC000  }
0xb0: {  	_ =	swait.ge [sflag:s15], $0x4000  }
0xb1: {  	[sflag:s15] =	ssyncset.done $0x0  }
0xb2: {  	s26 =	simm.s32 $0x680;
	[sflag:s15] =	ssyncadd.s32 $0xFFFFC000  }
0xb3: {  	[tilespmem:s13], [sflag:$0x2] =	stream.indirect.gather [hbm4b:s8+s12], $0x80, s26, s12, $0xb8;
	[tilespmem:$0x1D800] =	vst v63  }
0xb4: {  	s28 =	simm.s32 $0x1200  }
0xb5: {  	[spmem:s3] =	stream.indirect.scatter.add.f32 [tilespmem:s5], [sflag:$0x3], $0x80, s28, s12, $0xb8;
	[tilespmem:$0x1D800] =	vst v63  }
0xb6: {  	_ =	swait.ge [sflag:s4], $0x4000  }
0xb7: {  	[sflag:s4] =	ssyncset.done $0x0  }
0xb8: {  	[sflag:s4] =	ssyncadd.s32 $0xFFFFC000  }
0xb9: {  	_ =	swait.ge [sflag:s14], $0x4000  }
0xba: {  	[sflag:s14] =	ssyncset.done $0x0  }
0xbb: {  	s29 =	simm.s32 $0x700;
	[sflag:s14] =	ssyncadd.s32 $0xFFFFC000  }
0xbc: {  	[tilespmem:s5], [sflag:$0x1] =	stream.indirect.gather [hbm4b:s8+s12], $0x80, s29, s12, $0xb8;
	[tilespmem:$0x1D800] =	vst v63  }
0xbd: {  	s30 =	simm.s32 $0x1280  }
0xbe: {  	[spmem:s3] =	stream.indirect.scatter.add.f32 [tilespmem:s13], [sflag:$0x3], $0x80, s30, s12, $0xb8;
	[tilespmem:$0x1D800] =	vst v63  }
0xbf: {  	_ =	swait.ge [sflag:s4], $0x4000  }
0xc0: {  	[sflag:s4] =	ssyncset.done $0x0  }
0xc1: {  	[sflag:s4] =	ssyncadd.s32 $0xFFFFC000  }
0xc2: {  	_ =	swait.ge [sflag:s15], $0x4000  }
0xc3: {  	[sflag:s15] =	ssyncset.done $0x0  }
0xc4: {  	s31 =	simm.s32 $0x780;
	[sflag:s15] =	ssyncadd.s32 $0xFFFFC000  }
0xc5: {  	[tilespmem:s13], [sflag:$0x2] =	stream.indirect.gather [hbm4b:s8+s12], $0x80, s31, s12, $0xb8;
	[tilespmem:$0x1D800] =	vst v63  }
0xc6: {  	s1 =	simm.s32 $0x1300  }
0xc7: {  	[spmem:s3] =	stream.indirect.scatter.add.f32 [tilespmem:s5], [sflag:$0x3], $0x80, s1, s12, $0xb8;
	[tilespmem:$0x1D800] =	vst v63  }
0xc8: {  	_ =	swait.ge [sflag:s4], $0x4000  }
0xc9: {  	[sflag:s4] =	ssyncset.done $0x0  }
0xca: {  	[sflag:s4] =	ssyncadd.s32 $0xFFFFC000  }
0xcb: {  	_ =	swait.ge [sflag:s14], $0x4000  }
0xcc: {  	[sflag:s14] =	ssyncset.done $0x0  }
0xcd: {  	s19 =	simm.s32 $0x800;
	[sflag:s14] =	ssyncadd.s32 $0xFFFFC000  }
0xce: {  	[tilespmem:s5], [sflag:$0x1] =	stream.indirect.gather [hbm4b:s8+s12], $0x80, s19, s12, $0xb8;
	[tilespmem:$0x1D800] =	vst v63  }
0xcf: {  	s20 =	simm.s32 $0x1380  }
0xd0: {  	[spmem:s3] =	stream.indirect.scatter.add.f32 [tilespmem:s13], [sflag:$0x3], $0x80, s20, s12, $0xb8;
	[tilespmem:$0x1D800] =	vst v63  }
0xd1: {  	_ =	swait.ge [sflag:s4], $0x4000  }
0xd2: {  	[sflag:s4] =	ssyncset.done $0x0  }
0xd3: {  	[sflag:s4] =	ssyncadd.s32 $0xFFFFC000  }
0xd4: {  	_ =	swait.ge [sflag:s15], $0x4000  }
0xd5: {  	[sflag:s15] =	ssyncset.done $0x0  }
0xd6: {  	s21 =	simm.s32 $0x880;
	[sflag:s15] =	ssyncadd.s32 $0xFFFFC000  }
0xd7: {  	[tilespmem:s13], [sflag:$0x2] =	stream.indirect.gather [hbm4b:s8+s12], $0x80, s21, s12, $0xb8;
	[tilespmem:$0x1D800] =	vst v63  }
0xd8: {  	s22 =	simm.s32 $0x1400  }
0xd9: {  	[spmem:s3] =	stream.indirect.scatter.add.f32 [tilespmem:s5], [sflag:$0x3], $0x80, s22, s12, $0xb8;
	[tilespmem:$0x1D800] =	vst v63  }
0xda: {  	_ =	swait.ge [sflag:s4], $0x4000  }
0xdb: {  	[sflag:s4] =	ssyncset.done $0x0  }
0xdc: {  	[sflag:s4] =	ssyncadd.s32 $0xFFFFC000  }
0xdd: {  	_ =	swait.ge [sflag:s14], $0x4000  }
0xde: {  	[sflag:s14] =	ssyncset.done $0x0  }
0xdf: {  	s23 =	simm.s32 $0x900;
	[sflag:s14] =	ssyncadd.s32 $0xFFFFC000  }
0xe0: {  	[tilespmem:s5], [sflag:$0x1] =	stream.indirect.gather [hbm4b:s8+s12], $0x80, s23, s12, $0xb8;
	[tilespmem:$0x1D800] =	vst v63  }
0xe1: {  	s24 =	simm.s32 $0x1480  }
0xe2: {  	[spmem:s3] =	stream.indirect.scatter.add.f32 [tilespmem:s13], [sflag:$0x3], $0x80, s24, s12, $0xb8;
	[tilespmem:$0x1D800] =	vst v63  }
0xe3: {  	_ =	swait.ge [sflag:s4], $0x4000  }
0xe4: {  	[sflag:s4] =	ssyncset.done $0x0  }
0xe5: {  	[sflag:s4] =	ssyncadd.s32 $0xFFFFC000  }
0xe6: {  	_ =	swait.ge [sflag:s15], $0x4000  }
0xe7: {  	[sflag:s15] =	ssyncset.done $0x0  }
0xe8: {  	s26 =	simm.s32 $0x980;
	[sflag:s15] =	ssyncadd.s32 $0xFFFFC000  }
0xe9: {  	[tilespmem:s13], [sflag:$0x2] =	stream.indirect.gather [hbm4b:s8+s12], $0x80, s26, s12, $0xb8;
	[tilespmem:$0x1D800] =	vst v63  }
0xea: {  	s1 =	simm.s32 $0x1500  }
0xeb: {  	[spmem:s3] =	stream.indirect.scatter.add.f32 [tilespmem:s5], [sflag:$0x3], $0x80, s1, s12, $0xb8;
	[tilespmem:$0x1D800] =	vst v63  }
0xec: {  	_ =	swait.ge [sflag:s4], $0x4000  }
0xed: {  	[sflag:s4] =	ssyncset.done $0x0  }
0xee: {  	[sflag:s4] =	ssyncadd.s32 $0xFFFFC000  }
0xef: {  	_ =	swait.ge [sflag:s14], $0x4000  }
0xf0: {  	[sflag:s14] =	ssyncset.done $0x0  }
0xf1: {  	s19 =	simm.s32 $0x1580;
	[sflag:s14] =	ssyncadd.s32 $0xFFFFC000  }
0xf2: {  	[spmem:s3] =	stream.indirect.scatter.add.f32 [tilespmem:s13], [sflag:$0x3], $0x80, s19, s12, $0xb8;
	[tilespmem:$0x1D800] =	vst v63  }
0xf3: {  	_ =	swait.ge [sflag:s4], $0x4000  }
0xf4: {  	[sflag:s4] =	ssyncset.done $0x0  }
0xf5: {  	s20 =	rddreg [dreg:$0x7];
	[sflag:s4] =	ssyncadd.s32 $0xFFFFC000  }
0xf6: {  	[tilespmem:s2], [sflag:$0x3] =	stream.linear.gather [hbm4b:s20+s2], $0xA00, $0x38;
	[tilespmem:$0x1D800] =	vst v63  }
0xf7: {  	_ =	swait.ge [sflag:s4], $0xA00  }
0xf8: {  	[sflag:s4] =	ssyncset.done $0x0  }
0xf9: {  	s21 =	rddreg [dreg:$0x8];
	[sflag:s4] =	ssyncadd.s32 $0xFFFFF600  }
0xfa: {  	[tilespmem:s0], [sflag:$0x3] =	stream.linear.gather [hbm4b:s21+s2], $0xA00, $0x38;
	[tilespmem:$0x1D800] =	vst v63  }
0xfb: {  	_ =	swait.ge [sflag:s4], $0xA00  }
0xfc: {  	[sflag:s4] =	ssyncset.done $0x0  }
0xfd: {  	[sflag:s4] =	ssyncadd.s32 $0xFFFFF600  }
0xfe: {  	[tilespmem:s5], [sflag:$0x1] =	stream.indirect.gather [hbm4b:s8+s12], $0x80, s2, s12, $0xb8;
	[tilespmem:$0x1D800] =	vst v63  }
0xff: {  	_ =	swait.ge [sflag:s15], $0x4000  }
0x100: {  	[sflag:s15] =	ssyncset.done $0x0  }
0x101: {  	[sflag:s15] =	ssyncadd.s32 $0xFFFFC000  }
0x102: {  	[tilespmem:s13], [sflag:$0x2] =	stream.indirect.gather [hbm4b:s8+s12], $0x80, s12, s12, $0xb8;
	[tilespmem:$0x1D800] =	vst v63  }
0x103: {  	_ = 	snop  }
0x104: {  	[spmem:s3] =	stream.indirect.scatter.add.f32 [tilespmem:s5], [sflag:$0x3], $0x80, s0, s12, $0xb8;
	[tilespmem:$0x1D800] =	vst v63  }
0x105: {  	_ =	swait.ge [sflag:s4], $0x4000  }
0x106: {  	[sflag:s4] =	ssyncset.done $0x0  }
0x107: {  	[sflag:s4] =	ssyncadd.s32 $0xFFFFC000  }
0x108: {  	_ =	swait.ge [sflag:s14], $0x4000  }
0x109: {  	[sflag:s14] =	ssyncset.done $0x0  }
0x10a: {  	s21 =	simm.s32 $0x100;
	[sflag:s14] =	ssyncadd.s32 $0xFFFFC000  }
0x10b: {  	[tilespmem:s5], [sflag:$0x1] =	stream.indirect.gather [hbm4b:s8+s12], $0x80, s21, s12, $0xb8;
	[tilespmem:$0x1D800] =	vst v63  }
0x10c: {  	s17 =	simm.s32 $0xC80  }
0x10d: {  	[spmem:s3] =	stream.indirect.scatter.add.f32 [tilespmem:s13], [sflag:$0x3], $0x80, s17, s12, $0xb8;
	[tilespmem:$0x1D800] =	vst v63  }
0x10e: {  	_ =	swait.ge [sflag:s4], $0x4000  }
0x10f: {  	[sflag:s4] =	ssyncset.done $0x0  }
0x110: {  	[sflag:s4] =	ssyncadd.s32 $0xFFFFC000  }
0x111: {  	_ =	swait.ge [sflag:s15], $0x4000  }
0x112: {  	[sflag:s15] =	ssyncset.done $0x0  }
0x113: {  	s7 =	simm.s32 $0x180;
	[sflag:s15] =	ssyncadd.s32 $0xFFFFC000  }
0x114: {  	[tilespmem:s13], [sflag:$0x2] =	stream.indirect.gather [hbm4b:s8+s12], $0x80, s7, s12, $0xb8;
	[tilespmem:$0x1D800] =	vst v63  }
0x115: {  	s1 =	simm.s32 $0xD00  }
0x116: {  	[spmem:s3] =	stream.indirect.scatter.add.f32 [tilespmem:s5], [sflag:$0x3], $0x80, s1, s12, $0xb8;
	[tilespmem:$0x1D800] =	vst v63  }
0x117: {  	_ =	swait.ge [sflag:s4], $0x4000  }
0x118: {  	[sflag:s4] =	ssyncset.done $0x0  }
0x119: {  	[sflag:s4] =	ssyncadd.s32 $0xFFFFC000  }
0x11a: {  	_ =	swait.ge [sflag:s14], $0x4000  }
0x11b: {  	[sflag:s14] =	ssyncset.done $0x0  }
0x11c: {  	s19 =	simm.s32 $0x200;
	[sflag:s14] =	ssyncadd.s32 $0xFFFFC000  }
0x11d: {  	[tilespmem:s5], [sflag:$0x1] =	stream.indirect.gather [hbm4b:s8+s12], $0x80, s19, s12, $0xb8;
	[tilespmem:$0x1D800] =	vst v63  }
0x11e: {  	s16 =	simm.s32 $0xD80  }
0x11f: {  	[spmem:s3] =	stream.indirect.scatter.add.f32 [tilespmem:s13], [sflag:$0x3], $0x80, s16, s12, $0xb8;
	[tilespmem:$0x1D800] =	vst v63  }
0x120: {  	_ =	swait.ge [sflag:s4], $0x4000  }
0x121: {  	[sflag:s4] =	ssyncset.done $0x0  }
0x122: {  	[sflag:s4] =	ssyncadd.s32 $0xFFFFC000  }
0x123: {  	_ =	swait.ge [sflag:s15], $0x4000  }
0x124: {  	[sflag:s15] =	ssyncset.done $0x0  }
0x125: {  	s17 =	simm.s32 $0x280;
	[sflag:s15] =	ssyncadd.s32 $0xFFFFC000  }
0x126: {  	[tilespmem:s13], [sflag:$0x2] =	stream.indirect.gather [hbm4b:s8+s12], $0x80, s17, s12, $0xb8;
	[tilespmem:$0x1D800] =	vst v63  }
0x127: {  	s16 =	simm.s32 $0xE00  }
0x128: {  	[spmem:s3] =	stream.indirect.scatter.add.f32 [tilespmem:s5], [sflag:$0x3], $0x80, s16, s12, $0xb8;
	[tilespmem:$0x1D800] =	vst v63  }
0x129: {  	_ =	swait.ge [sflag:s4], $0x4000  }
0x12a: {  	[sflag:s4] =	ssyncset.done $0x0  }
0x12b: {  	[sflag:s4] =	ssyncadd.s32 $0xFFFFC000  }
0x12c: {  	_ =	swait.ge [sflag:s14], $0x4000  }
0x12d: {  	[sflag:s14] =	ssyncset.done $0x0  }
0x12e: {  	s18 =	simm.s32 $0x300;
	[sflag:s14] =	ssyncadd.s32 $0xFFFFC000  }
0x12f: {  	[tilespmem:s5], [sflag:$0x1] =	stream.indirect.gather [hbm4b:s8+s12], $0x80, s18, s12, $0xb8;
	[tilespmem:$0x1D800] =	vst v63  }
0x130: {  	s11 =	simm.s32 $0xE80  }
0x131: {  	[spmem:s3] =	stream.indirect.scatter.add.f32 [tilespmem:s13], [sflag:$0x3], $0x80, s11, s12, $0xb8;
	[tilespmem:$0x1D800] =	vst v63  }
0x132: {  	_ =	swait.ge [sflag:s4], $0x4000  }
0x133: {  	[sflag:s4] =	ssyncset.done $0x0  }
0x134: {  	[sflag:s4] =	ssyncadd.s32 $0xFFFFC000  }
0x135: {  	_ =	swait.ge [sflag:s15], $0x4000  }
0x136: {  	[sflag:s15] =	ssyncset.done $0x0  }
0x137: {  	s11 =	simm.s32 $0x380;
	[sflag:s15] =	ssyncadd.s32 $0xFFFFC000  }
0x138: {  	[tilespmem:s13], [sflag:$0x2] =	stream.indirect.gather [hbm4b:s8+s12], $0x80, s11, s12, $0xb8;
	[tilespmem:$0x1D800] =	vst v63  }
0x139: {  	s18 =	simm.s32 $0xF00  }
0x13a: {  	[spmem:s3] =	stream.indirect.scatter.add.f32 [tilespmem:s5], [sflag:$0x3], $0x80, s18, s12, $0xb8;
	[tilespmem:$0x1D800] =	vst v63  }
0x13b: {  	_ =	swait.ge [sflag:s4], $0x4000  }
0x13c: {  	[sflag:s4] =	ssyncset.done $0x0  }
0x13d: {  	[sflag:s4] =	ssyncadd.s32 $0xFFFFC000  }
0x13e: {  	_ =	swait.ge [sflag:s14], $0x4000  }
0x13f: {  	[sflag:s14] =	ssyncset.done $0x0  }
0x140: {  	s10 =	simm.s32 $0x400;
	[sflag:s14] =	ssyncadd.s32 $0xFFFFC000  }
0x141: {  	[tilespmem:s5], [sflag:$0x1] =	stream.indirect.gather [hbm4b:s8+s12], $0x80, s10, s12, $0xb8;
	[tilespmem:$0x1D800] =	vst v63  }
0x142: {  	s7 =	simm.s32 $0xF80  }
0x143: {  	[spmem:s3] =	stream.indirect.scatter.add.f32 [tilespmem:s13], [sflag:$0x3], $0x80, s7, s12, $0xb8;
	[tilespmem:$0x1D800] =	vst v63  }
0x144: {  	_ =	swait.ge [sflag:s4], $0x4000  }
0x145: {  	[sflag:s4] =	ssyncset.done $0x0  }
0x146: {  	[sflag:s4] =	ssyncadd.s32 $0xFFFFC000  }
0x147: {  	_ =	swait.ge [sflag:s15], $0x4000  }
0x148: {  	[sflag:s15] =	ssyncset.done $0x0  }
0x149: {  	s10 =	simm.s32 $0x480;
	[sflag:s15] =	ssyncadd.s32 $0xFFFFC000  }
0x14a: {  	[tilespmem:s13], [sflag:$0x2] =	stream.indirect.gather [hbm4b:s8+s12], $0x80, s10, s12, $0xb8;
	[tilespmem:$0x1D800] =	vst v63  }
0x14b: {  	s20 =	simm.s32 $0x1000  }
0x14c: {  	[spmem:s3] =	stream.indirect.scatter.add.f32 [tilespmem:s5], [sflag:$0x3], $0x80, s20, s12, $0xb8;
	[tilespmem:$0x1D800] =	vst v63  }
0x14d: {  	_ =	swait.ge [sflag:s4], $0x4000  }
0x14e: {  	[sflag:s4] =	ssyncset.done $0x0  }
0x14f: {  	[sflag:s4] =	ssyncadd.s32 $0xFFFFC000  }
0x150: {  	_ =	swait.ge [sflag:s14], $0x4000  }
0x151: {  	[sflag:s14] =	ssyncset.done $0x0  }
0x152: {  	s9 =	simm.s32 $0x500;
	[sflag:s14] =	ssyncadd.s32 $0xFFFFC000  }
0x153: {  	[tilespmem:s5], [sflag:$0x1] =	stream.indirect.gather [hbm4b:s8+s12], $0x80, s9, s12, $0xb8;
	[tilespmem:$0x1D800] =	vst v63  }
0x154: {  	s9 =	simm.s32 $0x1080  }
0x155: {  	[spmem:s3] =	stream.indirect.scatter.add.f32 [tilespmem:s13], [sflag:$0x3], $0x80, s9, s12, $0xb8;
	[tilespmem:$0x1D800] =	vst v63  }
0x156: {  	_ =	swait.ge [sflag:s4], $0x4000  }
0x157: {  	[sflag:s4] =	ssyncset.done $0x0  }
0x158: {  	[sflag:s4] =	ssyncadd.s32 $0xFFFFC000  }
0x159: {  	_ =	swait.ge [sflag:s15], $0x4000  }
0x15a: {  	[sflag:s15] =	ssyncset.done $0x0  }
0x15b: {  	s6 =	simm.s32 $0x580;
	[sflag:s15] =	ssyncadd.s32 $0xFFFFC000  }
0x15c: {  	[tilespmem:s13], [sflag:$0x2] =	stream.indirect.gather [hbm4b:s8+s12], $0x80, s6, s12, $0xb8;
	[tilespmem:$0x1D800] =	vst v63  }
0x15d: {  	s6 =	simm.s32 $0x1100  }
0x15e: {  	[spmem:s3] =	stream.indirect.scatter.add.f32 [tilespmem:s5], [sflag:$0x3], $0x80, s6, s12, $0xb8;
	[tilespmem:$0x1D800] =	vst v63  }
0x15f: {  	_ =	swait.ge [sflag:s4], $0x4000  }
0x160: {  	[sflag:s4] =	ssyncset.done $0x0  }
0x161: {  	[sflag:s4] =	ssyncadd.s32 $0xFFFFC000  }
0x162: {  	_ =	swait.ge [sflag:s14], $0x4000  }
0x163: {  	[sflag:s14] =	ssyncset.done $0x0  }
0x164: {  	s6 =	simm.s32 $0x600;
	[sflag:s14] =	ssyncadd.s32 $0xFFFFC000  }
0x165: {  	[tilespmem:s5], [sflag:$0x1] =	stream.indirect.gather [hbm4b:s8+s12], $0x80, s6, s12, $0xb8;
	[tilespmem:$0x1D800] =	vst v63  }
0x166: {  	s25 =	simm.s32 $0x1180  }
0x167: {  	[spmem:s3] =	stream.indirect.scatter.add.f32 [tilespmem:s13], [sflag:$0x3], $0x80, s25, s12, $0xb8;
	[tilespmem:$0x1D800] =	vst v63  }
0x168: {  	_ =	swait.ge [sflag:s4], $0x4000  }
0x169: {  	[sflag:s4] =	ssyncset.done $0x0  }
0x16a: {  	[sflag:s4] =	ssyncadd.s32 $0xFFFFC000  }
0x16b: {  	_ =	swait.ge [sflag:s15], $0x4000  }
0x16c: {  	[sflag:s15] =	ssyncset.done $0x0  }
0x16d: {  	s25 =	simm.s32 $0x680;
	[sflag:s15] =	ssyncadd.s32 $0xFFFFC000  }
0x16e: {  	[tilespmem:s13], [sflag:$0x2] =	stream.indirect.gather [hbm4b:s8+s12], $0x80, s25, s12, $0xb8;
	[tilespmem:$0x1D800] =	vst v63  }
0x16f: {  	s28 =	simm.s32 $0x1200  }
0x170: {  	[spmem:s3] =	stream.indirect.scatter.add.f32 [tilespmem:s5], [sflag:$0x3], $0x80, s28, s12, $0xb8;
	[tilespmem:$0x1D800] =	vst v63  }
0x171: {  	_ =	swait.ge [sflag:s4], $0x4000  }
0x172: {  	[sflag:s4] =	ssyncset.done $0x0  }
0x173: {  	[sflag:s4] =	ssyncadd.s32 $0xFFFFC000  }
0x174: {  	_ =	swait.ge [sflag:s14], $0x4000  }
0x175: {  	[sflag:s14] =	ssyncset.done $0x0  }
0x176: {  	s28 =	simm.s32 $0x700;
	[sflag:s14] =	ssyncadd.s32 $0xFFFFC000  }
0x177: {  	[tilespmem:s5], [sflag:$0x1] =	stream.indirect.gather [hbm4b:s8+s12], $0x80, s28, s12, $0xb8;
	[tilespmem:$0x1D800] =	vst v63  }
0x178: {  	s29 =	simm.s32 $0x1280  }
0x179: {  	[spmem:s3] =	stream.indirect.scatter.add.f32 [tilespmem:s13], [sflag:$0x3], $0x80, s29, s12, $0xb8;
	[tilespmem:$0x1D800] =	vst v63  }
0x17a: {  	_ =	swait.ge [sflag:s4], $0x4000  }
0x17b: {  	[sflag:s4] =	ssyncset.done $0x0  }
0x17c: {  	[sflag:s4] =	ssyncadd.s32 $0xFFFFC000  }
0x17d: {  	_ =	swait.ge [sflag:s15], $0x4000  }
0x17e: {  	[sflag:s15] =	ssyncset.done $0x0  }
0x17f: {  	s29 =	simm.s32 $0x780;
	[sflag:s15] =	ssyncadd.s32 $0xFFFFC000  }
0x180: {  	[tilespmem:s13], [sflag:$0x2] =	stream.indirect.gather [hbm4b:s8+s12], $0x80, s29, s12, $0xb8;
	[tilespmem:$0x1D800] =	vst v63  }
0x181: {  	s30 =	simm.s32 $0x1300  }
0x182: {  	[spmem:s3] =	stream.indirect.scatter.add.f32 [tilespmem:s5], [sflag:$0x3], $0x80, s30, s12, $0xb8;
	[tilespmem:$0x1D800] =	vst v63  }
0x183: {  	_ =	swait.ge [sflag:s4], $0x4000  }
0x184: {  	[sflag:s4] =	ssyncset.done $0x0  }
0x185: {  	[sflag:s4] =	ssyncadd.s32 $0xFFFFC000  }
0x186: {  	_ =	swait.ge [sflag:s14], $0x4000  }
0x187: {  	[sflag:s14] =	ssyncset.done $0x0  }
0x188: {  	s30 =	simm.s32 $0x800;
	[sflag:s14] =	ssyncadd.s32 $0xFFFFC000  }
0x189: {  	[tilespmem:s5], [sflag:$0x1] =	stream.indirect.gather [hbm4b:s8+s12], $0x80, s30, s12, $0xb8;
	[tilespmem:$0x1D800] =	vst v63  }
0x18a: {  	s31 =	simm.s32 $0x1380  }
0x18b: {  	[spmem:s3] =	stream.indirect.scatter.add.f32 [tilespmem:s13], [sflag:$0x3], $0x80, s31, s12, $0xb8;
	[tilespmem:$0x1D800] =	vst v63  }
0x18c: {  	_ =	swait.ge [sflag:s4], $0x4000  }
0x18d: {  	[sflag:s4] =	ssyncset.done $0x0  }
0x18e: {  	[sflag:s4] =	ssyncadd.s32 $0xFFFFC000  }
0x18f: {  	_ =	swait.ge [sflag:s15], $0x4000  }
0x190: {  	[sflag:s15] =	ssyncset.done $0x0  }
0x191: {  	s31 =	simm.s32 $0x880;
	[sflag:s15] =	ssyncadd.s32 $0xFFFFC000  }
0x192: {  	[tilespmem:s13], [sflag:$0x2] =	stream.indirect.gather [hbm4b:s8+s12], $0x80, s31, s12, $0xb8;
	[tilespmem:$0x1D800] =	vst v63  }
0x193: {  	s22 =	simm.s32 $0x1400  }
0x194: {  	[spmem:s3] =	stream.indirect.scatter.add.f32 [tilespmem:s5], [sflag:$0x3], $0x80, s22, s12, $0xb8;
	[tilespmem:$0x1D800] =	vst v63  }
0x195: {  	_ =	swait.ge [sflag:s4], $0x4000  }
0x196: {  	[sflag:s4] =	ssyncset.done $0x0  }
0x197: {  	[sflag:s4] =	ssyncadd.s32 $0xFFFFC000  }
0x198: {  	_ =	swait.ge [sflag:s14], $0x4000  }
0x199: {  	[sflag:s14] =	ssyncset.done $0x0  }
0x19a: {  	s22 =	simm.s32 $0x900;
	[sflag:s14] =	ssyncadd.s32 $0xFFFFC000  }
0x19b: {  	[tilespmem:s5], [sflag:$0x1] =	stream.indirect.gather [hbm4b:s8+s12], $0x80, s22, s12, $0xb8;
	[tilespmem:$0x1D800] =	vst v63  }
0x19c: {  	s23 =	simm.s32 $0x1480  }
0x19d: {  	[spmem:s3] =	stream.indirect.scatter.add.f32 [tilespmem:s13], [sflag:$0x3], $0x80, s23, s12, $0xb8;
	[tilespmem:$0x1D800] =	vst v63  }
0x19e: {  	_ =	swait.ge [sflag:s4], $0x4000  }
0x19f: {  	[sflag:s4] =	ssyncset.done $0x0  }
0x1a0: {  	[sflag:s4] =	ssyncadd.s32 $0xFFFFC000  }
0x1a1: {  	_ =	swait.ge [sflag:s15], $0x4000  }
0x1a2: {  	[sflag:s15] =	ssyncset.done $0x0  }
0x1a3: {  	s23 =	simm.s32 $0x980;
	[sflag:s15] =	ssyncadd.s32 $0xFFFFC000  }
0x1a4: {  	[tilespmem:s13], [sflag:$0x2] =	stream.indirect.gather [hbm4b:s8+s12], $0x80, s23, s12, $0xb8;
	[tilespmem:$0x1D800] =	vst v63  }
0x1a5: {  	s24 =	simm.s32 $0x1500  }
0x1a6: {  	[spmem:s3] =	stream.indirect.scatter.add.f32 [tilespmem:s5], [sflag:$0x3], $0x80, s24, s12, $0xb8;
	[tilespmem:$0x1D800] =	vst v63  }
0x1a7: {  	_ =	swait.ge [sflag:s4], $0x4000  }
0x1a8: {  	[sflag:s4] =	ssyncset.done $0x0  }
0x1a9: {  	[sflag:s4] =	ssyncadd.s32 $0xFFFFC000  }
0x1aa: {  	_ =	swait.ge [sflag:s14], $0x4000  }
0x1ab: {  	[sflag:s14] =	ssyncset.done $0x0  }
0x1ac: {  	s26 =	simm.s32 $0x1580;
	[sflag:s14] =	ssyncadd.s32 $0xFFFFC000  }
0x1ad: {  	[spmem:s3] =	stream.indirect.scatter.add.f32 [tilespmem:s13], [sflag:$0x3], $0x80, s26, s12, $0xb8;
	[tilespmem:$0x1D800] =	vst v63  }
0x1ae: {  	_ =	swait.ge [sflag:s4], $0x4000  }
0x1af: {  	[sflag:s4] =	ssyncset.done $0x0  }
0x1b0: {  	s24 =	rddreg [dreg:$0x9];
	[sflag:s4] =	ssyncadd.s32 $0xFFFFC000  }
0x1b1: {  	[tilespmem:s2], [sflag:$0x3] =	stream.linear.gather [hbm4b:s24+s2], $0xA00, $0x38;
	[tilespmem:$0x1D800] =	vst v63  }
0x1b2: {  	_ =	swait.ge [sflag:s4], $0xA00  }
0x1b3: {  	[sflag:s4] =	ssyncset.done $0x0  }
0x1b4: {  	s26 =	rddreg [dreg:$0xa];
	[sflag:s4] =	ssyncadd.s32 $0xFFFFF600  }
0x1b5: {  	[tilespmem:s0], [sflag:$0x3] =	stream.linear.gather [hbm4b:s26+s2], $0xA00, $0x38;
	[tilespmem:$0x1D800] =	vst v63  }
0x1b6: {  	_ =	swait.ge [sflag:s4], $0xA00  }
0x1b7: {  	[sflag:s4] =	ssyncset.done $0x0  }
0x1b8: {  	[sflag:s4] =	ssyncadd.s32 $0xFFFFF600  }
0x1b9: {  	[tilespmem:s5], [sflag:$0x1] =	stream.indirect.gather [hbm4b:s8+s12], $0x80, s2, s12, $0xb8;
	[tilespmem:$0x1D800] =	vst v63  }
0x1ba: {  	_ =	swait.ge [sflag:s15], $0x4000  }
0x1bb: {  	[sflag:s15] =	ssyncset.done $0x0  }
0x1bc: {  	[sflag:s15] =	ssyncadd.s32 $0xFFFFC000  }
0x1bd: {  	[tilespmem:s13], [sflag:$0x2] =	stream.indirect.gather [hbm4b:s8+s12], $0x80, s12, s12, $0xb8;
	[tilespmem:$0x1D800] =	vst v63  }
0x1be: {  	_ = 	snop  }
0x1bf: {  	[spmem:s3] =	stream.indirect.scatter.add.f32 [tilespmem:s5], [sflag:$0x3], $0x80, s0, s12, $0xb8;
	[tilespmem:$0x1D800] =	vst v63  }
0x1c0: {  	_ =	swait.ge [sflag:s4], $0x4000  }
0x1c1: {  	[sflag:s4] =	ssyncset.done $0x0  }
0x1c2: {  	[sflag:s4] =	ssyncadd.s32 $0xFFFFC000  }
0x1c3: {  	_ =	swait.ge [sflag:s14], $0x4000  }
0x1c4: {  	[sflag:s14] =	ssyncset.done $0x0  }
0x1c5: {  	[sflag:s14] =	ssyncadd.s32 $0xFFFFC000  }
0x1c6: {  	[tilespmem:s5], [sflag:$0x1] =	stream.indirect.gather [hbm4b:s8+s12], $0x80, s21, s12, $0xb8;
	[tilespmem:$0x1D800] =	vst v63  }
0x1c7: {  	s30 =	simm.s32 $0xC80  }
0x1c8: {  	[spmem:s3] =	stream.indirect.scatter.add.f32 [tilespmem:s13], [sflag:$0x3], $0x80, s30, s12, $0xb8;
	[tilespmem:$0x1D800] =	vst v63  }
0x1c9: {  	_ =	swait.ge [sflag:s4], $0x4000  }
0x1ca: {  	[sflag:s4] =	ssyncset.done $0x0  }
0x1cb: {  	[sflag:s4] =	ssyncadd.s32 $0xFFFFC000  }
0x1cc: {  	_ =	swait.ge [sflag:s15], $0x4000  }
0x1cd: {  	[sflag:s15] =	ssyncset.done $0x0  }
0x1ce: {  	s31 =	simm.s32 $0x180;
	[sflag:s15] =	ssyncadd.s32 $0xFFFFC000  }
0x1cf: {  	[tilespmem:s13], [sflag:$0x2] =	stream.indirect.gather [hbm4b:s8+s12], $0x80, s31, s12, $0xb8;
	[tilespmem:$0x1D800] =	vst v63  }
0x1d0: {  	_ = 	snop  }
0x1d1: {  	[spmem:s3] =	stream.indirect.scatter.add.f32 [tilespmem:s5], [sflag:$0x3], $0x80, s1, s12, $0xb8;
	[tilespmem:$0x1D800] =	vst v63  }
0x1d2: {  	_ =	swait.ge [sflag:s4], $0x4000  }
0x1d3: {  	[sflag:s4] =	ssyncset.done $0x0  }
0x1d4: {  	[sflag:s4] =	ssyncadd.s32 $0xFFFFC000  }
0x1d5: {  	_ =	swait.ge [sflag:s14], $0x4000  }
0x1d6: {  	[sflag:s14] =	ssyncset.done $0x0  }
0x1d7: {  	[sflag:s14] =	ssyncadd.s32 $0xFFFFC000  }
0x1d8: {  	[tilespmem:s5], [sflag:$0x1] =	stream.indirect.gather [hbm4b:s8+s12], $0x80, s19, s12, $0xb8;
	[tilespmem:$0x1D800] =	vst v63  }
0x1d9: {  	s6 =	simm.s32 $0xD80  }
0x1da: {  	[spmem:s3] =	stream.indirect.scatter.add.f32 [tilespmem:s13], [sflag:$0x3], $0x80, s6, s12, $0xb8;
	[tilespmem:$0x1D800] =	vst v63  }
0x1db: {  	_ =	swait.ge [sflag:s4], $0x4000  }
0x1dc: {  	[sflag:s4] =	ssyncset.done $0x0  }
0x1dd: {  	[sflag:s4] =	ssyncadd.s32 $0xFFFFC000  }
0x1de: {  	_ =	swait.ge [sflag:s15], $0x4000  }
0x1df: {  	[sflag:s15] =	ssyncset.done $0x0  }
0x1e0: {  	[sflag:s15] =	ssyncadd.s32 $0xFFFFC000  }
0x1e1: {  	[tilespmem:s13], [sflag:$0x2] =	stream.indirect.gather [hbm4b:s8+s12], $0x80, s17, s12, $0xb8;
	[tilespmem:$0x1D800] =	vst v63  }
0x1e2: {  	_ = 	snop  }
0x1e3: {  	[spmem:s3] =	stream.indirect.scatter.add.f32 [tilespmem:s5], [sflag:$0x3], $0x80, s16, s12, $0xb8;
	[tilespmem:$0x1D800] =	vst v63  }
0x1e4: {  	_ =	swait.ge [sflag:s4], $0x4000  }
0x1e5: {  	[sflag:s4] =	ssyncset.done $0x0  }
0x1e6: {  	[sflag:s4] =	ssyncadd.s32 $0xFFFFC000  }
0x1e7: {  	_ =	swait.ge [sflag:s14], $0x4000  }
0x1e8: {  	[sflag:s14] =	ssyncset.done $0x0  }
0x1e9: {  	s17 =	simm.s32 $0x300;
	[sflag:s14] =	ssyncadd.s32 $0xFFFFC000  }
0x1ea: {  	[tilespmem:s5], [sflag:$0x1] =	stream.indirect.gather [hbm4b:s8+s12], $0x80, s17, s12, $0xb8;
	[tilespmem:$0x1D800] =	vst v63  }
0x1eb: {  	s23 =	simm.s32 $0xE80  }
0x1ec: {  	[spmem:s3] =	stream.indirect.scatter.add.f32 [tilespmem:s13], [sflag:$0x3], $0x80, s23, s12, $0xb8;
	[tilespmem:$0x1D800] =	vst v63  }
0x1ed: {  	_ =	swait.ge [sflag:s4], $0x4000  }
0x1ee: {  	[sflag:s4] =	ssyncset.done $0x0  }
0x1ef: {  	[sflag:s4] =	ssyncadd.s32 $0xFFFFC000  }
0x1f0: {  	_ =	swait.ge [sflag:s15], $0x4000  }
0x1f1: {  	[sflag:s15] =	ssyncset.done $0x0  }
0x1f2: {  	[sflag:s15] =	ssyncadd.s32 $0xFFFFC000  }
0x1f3: {  	[tilespmem:s13], [sflag:$0x2] =	stream.indirect.gather [hbm4b:s8+s12], $0x80, s11, s12, $0xb8;
	[tilespmem:$0x1D800] =	vst v63  }
0x1f4: {  	_ = 	snop  }
0x1f5: {  	[spmem:s3] =	stream.indirect.scatter.add.f32 [tilespmem:s5], [sflag:$0x3], $0x80, s18, s12, $0xb8;
	[tilespmem:$0x1D800] =	vst v63  }
0x1f6: {  	_ =	swait.ge [sflag:s4], $0x4000  }
0x1f7: {  	[sflag:s4] =	ssyncset.done $0x0  }
0x1f8: {  	[sflag:s4] =	ssyncadd.s32 $0xFFFFC000  }
0x1f9: {  	_ =	swait.ge [sflag:s14], $0x4000  }
0x1fa: {  	[sflag:s14] =	ssyncset.done $0x0  }
0x1fb: {  	s26 =	simm.s32 $0x400;
	[sflag:s14] =	ssyncadd.s32 $0xFFFFC000  }
0x1fc: {  	[tilespmem:s5], [sflag:$0x1] =	stream.indirect.gather [hbm4b:s8+s12], $0x80, s26, s12, $0xb8;
	[tilespmem:$0x1D800] =	vst v63  }
0x1fd: {  	_ = 	snop  }
0x1fe: {  	[spmem:s3] =	stream.indirect.scatter.add.f32 [tilespmem:s13], [sflag:$0x3], $0x80, s7, s12, $0xb8;
	[tilespmem:$0x1D800] =	vst v63  }
0x1ff: {  	_ =	swait.ge [sflag:s4], $0x4000  }
0x200: {  	[sflag:s4] =	ssyncset.done $0x0  }
0x201: {  	[sflag:s4] =	ssyncadd.s32 $0xFFFFC000  }
0x202: {  	_ =	swait.ge [sflag:s15], $0x4000  }
0x203: {  	[sflag:s15] =	ssyncset.done $0x0  }
0x204: {  	[sflag:s15] =	ssyncadd.s32 $0xFFFFC000  }
0x205: {  	[tilespmem:s13], [sflag:$0x2] =	stream.indirect.gather [hbm4b:s8+s12], $0x80, s10, s12, $0xb8;
	[tilespmem:$0x1D800] =	vst v63  }
0x206: {  	_ = 	snop  }
0x207: {  	[spmem:s3] =	stream.indirect.scatter.add.f32 [tilespmem:s5], [sflag:$0x3], $0x80, s20, s12, $0xb8;
	[tilespmem:$0x1D800] =	vst v63  }
0x208: {  	_ =	swait.ge [sflag:s4], $0x4000  }
0x209: {  	[sflag:s4] =	ssyncset.done $0x0  }
0x20a: {  	[sflag:s4] =	ssyncadd.s32 $0xFFFFC000  }
0x20b: {  	_ =	swait.ge [sflag:s14], $0x4000  }
0x20c: {  	[sflag:s14] =	ssyncset.done $0x0  }
0x20d: {  	s30 =	simm.s32 $0x500;
	[sflag:s14] =	ssyncadd.s32 $0xFFFFC000  }
0x20e: {  	[tilespmem:s5], [sflag:$0x1] =	stream.indirect.gather [hbm4b:s8+s12], $0x80, s30, s12, $0xb8;
	[tilespmem:$0x1D800] =	vst v63  }
0x20f: {  	_ = 	snop  }
0x210: {  	[spmem:s3] =	stream.indirect.scatter.add.f32 [tilespmem:s13], [sflag:$0x3], $0x80, s9, s12, $0xb8;
	[tilespmem:$0x1D800] =	vst v63  }
0x211: {  	_ =	swait.ge [sflag:s4], $0x4000  }
0x212: {  	[sflag:s4] =	ssyncset.done $0x0  }
0x213: {  	[sflag:s4] =	ssyncadd.s32 $0xFFFFC000  }
0x214: {  	_ =	swait.ge [sflag:s15], $0x4000  }
0x215: {  	[sflag:s15] =	ssyncset.done $0x0  }
0x216: {  	s31 =	simm.s32 $0x580;
	[sflag:s15] =	ssyncadd.s32 $0xFFFFC000  }
0x217: {  	[tilespmem:s13], [sflag:$0x2] =	stream.indirect.gather [hbm4b:s8+s12], $0x80, s31, s12, $0xb8;
	[tilespmem:$0x1D800] =	vst v63  }
0x218: {  	s20 =	simm.s32 $0x1100  }
0x219: {  	[spmem:s3] =	stream.indirect.scatter.add.f32 [tilespmem:s5], [sflag:$0x3], $0x80, s20, s12, $0xb8;
	[tilespmem:$0x1D800] =	vst v63  }
0x21a: {  	_ =	swait.ge [sflag:s4], $0x4000  }
0x21b: {  	[sflag:s4] =	ssyncset.done $0x0  }
0x21c: {  	[sflag:s4] =	ssyncadd.s32 $0xFFFFC000  }
0x21d: {  	_ =	swait.ge [sflag:s14], $0x4000  }
0x21e: {  	[sflag:s14] =	ssyncset.done $0x0  }
0x21f: {  	s23 =	simm.s32 $0x600;
	[sflag:s14] =	ssyncadd.s32 $0xFFFFC000  }
0x220: {  	[tilespmem:s5], [sflag:$0x1] =	stream.indirect.gather [hbm4b:s8+s12], $0x80, s23, s12, $0xb8;
	[tilespmem:$0x1D800] =	vst v63  }
0x221: {  	s26 =	simm.s32 $0x1180  }
0x222: {  	[spmem:s3] =	stream.indirect.scatter.add.f32 [tilespmem:s13], [sflag:$0x3], $0x80, s26, s12, $0xb8;
	[tilespmem:$0x1D800] =	vst v63  }
0x223: {  	_ =	swait.ge [sflag:s4], $0x4000  }
0x224: {  	[sflag:s4] =	ssyncset.done $0x0  }
0x225: {  	[sflag:s4] =	ssyncadd.s32 $0xFFFFC000  }
0x226: {  	_ =	swait.ge [sflag:s15], $0x4000  }
0x227: {  	[sflag:s15] =	ssyncset.done $0x0  }
0x228: {  	s25 =	simm.s32 $0x680;
	[sflag:s15] =	ssyncadd.s32 $0xFFFFC000  }
0x229: {  	[tilespmem:s13], [sflag:$0x2] =	stream.indirect.gather [hbm4b:s8+s12], $0x80, s25, s12, $0xb8;
	[tilespmem:$0x1D800] =	vst v63  }
0x22a: {  	s30 =	simm.s32 $0x1200  }
0x22b: {  	[spmem:s3] =	stream.indirect.scatter.add.f32 [tilespmem:s5], [sflag:$0x3], $0x80, s30, s12, $0xb8;
	[tilespmem:$0x1D800] =	vst v63  }
0x22c: {  	_ =	swait.ge [sflag:s4], $0x4000  }
0x22d: {  	[sflag:s4] =	ssyncset.done $0x0  }
0x22e: {  	[sflag:s4] =	ssyncadd.s32 $0xFFFFC000  }
0x22f: {  	_ =	swait.ge [sflag:s14], $0x4000  }
0x230: {  	[sflag:s14] =	ssyncset.done $0x0  }
0x231: {  	s23 =	simm.s32 $0x700;
	[sflag:s14] =	ssyncadd.s32 $0xFFFFC000  }
0x232: {  	[tilespmem:s5], [sflag:$0x1] =	stream.indirect.gather [hbm4b:s8+s12], $0x80, s23, s12, $0xb8;
	[tilespmem:$0x1D800] =	vst v63  }
0x233: {  	s25 =	simm.s32 $0x1280  }
0x234: {  	[spmem:s3] =	stream.indirect.scatter.add.f32 [tilespmem:s13], [sflag:$0x3], $0x80, s25, s12, $0xb8;
	[tilespmem:$0x1D800] =	vst v63  }
0x235: {  	_ =	swait.ge [sflag:s4], $0x4000  }
0x236: {  	[sflag:s4] =	ssyncset.done $0x0  }
0x237: {  	[sflag:s4] =	ssyncadd.s32 $0xFFFFC000  }
0x238: {  	_ =	swait.ge [sflag:s15], $0x4000  }
0x239: {  	[sflag:s15] =	ssyncset.done $0x0  }
0x23a: {  	s30 =	simm.s32 $0x780;
	[sflag:s15] =	ssyncadd.s32 $0xFFFFC000  }
0x23b: {  	[tilespmem:s13], [sflag:$0x2] =	stream.indirect.gather [hbm4b:s8+s12], $0x80, s30, s12, $0xb8;
	[tilespmem:$0x1D800] =	vst v63  }
0x23c: {  	s23 =	simm.s32 $0x1300  }
0x23d: {  	[spmem:s3] =	stream.indirect.scatter.add.f32 [tilespmem:s5], [sflag:$0x3], $0x80, s23, s12, $0xb8;
	[tilespmem:$0x1D800] =	vst v63  }
0x23e: {  	_ =	swait.ge [sflag:s4], $0x4000  }
0x23f: {  	[sflag:s4] =	ssyncset.done $0x0  }
0x240: {  	[sflag:s4] =	ssyncadd.s32 $0xFFFFC000  }
0x241: {  	_ =	swait.ge [sflag:s14], $0x4000  }
0x242: {  	[sflag:s14] =	ssyncset.done $0x0  }
0x243: {  	s25 =	simm.s32 $0x800;
	[sflag:s14] =	ssyncadd.s32 $0xFFFFC000  }
0x244: {  	[tilespmem:s5], [sflag:$0x1] =	stream.indirect.gather [hbm4b:s8+s12], $0x80, s25, s12, $0xb8;
	[tilespmem:$0x1D800] =	vst v63  }
0x245: {  	s23 =	simm.s32 $0x1380  }
0x246: {  	[spmem:s3] =	stream.indirect.scatter.add.f32 [tilespmem:s13], [sflag:$0x3], $0x80, s23, s12, $0xb8;
	[tilespmem:$0x1D800] =	vst v63  }
0x247: {  	_ =	swait.ge [sflag:s4], $0x4000  }
0x248: {  	[sflag:s4] =	ssyncset.done $0x0  }
0x249: {  	[sflag:s4] =	ssyncadd.s32 $0xFFFFC000  }
0x24a: {  	_ =	swait.ge [sflag:s15], $0x4000  }
0x24b: {  	[sflag:s15] =	ssyncset.done $0x0  }
0x24c: {  	s29 =	simm.s32 $0x880;
	[sflag:s15] =	ssyncadd.s32 $0xFFFFC000  }
0x24d: {  	[tilespmem:s13], [sflag:$0x2] =	stream.indirect.gather [hbm4b:s8+s12], $0x80, s29, s12, $0xb8;
	[tilespmem:$0x1D800] =	vst v63  }
0x24e: {  	s25 =	simm.s32 $0x1400  }
0x24f: {  	[spmem:s3] =	stream.indirect.scatter.add.f32 [tilespmem:s5], [sflag:$0x3], $0x80, s25, s12, $0xb8;
	[tilespmem:$0x1D800] =	vst v63  }
0x250: {  	_ =	swait.ge [sflag:s4], $0x4000  }
0x251: {  	[sflag:s4] =	ssyncset.done $0x0  }
0x252: {  	[sflag:s4] =	ssyncadd.s32 $0xFFFFC000  }
0x253: {  	_ =	swait.ge [sflag:s14], $0x4000  }
0x254: {  	[sflag:s14] =	ssyncset.done $0x0  }
0x255: {  	s28 =	simm.s32 $0x900;
	[sflag:s14] =	ssyncadd.s32 $0xFFFFC000  }
0x256: {  	[tilespmem:s5], [sflag:$0x1] =	stream.indirect.gather [hbm4b:s8+s12], $0x80, s28, s12, $0xb8;
	[tilespmem:$0x1D800] =	vst v63  }
0x257: {  	s28 =	simm.s32 $0x1480  }
0x258: {  	[spmem:s3] =	stream.indirect.scatter.add.f32 [tilespmem:s13], [sflag:$0x3], $0x80, s28, s12, $0xb8;
	[tilespmem:$0x1D800] =	vst v63  }
0x259: {  	_ =	swait.ge [sflag:s4], $0x4000  }
0x25a: {  	[sflag:s4] =	ssyncset.done $0x0  }
0x25b: {  	[sflag:s4] =	ssyncadd.s32 $0xFFFFC000  }
0x25c: {  	_ =	swait.ge [sflag:s15], $0x4000  }
0x25d: {  	[sflag:s15] =	ssyncset.done $0x0  }
0x25e: {  	s22 =	simm.s32 $0x980;
	[sflag:s15] =	ssyncadd.s32 $0xFFFFC000  }
0x25f: {  	[tilespmem:s13], [sflag:$0x2] =	stream.indirect.gather [hbm4b:s8+s12], $0x80, s22, s12, $0xb8;
	[tilespmem:$0x1D800] =	vst v63  }
0x260: {  	s22 =	simm.s32 $0x1500  }
0x261: {  	[spmem:s3] =	stream.indirect.scatter.add.f32 [tilespmem:s5], [sflag:$0x3], $0x80, s22, s12, $0xb8;
	[tilespmem:$0x1D800] =	vst v63  }
0x262: {  	_ =	swait.ge [sflag:s4], $0x4000  }
0x263: {  	[sflag:s4] =	ssyncset.done $0x0  }
0x264: {  	[sflag:s4] =	ssyncadd.s32 $0xFFFFC000  }
0x265: {  	_ =	swait.ge [sflag:s14], $0x4000  }
0x266: {  	[sflag:s14] =	ssyncset.done $0x0  }
0x267: {  	s22 =	simm.s32 $0x1580;
	[sflag:s14] =	ssyncadd.s32 $0xFFFFC000  }
0x268: {  	[spmem:s3] =	stream.indirect.scatter.add.f32 [tilespmem:s13], [sflag:$0x3], $0x80, s22, s12, $0xb8;
	[tilespmem:$0x1D800] =	vst v63  }
0x269: {  	_ =	swait.ge [sflag:s4], $0x4000  }
0x26a: {  	[sflag:s4] =	ssyncset.done $0x0  }
0x26b: {  	s6 =	rddreg [dreg:$0xb];
	[sflag:s4] =	ssyncadd.s32 $0xFFFFC000  }
0x26c: {  	[tilespmem:s2], [sflag:$0x3] =	stream.linear.gather [hbm4b:s6+s2], $0xA00, $0x38;
	[tilespmem:$0x1D800] =	vst v63  }
0x26d: {  	_ =	swait.ge [sflag:s4], $0xA00  }
0x26e: {  	[sflag:s4] =	ssyncset.done $0x0  }
0x26f: {  	s6 =	rddreg [dreg:$0xc];
	[sflag:s4] =	ssyncadd.s32 $0xFFFFF600  }
0x270: {  	[tilespmem:s0], [sflag:$0x3] =	stream.linear.gather [hbm4b:s6+s2], $0xA00, $0x38;
	[tilespmem:$0x1D800] =	vst v63  }
0x271: {  	_ =	swait.ge [sflag:s4], $0xA00  }
0x272: {  	[sflag:s4] =	ssyncset.done $0x0  }
0x273: {  	[sflag:s4] =	ssyncadd.s32 $0xFFFFF600  }
0x274: {  	[tilespmem:s5], [sflag:$0x1] =	stream.indirect.gather [hbm4b:s8+s12], $0x80, s2, s12, $0xb8;
	[tilespmem:$0x1D800] =	vst v63  }
0x275: {  	_ =	swait.ge [sflag:s15], $0x4000  }
0x276: {  	[sflag:s15] =	ssyncset.done $0x0  }
0x277: {  	[sflag:s15] =	ssyncadd.s32 $0xFFFFC000  }
0x278: {  	[tilespmem:s13], [sflag:$0x2] =	stream.indirect.gather [hbm4b:s8+s12], $0x80, s12, s12, $0xb8;
	[tilespmem:$0x1D800] =	vst v63  }
0x279: {  	_ = 	snop  }
0x27a: {  	[spmem:s3] =	stream.indirect.scatter.add.f32 [tilespmem:s5], [sflag:$0x3], $0x80, s0, s12, $0xb8;
	[tilespmem:$0x1D800] =	vst v63  }
0x27b: {  	_ =	swait.ge [sflag:s4], $0x4000  }
0x27c: {  	[sflag:s4] =	ssyncset.done $0x0  }
0x27d: {  	[sflag:s4] =	ssyncadd.s32 $0xFFFFC000  }
0x27e: {  	_ =	swait.ge [sflag:s14], $0x4000  }
0x27f: {  	[sflag:s14] =	ssyncset.done $0x0  }
0x280: {  	s21 =	simm.s32 $0x100;
	[sflag:s14] =	ssyncadd.s32 $0xFFFFC000  }
0x281: {  	[tilespmem:s5], [sflag:$0x1] =	stream.indirect.gather [hbm4b:s8+s12], $0x80, s21, s12, $0xb8;
	[tilespmem:$0x1D800] =	vst v63  }
0x282: {  	s6 =	simm.s32 $0xC80  }
0x283: {  	[spmem:s3] =	stream.indirect.scatter.add.f32 [tilespmem:s13], [sflag:$0x3], $0x80, s6, s12, $0xb8;
	[tilespmem:$0x1D800] =	vst v63  }
0x284: {  	_ =	swait.ge [sflag:s4], $0x4000  }
0x285: {  	[sflag:s4] =	ssyncset.done $0x0  }
0x286: {  	[sflag:s4] =	ssyncadd.s32 $0xFFFFC000  }
0x287: {  	_ =	swait.ge [sflag:s15], $0x4000  }
0x288: {  	[sflag:s15] =	ssyncset.done $0x0  }
0x289: {  	s21 =	simm.s32 $0x180;
	[sflag:s15] =	ssyncadd.s32 $0xFFFFC000  }
0x28a: {  	[tilespmem:s13], [sflag:$0x2] =	stream.indirect.gather [hbm4b:s8+s12], $0x80, s21, s12, $0xb8;
	[tilespmem:$0x1D800] =	vst v63  }
0x28b: {  	s24 =	simm.s32 $0xD00  }
0x28c: {  	[spmem:s3] =	stream.indirect.scatter.add.f32 [tilespmem:s5], [sflag:$0x3], $0x80, s24, s12, $0xb8;
	[tilespmem:$0x1D800] =	vst v63  }
0x28d: {  	_ =	swait.ge [sflag:s4], $0x4000  }
0x28e: {  	[sflag:s4] =	ssyncset.done $0x0  }
0x28f: {  	[sflag:s4] =	ssyncadd.s32 $0xFFFFC000  }
0x290: {  	_ =	swait.ge [sflag:s14], $0x4000  }
0x291: {  	[sflag:s14] =	ssyncset.done $0x0  }
0x292: {  	s19 =	simm.s32 $0x200;
	[sflag:s14] =	ssyncadd.s32 $0xFFFFC000  }
0x293: {  	[tilespmem:s5], [sflag:$0x1] =	stream.indirect.gather [hbm4b:s8+s12], $0x80, s19, s12, $0xb8;
	[tilespmem:$0x1D800] =	vst v63  }
0x294: {  	s6 =	simm.s32 $0xD80  }
0x295: {  	[spmem:s3] =	stream.indirect.scatter.add.f32 [tilespmem:s13], [sflag:$0x3], $0x80, s6, s12, $0xb8;
	[tilespmem:$0x1D800] =	vst v63  }
0x296: {  	_ =	swait.ge [sflag:s4], $0x4000  }
0x297: {  	[sflag:s4] =	ssyncset.done $0x0  }
0x298: {  	[sflag:s4] =	ssyncadd.s32 $0xFFFFC000  }
0x299: {  	_ =	swait.ge [sflag:s15], $0x4000  }
0x29a: {  	[sflag:s15] =	ssyncset.done $0x0  }
0x29b: {  	s1 =	simm.s32 $0x280;
	[sflag:s15] =	ssyncadd.s32 $0xFFFFC000  }
0x29c: {  	[tilespmem:s13], [sflag:$0x2] =	stream.indirect.gather [hbm4b:s8+s12], $0x80, s1, s12, $0xb8;
	[tilespmem:$0x1D800] =	vst v63  }
0x29d: {  	s16 =	simm.s32 $0xE00  }
0x29e: {  	[spmem:s3] =	stream.indirect.scatter.add.f32 [tilespmem:s5], [sflag:$0x3], $0x80, s16, s12, $0xb8;
	[tilespmem:$0x1D800] =	vst v63  }
0x29f: {  	_ =	swait.ge [sflag:s4], $0x4000  }
0x2a0: {  	[sflag:s4] =	ssyncset.done $0x0  }
0x2a1: {  	[sflag:s4] =	ssyncadd.s32 $0xFFFFC000  }
0x2a2: {  	_ =	swait.ge [sflag:s14], $0x4000  }
0x2a3: {  	[sflag:s14] =	ssyncset.done $0x0  }
0x2a4: {  	s16 =	simm.s32 $0x300;
	[sflag:s14] =	ssyncadd.s32 $0xFFFFC000  }
0x2a5: {  	[tilespmem:s5], [sflag:$0x1] =	stream.indirect.gather [hbm4b:s8+s12], $0x80, s16, s12, $0xb8;
	[tilespmem:$0x1D800] =	vst v63  }
0x2a6: {  	s19 =	simm.s32 $0xE80  }
0x2a7: {  	[spmem:s3] =	stream.indirect.scatter.add.f32 [tilespmem:s13], [sflag:$0x3], $0x80, s19, s12, $0xb8;
	[tilespmem:$0x1D800] =	vst v63  }
0x2a8: {  	_ =	swait.ge [sflag:s4], $0x4000  }
0x2a9: {  	[sflag:s4] =	ssyncset.done $0x0  }
0x2aa: {  	[sflag:s4] =	ssyncadd.s32 $0xFFFFC000  }
0x2ab: {  	_ =	swait.ge [sflag:s15], $0x4000  }
0x2ac: {  	[sflag:s15] =	ssyncset.done $0x0  }
0x2ad: {  	s11 =	simm.s32 $0x380;
	[sflag:s15] =	ssyncadd.s32 $0xFFFFC000  }
0x2ae: {  	[tilespmem:s13], [sflag:$0x2] =	stream.indirect.gather [hbm4b:s8+s12], $0x80, s11, s12, $0xb8;
	[tilespmem:$0x1D800] =	vst v63  }
0x2af: {  	s17 =	simm.s32 $0xF00  }
0x2b0: {  	[spmem:s3] =	stream.indirect.scatter.add.f32 [tilespmem:s5], [sflag:$0x3], $0x80, s17, s12, $0xb8;
	[tilespmem:$0x1D800] =	vst v63  }
0x2b1: {  	_ =	swait.ge [sflag:s4], $0x4000  }
0x2b2: {  	[sflag:s4] =	ssyncset.done $0x0  }
0x2b3: {  	[sflag:s4] =	ssyncadd.s32 $0xFFFFC000  }
0x2b4: {  	_ =	swait.ge [sflag:s14], $0x4000  }
0x2b5: {  	[sflag:s14] =	ssyncset.done $0x0  }
0x2b6: {  	s21 =	simm.s32 $0x400;
	[sflag:s14] =	ssyncadd.s32 $0xFFFFC000  }
0x2b7: {  	[tilespmem:s5], [sflag:$0x1] =	stream.indirect.gather [hbm4b:s8+s12], $0x80, s21, s12, $0xb8;
	[tilespmem:$0x1D800] =	vst v63  }
0x2b8: {  	s7 =	simm.s32 $0xF80  }
0x2b9: {  	[spmem:s3] =	stream.indirect.scatter.add.f32 [tilespmem:s13], [sflag:$0x3], $0x80, s7, s12, $0xb8;
	[tilespmem:$0x1D800] =	vst v63  }
0x2ba: {  	_ =	swait.ge [sflag:s4], $0x4000  }
0x2bb: {  	[sflag:s4] =	ssyncset.done $0x0  }
0x2bc: {  	[sflag:s4] =	ssyncadd.s32 $0xFFFFC000  }
0x2bd: {  	_ =	swait.ge [sflag:s15], $0x4000  }
0x2be: {  	[sflag:s15] =	ssyncset.done $0x0  }
0x2bf: {  	s10 =	simm.s32 $0x480;
	[sflag:s15] =	ssyncadd.s32 $0xFFFFC000  }
0x2c0: {  	[tilespmem:s13], [sflag:$0x2] =	stream.indirect.gather [hbm4b:s8+s12], $0x80, s10, s12, $0xb8;
	[tilespmem:$0x1D800] =	vst v63  }
0x2c1: {  	s18 =	simm.s32 $0x1000  }
0x2c2: {  	[spmem:s3] =	stream.indirect.scatter.add.f32 [tilespmem:s5], [sflag:$0x3], $0x80, s18, s12, $0xb8;
	[tilespmem:$0x1D800] =	vst v63  }
0x2c3: {  	_ =	swait.ge [sflag:s4], $0x4000  }
0x2c4: {  	[sflag:s4] =	ssyncset.done $0x0  }
0x2c5: {  	[sflag:s4] =	ssyncadd.s32 $0xFFFFC000  }
0x2c6: {  	_ =	swait.ge [sflag:s14], $0x4000  }
0x2c7: {  	[sflag:s14] =	ssyncset.done $0x0  }
0x2c8: {  	s24 =	simm.s32 $0x500;
	[sflag:s14] =	ssyncadd.s32 $0xFFFFC000  }
0x2c9: {  	[tilespmem:s5], [sflag:$0x1] =	stream.indirect.gather [hbm4b:s8+s12], $0x80, s24, s12, $0xb8;
	[tilespmem:$0x1D800] =	vst v63  }
0x2ca: {  	s9 =	simm.s32 $0x1080  }
0x2cb: {  	[spmem:s3] =	stream.indirect.scatter.add.f32 [tilespmem:s13], [sflag:$0x3], $0x80, s9, s12, $0xb8;
	[tilespmem:$0x1D800] =	vst v63  }
0x2cc: {  	_ =	swait.ge [sflag:s4], $0x4000  }
0x2cd: {  	[sflag:s4] =	ssyncset.done $0x0  }
0x2ce: {  	[sflag:s4] =	ssyncadd.s32 $0xFFFFC000  }
0x2cf: {  	_ =	swait.ge [sflag:s15], $0x4000  }
0x2d0: {  	[sflag:s15] =	ssyncset.done $0x0  }
0x2d1: {  	s1 =	simm.s32 $0x580;
	[sflag:s15] =	ssyncadd.s32 $0xFFFFC000  }
0x2d2: {  	[tilespmem:s13], [sflag:$0x2] =	stream.indirect.gather [hbm4b:s8+s12], $0x80, s1, s12, $0xb8;
	[tilespmem:$0x1D800] =	vst v63  }
0x2d3: {  	s6 =	simm.s32 $0x1100  }
0x2d4: {  	[spmem:s3] =	stream.indirect.scatter.add.f32 [tilespmem:s5], [sflag:$0x3], $0x80, s6, s12, $0xb8;
	[tilespmem:$0x1D800] =	vst v63  }
0x2d5: {  	_ =	swait.ge [sflag:s4], $0x4000  }
0x2d6: {  	[sflag:s4] =	ssyncset.done $0x0  }
0x2d7: {  	[sflag:s4] =	ssyncadd.s32 $0xFFFFC000  }
0x2d8: {  	_ =	swait.ge [sflag:s14], $0x4000  }
0x2d9: {  	[sflag:s14] =	ssyncset.done $0x0  }
0x2da: {  	s20 =	simm.s32 $0x600;
	[sflag:s14] =	ssyncadd.s32 $0xFFFFC000  }
0x2db: {  	[tilespmem:s5], [sflag:$0x1] =	stream.indirect.gather [hbm4b:s8+s12], $0x80, s20, s12, $0xb8;
	[tilespmem:$0x1D800] =	vst v63  }
0x2dc: {  	s7 =	simm.s32 $0x1180  }
0x2dd: {  	[spmem:s3] =	stream.indirect.scatter.add.f32 [tilespmem:s13], [sflag:$0x3], $0x80, s7, s12, $0xb8;
	[tilespmem:$0x1D800] =	vst v63  }
0x2de: {  	_ =	swait.ge [sflag:s4], $0x4000  }
0x2df: {  	[sflag:s4] =	ssyncset.done $0x0  }
0x2e0: {  	[sflag:s4] =	ssyncadd.s32 $0xFFFFC000  }
0x2e1: {  	_ =	swait.ge [sflag:s15], $0x4000  }
0x2e2: {  	[sflag:s15] =	ssyncset.done $0x0  }
0x2e3: {  	s31 =	simm.s32 $0x680;
	[sflag:s15] =	ssyncadd.s32 $0xFFFFC000  }
0x2e4: {  	[tilespmem:s13], [sflag:$0x2] =	stream.indirect.gather [hbm4b:s8+s12], $0x80, s31, s12, $0xb8;
	[tilespmem:$0x1D800] =	vst v63  }
0x2e5: {  	s9 =	simm.s32 $0x1200  }
0x2e6: {  	[spmem:s3] =	stream.indirect.scatter.add.f32 [tilespmem:s5], [sflag:$0x3], $0x80, s9, s12, $0xb8;
	[tilespmem:$0x1D800] =	vst v63  }
0x2e7: {  	_ =	swait.ge [sflag:s4], $0x4000  }
0x2e8: {  	[sflag:s4] =	ssyncset.done $0x0  }
0x2e9: {  	[sflag:s4] =	ssyncadd.s32 $0xFFFFC000  }
0x2ea: {  	_ =	swait.ge [sflag:s14], $0x4000  }
0x2eb: {  	[sflag:s14] =	ssyncset.done $0x0  }
0x2ec: {  	s26 =	simm.s32 $0x700;
	[sflag:s14] =	ssyncadd.s32 $0xFFFFC000  }
0x2ed: {  	[tilespmem:s5], [sflag:$0x1] =	stream.indirect.gather [hbm4b:s8+s12], $0x80, s26, s12, $0xb8;
	[tilespmem:$0x1D800] =	vst v63  }
0x2ee: {  	s10 =	simm.s32 $0x1280  }
0x2ef: {  	[spmem:s3] =	stream.indirect.scatter.add.f32 [tilespmem:s13], [sflag:$0x3], $0x80, s10, s12, $0xb8;
	[tilespmem:$0x1D800] =	vst v63  }
0x2f0: {  	_ =	swait.ge [sflag:s4], $0x4000  }
0x2f1: {  	[sflag:s4] =	ssyncset.done $0x0  }
0x2f2: {  	[sflag:s4] =	ssyncadd.s32 $0xFFFFC000  }
0x2f3: {  	_ =	swait.ge [sflag:s15], $0x4000  }
0x2f4: {  	[sflag:s15] =	ssyncset.done $0x0  }
0x2f5: {  	s30 =	simm.s32 $0x780;
	[sflag:s15] =	ssyncadd.s32 $0xFFFFC000  }
0x2f6: {  	[tilespmem:s13], [sflag:$0x2] =	stream.indirect.gather [hbm4b:s8+s12], $0x80, s30, s12, $0xb8;
	[tilespmem:$0x1D800] =	vst v63  }
0x2f7: {  	s11 =	simm.s32 $0x1300  }
0x2f8: {  	[spmem:s3] =	stream.indirect.scatter.add.f32 [tilespmem:s5], [sflag:$0x3], $0x80, s11, s12, $0xb8;
	[tilespmem:$0x1D800] =	vst v63  }
0x2f9: {  	_ =	swait.ge [sflag:s4], $0x4000  }
0x2fa: {  	[sflag:s4] =	ssyncset.done $0x0  }
0x2fb: {  	[sflag:s4] =	ssyncadd.s32 $0xFFFFC000  }
0x2fc: {  	_ =	swait.ge [sflag:s14], $0x4000  }
0x2fd: {  	[sflag:s14] =	ssyncset.done $0x0  }
0x2fe: {  	s16 =	simm.s32 $0x800;
	[sflag:s14] =	ssyncadd.s32 $0xFFFFC000  }
0x2ff: {  	[tilespmem:s5], [sflag:$0x1] =	stream.indirect.gather [hbm4b:s8+s12], $0x80, s16, s12, $0xb8;
	[tilespmem:$0x1D800] =	vst v63  }
0x300: {  	s17 =	simm.s32 $0x1380  }
0x301: {  	[spmem:s3] =	stream.indirect.scatter.add.f32 [tilespmem:s13], [sflag:$0x3], $0x80, s17, s12, $0xb8;
	[tilespmem:$0x1D800] =	vst v63  }
0x302: {  	_ =	swait.ge [sflag:s4], $0x4000  }
0x303: {  	[sflag:s4] =	ssyncset.done $0x0  }
0x304: {  	[sflag:s4] =	ssyncadd.s32 $0xFFFFC000  }
0x305: {  	_ =	swait.ge [sflag:s15], $0x4000  }
0x306: {  	[sflag:s15] =	ssyncset.done $0x0  }
0x307: {  	s29 =	simm.s32 $0x880;
	[sflag:s15] =	ssyncadd.s32 $0xFFFFC000  }
0x308: {  	[tilespmem:s13], [sflag:$0x2] =	stream.indirect.gather [hbm4b:s8+s12], $0x80, s29, s12, $0xb8;
	[tilespmem:$0x1D800] =	vst v63  }
0x309: {  	s18 =	simm.s32 $0x1400  }
0x30a: {  	[spmem:s3] =	stream.indirect.scatter.add.f32 [tilespmem:s5], [sflag:$0x3], $0x80, s18, s12, $0xb8;
	[tilespmem:$0x1D800] =	vst v63  }
0x30b: {  	_ =	swait.ge [sflag:s4], $0x4000  }
0x30c: {  	[sflag:s4] =	ssyncset.done $0x0  }
0x30d: {  	[sflag:s4] =	ssyncadd.s32 $0xFFFFC000  }
0x30e: {  	_ =	swait.ge [sflag:s14], $0x4000  }
0x30f: {  	[sflag:s14] =	ssyncset.done $0x0  }
0x310: {  	s23 =	simm.s32 $0x900;
	[sflag:s14] =	ssyncadd.s32 $0xFFFFC000  }
0x311: {  	[tilespmem:s5], [sflag:$0x1] =	stream.indirect.gather [hbm4b:s8+s12], $0x80, s23, s12, $0xb8;
	[tilespmem:$0x1D800] =	vst v63  }
0x312: {  	s28 =	simm.s32 $0x1480  }
0x313: {  	[spmem:s3] =	stream.indirect.scatter.add.f32 [tilespmem:s13], [sflag:$0x3], $0x80, s28, s12, $0xb8;
	[tilespmem:$0x1D800] =	vst v63  }
0x314: {  	_ =	swait.ge [sflag:s4], $0x4000  }
0x315: {  	[sflag:s4] =	ssyncset.done $0x0  }
0x316: {  	[sflag:s4] =	ssyncadd.s32 $0xFFFFC000  }
0x317: {  	_ =	swait.ge [sflag:s15], $0x4000  }
0x318: {  	[sflag:s15] =	ssyncset.done $0x0  }
0x319: {  	s25 =	simm.s32 $0x980;
	[sflag:s15] =	ssyncadd.s32 $0xFFFFC000  }
0x31a: {  	[tilespmem:s13], [sflag:$0x2] =	stream.indirect.gather [hbm4b:s8+s12], $0x80, s25, s12, $0xb8;
	[tilespmem:$0x1D800] =	vst v63  }
0x31b: {  	s19 =	simm.s32 $0x1500  }
0x31c: {  	[spmem:s3] =	stream.indirect.scatter.add.f32 [tilespmem:s5], [sflag:$0x3], $0x80, s19, s12, $0xb8;
	[tilespmem:$0x1D800] =	vst v63  }
0x31d: {  	_ =	swait.ge [sflag:s4], $0x4000  }
0x31e: {  	[sflag:s4] =	ssyncset.done $0x0  }
0x31f: {  	[sflag:s4] =	ssyncadd.s32 $0xFFFFC000  }
0x320: {  	_ =	swait.ge [sflag:s14], $0x4000  }
0x321: {  	[sflag:s14] =	ssyncset.done $0x0  }
0x322: {  	s22 =	simm.s32 $0x1580;
	[sflag:s14] =	ssyncadd.s32 $0xFFFFC000  }
0x323: {  	[spmem:s3] =	stream.indirect.scatter.add.f32 [tilespmem:s13], [sflag:$0x3], $0x80, s22, s12, $0xb8;
	[tilespmem:$0x1D800] =	vst v63  }
0x324: {  	_ =	swait.ge [sflag:s4], $0x4000  }
0x325: {  	[sflag:s4] =	ssyncset.done $0x0  }
0x326: {  	[sflag:s4] =	ssyncadd.s32 $0xFFFFC000  }
0x327: {  	[bflag:$0x0] =	sbarrier.arrive $0xFFFF  }
0x328: {  	s20 =	rddreg [dreg:$0x12]  }
0x329: {  	[tilespmem:s5], [sflag:$0x3] =	stream.linear.gather [spmem:s20], $0x4000, $0x38;
	[tilespmem:$0x1D800] =	vst v63  }
0x32a: {  	_ =	swait.ge [sflag:s4], $0x4000  }
0x32b: {  	[sflag:s4] =	ssyncset.done $0x0  }
0x32c: {  	s21 =	rddreg [dreg:$0xd];
	[sflag:s4] =	ssyncadd.s32 $0xFFFFC000  }
0x32d: {  	[hbm4b:s21+s2] =	stream.linear.scatter [tilespmem:s5], [sflag:$0x3], $0x4000, $0x38;
	[tilespmem:$0x1D800] =	vst v63  }
0x32e: {  	_ =	swait.ge [sflag:s4], $0x4000  }
0x32f: {  	[sflag:s4] =	ssyncset.done $0x0  }
0x330: {  	s22 =	rddreg [dreg:$0x13];
	[sflag:s4] =	ssyncadd.s32 $0xFFFFC000  }
0x331: {  	[tilespmem:s5], [sflag:$0x3] =	stream.linear.gather [spmem:s22], $0x4000, $0x38;
	[tilespmem:$0x1D800] =	vst v63  }
0x332: {  	_ =	swait.ge [sflag:s4], $0x4000  }
0x333: {  	[sflag:s4] =	ssyncset.done $0x0  }
0x334: {  	s23 =	rddreg [dreg:$0xe];
	[sflag:s4] =	ssyncadd.s32 $0xFFFFC000  }
0x335: {  	[hbm4b:s23+s2] =	stream.linear.scatter [tilespmem:s5], [sflag:$0x3], $0x4000, $0x38;
	[tilespmem:$0x1D800] =	vst v63  }
0x336: {  	_ =	swait.ge [sflag:s4], $0x4000  }
0x337: {  	[sflag:s4] =	ssyncset.done $0x0  }
0x338: {  	s24 =	rddreg [dreg:$0x15];
	[sflag:s4] =	ssyncadd.s32 $0xFFFFC000  }
0x339: {  	[tilespmem:s5], [sflag:$0x3] =	stream.linear.gather [spmem:s24], $0x4000, $0x38;
	[tilespmem:$0x1D800] =	vst v63  }
0x33a: {  	_ =	swait.ge [sflag:s4], $0x4000  }
0x33b: {  	[sflag:s4] =	ssyncset.done $0x0  }
0x33c: {  	s25 =	rddreg [dreg:$0xf];
	[sflag:s4] =	ssyncadd.s32 $0xFFFFC000  }
0x33d: {  	[hbm4b:s25+s2] =	stream.linear.scatter [tilespmem:s5], [sflag:$0x3], $0x4000, $0x38;
	[tilespmem:$0x1D800] =	vst v63  }
0x33e: {  	_ =	swait.ge [sflag:s4], $0x4000  }
0x33f: {  	[sflag:s4] =	ssyncset.done $0x0  }
0x340: {  	s26 =	rddreg [dreg:$0x16];
	[sflag:s4] =	ssyncadd.s32 $0xFFFFC000  }
0x341: {  	[tilespmem:s5], [sflag:$0x3] =	stream.linear.gather [spmem:s26], $0x4000, $0x38;
	[tilespmem:$0x1D800] =	vst v63  }
0x342: {  	_ =	swait.ge [sflag:s4], $0x4000  }
0x343: {  	[sflag:s4] =	ssyncset.done $0x0  }
0x344: {  	s28 =	rddreg [dreg:$0x10];
	[sflag:s4] =	ssyncadd.s32 $0xFFFFC000  }
0x345: {  	[hbm4b:s28+s2] =	stream.linear.scatter [tilespmem:s5], [sflag:$0x3], $0x4000, $0x38;
	[tilespmem:$0x1D800] =	vst v63  }
0x346: {  	_ =	swait.ge [sflag:s4], $0x4000  }
0x347: {  	[sflag:s4] =	ssyncset.done $0x0  }
0x348: {  	s29 =	rddreg [dreg:$0x14];
	[sflag:s4] =	ssyncadd.s32 $0xFFFFC000  }
0x349: {  	[tilespmem:s5], [sflag:$0x3] =	stream.linear.gather [spmem:s29], $0x4000, $0x38;
	[tilespmem:$0x1D800] =	vst v63  }
0x34a: {  	_ =	swait.ge [sflag:s4], $0x4000  }
0x34b: {  	s31 =	rddreg [dreg:$0x17]  }
0x34c: {  	p1 =	sne.s32 s31, $0x1  }
.Ltmp1:
0x34d: {  	[sflag:s4] =	ssyncset.done $0x0;
	(pc) =	sbr.rel @!p1 .LBB2_3-.Ltmp1, $4  }
0x34e: {  	s30 =	rddreg [dreg:$0x11];
	[sflag:s4] =	ssyncadd.s32 $0xFFFFC000  }
0x34f: {  	[hbm4b:s30+s2] =	stream.linear.scatter [tilespmem:s5], [sflag:$0x3], $0x4000, $0x38;
	[tilespmem:$0x1D800] =	vst v63  }
0x350: {  	p0 =	por $0x1, $0x1;
	_ =	swait.ge [sflag:s4], $0x4000  }
0x351: {  	s1 =	sadd.s32 $0xFFFFFFFF, s31;
	s6 =	rddreg [dreg:$0x4];
	[sflag:s4] =	ssyncset.done $0x0  }
.LBB2_4:
0x352: {  	[sflag:s4] =	ssyncadd.s32 $0xFFFFC000  }
0x353: {  	[tilespmem:s5], [sflag:$0x3] =	stream.linear.gather [hbm4b:s6+s2], $0x4000, $0x38;
	[tilespmem:$0x1D800] =	vst v63  }
0x354: {  	_ =	swait.ge [sflag:s4], $0x4000  }
0x355: {  	[sflag:s4] =	ssyncset.done $0x0  }
0x356: {  	s0 =	rddreg [dreg:$0x12];
	[sflag:s4] =	ssyncadd.s32 $0xFFFFC000  }
0x357: {  	[spmem:s0] =	stream.linear.scatter [tilespmem:s5], [sflag:$0x3], $0x4000, $0x38;
	[tilespmem:$0x1D800] =	vst v63  }
0x358: {  	_ =	swait.ge [sflag:s4], $0x4000  }
0x359: {  	[sflag:s4] =	ssyncset.done $0x0  }
0x35a: {  	s30 =	rddreg [dreg:$0x13];
	[sflag:s4] =	ssyncadd.s32 $0xFFFFC000  }
0x35b: {  	[spmem:s30] =	stream.linear.scatter [tilespmem:s5], [sflag:$0x3], $0x4000, $0x38;
	[tilespmem:$0x1D800] =	vst v63  }
0x35c: {  	_ =	swait.ge [sflag:s4], $0x4000  }
0x35d: {  	[sflag:s4] =	ssyncset.done $0x0  }
0x35e: {  	s31 =	rddreg [dreg:$0x15];
	[sflag:s4] =	ssyncadd.s32 $0xFFFFC000  }
0x35f: {  	[spmem:s31] =	stream.linear.scatter [tilespmem:s5], [sflag:$0x3], $0x4000, $0x38;
	[tilespmem:$0x1D800] =	vst v63  }
0x360: {  	_ =	swait.ge [sflag:s4], $0x4000  }
0x361: {  	[sflag:s4] =	ssyncset.done $0x0  }
0x362: {  	s6 =	rddreg [dreg:$0x16];
	[sflag:s4] =	ssyncadd.s32 $0xFFFFC000  }
0x363: {  	[spmem:s6] =	stream.linear.scatter [tilespmem:s5], [sflag:$0x3], $0x4000, $0x38;
	[tilespmem:$0x1D800] =	vst v63  }
0x364: {  	_ =	swait.ge [sflag:s4], $0x4000  }
0x365: {  	[sflag:s4] =	ssyncset.done $0x0  }
0x366: {  	s7 =	rddreg [dreg:$0x14];
	[sflag:s4] =	ssyncadd.s32 $0xFFFFC000  }
0x367: {  	[spmem:s7] =	stream.linear.scatter [tilespmem:s5], [sflag:$0x3], $0x4000, $0x38;
	[tilespmem:$0x1D800] =	vst v63  }
0x368: {  	_ =	swait.ge [sflag:s4], $0x4000  }
0x369: {  	[sflag:s4] =	ssyncset.done $0x0  }
0x36a: {  	[sflag:s4] =	ssyncadd.s32 $0xFFFFC000  }
0x36b: {  	[bflag:$0x0] =	sbarrier.arrive $0xFFFF  }
0x36c: {  	s9 =	rddreg [dreg:$0x5]  }
0x36d: {  	[tilespmem:s2], [sflag:$0x3] =	stream.linear.gather [hbm4b:s9+s2], $0xA00, $0x38;
	[tilespmem:$0x1D800] =	vst v63  }
0x36e: {  	_ =	swait.ge [sflag:s4], $0xA00  }
0x36f: {  	[sflag:s4] =	ssyncset.done $0x0  }
0x370: {  	s0 =	simm.s32 $0xC00;
	s10 =	rddreg [dreg:$0x6];
	[sflag:s4] =	ssyncadd.s32 $0xFFFFF600  }
0x371: {  	[tilespmem:s0], [sflag:$0x3] =	stream.linear.gather [hbm4b:s10+s2], $0xA00, $0x38;
	[tilespmem:$0x1D800] =	vst v63  }
0x372: {  	_ =	swait.ge [sflag:s4], $0xA00  }
0x373: {  	[sflag:s4] =	ssyncset.done $0x0  }
0x374: {  	[sflag:s4] =	ssyncadd.s32 $0xFFFFF600  }
0x375: {  	[tilespmem:s5], [sflag:$0x1] =	stream.indirect.gather [hbm4b:s8+s12], $0x80, s2, s12, $0xb8;
	[tilespmem:$0x1D800] =	vst v63  }
0x376: {  	_ =	swait.ge [sflag:s15], $0x4000  }
0x377: {  	[sflag:s15] =	ssyncset.done $0x0  }
0x378: {  	[sflag:s15] =	ssyncadd.s32 $0xFFFFC000  }
0x379: {  	[tilespmem:s13], [sflag:$0x2] =	stream.indirect.gather [hbm4b:s8+s12], $0x80, s12, s12, $0xb8;
	[tilespmem:$0x1D800] =	vst v63  }
0x37a: {  	_ = 	snop  }
0x37b: {  	[spmem:s3] =	stream.indirect.scatter.add.f32 [tilespmem:s5], [sflag:$0x3], $0x80, s0, s12, $0xb8;
	[tilespmem:$0x1D800] =	vst v63  }
0x37c: {  	_ =	swait.ge [sflag:s4], $0x4000  }
0x37d: {  	[sflag:s4] =	ssyncset.done $0x0  }
0x37e: {  	[sflag:s4] =	ssyncadd.s32 $0xFFFFC000  }
0x37f: {  	_ =	swait.ge [sflag:s14], $0x4000  }
0x380: {  	[sflag:s14] =	ssyncset.done $0x0  }
0x381: {  	s11 =	simm.s32 $0x100;
	[sflag:s14] =	ssyncadd.s32 $0xFFFFC000  }
0x382: {  	[tilespmem:s5], [sflag:$0x1] =	stream.indirect.gather [hbm4b:s8+s12], $0x80, s11, s12, $0xb8;
	[tilespmem:$0x1D800] =	vst v63  }
0x383: {  	s16 =	simm.s32 $0xC80  }
0x384: {  	[spmem:s3] =	stream.indirect.scatter.add.f32 [tilespmem:s13], [sflag:$0x3], $0x80, s16, s12, $0xb8;
	[tilespmem:$0x1D800] =	vst v63  }
0x385: {  	_ =	swait.ge [sflag:s4], $0x4000  }
0x386: {  	[sflag:s4] =	ssyncset.done $0x0  }
0x387: {  	[sflag:s4] =	ssyncadd.s32 $0xFFFFC000  }
0x388: {  	_ =	swait.ge [sflag:s15], $0x4000  }
0x389: {  	[sflag:s15] =	ssyncset.done $0x0  }
0x38a: {  	s17 =	simm.s32 $0x180;
	[sflag:s15] =	ssyncadd.s32 $0xFFFFC000  }
0x38b: {  	[tilespmem:s13], [sflag:$0x2] =	stream.indirect.gather [hbm4b:s8+s12], $0x80, s17, s12, $0xb8;
	[tilespmem:$0x1D800] =	vst v63  }
0x38c: {  	s18 =	simm.s32 $0xD00  }
0x38d: {  	[spmem:s3] =	stream.indirect.scatter.add.f32 [tilespmem:s5], [sflag:$0x3], $0x80, s18, s12, $0xb8;
	[tilespmem:$0x1D800] =	vst v63  }
0x38e: {  	_ =	swait.ge [sflag:s4], $0x4000  }
0x38f: {  	[sflag:s4] =	ssyncset.done $0x0  }
0x390: {  	[sflag:s4] =	ssyncadd.s32 $0xFFFFC000  }
0x391: {  	_ =	swait.ge [sflag:s14], $0x4000  }
0x392: {  	[sflag:s14] =	ssyncset.done $0x0  }
0x393: {  	s19 =	simm.s32 $0x200;
	[sflag:s14] =	ssyncadd.s32 $0xFFFFC000  }
0x394: {  	[tilespmem:s5], [sflag:$0x1] =	stream.indirect.gather [hbm4b:s8+s12], $0x80, s19, s12, $0xb8;
	[tilespmem:$0x1D800] =	vst v63  }
0x395: {  	s20 =	simm.s32 $0xD80  }
0x396: {  	[spmem:s3] =	stream.indirect.scatter.add.f32 [tilespmem:s13], [sflag:$0x3], $0x80, s20, s12, $0xb8;
	[tilespmem:$0x1D800] =	vst v63  }
0x397: {  	_ =	swait.ge [sflag:s4], $0x4000  }
0x398: {  	[sflag:s4] =	ssyncset.done $0x0  }
0x399: {  	[sflag:s4] =	ssyncadd.s32 $0xFFFFC000  }
0x39a: {  	_ =	swait.ge [sflag:s15], $0x4000  }
0x39b: {  	[sflag:s15] =	ssyncset.done $0x0  }
0x39c: {  	s21 =	simm.s32 $0x280;
	[sflag:s15] =	ssyncadd.s32 $0xFFFFC000  }
0x39d: {  	[tilespmem:s13], [sflag:$0x2] =	stream.indirect.gather [hbm4b:s8+s12], $0x80, s21, s12, $0xb8;
	[tilespmem:$0x1D800] =	vst v63  }
0x39e: {  	s22 =	simm.s32 $0xE00  }
0x39f: {  	[spmem:s3] =	stream.indirect.scatter.add.f32 [tilespmem:s5], [sflag:$0x3], $0x80, s22, s12, $0xb8;
	[tilespmem:$0x1D800] =	vst v63  }
0x3a0: {  	_ =	swait.ge [sflag:s4], $0x4000  }
0x3a1: {  	[sflag:s4] =	ssyncset.done $0x0  }
0x3a2: {  	[sflag:s4] =	ssyncadd.s32 $0xFFFFC000  }
0x3a3: {  	_ =	swait.ge [sflag:s14], $0x4000  }
0x3a4: {  	[sflag:s14] =	ssyncset.done $0x0  }
0x3a5: {  	s23 =	simm.s32 $0x300;
	[sflag:s14] =	ssyncadd.s32 $0xFFFFC000  }
0x3a6: {  	[tilespmem:s5], [sflag:$0x1] =	stream.indirect.gather [hbm4b:s8+s12], $0x80, s23, s12, $0xb8;
	[tilespmem:$0x1D800] =	vst v63  }
0x3a7: {  	s24 =	simm.s32 $0xE80  }
0x3a8: {  	[spmem:s3] =	stream.indirect.scatter.add.f32 [tilespmem:s13], [sflag:$0x3], $0x80, s24, s12, $0xb8;
	[tilespmem:$0x1D800] =	vst v63  }
0x3a9: {  	_ =	swait.ge [sflag:s4], $0x4000  }
0x3aa: {  	[sflag:s4] =	ssyncset.done $0x0  }
0x3ab: {  	[sflag:s4] =	ssyncadd.s32 $0xFFFFC000  }
0x3ac: {  	_ =	swait.ge [sflag:s15], $0x4000  }
0x3ad: {  	[sflag:s15] =	ssyncset.done $0x0  }
0x3ae: {  	s25 =	simm.s32 $0x380;
	[sflag:s15] =	ssyncadd.s32 $0xFFFFC000  }
0x3af: {  	[tilespmem:s13], [sflag:$0x2] =	stream.indirect.gather [hbm4b:s8+s12], $0x80, s25, s12, $0xb8;
	[tilespmem:$0x1D800] =	vst v63  }
0x3b0: {  	s26 =	simm.s32 $0xF00  }
0x3b1: {  	[spmem:s3] =	stream.indirect.scatter.add.f32 [tilespmem:s5], [sflag:$0x3], $0x80, s26, s12, $0xb8;
	[tilespmem:$0x1D800] =	vst v63  }
0x3b2: {  	_ =	swait.ge [sflag:s4], $0x4000  }
0x3b3: {  	[sflag:s4] =	ssyncset.done $0x0  }
0x3b4: {  	[sflag:s4] =	ssyncadd.s32 $0xFFFFC000  }
0x3b5: {  	_ =	swait.ge [sflag:s14], $0x4000  }
0x3b6: {  	[sflag:s14] =	ssyncset.done $0x0  }
0x3b7: {  	s28 =	simm.s32 $0x400;
	[sflag:s14] =	ssyncadd.s32 $0xFFFFC000  }
0x3b8: {  	[tilespmem:s5], [sflag:$0x1] =	stream.indirect.gather [hbm4b:s8+s12], $0x80, s28, s12, $0xb8;
	[tilespmem:$0x1D800] =	vst v63  }
0x3b9: {  	s29 =	simm.s32 $0xF80  }
0x3ba: {  	[spmem:s3] =	stream.indirect.scatter.add.f32 [tilespmem:s13], [sflag:$0x3], $0x80, s29, s12, $0xb8;
	[tilespmem:$0x1D800] =	vst v63  }
0x3bb: {  	_ =	swait.ge [sflag:s4], $0x4000  }
0x3bc: {  	[sflag:s4] =	ssyncset.done $0x0  }
0x3bd: {  	[sflag:s4] =	ssyncadd.s32 $0xFFFFC000  }
0x3be: {  	_ =	swait.ge [sflag:s15], $0x4000  }
0x3bf: {  	[sflag:s15] =	ssyncset.done $0x0  }
0x3c0: {  	s30 =	simm.s32 $0x480;
	[sflag:s15] =	ssyncadd.s32 $0xFFFFC000  }
0x3c1: {  	[tilespmem:s13], [sflag:$0x2] =	stream.indirect.gather [hbm4b:s8+s12], $0x80, s30, s12, $0xb8;
	[tilespmem:$0x1D800] =	vst v63  }
0x3c2: {  	s7 =	simm.s32 $0x1000  }
0x3c3: {  	[spmem:s3] =	stream.indirect.scatter.add.f32 [tilespmem:s5], [sflag:$0x3], $0x80, s7, s12, $0xb8;
	[tilespmem:$0x1D800] =	vst v63  }
0x3c4: {  	_ =	swait.ge [sflag:s4], $0x4000  }
0x3c5: {  	[sflag:s4] =	ssyncset.done $0x0  }
0x3c6: {  	[sflag:s4] =	ssyncadd.s32 $0xFFFFC000  }
0x3c7: {  	_ =	swait.ge [sflag:s14], $0x4000  }
0x3c8: {  	[sflag:s14] =	ssyncset.done $0x0  }
0x3c9: {  	s9 =	simm.s32 $0x500;
	[sflag:s14] =	ssyncadd.s32 $0xFFFFC000  }
0x3ca: {  	[tilespmem:s5], [sflag:$0x1] =	stream.indirect.gather [hbm4b:s8+s12], $0x80, s9, s12, $0xb8;
	[tilespmem:$0x1D800] =	vst v63  }
0x3cb: {  	s10 =	simm.s32 $0x1080  }
0x3cc: {  	[spmem:s3] =	stream.indirect.scatter.add.f32 [tilespmem:s13], [sflag:$0x3], $0x80, s10, s12, $0xb8;
	[tilespmem:$0x1D800] =	vst v63  }
0x3cd: {  	_ =	swait.ge [sflag:s4], $0x4000  }
0x3ce: {  	[sflag:s4] =	ssyncset.done $0x0  }
0x3cf: {  	[sflag:s4] =	ssyncadd.s32 $0xFFFFC000  }
0x3d0: {  	_ =	swait.ge [sflag:s15], $0x4000  }
0x3d1: {  	[sflag:s15] =	ssyncset.done $0x0  }
0x3d2: {  	s11 =	simm.s32 $0x580;
	[sflag:s15] =	ssyncadd.s32 $0xFFFFC000  }
0x3d3: {  	[tilespmem:s13], [sflag:$0x2] =	stream.indirect.gather [hbm4b:s8+s12], $0x80, s11, s12, $0xb8;
	[tilespmem:$0x1D800] =	vst v63  }
0x3d4: {  	s16 =	simm.s32 $0x1100  }
0x3d5: {  	[spmem:s3] =	stream.indirect.scatter.add.f32 [tilespmem:s5], [sflag:$0x3], $0x80, s16, s12, $0xb8;
	[tilespmem:$0x1D800] =	vst v63  }
0x3d6: {  	_ =	swait.ge [sflag:s4], $0x4000  }
0x3d7: {  	[sflag:s4] =	ssyncset.done $0x0  }
0x3d8: {  	[sflag:s4] =	ssyncadd.s32 $0xFFFFC000  }
0x3d9: {  	_ =	swait.ge [sflag:s14], $0x4000  }
0x3da: {  	[sflag:s14] =	ssyncset.done $0x0  }
0x3db: {  	s17 =	simm.s32 $0x600;
	[sflag:s14] =	ssyncadd.s32 $0xFFFFC000  }
0x3dc: {  	[tilespmem:s5], [sflag:$0x1] =	stream.indirect.gather [hbm4b:s8+s12], $0x80, s17, s12, $0xb8;
	[tilespmem:$0x1D800] =	vst v63  }
0x3dd: {  	s18 =	simm.s32 $0x1180  }
0x3de: {  	[spmem:s3] =	stream.indirect.scatter.add.f32 [tilespmem:s13], [sflag:$0x3], $0x80, s18, s12, $0xb8;
	[tilespmem:$0x1D800] =	vst v63  }
0x3df: {  	_ =	swait.ge [sflag:s4], $0x4000  }
0x3e0: {  	[sflag:s4] =	ssyncset.done $0x0  }
0x3e1: {  	[sflag:s4] =	ssyncadd.s32 $0xFFFFC000  }
0x3e2: {  	_ =	swait.ge [sflag:s15], $0x4000  }
0x3e3: {  	[sflag:s15] =	ssyncset.done $0x0  }
0x3e4: {  	s19 =	simm.s32 $0x680;
	[sflag:s15] =	ssyncadd.s32 $0xFFFFC000  }
0x3e5: {  	[tilespmem:s13], [sflag:$0x2] =	stream.indirect.gather [hbm4b:s8+s12], $0x80, s19, s12, $0xb8;
	[tilespmem:$0x1D800] =	vst v63  }
0x3e6: {  	s20 =	simm.s32 $0x1200  }
0x3e7: {  	[spmem:s3] =	stream.indirect.scatter.add.f32 [tilespmem:s5], [sflag:$0x3], $0x80, s20, s12, $0xb8;
	[tilespmem:$0x1D800] =	vst v63  }
0x3e8: {  	_ =	swait.ge [sflag:s4], $0x4000  }
0x3e9: {  	[sflag:s4] =	ssyncset.done $0x0  }
0x3ea: {  	[sflag:s4] =	ssyncadd.s32 $0xFFFFC000  }
0x3eb: {  	_ =	swait.ge [sflag:s14], $0x4000  }
0x3ec: {  	[sflag:s14] =	ssyncset.done $0x0  }
0x3ed: {  	s21 =	simm.s32 $0x700;
	[sflag:s14] =	ssyncadd.s32 $0xFFFFC000  }
0x3ee: {  	[tilespmem:s5], [sflag:$0x1] =	stream.indirect.gather [hbm4b:s8+s12], $0x80, s21, s12, $0xb8;
	[tilespmem:$0x1D800] =	vst v63  }
0x3ef: {  	s22 =	simm.s32 $0x1280  }
0x3f0: {  	[spmem:s3] =	stream.indirect.scatter.add.f32 [tilespmem:s13], [sflag:$0x3], $0x80, s22, s12, $0xb8;
	[tilespmem:$0x1D800] =	vst v63  }
0x3f1: {  	_ =	swait.ge [sflag:s4], $0x4000  }
0x3f2: {  	[sflag:s4] =	ssyncset.done $0x0  }
0x3f3: {  	[sflag:s4] =	ssyncadd.s32 $0xFFFFC000  }
0x3f4: {  	_ =	swait.ge [sflag:s15], $0x4000  }
0x3f5: {  	[sflag:s15] =	ssyncset.done $0x0  }
0x3f6: {  	s23 =	simm.s32 $0x780;
	[sflag:s15] =	ssyncadd.s32 $0xFFFFC000  }
0x3f7: {  	[tilespmem:s13], [sflag:$0x2] =	stream.indirect.gather [hbm4b:s8+s12], $0x80, s23, s12, $0xb8;
	[tilespmem:$0x1D800] =	vst v63  }
0x3f8: {  	s24 =	simm.s32 $0x1300  }
0x3f9: {  	[spmem:s3] =	stream.indirect.scatter.add.f32 [tilespmem:s5], [sflag:$0x3], $0x80, s24, s12, $0xb8;
	[tilespmem:$0x1D800] =	vst v63  }
0x3fa: {  	_ =	swait.ge [sflag:s4], $0x4000  }
0x3fb: {  	[sflag:s4] =	ssyncset.done $0x0  }
0x3fc: {  	[sflag:s4] =	ssyncadd.s32 $0xFFFFC000  }
0x3fd: {  	_ =	swait.ge [sflag:s14], $0x4000  }
0x3fe: {  	[sflag:s14] =	ssyncset.done $0x0  }
0x3ff: {  	s25 =	simm.s32 $0x800;
	[sflag:s14] =	ssyncadd.s32 $0xFFFFC000  }
0x400: {  	[tilespmem:s5], [sflag:$0x1] =	stream.indirect.gather [hbm4b:s8+s12], $0x80, s25, s12, $0xb8;
	[tilespmem:$0x1D800] =	vst v63  }
0x401: {  	s26 =	simm.s32 $0x1380  }
0x402: {  	[spmem:s3] =	stream.indirect.scatter.add.f32 [tilespmem:s13], [sflag:$0x3], $0x80, s26, s12, $0xb8;
	[tilespmem:$0x1D800] =	vst v63  }
0x403: {  	_ =	swait.ge [sflag:s4], $0x4000  }
0x404: {  	[sflag:s4] =	ssyncset.done $0x0  }
0x405: {  	[sflag:s4] =	ssyncadd.s32 $0xFFFFC000  }
0x406: {  	_ =	swait.ge [sflag:s15], $0x4000  }
0x407: {  	[sflag:s15] =	ssyncset.done $0x0  }
0x408: {  	s28 =	simm.s32 $0x880;
	[sflag:s15] =	ssyncadd.s32 $0xFFFFC000  }
0x409: {  	[tilespmem:s13], [sflag:$0x2] =	stream.indirect.gather [hbm4b:s8+s12], $0x80, s28, s12, $0xb8;
	[tilespmem:$0x1D800] =	vst v63  }
0x40a: {  	s29 =	simm.s32 $0x1400  }
0x40b: {  	[spmem:s3] =	stream.indirect.scatter.add.f32 [tilespmem:s5], [sflag:$0x3], $0x80, s29, s12, $0xb8;
	[tilespmem:$0x1D800] =	vst v63  }
0x40c: {  	_ =	swait.ge [sflag:s4], $0x4000  }
0x40d: {  	[sflag:s4] =	ssyncset.done $0x0  }
0x40e: {  	[sflag:s4] =	ssyncadd.s32 $0xFFFFC000  }
0x40f: {  	_ =	swait.ge [sflag:s14], $0x4000  }
0x410: {  	[sflag:s14] =	ssyncset.done $0x0  }
0x411: {  	s30 =	simm.s32 $0x900;
	[sflag:s14] =	ssyncadd.s32 $0xFFFFC000  }
0x412: {  	[tilespmem:s5], [sflag:$0x1] =	stream.indirect.gather [hbm4b:s8+s12], $0x80, s30, s12, $0xb8;
	[tilespmem:$0x1D800] =	vst v63  }
0x413: {  	s10 =	simm.s32 $0x1480  }
0x414: {  	[spmem:s3] =	stream.indirect.scatter.add.f32 [tilespmem:s13], [sflag:$0x3], $0x80, s10, s12, $0xb8;
	[tilespmem:$0x1D800] =	vst v63  }
0x415: {  	_ =	swait.ge [sflag:s4], $0x4000  }
0x416: {  	[sflag:s4] =	ssyncset.done $0x0  }
0x417: {  	[sflag:s4] =	ssyncadd.s32 $0xFFFFC000  }
0x418: {  	_ =	swait.ge [sflag:s15], $0x4000  }
0x419: {  	[sflag:s15] =	ssyncset.done $0x0  }
0x41a: {  	s18 =	simm.s32 $0x980;
	[sflag:s15] =	ssyncadd.s32 $0xFFFFC000  }
0x41b: {  	[tilespmem:s13], [sflag:$0x2] =	stream.indirect.gather [hbm4b:s8+s12], $0x80, s18, s12, $0xb8;
	[tilespmem:$0x1D800] =	vst v63  }
0x41c: {  	s30 =	simm.s32 $0x1500  }
0x41d: {  	[spmem:s3] =	stream.indirect.scatter.add.f32 [tilespmem:s5], [sflag:$0x3], $0x80, s30, s12, $0xb8;
	[tilespmem:$0x1D800] =	vst v63  }
0x41e: {  	_ =	swait.ge [sflag:s4], $0x4000  }
0x41f: {  	[sflag:s4] =	ssyncset.done $0x0  }
0x420: {  	[sflag:s4] =	ssyncadd.s32 $0xFFFFC000  }
0x421: {  	_ =	swait.ge [sflag:s14], $0x4000  }
0x422: {  	[sflag:s14] =	ssyncset.done $0x0  }
0x423: {  	s10 =	simm.s32 $0x1580;
	[sflag:s14] =	ssyncadd.s32 $0xFFFFC000  }
0x424: {  	[spmem:s3] =	stream.indirect.scatter.add.f32 [tilespmem:s13], [sflag:$0x3], $0x80, s10, s12, $0xb8;
	[tilespmem:$0x1D800] =	vst v63  }
0x425: {  	_ =	swait.ge [sflag:s4], $0x4000  }
0x426: {  	[sflag:s4] =	ssyncset.done $0x0  }
0x427: {  	s6 =	rddreg [dreg:$0x7];
	[sflag:s4] =	ssyncadd.s32 $0xFFFFC000  }
0x428: {  	[tilespmem:s2], [sflag:$0x3] =	stream.linear.gather [hbm4b:s6+s2], $0xA00, $0x38;
	[tilespmem:$0x1D800] =	vst v63  }
0x429: {  	_ =	swait.ge [sflag:s4], $0xA00  }
0x42a: {  	[sflag:s4] =	ssyncset.done $0x0  }
0x42b: {  	s6 =	rddreg [dreg:$0x8];
	[sflag:s4] =	ssyncadd.s32 $0xFFFFF600  }
0x42c: {  	[tilespmem:s0], [sflag:$0x3] =	stream.linear.gather [hbm4b:s6+s2], $0xA00, $0x38;
	[tilespmem:$0x1D800] =	vst v63  }
0x42d: {  	_ =	swait.ge [sflag:s4], $0xA00  }
0x42e: {  	[sflag:s4] =	ssyncset.done $0x0  }
0x42f: {  	[sflag:s4] =	ssyncadd.s32 $0xFFFFF600  }
0x430: {  	[tilespmem:s5], [sflag:$0x1] =	stream.indirect.gather [hbm4b:s8+s12], $0x80, s2, s12, $0xb8;
	[tilespmem:$0x1D800] =	vst v63  }
0x431: {  	_ =	swait.ge [sflag:s15], $0x4000  }
0x432: {  	[sflag:s15] =	ssyncset.done $0x0  }
0x433: {  	[sflag:s15] =	ssyncadd.s32 $0xFFFFC000  }
0x434: {  	[tilespmem:s13], [sflag:$0x2] =	stream.indirect.gather [hbm4b:s8+s12], $0x80, s12, s12, $0xb8;
	[tilespmem:$0x1D800] =	vst v63  }
0x435: {  	_ = 	snop  }
0x436: {  	[spmem:s3] =	stream.indirect.scatter.add.f32 [tilespmem:s5], [sflag:$0x3], $0x80, s0, s12, $0xb8;
	[tilespmem:$0x1D800] =	vst v63  }
0x437: {  	_ =	swait.ge [sflag:s4], $0x4000  }
0x438: {  	[sflag:s4] =	ssyncset.done $0x0  }
0x439: {  	[sflag:s4] =	ssyncadd.s32 $0xFFFFC000  }
0x43a: {  	_ =	swait.ge [sflag:s14], $0x4000  }
0x43b: {  	[sflag:s14] =	ssyncset.done $0x0  }
0x43c: {  	s6 =	simm.s32 $0x100;
	[sflag:s14] =	ssyncadd.s32 $0xFFFFC000  }
0x43d: {  	[tilespmem:s5], [sflag:$0x1] =	stream.indirect.gather [hbm4b:s8+s12], $0x80, s6, s12, $0xb8;
	[tilespmem:$0x1D800] =	vst v63  }
0x43e: {  	s6 =	simm.s32 $0xC80  }
0x43f: {  	[spmem:s3] =	stream.indirect.scatter.add.f32 [tilespmem:s13], [sflag:$0x3], $0x80, s6, s12, $0xb8;
	[tilespmem:$0x1D800] =	vst v63  }
0x440: {  	_ =	swait.ge [sflag:s4], $0x4000  }
0x441: {  	[sflag:s4] =	ssyncset.done $0x0  }
0x442: {  	[sflag:s4] =	ssyncadd.s32 $0xFFFFC000  }
0x443: {  	_ =	swait.ge [sflag:s15], $0x4000  }
0x444: {  	[sflag:s15] =	ssyncset.done $0x0  }
0x445: {  	s6 =	simm.s32 $0x180;
	[sflag:s15] =	ssyncadd.s32 $0xFFFFC000  }
0x446: {  	[tilespmem:s13], [sflag:$0x2] =	stream.indirect.gather [hbm4b:s8+s12], $0x80, s6, s12, $0xb8;
	[tilespmem:$0x1D800] =	vst v63  }
0x447: {  	s6 =	simm.s32 $0xD00  }
0x448: {  	[spmem:s3] =	stream.indirect.scatter.add.f32 [tilespmem:s5], [sflag:$0x3], $0x80, s6, s12, $0xb8;
	[tilespmem:$0x1D800] =	vst v63  }
0x449: {  	_ =	swait.ge [sflag:s4], $0x4000  }
0x44a: {  	[sflag:s4] =	ssyncset.done $0x0  }
0x44b: {  	[sflag:s4] =	ssyncadd.s32 $0xFFFFC000  }
0x44c: {  	_ =	swait.ge [sflag:s14], $0x4000  }
0x44d: {  	[sflag:s14] =	ssyncset.done $0x0  }
0x44e: {  	s6 =	simm.s32 $0x200;
	[sflag:s14] =	ssyncadd.s32 $0xFFFFC000  }
0x44f: {  	[tilespmem:s5], [sflag:$0x1] =	stream.indirect.gather [hbm4b:s8+s12], $0x80, s6, s12, $0xb8;
	[tilespmem:$0x1D800] =	vst v63  }
0x450: {  	s6 =	simm.s32 $0xD80  }
0x451: {  	[spmem:s3] =	stream.indirect.scatter.add.f32 [tilespmem:s13], [sflag:$0x3], $0x80, s6, s12, $0xb8;
	[tilespmem:$0x1D800] =	vst v63  }
0x452: {  	_ =	swait.ge [sflag:s4], $0x4000  }
0x453: {  	[sflag:s4] =	ssyncset.done $0x0  }
0x454: {  	[sflag:s4] =	ssyncadd.s32 $0xFFFFC000  }
0x455: {  	_ =	swait.ge [sflag:s15], $0x4000  }
0x456: {  	[sflag:s15] =	ssyncset.done $0x0  }
0x457: {  	s31 =	simm.s32 $0x280;
	[sflag:s15] =	ssyncadd.s32 $0xFFFFC000  }
0x458: {  	[tilespmem:s13], [sflag:$0x2] =	stream.indirect.gather [hbm4b:s8+s12], $0x80, s31, s12, $0xb8;
	[tilespmem:$0x1D800] =	vst v63  }
0x459: {  	s31 =	simm.s32 $0xE00  }
0x45a: {  	[spmem:s3] =	stream.indirect.scatter.add.f32 [tilespmem:s5], [sflag:$0x3], $0x80, s31, s12, $0xb8;
	[tilespmem:$0x1D800] =	vst v63  }
0x45b: {  	_ =	swait.ge [sflag:s4], $0x4000  }
0x45c: {  	[sflag:s4] =	ssyncset.done $0x0  }
0x45d: {  	[sflag:s4] =	ssyncadd.s32 $0xFFFFC000  }
0x45e: {  	_ =	swait.ge [sflag:s14], $0x4000  }
0x45f: {  	[sflag:s14] =	ssyncset.done $0x0  }
0x460: {  	s31 =	simm.s32 $0x300;
	[sflag:s14] =	ssyncadd.s32 $0xFFFFC000  }
0x461: {  	[tilespmem:s5], [sflag:$0x1] =	stream.indirect.gather [hbm4b:s8+s12], $0x80, s31, s12, $0xb8;
	[tilespmem:$0x1D800] =	vst v63  }
0x462: {  	s31 =	simm.s32 $0xE80  }
0x463: {  	[spmem:s3] =	stream.indirect.scatter.add.f32 [tilespmem:s13], [sflag:$0x3], $0x80, s31, s12, $0xb8;
	[tilespmem:$0x1D800] =	vst v63  }
0x464: {  	_ =	swait.ge [sflag:s4], $0x4000  }
0x465: {  	[sflag:s4] =	ssyncset.done $0x0  }
0x466: {  	[sflag:s4] =	ssyncadd.s32 $0xFFFFC000  }
0x467: {  	_ =	swait.ge [sflag:s15], $0x4000  }
0x468: {  	[sflag:s15] =	ssyncset.done $0x0  }
0x469: {  	s31 =	simm.s32 $0x380;
	[sflag:s15] =	ssyncadd.s32 $0xFFFFC000  }
0x46a: {  	[tilespmem:s13], [sflag:$0x2] =	stream.indirect.gather [hbm4b:s8+s12], $0x80, s31, s12, $0xb8;
	[tilespmem:$0x1D800] =	vst v63  }
0x46b: {  	s31 =	simm.s32 $0xF00  }
0x46c: {  	[spmem:s3] =	stream.indirect.scatter.add.f32 [tilespmem:s5], [sflag:$0x3], $0x80, s31, s12, $0xb8;
	[tilespmem:$0x1D800] =	vst v63  }
0x46d: {  	_ =	swait.ge [sflag:s4], $0x4000  }
0x46e: {  	[sflag:s4] =	ssyncset.done $0x0  }
0x46f: {  	[sflag:s4] =	ssyncadd.s32 $0xFFFFC000  }
0x470: {  	_ =	swait.ge [sflag:s14], $0x4000  }
0x471: {  	[sflag:s14] =	ssyncset.done $0x0  }
0x472: {  	s31 =	simm.s32 $0x400;
	[sflag:s14] =	ssyncadd.s32 $0xFFFFC000  }
0x473: {  	[tilespmem:s5], [sflag:$0x1] =	stream.indirect.gather [hbm4b:s8+s12], $0x80, s31, s12, $0xb8;
	[tilespmem:$0x1D800] =	vst v63  }
0x474: {  	s31 =	simm.s32 $0xF80  }
0x475: {  	[spmem:s3] =	stream.indirect.scatter.add.f32 [tilespmem:s13], [sflag:$0x3], $0x80, s31, s12, $0xb8;
	[tilespmem:$0x1D800] =	vst v63  }
0x476: {  	_ =	swait.ge [sflag:s4], $0x4000  }
0x477: {  	[sflag:s4] =	ssyncset.done $0x0  }
0x478: {  	[sflag:s4] =	ssyncadd.s32 $0xFFFFC000  }
0x479: {  	_ =	swait.ge [sflag:s15], $0x4000  }
0x47a: {  	[sflag:s15] =	ssyncset.done $0x0  }
0x47b: {  	s31 =	simm.s32 $0x480;
	[sflag:s15] =	ssyncadd.s32 $0xFFFFC000  }
0x47c: {  	[tilespmem:s13], [sflag:$0x2] =	stream.indirect.gather [hbm4b:s8+s12], $0x80, s31, s12, $0xb8;
	[tilespmem:$0x1D800] =	vst v63  }
0x47d: {  	s31 =	simm.s32 $0x1000  }
0x47e: {  	[spmem:s3] =	stream.indirect.scatter.add.f32 [tilespmem:s5], [sflag:$0x3], $0x80, s31, s12, $0xb8;
	[tilespmem:$0x1D800] =	vst v63  }
0x47f: {  	_ =	swait.ge [sflag:s4], $0x4000  }
0x480: {  	[sflag:s4] =	ssyncset.done $0x0  }
0x481: {  	[sflag:s4] =	ssyncadd.s32 $0xFFFFC000  }
0x482: {  	_ =	swait.ge [sflag:s14], $0x4000  }
0x483: {  	[sflag:s14] =	ssyncset.done $0x0  }
0x484: {  	s31 =	simm.s32 $0x500;
	[sflag:s14] =	ssyncadd.s32 $0xFFFFC000  }
0x485: {  	[tilespmem:s5], [sflag:$0x1] =	stream.indirect.gather [hbm4b:s8+s12], $0x80, s31, s12, $0xb8;
	[tilespmem:$0x1D800] =	vst v63  }
0x486: {  	s31 =	simm.s32 $0x1080  }
0x487: {  	[spmem:s3] =	stream.indirect.scatter.add.f32 [tilespmem:s13], [sflag:$0x3], $0x80, s31, s12, $0xb8;
	[tilespmem:$0x1D800] =	vst v63  }
0x488: {  	_ =	swait.ge [sflag:s4], $0x4000  }
0x489: {  	[sflag:s4] =	ssyncset.done $0x0  }
0x48a: {  	[sflag:s4] =	ssyncadd.s32 $0xFFFFC000  }
0x48b: {  	_ =	swait.ge [sflag:s15], $0x4000  }
0x48c: {  	[sflag:s15] =	ssyncset.done $0x0  }
0x48d: {  	s31 =	simm.s32 $0x580;
	[sflag:s15] =	ssyncadd.s32 $0xFFFFC000  }
0x48e: {  	[tilespmem:s13], [sflag:$0x2] =	stream.indirect.gather [hbm4b:s8+s12], $0x80, s31, s12, $0xb8;
	[tilespmem:$0x1D800] =	vst v63  }
0x48f: {  	s9 =	simm.s32 $0x1100  }
0x490: {  	[spmem:s3] =	stream.indirect.scatter.add.f32 [tilespmem:s5], [sflag:$0x3], $0x80, s9, s12, $0xb8;
	[tilespmem:$0x1D800] =	vst v63  }
0x491: {  	_ =	swait.ge [sflag:s4], $0x4000  }
0x492: {  	[sflag:s4] =	ssyncset.done $0x0  }
0x493: {  	[sflag:s4] =	ssyncadd.s32 $0xFFFFC000  }
0x494: {  	_ =	swait.ge [sflag:s14], $0x4000  }
0x495: {  	[sflag:s14] =	ssyncset.done $0x0  }
0x496: {  	s7 =	simm.s32 $0x600;
	[sflag:s14] =	ssyncadd.s32 $0xFFFFC000  }
0x497: {  	[tilespmem:s5], [sflag:$0x1] =	stream.indirect.gather [hbm4b:s8+s12], $0x80, s7, s12, $0xb8;
	[tilespmem:$0x1D800] =	vst v63  }
0x498: {  	s11 =	simm.s32 $0x1180  }
0x499: {  	[spmem:s3] =	stream.indirect.scatter.add.f32 [tilespmem:s13], [sflag:$0x3], $0x80, s11, s12, $0xb8;
	[tilespmem:$0x1D800] =	vst v63  }
0x49a: {  	_ =	swait.ge [sflag:s4], $0x4000  }
0x49b: {  	[sflag:s4] =	ssyncset.done $0x0  }
0x49c: {  	[sflag:s4] =	ssyncadd.s32 $0xFFFFC000  }
0x49d: {  	_ =	swait.ge [sflag:s15], $0x4000  }
0x49e: {  	[sflag:s15] =	ssyncset.done $0x0  }
0x49f: {  	s16 =	simm.s32 $0x680;
	[sflag:s15] =	ssyncadd.s32 $0xFFFFC000  }
0x4a0: {  	[tilespmem:s13], [sflag:$0x2] =	stream.indirect.gather [hbm4b:s8+s12], $0x80, s16, s12, $0xb8;
	[tilespmem:$0x1D800] =	vst v63  }
0x4a1: {  	s17 =	simm.s32 $0x1200  }
0x4a2: {  	[spmem:s3] =	stream.indirect.scatter.add.f32 [tilespmem:s5], [sflag:$0x3], $0x80, s17, s12, $0xb8;
	[tilespmem:$0x1D800] =	vst v63  }
0x4a3: {  	_ =	swait.ge [sflag:s4], $0x4000  }
0x4a4: {  	[sflag:s4] =	ssyncset.done $0x0  }
0x4a5: {  	[sflag:s4] =	ssyncadd.s32 $0xFFFFC000  }
0x4a6: {  	_ =	swait.ge [sflag:s14], $0x4000  }
0x4a7: {  	[sflag:s14] =	ssyncset.done $0x0  }
0x4a8: {  	s20 =	simm.s32 $0x700;
	[sflag:s14] =	ssyncadd.s32 $0xFFFFC000  }
0x4a9: {  	[tilespmem:s5], [sflag:$0x1] =	stream.indirect.gather [hbm4b:s8+s12], $0x80, s20, s12, $0xb8;
	[tilespmem:$0x1D800] =	vst v63  }
0x4aa: {  	s21 =	simm.s32 $0x1280  }
0x4ab: {  	[spmem:s3] =	stream.indirect.scatter.add.f32 [tilespmem:s13], [sflag:$0x3], $0x80, s21, s12, $0xb8;
	[tilespmem:$0x1D800] =	vst v63  }
0x4ac: {  	_ =	swait.ge [sflag:s4], $0x4000  }
0x4ad: {  	[sflag:s4] =	ssyncset.done $0x0  }
0x4ae: {  	[sflag:s4] =	ssyncadd.s32 $0xFFFFC000  }
0x4af: {  	_ =	swait.ge [sflag:s15], $0x4000  }
0x4b0: {  	[sflag:s15] =	ssyncset.done $0x0  }
0x4b1: {  	s22 =	simm.s32 $0x780;
	[sflag:s15] =	ssyncadd.s32 $0xFFFFC000  }
0x4b2: {  	[tilespmem:s13], [sflag:$0x2] =	stream.indirect.gather [hbm4b:s8+s12], $0x80, s22, s12, $0xb8;
	[tilespmem:$0x1D800] =	vst v63  }
0x4b3: {  	s23 =	simm.s32 $0x1300  }
0x4b4: {  	[spmem:s3] =	stream.indirect.scatter.add.f32 [tilespmem:s5], [sflag:$0x3], $0x80, s23, s12, $0xb8;
	[tilespmem:$0x1D800] =	vst v63  }
0x4b5: {  	_ =	swait.ge [sflag:s4], $0x4000  }
0x4b6: {  	[sflag:s4] =	ssyncset.done $0x0  }
0x4b7: {  	[sflag:s4] =	ssyncadd.s32 $0xFFFFC000  }
0x4b8: {  	_ =	swait.ge [sflag:s14], $0x4000  }
0x4b9: {  	[sflag:s14] =	ssyncset.done $0x0  }
0x4ba: {  	s24 =	simm.s32 $0x800;
	[sflag:s14] =	ssyncadd.s32 $0xFFFFC000  }
0x4bb: {  	[tilespmem:s5], [sflag:$0x1] =	stream.indirect.gather [hbm4b:s8+s12], $0x80, s24, s12, $0xb8;
	[tilespmem:$0x1D800] =	vst v63  }
0x4bc: {  	s25 =	simm.s32 $0x1380  }
0x4bd: {  	[spmem:s3] =	stream.indirect.scatter.add.f32 [tilespmem:s13], [sflag:$0x3], $0x80, s25, s12, $0xb8;
	[tilespmem:$0x1D800] =	vst v63  }
0x4be: {  	_ =	swait.ge [sflag:s4], $0x4000  }
0x4bf: {  	[sflag:s4] =	ssyncset.done $0x0  }
0x4c0: {  	[sflag:s4] =	ssyncadd.s32 $0xFFFFC000  }
0x4c1: {  	_ =	swait.ge [sflag:s15], $0x4000  }
0x4c2: {  	[sflag:s15] =	ssyncset.done $0x0  }
0x4c3: {  	s26 =	simm.s32 $0x880;
	[sflag:s15] =	ssyncadd.s32 $0xFFFFC000  }
0x4c4: {  	[tilespmem:s13], [sflag:$0x2] =	stream.indirect.gather [hbm4b:s8+s12], $0x80, s26, s12, $0xb8;
	[tilespmem:$0x1D800] =	vst v63  }
0x4c5: {  	s28 =	simm.s32 $0x1400  }
0x4c6: {  	[spmem:s3] =	stream.indirect.scatter.add.f32 [tilespmem:s5], [sflag:$0x3], $0x80, s28, s12, $0xb8;
	[tilespmem:$0x1D800] =	vst v63  }
0x4c7: {  	_ =	swait.ge [sflag:s4], $0x4000  }
0x4c8: {  	[sflag:s4] =	ssyncset.done $0x0  }
0x4c9: {  	[sflag:s4] =	ssyncadd.s32 $0xFFFFC000  }
0x4ca: {  	_ =	swait.ge [sflag:s14], $0x4000  }
0x4cb: {  	[sflag:s14] =	ssyncset.done $0x0  }
0x4cc: {  	s19 =	simm.s32 $0x900;
	[sflag:s14] =	ssyncadd.s32 $0xFFFFC000  }
0x4cd: {  	[tilespmem:s5], [sflag:$0x1] =	stream.indirect.gather [hbm4b:s8+s12], $0x80, s19, s12, $0xb8;
	[tilespmem:$0x1D800] =	vst v63  }
0x4ce: {  	s29 =	simm.s32 $0x1480  }
0x4cf: {  	[spmem:s3] =	stream.indirect.scatter.add.f32 [tilespmem:s13], [sflag:$0x3], $0x80, s29, s12, $0xb8;
	[tilespmem:$0x1D800] =	vst v63  }
0x4d0: {  	_ =	swait.ge [sflag:s4], $0x4000  }
0x4d1: {  	[sflag:s4] =	ssyncset.done $0x0  }
0x4d2: {  	[sflag:s4] =	ssyncadd.s32 $0xFFFFC000  }
0x4d3: {  	_ =	swait.ge [sflag:s15], $0x4000  }
0x4d4: {  	[sflag:s15] =	ssyncset.done $0x0  }
0x4d5: {  	s18 =	simm.s32 $0x980;
	[sflag:s15] =	ssyncadd.s32 $0xFFFFC000  }
0x4d6: {  	[tilespmem:s13], [sflag:$0x2] =	stream.indirect.gather [hbm4b:s8+s12], $0x80, s18, s12, $0xb8;
	[tilespmem:$0x1D800] =	vst v63  }
0x4d7: {  	s30 =	simm.s32 $0x1500  }
0x4d8: {  	[spmem:s3] =	stream.indirect.scatter.add.f32 [tilespmem:s5], [sflag:$0x3], $0x80, s30, s12, $0xb8;
	[tilespmem:$0x1D800] =	vst v63  }
0x4d9: {  	_ =	swait.ge [sflag:s4], $0x4000  }
0x4da: {  	[sflag:s4] =	ssyncset.done $0x0  }
0x4db: {  	[sflag:s4] =	ssyncadd.s32 $0xFFFFC000  }
0x4dc: {  	_ =	swait.ge [sflag:s14], $0x4000  }
0x4dd: {  	[sflag:s14] =	ssyncset.done $0x0  }
0x4de: {  	s10 =	simm.s32 $0x1580;
	[sflag:s14] =	ssyncadd.s32 $0xFFFFC000  }
0x4df: {  	[spmem:s3] =	stream.indirect.scatter.add.f32 [tilespmem:s13], [sflag:$0x3], $0x80, s10, s12, $0xb8;
	[tilespmem:$0x1D800] =	vst v63  }
0x4e0: {  	_ =	swait.ge [sflag:s4], $0x4000  }
0x4e1: {  	[sflag:s4] =	ssyncset.done $0x0  }
0x4e2: {  	s10 =	rddreg [dreg:$0x9];
	[sflag:s4] =	ssyncadd.s32 $0xFFFFC000  }
0x4e3: {  	[tilespmem:s2], [sflag:$0x3] =	stream.linear.gather [hbm4b:s10+s2], $0xA00, $0x38;
	[tilespmem:$0x1D800] =	vst v63  }
0x4e4: {  	_ =	swait.ge [sflag:s4], $0xA00  }
0x4e5: {  	[sflag:s4] =	ssyncset.done $0x0  }
0x4e6: {  	s29 =	rddreg [dreg:$0xa];
	[sflag:s4] =	ssyncadd.s32 $0xFFFFF600  }
0x4e7: {  	[tilespmem:s0], [sflag:$0x3] =	stream.linear.gather [hbm4b:s29+s2], $0xA00, $0x38;
	[tilespmem:$0x1D800] =	vst v63  }
0x4e8: {  	_ =	swait.ge [sflag:s4], $0xA00  }
0x4e9: {  	[sflag:s4] =	ssyncset.done $0x0  }
0x4ea: {  	[sflag:s4] =	ssyncadd.s32 $0xFFFFF600  }
0x4eb: {  	[tilespmem:s5], [sflag:$0x1] =	stream.indirect.gather [hbm4b:s8+s12], $0x80, s2, s12, $0xb8;
	[tilespmem:$0x1D800] =	vst v63  }
0x4ec: {  	_ =	swait.ge [sflag:s15], $0x4000  }
0x4ed: {  	[sflag:s15] =	ssyncset.done $0x0  }
0x4ee: {  	[sflag:s15] =	ssyncadd.s32 $0xFFFFC000  }
0x4ef: {  	[tilespmem:s13], [sflag:$0x2] =	stream.indirect.gather [hbm4b:s8+s12], $0x80, s12, s12, $0xb8;
	[tilespmem:$0x1D800] =	vst v63  }
0x4f0: {  	_ = 	snop  }
0x4f1: {  	[spmem:s3] =	stream.indirect.scatter.add.f32 [tilespmem:s5], [sflag:$0x3], $0x80, s0, s12, $0xb8;
	[tilespmem:$0x1D800] =	vst v63  }
0x4f2: {  	_ =	swait.ge [sflag:s4], $0x4000  }
0x4f3: {  	[sflag:s4] =	ssyncset.done $0x0  }
0x4f4: {  	[sflag:s4] =	ssyncadd.s32 $0xFFFFC000  }
0x4f5: {  	_ =	swait.ge [sflag:s14], $0x4000  }
0x4f6: {  	[sflag:s14] =	ssyncset.done $0x0  }
0x4f7: {  	s10 =	simm.s32 $0x100;
	[sflag:s14] =	ssyncadd.s32 $0xFFFFC000  }
0x4f8: {  	[tilespmem:s5], [sflag:$0x1] =	stream.indirect.gather [hbm4b:s8+s12], $0x80, s10, s12, $0xb8;
	[tilespmem:$0x1D800] =	vst v63  }
0x4f9: {  	s29 =	simm.s32 $0xC80  }
0x4fa: {  	[spmem:s3] =	stream.indirect.scatter.add.f32 [tilespmem:s13], [sflag:$0x3], $0x80, s29, s12, $0xb8;
	[tilespmem:$0x1D800] =	vst v63  }
0x4fb: {  	_ =	swait.ge [sflag:s4], $0x4000  }
0x4fc: {  	[sflag:s4] =	ssyncset.done $0x0  }
0x4fd: {  	[sflag:s4] =	ssyncadd.s32 $0xFFFFC000  }
0x4fe: {  	_ =	swait.ge [sflag:s15], $0x4000  }
0x4ff: {  	[sflag:s15] =	ssyncset.done $0x0  }
0x500: {  	s10 =	simm.s32 $0x180;
	[sflag:s15] =	ssyncadd.s32 $0xFFFFC000  }
0x501: {  	[tilespmem:s13], [sflag:$0x2] =	stream.indirect.gather [hbm4b:s8+s12], $0x80, s10, s12, $0xb8;
	[tilespmem:$0x1D800] =	vst v63  }
0x502: {  	s29 =	simm.s32 $0xD00  }
0x503: {  	[spmem:s3] =	stream.indirect.scatter.add.f32 [tilespmem:s5], [sflag:$0x3], $0x80, s29, s12, $0xb8;
	[tilespmem:$0x1D800] =	vst v63  }
0x504: {  	_ =	swait.ge [sflag:s4], $0x4000  }
0x505: {  	[sflag:s4] =	ssyncset.done $0x0  }
0x506: {  	[sflag:s4] =	ssyncadd.s32 $0xFFFFC000  }
0x507: {  	_ =	swait.ge [sflag:s14], $0x4000  }
0x508: {  	[sflag:s14] =	ssyncset.done $0x0  }
0x509: {  	s10 =	simm.s32 $0x200;
	[sflag:s14] =	ssyncadd.s32 $0xFFFFC000  }
0x50a: {  	[tilespmem:s5], [sflag:$0x1] =	stream.indirect.gather [hbm4b:s8+s12], $0x80, s10, s12, $0xb8;
	[tilespmem:$0x1D800] =	vst v63  }
0x50b: {  	s29 =	simm.s32 $0xD80  }
0x50c: {  	[spmem:s3] =	stream.indirect.scatter.add.f32 [tilespmem:s13], [sflag:$0x3], $0x80, s29, s12, $0xb8;
	[tilespmem:$0x1D800] =	vst v63  }
0x50d: {  	_ =	swait.ge [sflag:s4], $0x4000  }
0x50e: {  	[sflag:s4] =	ssyncset.done $0x0  }
0x50f: {  	[sflag:s4] =	ssyncadd.s32 $0xFFFFC000  }
0x510: {  	_ =	swait.ge [sflag:s15], $0x4000  }
0x511: {  	[sflag:s15] =	ssyncset.done $0x0  }
0x512: {  	s10 =	simm.s32 $0x280;
	[sflag:s15] =	ssyncadd.s32 $0xFFFFC000  }
0x513: {  	[tilespmem:s13], [sflag:$0x2] =	stream.indirect.gather [hbm4b:s8+s12], $0x80, s10, s12, $0xb8;
	[tilespmem:$0x1D800] =	vst v63  }
0x514: {  	s29 =	simm.s32 $0xE00  }
0x515: {  	[spmem:s3] =	stream.indirect.scatter.add.f32 [tilespmem:s5], [sflag:$0x3], $0x80, s29, s12, $0xb8;
	[tilespmem:$0x1D800] =	vst v63  }
0x516: {  	_ =	swait.ge [sflag:s4], $0x4000  }
0x517: {  	[sflag:s4] =	ssyncset.done $0x0  }
0x518: {  	[sflag:s4] =	ssyncadd.s32 $0xFFFFC000  }
0x519: {  	_ =	swait.ge [sflag:s14], $0x4000  }
0x51a: {  	[sflag:s14] =	ssyncset.done $0x0  }
0x51b: {  	s10 =	simm.s32 $0x300;
	[sflag:s14] =	ssyncadd.s32 $0xFFFFC000  }
0x51c: {  	[tilespmem:s5], [sflag:$0x1] =	stream.indirect.gather [hbm4b:s8+s12], $0x80, s10, s12, $0xb8;
	[tilespmem:$0x1D800] =	vst v63  }
0x51d: {  	s29 =	simm.s32 $0xE80  }
0x51e: {  	[spmem:s3] =	stream.indirect.scatter.add.f32 [tilespmem:s13], [sflag:$0x3], $0x80, s29, s12, $0xb8;
	[tilespmem:$0x1D800] =	vst v63  }
0x51f: {  	_ =	swait.ge [sflag:s4], $0x4000  }
0x520: {  	[sflag:s4] =	ssyncset.done $0x0  }
0x521: {  	[sflag:s4] =	ssyncadd.s32 $0xFFFFC000  }
0x522: {  	_ =	swait.ge [sflag:s15], $0x4000  }
0x523: {  	[sflag:s15] =	ssyncset.done $0x0  }
0x524: {  	s10 =	simm.s32 $0x380;
	[sflag:s15] =	ssyncadd.s32 $0xFFFFC000  }
0x525: {  	[tilespmem:s13], [sflag:$0x2] =	stream.indirect.gather [hbm4b:s8+s12], $0x80, s10, s12, $0xb8;
	[tilespmem:$0x1D800] =	vst v63  }
0x526: {  	s29 =	simm.s32 $0xF00  }
0x527: {  	[spmem:s3] =	stream.indirect.scatter.add.f32 [tilespmem:s5], [sflag:$0x3], $0x80, s29, s12, $0xb8;
	[tilespmem:$0x1D800] =	vst v63  }
0x528: {  	_ =	swait.ge [sflag:s4], $0x4000  }
0x529: {  	[sflag:s4] =	ssyncset.done $0x0  }
0x52a: {  	[sflag:s4] =	ssyncadd.s32 $0xFFFFC000  }
0x52b: {  	_ =	swait.ge [sflag:s14], $0x4000  }
0x52c: {  	[sflag:s14] =	ssyncset.done $0x0  }
0x52d: {  	s10 =	simm.s32 $0x400;
	[sflag:s14] =	ssyncadd.s32 $0xFFFFC000  }
0x52e: {  	[tilespmem:s5], [sflag:$0x1] =	stream.indirect.gather [hbm4b:s8+s12], $0x80, s10, s12, $0xb8;
	[tilespmem:$0x1D800] =	vst v63  }
0x52f: {  	s29 =	simm.s32 $0xF80  }
0x530: {  	[spmem:s3] =	stream.indirect.scatter.add.f32 [tilespmem:s13], [sflag:$0x3], $0x80, s29, s12, $0xb8;
	[tilespmem:$0x1D800] =	vst v63  }
0x531: {  	_ =	swait.ge [sflag:s4], $0x4000  }
0x532: {  	[sflag:s4] =	ssyncset.done $0x0  }
0x533: {  	[sflag:s4] =	ssyncadd.s32 $0xFFFFC000  }
0x534: {  	_ =	swait.ge [sflag:s15], $0x4000  }
0x535: {  	[sflag:s15] =	ssyncset.done $0x0  }
0x536: {  	s10 =	simm.s32 $0x480;
	[sflag:s15] =	ssyncadd.s32 $0xFFFFC000  }
0x537: {  	[tilespmem:s13], [sflag:$0x2] =	stream.indirect.gather [hbm4b:s8+s12], $0x80, s10, s12, $0xb8;
	[tilespmem:$0x1D800] =	vst v63  }
0x538: {  	s29 =	simm.s32 $0x1000  }
0x539: {  	[spmem:s3] =	stream.indirect.scatter.add.f32 [tilespmem:s5], [sflag:$0x3], $0x80, s29, s12, $0xb8;
	[tilespmem:$0x1D800] =	vst v63  }
0x53a: {  	_ =	swait.ge [sflag:s4], $0x4000  }
0x53b: {  	[sflag:s4] =	ssyncset.done $0x0  }
0x53c: {  	[sflag:s4] =	ssyncadd.s32 $0xFFFFC000  }
0x53d: {  	_ =	swait.ge [sflag:s14], $0x4000  }
0x53e: {  	[sflag:s14] =	ssyncset.done $0x0  }
0x53f: {  	s10 =	simm.s32 $0x500;
	[sflag:s14] =	ssyncadd.s32 $0xFFFFC000  }
0x540: {  	[tilespmem:s5], [sflag:$0x1] =	stream.indirect.gather [hbm4b:s8+s12], $0x80, s10, s12, $0xb8;
	[tilespmem:$0x1D800] =	vst v63  }
0x541: {  	s29 =	simm.s32 $0x1080  }
0x542: {  	[spmem:s3] =	stream.indirect.scatter.add.f32 [tilespmem:s13], [sflag:$0x3], $0x80, s29, s12, $0xb8;
	[tilespmem:$0x1D800] =	vst v63  }
0x543: {  	_ =	swait.ge [sflag:s4], $0x4000  }
0x544: {  	[sflag:s4] =	ssyncset.done $0x0  }
0x545: {  	[sflag:s4] =	ssyncadd.s32 $0xFFFFC000  }
0x546: {  	_ =	swait.ge [sflag:s15], $0x4000  }
0x547: {  	[sflag:s15] =	ssyncset.done $0x0  }
0x548: {  	s10 =	simm.s32 $0x580;
	[sflag:s15] =	ssyncadd.s32 $0xFFFFC000  }
0x549: {  	[tilespmem:s13], [sflag:$0x2] =	stream.indirect.gather [hbm4b:s8+s12], $0x80, s10, s12, $0xb8;
	[tilespmem:$0x1D800] =	vst v63  }
0x54a: {  	s9 =	simm.s32 $0x1100  }
0x54b: {  	[spmem:s3] =	stream.indirect.scatter.add.f32 [tilespmem:s5], [sflag:$0x3], $0x80, s9, s12, $0xb8;
	[tilespmem:$0x1D800] =	vst v63  }
0x54c: {  	_ =	swait.ge [sflag:s4], $0x4000  }
0x54d: {  	[sflag:s4] =	ssyncset.done $0x0  }
0x54e: {  	[sflag:s4] =	ssyncadd.s32 $0xFFFFC000  }
0x54f: {  	_ =	swait.ge [sflag:s14], $0x4000  }
0x550: {  	[sflag:s14] =	ssyncset.done $0x0  }
0x551: {  	s7 =	simm.s32 $0x600;
	[sflag:s14] =	ssyncadd.s32 $0xFFFFC000  }
0x552: {  	[tilespmem:s5], [sflag:$0x1] =	stream.indirect.gather [hbm4b:s8+s12], $0x80, s7, s12, $0xb8;
	[tilespmem:$0x1D800] =	vst v63  }
0x553: {  	s11 =	simm.s32 $0x1180  }
0x554: {  	[spmem:s3] =	stream.indirect.scatter.add.f32 [tilespmem:s13], [sflag:$0x3], $0x80, s11, s12, $0xb8;
	[tilespmem:$0x1D800] =	vst v63  }
0x555: {  	_ =	swait.ge [sflag:s4], $0x4000  }
0x556: {  	[sflag:s4] =	ssyncset.done $0x0  }
0x557: {  	[sflag:s4] =	ssyncadd.s32 $0xFFFFC000  }
0x558: {  	_ =	swait.ge [sflag:s15], $0x4000  }
0x559: {  	[sflag:s15] =	ssyncset.done $0x0  }
0x55a: {  	s16 =	simm.s32 $0x680;
	[sflag:s15] =	ssyncadd.s32 $0xFFFFC000  }
0x55b: {  	[tilespmem:s13], [sflag:$0x2] =	stream.indirect.gather [hbm4b:s8+s12], $0x80, s16, s12, $0xb8;
	[tilespmem:$0x1D800] =	vst v63  }
0x55c: {  	s17 =	simm.s32 $0x1200  }
0x55d: {  	[spmem:s3] =	stream.indirect.scatter.add.f32 [tilespmem:s5], [sflag:$0x3], $0x80, s17, s12, $0xb8;
	[tilespmem:$0x1D800] =	vst v63  }
0x55e: {  	_ =	swait.ge [sflag:s4], $0x4000  }
0x55f: {  	[sflag:s4] =	ssyncset.done $0x0  }
0x560: {  	[sflag:s4] =	ssyncadd.s32 $0xFFFFC000  }
0x561: {  	_ =	swait.ge [sflag:s14], $0x4000  }
0x562: {  	[sflag:s14] =	ssyncset.done $0x0  }
0x563: {  	s20 =	simm.s32 $0x700;
	[sflag:s14] =	ssyncadd.s32 $0xFFFFC000  }
0x564: {  	[tilespmem:s5], [sflag:$0x1] =	stream.indirect.gather [hbm4b:s8+s12], $0x80, s20, s12, $0xb8;
	[tilespmem:$0x1D800] =	vst v63  }
0x565: {  	s21 =	simm.s32 $0x1280  }
0x566: {  	[spmem:s3] =	stream.indirect.scatter.add.f32 [tilespmem:s13], [sflag:$0x3], $0x80, s21, s12, $0xb8;
	[tilespmem:$0x1D800] =	vst v63  }
0x567: {  	_ =	swait.ge [sflag:s4], $0x4000  }
0x568: {  	[sflag:s4] =	ssyncset.done $0x0  }
0x569: {  	[sflag:s4] =	ssyncadd.s32 $0xFFFFC000  }
0x56a: {  	_ =	swait.ge [sflag:s15], $0x4000  }
0x56b: {  	[sflag:s15] =	ssyncset.done $0x0  }
0x56c: {  	s22 =	simm.s32 $0x780;
	[sflag:s15] =	ssyncadd.s32 $0xFFFFC000  }
0x56d: {  	[tilespmem:s13], [sflag:$0x2] =	stream.indirect.gather [hbm4b:s8+s12], $0x80, s22, s12, $0xb8;
	[tilespmem:$0x1D800] =	vst v63  }
0x56e: {  	s23 =	simm.s32 $0x1300  }
0x56f: {  	[spmem:s3] =	stream.indirect.scatter.add.f32 [tilespmem:s5], [sflag:$0x3], $0x80, s23, s12, $0xb8;
	[tilespmem:$0x1D800] =	vst v63  }
0x570: {  	_ =	swait.ge [sflag:s4], $0x4000  }
0x571: {  	[sflag:s4] =	ssyncset.done $0x0  }
0x572: {  	[sflag:s4] =	ssyncadd.s32 $0xFFFFC000  }
0x573: {  	_ =	swait.ge [sflag:s14], $0x4000  }
0x574: {  	[sflag:s14] =	ssyncset.done $0x0  }
0x575: {  	s24 =	simm.s32 $0x800;
	[sflag:s14] =	ssyncadd.s32 $0xFFFFC000  }
0x576: {  	[tilespmem:s5], [sflag:$0x1] =	stream.indirect.gather [hbm4b:s8+s12], $0x80, s24, s12, $0xb8;
	[tilespmem:$0x1D800] =	vst v63  }
0x577: {  	s25 =	simm.s32 $0x1380  }
0x578: {  	[spmem:s3] =	stream.indirect.scatter.add.f32 [tilespmem:s13], [sflag:$0x3], $0x80, s25, s12, $0xb8;
	[tilespmem:$0x1D800] =	vst v63  }
0x579: {  	_ =	swait.ge [sflag:s4], $0x4000  }
0x57a: {  	[sflag:s4] =	ssyncset.done $0x0  }
0x57b: {  	[sflag:s4] =	ssyncadd.s32 $0xFFFFC000  }
0x57c: {  	_ =	swait.ge [sflag:s15], $0x4000  }
0x57d: {  	[sflag:s15] =	ssyncset.done $0x0  }
0x57e: {  	s26 =	simm.s32 $0x880;
	[sflag:s15] =	ssyncadd.s32 $0xFFFFC000  }
0x57f: {  	[tilespmem:s13], [sflag:$0x2] =	stream.indirect.gather [hbm4b:s8+s12], $0x80, s26, s12, $0xb8;
	[tilespmem:$0x1D800] =	vst v63  }
0x580: {  	s28 =	simm.s32 $0x1400  }
0x581: {  	[spmem:s3] =	stream.indirect.scatter.add.f32 [tilespmem:s5], [sflag:$0x3], $0x80, s28, s12, $0xb8;
	[tilespmem:$0x1D800] =	vst v63  }
0x582: {  	_ =	swait.ge [sflag:s4], $0x4000  }
0x583: {  	[sflag:s4] =	ssyncset.done $0x0  }
0x584: {  	[sflag:s4] =	ssyncadd.s32 $0xFFFFC000  }
0x585: {  	_ =	swait.ge [sflag:s14], $0x4000  }
0x586: {  	[sflag:s14] =	ssyncset.done $0x0  }
0x587: {  	s19 =	simm.s32 $0x900;
	[sflag:s14] =	ssyncadd.s32 $0xFFFFC000  }
0x588: {  	[tilespmem:s5], [sflag:$0x1] =	stream.indirect.gather [hbm4b:s8+s12], $0x80, s19, s12, $0xb8;
	[tilespmem:$0x1D800] =	vst v63  }
0x589: {  	s31 =	simm.s32 $0x1480  }
0x58a: {  	[spmem:s3] =	stream.indirect.scatter.add.f32 [tilespmem:s13], [sflag:$0x3], $0x80, s31, s12, $0xb8;
	[tilespmem:$0x1D800] =	vst v63  }
0x58b: {  	_ =	swait.ge [sflag:s4], $0x4000  }
0x58c: {  	[sflag:s4] =	ssyncset.done $0x0  }
0x58d: {  	[sflag:s4] =	ssyncadd.s32 $0xFFFFC000  }
0x58e: {  	_ =	swait.ge [sflag:s15], $0x4000  }
0x58f: {  	[sflag:s15] =	ssyncset.done $0x0  }
0x590: {  	s18 =	simm.s32 $0x980;
	[sflag:s15] =	ssyncadd.s32 $0xFFFFC000  }
0x591: {  	[tilespmem:s13], [sflag:$0x2] =	stream.indirect.gather [hbm4b:s8+s12], $0x80, s18, s12, $0xb8;
	[tilespmem:$0x1D800] =	vst v63  }
0x592: {  	s18 =	simm.s32 $0x1500  }
0x593: {  	[spmem:s3] =	stream.indirect.scatter.add.f32 [tilespmem:s5], [sflag:$0x3], $0x80, s18, s12, $0xb8;
	[tilespmem:$0x1D800] =	vst v63  }
0x594: {  	_ =	swait.ge [sflag:s4], $0x4000  }
0x595: {  	[sflag:s4] =	ssyncset.done $0x0  }
0x596: {  	[sflag:s4] =	ssyncadd.s32 $0xFFFFC000  }
0x597: {  	_ =	swait.ge [sflag:s14], $0x4000  }
0x598: {  	[sflag:s14] =	ssyncset.done $0x0  }
0x599: {  	s30 =	simm.s32 $0x1580;
	[sflag:s14] =	ssyncadd.s32 $0xFFFFC000  }
0x59a: {  	[spmem:s3] =	stream.indirect.scatter.add.f32 [tilespmem:s13], [sflag:$0x3], $0x80, s30, s12, $0xb8;
	[tilespmem:$0x1D800] =	vst v63  }
0x59b: {  	_ =	swait.ge [sflag:s4], $0x4000  }
0x59c: {  	[sflag:s4] =	ssyncset.done $0x0  }
0x59d: {  	s30 =	rddreg [dreg:$0xb];
	[sflag:s4] =	ssyncadd.s32 $0xFFFFC000  }
0x59e: {  	[tilespmem:s2], [sflag:$0x3] =	stream.linear.gather [hbm4b:s30+s2], $0xA00, $0x38;
	[tilespmem:$0x1D800] =	vst v63  }
0x59f: {  	_ =	swait.ge [sflag:s4], $0xA00  }
0x5a0: {  	[sflag:s4] =	ssyncset.done $0x0  }
0x5a1: {  	s30 =	rddreg [dreg:$0xc];
	[sflag:s4] =	ssyncadd.s32 $0xFFFFF600  }
0x5a2: {  	[tilespmem:s0], [sflag:$0x3] =	stream.linear.gather [hbm4b:s30+s2], $0xA00, $0x38;
	[tilespmem:$0x1D800] =	vst v63  }
0x5a3: {  	_ =	swait.ge [sflag:s4], $0xA00  }
0x5a4: {  	[sflag:s4] =	ssyncset.done $0x0  }
0x5a5: {  	[sflag:s4] =	ssyncadd.s32 $0xFFFFF600  }
0x5a6: {  	[tilespmem:s5], [sflag:$0x1] =	stream.indirect.gather [hbm4b:s8+s12], $0x80, s2, s12, $0xb8;
	[tilespmem:$0x1D800] =	vst v63  }
0x5a7: {  	_ =	swait.ge [sflag:s15], $0x4000  }
0x5a8: {  	[sflag:s15] =	ssyncset.done $0x0  }
0x5a9: {  	[sflag:s15] =	ssyncadd.s32 $0xFFFFC000  }
0x5aa: {  	[tilespmem:s13], [sflag:$0x2] =	stream.indirect.gather [hbm4b:s8+s12], $0x80, s12, s12, $0xb8;
	[tilespmem:$0x1D800] =	vst v63  }
0x5ab: {  	_ = 	snop  }
0x5ac: {  	[spmem:s3] =	stream.indirect.scatter.add.f32 [tilespmem:s5], [sflag:$0x3], $0x80, s0, s12, $0xb8;
	[tilespmem:$0x1D800] =	vst v63  }
0x5ad: {  	_ =	swait.ge [sflag:s4], $0x4000  }
0x5ae: {  	[sflag:s4] =	ssyncset.done $0x0  }
0x5af: {  	[sflag:s4] =	ssyncadd.s32 $0xFFFFC000  }
0x5b0: {  	_ =	swait.ge [sflag:s14], $0x4000  }
0x5b1: {  	[sflag:s14] =	ssyncset.done $0x0  }
0x5b2: {  	s6 =	simm.s32 $0x100;
	[sflag:s14] =	ssyncadd.s32 $0xFFFFC000  }
0x5b3: {  	[tilespmem:s5], [sflag:$0x1] =	stream.indirect.gather [hbm4b:s8+s12], $0x80, s6, s12, $0xb8;
	[tilespmem:$0x1D800] =	vst v63  }
0x5b4: {  	s30 =	simm.s32 $0xC80  }
0x5b5: {  	[spmem:s3] =	stream.indirect.scatter.add.f32 [tilespmem:s13], [sflag:$0x3], $0x80, s30, s12, $0xb8;
	[tilespmem:$0x1D800] =	vst v63  }
0x5b6: {  	_ =	swait.ge [sflag:s4], $0x4000  }
0x5b7: {  	[sflag:s4] =	ssyncset.done $0x0  }
0x5b8: {  	[sflag:s4] =	ssyncadd.s32 $0xFFFFC000  }
0x5b9: {  	_ =	swait.ge [sflag:s15], $0x4000  }
0x5ba: {  	[sflag:s15] =	ssyncset.done $0x0  }
0x5bb: {  	s6 =	simm.s32 $0x180;
	[sflag:s15] =	ssyncadd.s32 $0xFFFFC000  }
0x5bc: {  	[tilespmem:s13], [sflag:$0x2] =	stream.indirect.gather [hbm4b:s8+s12], $0x80, s6, s12, $0xb8;
	[tilespmem:$0x1D800] =	vst v63  }
0x5bd: {  	s30 =	simm.s32 $0xD00  }
0x5be: {  	[spmem:s3] =	stream.indirect.scatter.add.f32 [tilespmem:s5], [sflag:$0x3], $0x80, s30, s12, $0xb8;
	[tilespmem:$0x1D800] =	vst v63  }
0x5bf: {  	_ =	swait.ge [sflag:s4], $0x4000  }
0x5c0: {  	[sflag:s4] =	ssyncset.done $0x0  }
0x5c1: {  	[sflag:s4] =	ssyncadd.s32 $0xFFFFC000  }
0x5c2: {  	_ =	swait.ge [sflag:s14], $0x4000  }
0x5c3: {  	[sflag:s14] =	ssyncset.done $0x0  }
0x5c4: {  	s6 =	simm.s32 $0x200;
	[sflag:s14] =	ssyncadd.s32 $0xFFFFC000  }
0x5c5: {  	[tilespmem:s5], [sflag:$0x1] =	stream.indirect.gather [hbm4b:s8+s12], $0x80, s6, s12, $0xb8;
	[tilespmem:$0x1D800] =	vst v63  }
0x5c6: {  	s30 =	simm.s32 $0xD80  }
0x5c7: {  	[spmem:s3] =	stream.indirect.scatter.add.f32 [tilespmem:s13], [sflag:$0x3], $0x80, s30, s12, $0xb8;
	[tilespmem:$0x1D800] =	vst v63  }
0x5c8: {  	_ =	swait.ge [sflag:s4], $0x4000  }
0x5c9: {  	[sflag:s4] =	ssyncset.done $0x0  }
0x5ca: {  	[sflag:s4] =	ssyncadd.s32 $0xFFFFC000  }
0x5cb: {  	_ =	swait.ge [sflag:s15], $0x4000  }
0x5cc: {  	[sflag:s15] =	ssyncset.done $0x0  }
0x5cd: {  	s6 =	simm.s32 $0x280;
	[sflag:s15] =	ssyncadd.s32 $0xFFFFC000  }
0x5ce: {  	[tilespmem:s13], [sflag:$0x2] =	stream.indirect.gather [hbm4b:s8+s12], $0x80, s6, s12, $0xb8;
	[tilespmem:$0x1D800] =	vst v63  }
0x5cf: {  	s30 =	simm.s32 $0xE00  }
0x5d0: {  	[spmem:s3] =	stream.indirect.scatter.add.f32 [tilespmem:s5], [sflag:$0x3], $0x80, s30, s12, $0xb8;
	[tilespmem:$0x1D800] =	vst v63  }
0x5d1: {  	_ =	swait.ge [sflag:s4], $0x4000  }
0x5d2: {  	[sflag:s4] =	ssyncset.done $0x0  }
0x5d3: {  	[sflag:s4] =	ssyncadd.s32 $0xFFFFC000  }
0x5d4: {  	_ =	swait.ge [sflag:s14], $0x4000  }
0x5d5: {  	[sflag:s14] =	ssyncset.done $0x0  }
0x5d6: {  	s6 =	simm.s32 $0x300;
	[sflag:s14] =	ssyncadd.s32 $0xFFFFC000  }
0x5d7: {  	[tilespmem:s5], [sflag:$0x1] =	stream.indirect.gather [hbm4b:s8+s12], $0x80, s6, s12, $0xb8;
	[tilespmem:$0x1D800] =	vst v63  }
0x5d8: {  	s30 =	simm.s32 $0xE80  }
0x5d9: {  	[spmem:s3] =	stream.indirect.scatter.add.f32 [tilespmem:s13], [sflag:$0x3], $0x80, s30, s12, $0xb8;
	[tilespmem:$0x1D800] =	vst v63  }
0x5da: {  	_ =	swait.ge [sflag:s4], $0x4000  }
0x5db: {  	[sflag:s4] =	ssyncset.done $0x0  }
0x5dc: {  	[sflag:s4] =	ssyncadd.s32 $0xFFFFC000  }
0x5dd: {  	_ =	swait.ge [sflag:s15], $0x4000  }
0x5de: {  	[sflag:s15] =	ssyncset.done $0x0  }
0x5df: {  	s6 =	simm.s32 $0x380;
	[sflag:s15] =	ssyncadd.s32 $0xFFFFC000  }
0x5e0: {  	[tilespmem:s13], [sflag:$0x2] =	stream.indirect.gather [hbm4b:s8+s12], $0x80, s6, s12, $0xb8;
	[tilespmem:$0x1D800] =	vst v63  }
0x5e1: {  	s30 =	simm.s32 $0xF00  }
0x5e2: {  	[spmem:s3] =	stream.indirect.scatter.add.f32 [tilespmem:s5], [sflag:$0x3], $0x80, s30, s12, $0xb8;
	[tilespmem:$0x1D800] =	vst v63  }
0x5e3: {  	_ =	swait.ge [sflag:s4], $0x4000  }
0x5e4: {  	[sflag:s4] =	ssyncset.done $0x0  }
0x5e5: {  	[sflag:s4] =	ssyncadd.s32 $0xFFFFC000  }
0x5e6: {  	_ =	swait.ge [sflag:s14], $0x4000  }
0x5e7: {  	[sflag:s14] =	ssyncset.done $0x0  }
0x5e8: {  	s6 =	simm.s32 $0x400;
	[sflag:s14] =	ssyncadd.s32 $0xFFFFC000  }
0x5e9: {  	[tilespmem:s5], [sflag:$0x1] =	stream.indirect.gather [hbm4b:s8+s12], $0x80, s6, s12, $0xb8;
	[tilespmem:$0x1D800] =	vst v63  }
0x5ea: {  	s30 =	simm.s32 $0xF80  }
0x5eb: {  	[spmem:s3] =	stream.indirect.scatter.add.f32 [tilespmem:s13], [sflag:$0x3], $0x80, s30, s12, $0xb8;
	[tilespmem:$0x1D800] =	vst v63  }
0x5ec: {  	_ =	swait.ge [sflag:s4], $0x4000  }
0x5ed: {  	[sflag:s4] =	ssyncset.done $0x0  }
0x5ee: {  	[sflag:s4] =	ssyncadd.s32 $0xFFFFC000  }
0x5ef: {  	_ =	swait.ge [sflag:s15], $0x4000  }
0x5f0: {  	[sflag:s15] =	ssyncset.done $0x0  }
0x5f1: {  	s6 =	simm.s32 $0x480;
	[sflag:s15] =	ssyncadd.s32 $0xFFFFC000  }
0x5f2: {  	[tilespmem:s13], [sflag:$0x2] =	stream.indirect.gather [hbm4b:s8+s12], $0x80, s6, s12, $0xb8;
	[tilespmem:$0x1D800] =	vst v63  }
0x5f3: {  	s30 =	simm.s32 $0x1000  }
0x5f4: {  	[spmem:s3] =	stream.indirect.scatter.add.f32 [tilespmem:s5], [sflag:$0x3], $0x80, s30, s12, $0xb8;
	[tilespmem:$0x1D800] =	vst v63  }
0x5f5: {  	_ =	swait.ge [sflag:s4], $0x4000  }
0x5f6: {  	[sflag:s4] =	ssyncset.done $0x0  }
0x5f7: {  	[sflag:s4] =	ssyncadd.s32 $0xFFFFC000  }
0x5f8: {  	_ =	swait.ge [sflag:s14], $0x4000  }
0x5f9: {  	[sflag:s14] =	ssyncset.done $0x0  }
0x5fa: {  	s6 =	simm.s32 $0x500;
	[sflag:s14] =	ssyncadd.s32 $0xFFFFC000  }
0x5fb: {  	[tilespmem:s5], [sflag:$0x1] =	stream.indirect.gather [hbm4b:s8+s12], $0x80, s6, s12, $0xb8;
	[tilespmem:$0x1D800] =	vst v63  }
0x5fc: {  	s30 =	simm.s32 $0x1080  }
0x5fd: {  	[spmem:s3] =	stream.indirect.scatter.add.f32 [tilespmem:s13], [sflag:$0x3], $0x80, s30, s12, $0xb8;
	[tilespmem:$0x1D800] =	vst v63  }
0x5fe: {  	_ =	swait.ge [sflag:s4], $0x4000  }
0x5ff: {  	[sflag:s4] =	ssyncset.done $0x0  }
0x600: {  	[sflag:s4] =	ssyncadd.s32 $0xFFFFC000  }
0x601: {  	_ =	swait.ge [sflag:s15], $0x4000  }
0x602: {  	[sflag:s15] =	ssyncset.done $0x0  }
0x603: {  	s6 =	simm.s32 $0x580;
	[sflag:s15] =	ssyncadd.s32 $0xFFFFC000  }
0x604: {  	[tilespmem:s13], [sflag:$0x2] =	stream.indirect.gather [hbm4b:s8+s12], $0x80, s6, s12, $0xb8;
	[tilespmem:$0x1D800] =	vst v63  }
0x605: {  	s29 =	simm.s32 $0x1100  }
0x606: {  	[spmem:s3] =	stream.indirect.scatter.add.f32 [tilespmem:s5], [sflag:$0x3], $0x80, s29, s12, $0xb8;
	[tilespmem:$0x1D800] =	vst v63  }
0x607: {  	_ =	swait.ge [sflag:s4], $0x4000  }
0x608: {  	[sflag:s4] =	ssyncset.done $0x0  }
0x609: {  	[sflag:s4] =	ssyncadd.s32 $0xFFFFC000  }
0x60a: {  	_ =	swait.ge [sflag:s14], $0x4000  }
0x60b: {  	[sflag:s14] =	ssyncset.done $0x0  }
0x60c: {  	s10 =	simm.s32 $0x600;
	[sflag:s14] =	ssyncadd.s32 $0xFFFFC000  }
0x60d: {  	[tilespmem:s5], [sflag:$0x1] =	stream.indirect.gather [hbm4b:s8+s12], $0x80, s10, s12, $0xb8;
	[tilespmem:$0x1D800] =	vst v63  }
0x60e: {  	s7 =	simm.s32 $0x1180  }
0x60f: {  	[spmem:s3] =	stream.indirect.scatter.add.f32 [tilespmem:s13], [sflag:$0x3], $0x80, s7, s12, $0xb8;
	[tilespmem:$0x1D800] =	vst v63  }
0x610: {  	_ =	swait.ge [sflag:s4], $0x4000  }
0x611: {  	[sflag:s4] =	ssyncset.done $0x0  }
0x612: {  	[sflag:s4] =	ssyncadd.s32 $0xFFFFC000  }
0x613: {  	_ =	swait.ge [sflag:s15], $0x4000  }
0x614: {  	[sflag:s15] =	ssyncset.done $0x0  }
0x615: {  	s9 =	simm.s32 $0x680;
	[sflag:s15] =	ssyncadd.s32 $0xFFFFC000  }
0x616: {  	[tilespmem:s13], [sflag:$0x2] =	stream.indirect.gather [hbm4b:s8+s12], $0x80, s9, s12, $0xb8;
	[tilespmem:$0x1D800] =	vst v63  }
0x617: {  	s11 =	simm.s32 $0x1200  }
0x618: {  	[spmem:s3] =	stream.indirect.scatter.add.f32 [tilespmem:s5], [sflag:$0x3], $0x80, s11, s12, $0xb8;
	[tilespmem:$0x1D800] =	vst v63  }
0x619: {  	_ =	swait.ge [sflag:s4], $0x4000  }
0x61a: {  	[sflag:s4] =	ssyncset.done $0x0  }
0x61b: {  	[sflag:s4] =	ssyncadd.s32 $0xFFFFC000  }
0x61c: {  	_ =	swait.ge [sflag:s14], $0x4000  }
0x61d: {  	[sflag:s14] =	ssyncset.done $0x0  }
0x61e: {  	s20 =	simm.s32 $0x700;
	[sflag:s14] =	ssyncadd.s32 $0xFFFFC000  }
0x61f: {  	[tilespmem:s5], [sflag:$0x1] =	stream.indirect.gather [hbm4b:s8+s12], $0x80, s20, s12, $0xb8;
	[tilespmem:$0x1D800] =	vst v63  }
0x620: {  	s21 =	simm.s32 $0x1280  }
0x621: {  	[spmem:s3] =	stream.indirect.scatter.add.f32 [tilespmem:s13], [sflag:$0x3], $0x80, s21, s12, $0xb8;
	[tilespmem:$0x1D800] =	vst v63  }
0x622: {  	_ =	swait.ge [sflag:s4], $0x4000  }
0x623: {  	[sflag:s4] =	ssyncset.done $0x0  }
0x624: {  	[sflag:s4] =	ssyncadd.s32 $0xFFFFC000  }
0x625: {  	_ =	swait.ge [sflag:s15], $0x4000  }
0x626: {  	[sflag:s15] =	ssyncset.done $0x0  }
0x627: {  	s22 =	simm.s32 $0x780;
	[sflag:s15] =	ssyncadd.s32 $0xFFFFC000  }
0x628: {  	[tilespmem:s13], [sflag:$0x2] =	stream.indirect.gather [hbm4b:s8+s12], $0x80, s22, s12, $0xb8;
	[tilespmem:$0x1D800] =	vst v63  }
0x629: {  	s23 =	simm.s32 $0x1300  }
0x62a: {  	[spmem:s3] =	stream.indirect.scatter.add.f32 [tilespmem:s5], [sflag:$0x3], $0x80, s23, s12, $0xb8;
	[tilespmem:$0x1D800] =	vst v63  }
0x62b: {  	_ =	swait.ge [sflag:s4], $0x4000  }
0x62c: {  	[sflag:s4] =	ssyncset.done $0x0  }
0x62d: {  	[sflag:s4] =	ssyncadd.s32 $0xFFFFC000  }
0x62e: {  	_ =	swait.ge [sflag:s14], $0x4000  }
0x62f: {  	[sflag:s14] =	ssyncset.done $0x0  }
0x630: {  	s24 =	simm.s32 $0x800;
	[sflag:s14] =	ssyncadd.s32 $0xFFFFC000  }
0x631: {  	[tilespmem:s5], [sflag:$0x1] =	stream.indirect.gather [hbm4b:s8+s12], $0x80, s24, s12, $0xb8;
	[tilespmem:$0x1D800] =	vst v63  }
0x632: {  	s25 =	simm.s32 $0x1380  }
0x633: {  	[spmem:s3] =	stream.indirect.scatter.add.f32 [tilespmem:s13], [sflag:$0x3], $0x80, s25, s12, $0xb8;
	[tilespmem:$0x1D800] =	vst v63  }
0x634: {  	_ =	swait.ge [sflag:s4], $0x4000  }
0x635: {  	[sflag:s4] =	ssyncset.done $0x0  }
0x636: {  	[sflag:s4] =	ssyncadd.s32 $0xFFFFC000  }
0x637: {  	_ =	swait.ge [sflag:s15], $0x4000  }
0x638: {  	[sflag:s15] =	ssyncset.done $0x0  }
0x639: {  	s26 =	simm.s32 $0x880;
	[sflag:s15] =	ssyncadd.s32 $0xFFFFC000  }
0x63a: {  	[tilespmem:s13], [sflag:$0x2] =	stream.indirect.gather [hbm4b:s8+s12], $0x80, s26, s12, $0xb8;
	[tilespmem:$0x1D800] =	vst v63  }
0x63b: {  	s28 =	simm.s32 $0x1400  }
0x63c: {  	[spmem:s3] =	stream.indirect.scatter.add.f32 [tilespmem:s5], [sflag:$0x3], $0x80, s28, s12, $0xb8;
	[tilespmem:$0x1D800] =	vst v63  }
0x63d: {  	_ =	swait.ge [sflag:s4], $0x4000  }
0x63e: {  	[sflag:s4] =	ssyncset.done $0x0  }
0x63f: {  	[sflag:s4] =	ssyncadd.s32 $0xFFFFC000  }
0x640: {  	_ =	swait.ge [sflag:s14], $0x4000  }
0x641: {  	[sflag:s14] =	ssyncset.done $0x0  }
0x642: {  	s17 =	simm.s32 $0x900;
	[sflag:s14] =	ssyncadd.s32 $0xFFFFC000  }
0x643: {  	[tilespmem:s5], [sflag:$0x1] =	stream.indirect.gather [hbm4b:s8+s12], $0x80, s17, s12, $0xb8;
	[tilespmem:$0x1D800] =	vst v63  }
0x644: {  	s19 =	simm.s32 $0x1480  }
0x645: {  	[spmem:s3] =	stream.indirect.scatter.add.f32 [tilespmem:s13], [sflag:$0x3], $0x80, s19, s12, $0xb8;
	[tilespmem:$0x1D800] =	vst v63  }
0x646: {  	_ =	swait.ge [sflag:s4], $0x4000  }
0x647: {  	[sflag:s4] =	ssyncset.done $0x0  }
0x648: {  	[sflag:s4] =	ssyncadd.s32 $0xFFFFC000  }
0x649: {  	_ =	swait.ge [sflag:s15], $0x4000  }
0x64a: {  	[sflag:s15] =	ssyncset.done $0x0  }
0x64b: {  	s16 =	simm.s32 $0x980;
	[sflag:s15] =	ssyncadd.s32 $0xFFFFC000  }
0x64c: {  	[tilespmem:s13], [sflag:$0x2] =	stream.indirect.gather [hbm4b:s8+s12], $0x80, s16, s12, $0xb8;
	[tilespmem:$0x1D800] =	vst v63  }
0x64d: {  	s31 =	simm.s32 $0x1500  }
0x64e: {  	[spmem:s3] =	stream.indirect.scatter.add.f32 [tilespmem:s5], [sflag:$0x3], $0x80, s31, s12, $0xb8;
	[tilespmem:$0x1D800] =	vst v63  }
0x64f: {  	_ =	swait.ge [sflag:s4], $0x4000  }
0x650: {  	[sflag:s4] =	ssyncset.done $0x0  }
0x651: {  	[sflag:s4] =	ssyncadd.s32 $0xFFFFC000  }
0x652: {  	_ =	swait.ge [sflag:s14], $0x4000  }
0x653: {  	[sflag:s14] =	ssyncset.done $0x0  }
0x654: {  	s18 =	simm.s32 $0x1580;
	[sflag:s14] =	ssyncadd.s32 $0xFFFFC000  }
0x655: {  	[spmem:s3] =	stream.indirect.scatter.add.f32 [tilespmem:s13], [sflag:$0x3], $0x80, s18, s12, $0xb8;
	[tilespmem:$0x1D800] =	vst v63  }
0x656: {  	_ =	swait.ge [sflag:s4], $0x4000  }
0x657: {  	[sflag:s4] =	ssyncset.done $0x0  }
0x658: {  	[sflag:s4] =	ssyncadd.s32 $0xFFFFC000  }
0x659: {  	[bflag:$0x0] =	sbarrier.arrive $0xFFFF  }
0x65a: {  	s21 =	rddreg [dreg:$0x12]  }
0x65b: {  	[tilespmem:s5], [sflag:$0x3] =	stream.linear.gather [spmem:s21], $0x4000, $0x38;
	[tilespmem:$0x1D800] =	vst v63  }
0x65c: {  	_ =	swait.ge [sflag:s4], $0x4000  }
0x65d: {  	[sflag:s4] =	ssyncset.done $0x0  }
0x65e: {  	s22 =	rddreg [dreg:$0xd];
	[sflag:s4] =	ssyncadd.s32 $0xFFFFC000  }
0x65f: {  	[hbm4b:s22+s2] =	stream.linear.scatter [tilespmem:s5], [sflag:$0x3], $0x4000, $0x38;
	[tilespmem:$0x1D800] =	vst v63  }
0x660: {  	_ =	swait.ge [sflag:s4], $0x4000  }
0x661: {  	[sflag:s4] =	ssyncset.done $0x0  }
0x662: {  	s23 =	rddreg [dreg:$0x13];
	[sflag:s4] =	ssyncadd.s32 $0xFFFFC000  }
0x663: {  	[tilespmem:s5], [sflag:$0x3] =	stream.linear.gather [spmem:s23], $0x4000, $0x38;
	[tilespmem:$0x1D800] =	vst v63  }
0x664: {  	_ =	swait.ge [sflag:s4], $0x4000  }
0x665: {  	[sflag:s4] =	ssyncset.done $0x0  }
0x666: {  	s24 =	rddreg [dreg:$0xe];
	[sflag:s4] =	ssyncadd.s32 $0xFFFFC000  }
0x667: {  	[hbm4b:s24+s2] =	stream.linear.scatter [tilespmem:s5], [sflag:$0x3], $0x4000, $0x38;
	[tilespmem:$0x1D800] =	vst v63  }
0x668: {  	_ =	swait.ge [sflag:s4], $0x4000  }
0x669: {  	[sflag:s4] =	ssyncset.done $0x0  }
0x66a: {  	s25 =	rddreg [dreg:$0x15];
	[sflag:s4] =	ssyncadd.s32 $0xFFFFC000  }
0x66b: {  	[tilespmem:s5], [sflag:$0x3] =	stream.linear.gather [spmem:s25], $0x4000, $0x38;
	[tilespmem:$0x1D800] =	vst v63  }
0x66c: {  	_ =	swait.ge [sflag:s4], $0x4000  }
0x66d: {  	[sflag:s4] =	ssyncset.done $0x0  }
0x66e: {  	s26 =	rddreg [dreg:$0xf];
	[sflag:s4] =	ssyncadd.s32 $0xFFFFC000  }
0x66f: {  	[hbm4b:s26+s2] =	stream.linear.scatter [tilespmem:s5], [sflag:$0x3], $0x4000, $0x38;
	[tilespmem:$0x1D800] =	vst v63  }
0x670: {  	_ =	swait.ge [sflag:s4], $0x4000  }
0x671: {  	[sflag:s4] =	ssyncset.done $0x0  }
0x672: {  	s28 =	rddreg [dreg:$0x16];
	[sflag:s4] =	ssyncadd.s32 $0xFFFFC000  }
0x673: {  	[tilespmem:s5], [sflag:$0x3] =	stream.linear.gather [spmem:s28], $0x4000, $0x38;
	[tilespmem:$0x1D800] =	vst v63  }
0x674: {  	_ =	swait.ge [sflag:s4], $0x4000  }
0x675: {  	[sflag:s4] =	ssyncset.done $0x0  }
0x676: {  	s29 =	rddreg [dreg:$0x10];
	[sflag:s4] =	ssyncadd.s32 $0xFFFFC000  }
0x677: {  	[hbm4b:s29+s2] =	stream.linear.scatter [tilespmem:s5], [sflag:$0x3], $0x4000, $0x38;
	[tilespmem:$0x1D800] =	vst v63  }
0x678: {  	_ =	swait.ge [sflag:s4], $0x4000  }
0x679: {  	[sflag:s4] =	ssyncset.done $0x0  }
0x67a: {  	s30 =	rddreg [dreg:$0x14];
	[sflag:s4] =	ssyncadd.s32 $0xFFFFC000  }
0x67b: {  	[tilespmem:s5], [sflag:$0x3] =	stream.linear.gather [spmem:s30], $0x4000, $0x38;
	[tilespmem:$0x1D800] =	vst v63  }
0x67c: {  	p1 =	sne.s32 s1, $0x1;
	_ =	swait.ge [sflag:s4], $0x4000  }
.Ltmp2:
0x67d: {  	[sflag:s4] =	ssyncset.done $0x0;
	(pc) =	sbr.rel @p1 .LBB2_4-.Ltmp2, $4  }
0x67e: {  	s31 =	rddreg [dreg:$0x11];
	[sflag:s4] =	ssyncadd.s32 $0xFFFFC000  }
0x67f: {  	[hbm4b:s31+s2] =	stream.linear.scatter [tilespmem:s5], [sflag:$0x3], $0x4000, $0x38;
	[tilespmem:$0x1D800] =	vst v63  }
0x680: {  	_ =	swait.ge [sflag:s4], $0x4000  }
0x681: {  	s1 =	sadd.s32 $0xFFFFFFFF, s1;
	s6 =	rddreg [dreg:$0x4];
	[sflag:s4] =	ssyncset.done $0x0  }
0x682: {  	s16 =	rddreg [dreg:$0x15]  }
0x683: {  	s11 =	rddreg [dreg:$0x16]  }
0x684: {  	s10 =	rddreg [dreg:$0x12]  }
0x685: {  	s9 =	rddreg [dreg:$0x13]  }
0x686: {  	s7 =	rddreg [dreg:$0x14];
	s0 =	simm.s32 $0xC00  }
.LBB2_6:
0x687: {  	[sflag:s4] =	ssyncadd.s32 @p0 $0xFFFFC000  }
0x688: {  	[tilespmem:s5], [sflag:$0x3] =	stream.linear.gather [hbm4b:s6+s2], $0x4000, $0x38;
	[tilespmem:$0x1D800] =	vst v63  }
0x689: {  	_ =	swait.ge [sflag:s4], $0x4000  }
0x68a: {  	[sflag:s4] =	ssyncset.done $0x0  }
0x68b: {  	[sflag:s4] =	ssyncadd.s32 $0xFFFFC000  }
0x68c: {  	[spmem:s10] =	stream.linear.scatter [tilespmem:s5], [sflag:$0x3], $0x4000, $0x38;
	[tilespmem:$0x1D800] =	vst v63  }
0x68d: {  	_ =	swait.ge [sflag:s4], $0x4000  }
0x68e: {  	[sflag:s4] =	ssyncset.done $0x0  }
0x68f: {  	[sflag:s4] =	ssyncadd.s32 $0xFFFFC000  }
0x690: {  	[spmem:s9] =	stream.linear.scatter [tilespmem:s5], [sflag:$0x3], $0x4000, $0x38;
	[tilespmem:$0x1D800] =	vst v63  }
0x691: {  	_ =	swait.ge [sflag:s4], $0x4000  }
0x692: {  	[sflag:s4] =	ssyncset.done $0x0  }
0x693: {  	[sflag:s4] =	ssyncadd.s32 $0xFFFFC000  }
0x694: {  	[spmem:s16] =	stream.linear.scatter [tilespmem:s5], [sflag:$0x3], $0x4000, $0x38;
	[tilespmem:$0x1D800] =	vst v63  }
0x695: {  	_ =	swait.ge [sflag:s4], $0x4000  }
0x696: {  	[sflag:s4] =	ssyncset.done $0x0  }
0x697: {  	[sflag:s4] =	ssyncadd.s32 $0xFFFFC000  }
0x698: {  	[spmem:s11] =	stream.linear.scatter [tilespmem:s5], [sflag:$0x3], $0x4000, $0x38;
	[tilespmem:$0x1D800] =	vst v63  }
0x699: {  	_ =	swait.ge [sflag:s4], $0x4000  }
0x69a: {  	[sflag:s4] =	ssyncset.done $0x0  }
0x69b: {  	[sflag:s4] =	ssyncadd.s32 $0xFFFFC000  }
0x69c: {  	[spmem:s7] =	stream.linear.scatter [tilespmem:s5], [sflag:$0x3], $0x4000, $0x38;
	[tilespmem:$0x1D800] =	vst v63  }
0x69d: {  	_ =	swait.ge [sflag:s4], $0x4000  }
0x69e: {  	[sflag:s4] =	ssyncset.done $0x0  }
0x69f: {  	[sflag:s4] =	ssyncadd.s32 $0xFFFFC000  }
0x6a0: {  	[bflag:$0x0] =	sbarrier.arrive $0xFFFF  }
0x6a1: {  	s1 =	rddreg [dreg:$0x5]  }
0x6a2: {  	[tilespmem:s2], [sflag:$0x3] =	stream.linear.gather [hbm4b:s1+s2], $0xA00, $0x38;
	[tilespmem:$0x1D800] =	vst v63  }
0x6a3: {  	_ =	swait.ge [sflag:s4], $0xA00  }
0x6a4: {  	[sflag:s4] =	ssyncset.done $0x0  }
0x6a5: {  	s31 =	rddreg [dreg:$0x6];
	[sflag:s4] =	ssyncadd.s32 $0xFFFFF600  }
0x6a6: {  	[tilespmem:s0], [sflag:$0x3] =	stream.linear.gather [hbm4b:s31+s2], $0xA00, $0x38;
	[tilespmem:$0x1D800] =	vst v63  }
0x6a7: {  	_ =	swait.ge [sflag:s4], $0xA00  }
0x6a8: {  	[sflag:s4] =	ssyncset.done $0x0  }
0x6a9: {  	[sflag:s4] =	ssyncadd.s32 $0xFFFFF600  }
0x6aa: {  	[tilespmem:s5], [sflag:$0x1] =	stream.indirect.gather [hbm4b:s8+s12], $0x80, s2, s12, $0xb8;
	[tilespmem:$0x1D800] =	vst v63  }
0x6ab: {  	_ =	swait.ge [sflag:s15], $0x4000  }
0x6ac: {  	[sflag:s15] =	ssyncset.done $0x0  }
0x6ad: {  	[sflag:s15] =	ssyncadd.s32 $0xFFFFC000  }
0x6ae: {  	[tilespmem:s13], [sflag:$0x2] =	stream.indirect.gather [hbm4b:s8+s12], $0x80, s12, s12, $0xb8;
	[tilespmem:$0x1D800] =	vst v63  }
0x6af: {  	_ = 	snop  }
0x6b0: {  	[spmem:s3] =	stream.indirect.scatter.add.f32 [tilespmem:s5], [sflag:$0x3], $0x80, s0, s12, $0xb8;
	[tilespmem:$0x1D800] =	vst v63  }
0x6b1: {  	_ =	swait.ge [sflag:s4], $0x4000  }
0x6b2: {  	[sflag:s4] =	ssyncset.done $0x0  }
0x6b3: {  	[sflag:s4] =	ssyncadd.s32 $0xFFFFC000  }
0x6b4: {  	_ =	swait.ge [sflag:s14], $0x4000  }
0x6b5: {  	[sflag:s14] =	ssyncset.done $0x0  }
0x6b6: {  	s6 =	simm.s32 $0x100;
	[sflag:s14] =	ssyncadd.s32 $0xFFFFC000  }
0x6b7: {  	[tilespmem:s5], [sflag:$0x1] =	stream.indirect.gather [hbm4b:s8+s12], $0x80, s6, s12, $0xb8;
	[tilespmem:$0x1D800] =	vst v63  }
0x6b8: {  	s7 =	simm.s32 $0xC80  }
0x6b9: {  	[spmem:s3] =	stream.indirect.scatter.add.f32 [tilespmem:s13], [sflag:$0x3], $0x80, s7, s12, $0xb8;
	[tilespmem:$0x1D800] =	vst v63  }
0x6ba: {  	_ =	swait.ge [sflag:s4], $0x4000  }
0x6bb: {  	[sflag:s4] =	ssyncset.done $0x0  }
0x6bc: {  	[sflag:s4] =	ssyncadd.s32 $0xFFFFC000  }
0x6bd: {  	_ =	swait.ge [sflag:s15], $0x4000  }
0x6be: {  	[sflag:s15] =	ssyncset.done $0x0  }
0x6bf: {  	s9 =	simm.s32 $0x180;
	[sflag:s15] =	ssyncadd.s32 $0xFFFFC000  }
0x6c0: {  	[tilespmem:s13], [sflag:$0x2] =	stream.indirect.gather [hbm4b:s8+s12], $0x80, s9, s12, $0xb8;
	[tilespmem:$0x1D800] =	vst v63  }
0x6c1: {  	s11 =	simm.s32 $0xD00  }
0x6c2: {  	[spmem:s3] =	stream.indirect.scatter.add.f32 [tilespmem:s5], [sflag:$0x3], $0x80, s11, s12, $0xb8;
	[tilespmem:$0x1D800] =	vst v63  }
0x6c3: {  	_ =	swait.ge [sflag:s4], $0x4000  }
0x6c4: {  	[sflag:s4] =	ssyncset.done $0x0  }
0x6c5: {  	[sflag:s4] =	ssyncadd.s32 $0xFFFFC000  }
0x6c6: {  	_ =	swait.ge [sflag:s14], $0x4000  }
0x6c7: {  	[sflag:s14] =	ssyncset.done $0x0  }
0x6c8: {  	s16 =	simm.s32 $0x200;
	[sflag:s14] =	ssyncadd.s32 $0xFFFFC000  }
0x6c9: {  	[tilespmem:s5], [sflag:$0x1] =	stream.indirect.gather [hbm4b:s8+s12], $0x80, s16, s12, $0xb8;
	[tilespmem:$0x1D800] =	vst v63  }
0x6ca: {  	s17 =	simm.s32 $0xD80  }
0x6cb: {  	[spmem:s3] =	stream.indirect.scatter.add.f32 [tilespmem:s13], [sflag:$0x3], $0x80, s17, s12, $0xb8;
	[tilespmem:$0x1D800] =	vst v63  }
0x6cc: {  	_ =	swait.ge [sflag:s4], $0x4000  }
0x6cd: {  	[sflag:s4] =	ssyncset.done $0x0  }
0x6ce: {  	[sflag:s4] =	ssyncadd.s32 $0xFFFFC000  }
0x6cf: {  	_ =	swait.ge [sflag:s15], $0x4000  }
0x6d0: {  	[sflag:s15] =	ssyncset.done $0x0  }
0x6d1: {  	s18 =	simm.s32 $0x280;
	[sflag:s15] =	ssyncadd.s32 $0xFFFFC000  }
0x6d2: {  	[tilespmem:s13], [sflag:$0x2] =	stream.indirect.gather [hbm4b:s8+s12], $0x80, s18, s12, $0xb8;
	[tilespmem:$0x1D800] =	vst v63  }
0x6d3: {  	s21 =	simm.s32 $0xE00  }
0x6d4: {  	[spmem:s3] =	stream.indirect.scatter.add.f32 [tilespmem:s5], [sflag:$0x3], $0x80, s21, s12, $0xb8;
	[tilespmem:$0x1D800] =	vst v63  }
0x6d5: {  	_ =	swait.ge [sflag:s4], $0x4000  }
0x6d6: {  	[sflag:s4] =	ssyncset.done $0x0  }
0x6d7: {  	[sflag:s4] =	ssyncadd.s32 $0xFFFFC000  }
0x6d8: {  	_ =	swait.ge [sflag:s14], $0x4000  }
0x6d9: {  	[sflag:s14] =	ssyncset.done $0x0  }
0x6da: {  	s22 =	simm.s32 $0x300;
	[sflag:s14] =	ssyncadd.s32 $0xFFFFC000  }
0x6db: {  	[tilespmem:s5], [sflag:$0x1] =	stream.indirect.gather [hbm4b:s8+s12], $0x80, s22, s12, $0xb8;
	[tilespmem:$0x1D800] =	vst v63  }
0x6dc: {  	s23 =	simm.s32 $0xE80  }
0x6dd: {  	[spmem:s3] =	stream.indirect.scatter.add.f32 [tilespmem:s13], [sflag:$0x3], $0x80, s23, s12, $0xb8;
	[tilespmem:$0x1D800] =	vst v63  }
0x6de: {  	_ =	swait.ge [sflag:s4], $0x4000  }
0x6df: {  	[sflag:s4] =	ssyncset.done $0x0  }
0x6e0: {  	[sflag:s4] =	ssyncadd.s32 $0xFFFFC000  }
0x6e1: {  	_ =	swait.ge [sflag:s15], $0x4000  }
0x6e2: {  	[sflag:s15] =	ssyncset.done $0x0  }
0x6e3: {  	s24 =	simm.s32 $0x380;
	[sflag:s15] =	ssyncadd.s32 $0xFFFFC000  }
0x6e4: {  	[tilespmem:s13], [sflag:$0x2] =	stream.indirect.gather [hbm4b:s8+s12], $0x80, s24, s12, $0xb8;
	[tilespmem:$0x1D800] =	vst v63  }
0x6e5: {  	s25 =	simm.s32 $0xF00  }
0x6e6: {  	[spmem:s3] =	stream.indirect.scatter.add.f32 [tilespmem:s5], [sflag:$0x3], $0x80, s25, s12, $0xb8;
	[tilespmem:$0x1D800] =	vst v63  }
0x6e7: {  	_ =	swait.ge [sflag:s4], $0x4000  }
0x6e8: {  	[sflag:s4] =	ssyncset.done $0x0  }
0x6e9: {  	[sflag:s4] =	ssyncadd.s32 $0xFFFFC000  }
0x6ea: {  	_ =	swait.ge [sflag:s14], $0x4000  }
0x6eb: {  	[sflag:s14] =	ssyncset.done $0x0  }
0x6ec: {  	s26 =	simm.s32 $0x400;
	[sflag:s14] =	ssyncadd.s32 $0xFFFFC000  }
0x6ed: {  	[tilespmem:s5], [sflag:$0x1] =	stream.indirect.gather [hbm4b:s8+s12], $0x80, s26, s12, $0xb8;
	[tilespmem:$0x1D800] =	vst v63  }
0x6ee: {  	s28 =	simm.s32 $0xF80  }
0x6ef: {  	[spmem:s3] =	stream.indirect.scatter.add.f32 [tilespmem:s13], [sflag:$0x3], $0x80, s28, s12, $0xb8;
	[tilespmem:$0x1D800] =	vst v63  }
0x6f0: {  	_ =	swait.ge [sflag:s4], $0x4000  }
0x6f1: {  	[sflag:s4] =	ssyncset.done $0x0  }
0x6f2: {  	[sflag:s4] =	ssyncadd.s32 $0xFFFFC000  }
0x6f3: {  	_ =	swait.ge [sflag:s15], $0x4000  }
0x6f4: {  	[sflag:s15] =	ssyncset.done $0x0  }
0x6f5: {  	s29 =	simm.s32 $0x480;
	[sflag:s15] =	ssyncadd.s32 $0xFFFFC000  }
0x6f6: {  	[tilespmem:s13], [sflag:$0x2] =	stream.indirect.gather [hbm4b:s8+s12], $0x80, s29, s12, $0xb8;
	[tilespmem:$0x1D800] =	vst v63  }
0x6f7: {  	s30 =	simm.s32 $0x1000  }
0x6f8: {  	[spmem:s3] =	stream.indirect.scatter.add.f32 [tilespmem:s5], [sflag:$0x3], $0x80, s30, s12, $0xb8;
	[tilespmem:$0x1D800] =	vst v63  }
0x6f9: {  	_ =	swait.ge [sflag:s4], $0x4000  }
0x6fa: {  	[sflag:s4] =	ssyncset.done $0x0  }
0x6fb: {  	[sflag:s4] =	ssyncadd.s32 $0xFFFFC000  }
0x6fc: {  	_ =	swait.ge [sflag:s14], $0x4000  }
0x6fd: {  	[sflag:s14] =	ssyncset.done $0x0  }
0x6fe: {  	s31 =	simm.s32 $0x500;
	[sflag:s14] =	ssyncadd.s32 $0xFFFFC000  }
0x6ff: {  	[tilespmem:s5], [sflag:$0x1] =	stream.indirect.gather [hbm4b:s8+s12], $0x80, s31, s12, $0xb8;
	[tilespmem:$0x1D800] =	vst v63  }
0x700: {  	s1 =	simm.s32 $0x1080  }
0x701: {  	[spmem:s3] =	stream.indirect.scatter.add.f32 [tilespmem:s13], [sflag:$0x3], $0x80, s1, s12, $0xb8;
	[tilespmem:$0x1D800] =	vst v63  }
0x702: {  	_ =	swait.ge [sflag:s4], $0x4000  }
0x703: {  	[sflag:s4] =	ssyncset.done $0x0  }
0x704: {  	[sflag:s4] =	ssyncadd.s32 $0xFFFFC000  }
0x705: {  	_ =	swait.ge [sflag:s15], $0x4000  }
0x706: {  	[sflag:s15] =	ssyncset.done $0x0  }
0x707: {  	s11 =	simm.s32 $0x580;
	[sflag:s15] =	ssyncadd.s32 $0xFFFFC000  }
0x708: {  	[tilespmem:s13], [sflag:$0x2] =	stream.indirect.gather [hbm4b:s8+s12], $0x80, s11, s12, $0xb8;
	[tilespmem:$0x1D800] =	vst v63  }
0x709: {  	s21 =	simm.s32 $0x1100  }
0x70a: {  	[spmem:s3] =	stream.indirect.scatter.add.f32 [tilespmem:s5], [sflag:$0x3], $0x80, s21, s12, $0xb8;
	[tilespmem:$0x1D800] =	vst v63  }
0x70b: {  	_ =	swait.ge [sflag:s4], $0x4000  }
0x70c: {  	[sflag:s4] =	ssyncset.done $0x0  }
0x70d: {  	[sflag:s4] =	ssyncadd.s32 $0xFFFFC000  }
0x70e: {  	_ =	swait.ge [sflag:s14], $0x4000  }
0x70f: {  	[sflag:s14] =	ssyncset.done $0x0  }
0x710: {  	s22 =	simm.s32 $0x600;
	[sflag:s14] =	ssyncadd.s32 $0xFFFFC000  }
0x711: {  	[tilespmem:s5], [sflag:$0x1] =	stream.indirect.gather [hbm4b:s8+s12], $0x80, s22, s12, $0xb8;
	[tilespmem:$0x1D800] =	vst v63  }
0x712: {  	s23 =	simm.s32 $0x1180  }
0x713: {  	[spmem:s3] =	stream.indirect.scatter.add.f32 [tilespmem:s13], [sflag:$0x3], $0x80, s23, s12, $0xb8;
	[tilespmem:$0x1D800] =	vst v63  }
0x714: {  	_ =	swait.ge [sflag:s4], $0x4000  }
0x715: {  	[sflag:s4] =	ssyncset.done $0x0  }
0x716: {  	[sflag:s4] =	ssyncadd.s32 $0xFFFFC000  }
0x717: {  	_ =	swait.ge [sflag:s15], $0x4000  }
0x718: {  	[sflag:s15] =	ssyncset.done $0x0  }
0x719: {  	s24 =	simm.s32 $0x680;
	[sflag:s15] =	ssyncadd.s32 $0xFFFFC000  }
0x71a: {  	[tilespmem:s13], [sflag:$0x2] =	stream.indirect.gather [hbm4b:s8+s12], $0x80, s24, s12, $0xb8;
	[tilespmem:$0x1D800] =	vst v63  }
0x71b: {  	s25 =	simm.s32 $0x1200  }
0x71c: {  	[spmem:s3] =	stream.indirect.scatter.add.f32 [tilespmem:s5], [sflag:$0x3], $0x80, s25, s12, $0xb8;
	[tilespmem:$0x1D800] =	vst v63  }
0x71d: {  	_ =	swait.ge [sflag:s4], $0x4000  }
0x71e: {  	[sflag:s4] =	ssyncset.done $0x0  }
0x71f: {  	[sflag:s4] =	ssyncadd.s32 $0xFFFFC000  }
0x720: {  	_ =	swait.ge [sflag:s14], $0x4000  }
0x721: {  	[sflag:s14] =	ssyncset.done $0x0  }
0x722: {  	s26 =	simm.s32 $0x700;
	[sflag:s14] =	ssyncadd.s32 $0xFFFFC000  }
0x723: {  	[tilespmem:s5], [sflag:$0x1] =	stream.indirect.gather [hbm4b:s8+s12], $0x80, s26, s12, $0xb8;
	[tilespmem:$0x1D800] =	vst v63  }
0x724: {  	s28 =	simm.s32 $0x1280  }
0x725: {  	[spmem:s3] =	stream.indirect.scatter.add.f32 [tilespmem:s13], [sflag:$0x3], $0x80, s28, s12, $0xb8;
	[tilespmem:$0x1D800] =	vst v63  }
0x726: {  	_ =	swait.ge [sflag:s4], $0x4000  }
0x727: {  	[sflag:s4] =	ssyncset.done $0x0  }
0x728: {  	[sflag:s4] =	ssyncadd.s32 $0xFFFFC000  }
0x729: {  	_ =	swait.ge [sflag:s15], $0x4000  }
0x72a: {  	[sflag:s15] =	ssyncset.done $0x0  }
0x72b: {  	s29 =	simm.s32 $0x780;
	[sflag:s15] =	ssyncadd.s32 $0xFFFFC000  }
0x72c: {  	[tilespmem:s13], [sflag:$0x2] =	stream.indirect.gather [hbm4b:s8+s12], $0x80, s29, s12, $0xb8;
	[tilespmem:$0x1D800] =	vst v63  }
0x72d: {  	s30 =	simm.s32 $0x1300  }
0x72e: {  	[spmem:s3] =	stream.indirect.scatter.add.f32 [tilespmem:s5], [sflag:$0x3], $0x80, s30, s12, $0xb8;
	[tilespmem:$0x1D800] =	vst v63  }
0x72f: {  	_ =	swait.ge [sflag:s4], $0x4000  }
0x730: {  	[sflag:s4] =	ssyncset.done $0x0  }
0x731: {  	[sflag:s4] =	ssyncadd.s32 $0xFFFFC000  }
0x732: {  	_ =	swait.ge [sflag:s14], $0x4000  }
0x733: {  	[sflag:s14] =	ssyncset.done $0x0  }
0x734: {  	s31 =	simm.s32 $0x800;
	[sflag:s14] =	ssyncadd.s32 $0xFFFFC000  }
0x735: {  	[tilespmem:s5], [sflag:$0x1] =	stream.indirect.gather [hbm4b:s8+s12], $0x80, s31, s12, $0xb8;
	[tilespmem:$0x1D800] =	vst v63  }
0x736: {  	s1 =	simm.s32 $0x1380  }
0x737: {  	[spmem:s3] =	stream.indirect.scatter.add.f32 [tilespmem:s13], [sflag:$0x3], $0x80, s1, s12, $0xb8;
	[tilespmem:$0x1D800] =	vst v63  }
0x738: {  	_ =	swait.ge [sflag:s4], $0x4000  }
0x739: {  	[sflag:s4] =	ssyncset.done $0x0  }
0x73a: {  	[sflag:s4] =	ssyncadd.s32 $0xFFFFC000  }
0x73b: {  	_ =	swait.ge [sflag:s15], $0x4000  }
0x73c: {  	[sflag:s15] =	ssyncset.done $0x0  }
0x73d: {  	s22 =	simm.s32 $0x880;
	[sflag:s15] =	ssyncadd.s32 $0xFFFFC000  }
0x73e: {  	[tilespmem:s13], [sflag:$0x2] =	stream.indirect.gather [hbm4b:s8+s12], $0x80, s22, s12, $0xb8;
	[tilespmem:$0x1D800] =	vst v63  }
0x73f: {  	s24 =	simm.s32 $0x1400  }
0x740: {  	[spmem:s3] =	stream.indirect.scatter.add.f32 [tilespmem:s5], [sflag:$0x3], $0x80, s24, s12, $0xb8;
	[tilespmem:$0x1D800] =	vst v63  }
0x741: {  	_ =	swait.ge [sflag:s4], $0x4000  }
0x742: {  	[sflag:s4] =	ssyncset.done $0x0  }
0x743: {  	[sflag:s4] =	ssyncadd.s32 $0xFFFFC000  }
0x744: {  	_ =	swait.ge [sflag:s14], $0x4000  }
0x745: {  	[sflag:s14] =	ssyncset.done $0x0  }
0x746: {  	s26 =	simm.s32 $0x900;
	[sflag:s14] =	ssyncadd.s32 $0xFFFFC000  }
0x747: {  	[tilespmem:s5], [sflag:$0x1] =	stream.indirect.gather [hbm4b:s8+s12], $0x80, s26, s12, $0xb8;
	[tilespmem:$0x1D800] =	vst v63  }
0x748: {  	s28 =	simm.s32 $0x1480  }
0x749: {  	[spmem:s3] =	stream.indirect.scatter.add.f32 [tilespmem:s13], [sflag:$0x3], $0x80, s28, s12, $0xb8;
	[tilespmem:$0x1D800] =	vst v63  }
0x74a: {  	_ =	swait.ge [sflag:s4], $0x4000  }
0x74b: {  	[sflag:s4] =	ssyncset.done $0x0  }
0x74c: {  	[sflag:s4] =	ssyncadd.s32 $0xFFFFC000  }
0x74d: {  	_ =	swait.ge [sflag:s15], $0x4000  }
0x74e: {  	[sflag:s15] =	ssyncset.done $0x0  }
0x74f: {  	s30 =	simm.s32 $0x980;
	[sflag:s15] =	ssyncadd.s32 $0xFFFFC000  }
0x750: {  	[tilespmem:s13], [sflag:$0x2] =	stream.indirect.gather [hbm4b:s8+s12], $0x80, s30, s12, $0xb8;
	[tilespmem:$0x1D800] =	vst v63  }
0x751: {  	s22 =	simm.s32 $0x1500  }
0x752: {  	[spmem:s3] =	stream.indirect.scatter.add.f32 [tilespmem:s5], [sflag:$0x3], $0x80, s22, s12, $0xb8;
	[tilespmem:$0x1D800] =	vst v63  }
0x753: {  	_ =	swait.ge [sflag:s4], $0x4000  }
0x754: {  	[sflag:s4] =	ssyncset.done $0x0  }
0x755: {  	[sflag:s4] =	ssyncadd.s32 $0xFFFFC000  }
0x756: {  	_ =	swait.ge [sflag:s14], $0x4000  }
0x757: {  	[sflag:s14] =	ssyncset.done $0x0  }
0x758: {  	s24 =	simm.s32 $0x1580;
	[sflag:s14] =	ssyncadd.s32 $0xFFFFC000  }
0x759: {  	[spmem:s3] =	stream.indirect.scatter.add.f32 [tilespmem:s13], [sflag:$0x3], $0x80, s24, s12, $0xb8;
	[tilespmem:$0x1D800] =	vst v63  }
0x75a: {  	_ =	swait.ge [sflag:s4], $0x4000  }
0x75b: {  	[sflag:s4] =	ssyncset.done $0x0  }
0x75c: {  	s26 =	rddreg [dreg:$0x7];
	[sflag:s4] =	ssyncadd.s32 $0xFFFFC000  }
0x75d: {  	[tilespmem:s2], [sflag:$0x3] =	stream.linear.gather [hbm4b:s26+s2], $0xA00, $0x38;
	[tilespmem:$0x1D800] =	vst v63  }
0x75e: {  	_ =	swait.ge [sflag:s4], $0xA00  }
0x75f: {  	[sflag:s4] =	ssyncset.done $0x0  }
0x760: {  	s0 =	simm.s32 $0xC00;
	s28 =	rddreg [dreg:$0x8];
	[sflag:s4] =	ssyncadd.s32 $0xFFFFF600  }
0x761: {  	[tilespmem:s0], [sflag:$0x3] =	stream.linear.gather [hbm4b:s28+s2], $0xA00, $0x38;
	[tilespmem:$0x1D800] =	vst v63  }
0x762: {  	_ =	swait.ge [sflag:s4], $0xA00  }
0x763: {  	[sflag:s4] =	ssyncset.done $0x0  }
0x764: {  	[sflag:s4] =	ssyncadd.s32 $0xFFFFF600  }
0x765: {  	[tilespmem:s5], [sflag:$0x1] =	stream.indirect.gather [hbm4b:s8+s12], $0x80, s2, s12, $0xb8;
	[tilespmem:$0x1D800] =	vst v63  }
0x766: {  	_ =	swait.ge [sflag:s15], $0x4000  }
0x767: {  	[sflag:s15] =	ssyncset.done $0x0  }
0x768: {  	[sflag:s15] =	ssyncadd.s32 $0xFFFFC000  }
0x769: {  	[tilespmem:s13], [sflag:$0x2] =	stream.indirect.gather [hbm4b:s8+s12], $0x80, s12, s12, $0xb8;
	[tilespmem:$0x1D800] =	vst v63  }
0x76a: {  	_ = 	snop  }
0x76b: {  	[spmem:s3] =	stream.indirect.scatter.add.f32 [tilespmem:s5], [sflag:$0x3], $0x80, s0, s12, $0xb8;
	[tilespmem:$0x1D800] =	vst v63  }
0x76c: {  	_ =	swait.ge [sflag:s4], $0x4000  }
0x76d: {  	[sflag:s4] =	ssyncset.done $0x0  }
0x76e: {  	[sflag:s4] =	ssyncadd.s32 $0xFFFFC000  }
0x76f: {  	_ =	swait.ge [sflag:s14], $0x4000  }
0x770: {  	[sflag:s14] =	ssyncset.done $0x0  }
0x771: {  	s10 =	simm.s32 $0x100;
	[sflag:s14] =	ssyncadd.s32 $0xFFFFC000  }
0x772: {  	[tilespmem:s5], [sflag:$0x1] =	stream.indirect.gather [hbm4b:s8+s12], $0x80, s10, s12, $0xb8;
	[tilespmem:$0x1D800] =	vst v63  }
0x773: {  	s20 =	simm.s32 $0xC80  }
0x774: {  	[spmem:s3] =	stream.indirect.scatter.add.f32 [tilespmem:s13], [sflag:$0x3], $0x80, s20, s12, $0xb8;
	[tilespmem:$0x1D800] =	vst v63  }
0x775: {  	_ =	swait.ge [sflag:s4], $0x4000  }
0x776: {  	[sflag:s4] =	ssyncset.done $0x0  }
0x777: {  	[sflag:s4] =	ssyncadd.s32 $0xFFFFC000  }
0x778: {  	_ =	swait.ge [sflag:s15], $0x4000  }
0x779: {  	[sflag:s15] =	ssyncset.done $0x0  }
0x77a: {  	s10 =	simm.s32 $0x180;
	[sflag:s15] =	ssyncadd.s32 $0xFFFFC000  }
0x77b: {  	[tilespmem:s13], [sflag:$0x2] =	stream.indirect.gather [hbm4b:s8+s12], $0x80, s10, s12, $0xb8;
	[tilespmem:$0x1D800] =	vst v63  }
0x77c: {  	s20 =	simm.s32 $0xD00  }
0x77d: {  	[spmem:s3] =	stream.indirect.scatter.add.f32 [tilespmem:s5], [sflag:$0x3], $0x80, s20, s12, $0xb8;
	[tilespmem:$0x1D800] =	vst v63  }
0x77e: {  	_ =	swait.ge [sflag:s4], $0x4000  }
0x77f: {  	[sflag:s4] =	ssyncset.done $0x0  }
0x780: {  	[sflag:s4] =	ssyncadd.s32 $0xFFFFC000  }
0x781: {  	_ =	swait.ge [sflag:s14], $0x4000  }
0x782: {  	[sflag:s14] =	ssyncset.done $0x0  }
0x783: {  	s9 =	simm.s32 $0x200;
	[sflag:s14] =	ssyncadd.s32 $0xFFFFC000  }
0x784: {  	[tilespmem:s5], [sflag:$0x1] =	stream.indirect.gather [hbm4b:s8+s12], $0x80, s9, s12, $0xb8;
	[tilespmem:$0x1D800] =	vst v63  }
0x785: {  	s19 =	simm.s32 $0xD80  }
0x786: {  	[spmem:s3] =	stream.indirect.scatter.add.f32 [tilespmem:s13], [sflag:$0x3], $0x80, s19, s12, $0xb8;
	[tilespmem:$0x1D800] =	vst v63  }
0x787: {  	_ =	swait.ge [sflag:s4], $0x4000  }
0x788: {  	[sflag:s4] =	ssyncset.done $0x0  }
0x789: {  	[sflag:s4] =	ssyncadd.s32 $0xFFFFC000  }
0x78a: {  	_ =	swait.ge [sflag:s15], $0x4000  }
0x78b: {  	[sflag:s15] =	ssyncset.done $0x0  }
0x78c: {  	s9 =	simm.s32 $0x280;
	[sflag:s15] =	ssyncadd.s32 $0xFFFFC000  }
0x78d: {  	[tilespmem:s13], [sflag:$0x2] =	stream.indirect.gather [hbm4b:s8+s12], $0x80, s9, s12, $0xb8;
	[tilespmem:$0x1D800] =	vst v63  }
0x78e: {  	s19 =	simm.s32 $0xE00  }
0x78f: {  	[spmem:s3] =	stream.indirect.scatter.add.f32 [tilespmem:s5], [sflag:$0x3], $0x80, s19, s12, $0xb8;
	[tilespmem:$0x1D800] =	vst v63  }
0x790: {  	_ =	swait.ge [sflag:s4], $0x4000  }
0x791: {  	[sflag:s4] =	ssyncset.done $0x0  }
0x792: {  	[sflag:s4] =	ssyncadd.s32 $0xFFFFC000  }
0x793: {  	_ =	swait.ge [sflag:s14], $0x4000  }
0x794: {  	[sflag:s14] =	ssyncset.done $0x0  }
0x795: {  	s7 =	simm.s32 $0x300;
	[sflag:s14] =	ssyncadd.s32 $0xFFFFC000  }
0x796: {  	[tilespmem:s5], [sflag:$0x1] =	stream.indirect.gather [hbm4b:s8+s12], $0x80, s7, s12, $0xb8;
	[tilespmem:$0x1D800] =	vst v63  }
0x797: {  	s18 =	simm.s32 $0xE80  }
0x798: {  	[spmem:s3] =	stream.indirect.scatter.add.f32 [tilespmem:s13], [sflag:$0x3], $0x80, s18, s12, $0xb8;
	[tilespmem:$0x1D800] =	vst v63  }
0x799: {  	_ =	swait.ge [sflag:s4], $0x4000  }
0x79a: {  	[sflag:s4] =	ssyncset.done $0x0  }
0x79b: {  	[sflag:s4] =	ssyncadd.s32 $0xFFFFC000  }
0x79c: {  	_ =	swait.ge [sflag:s15], $0x4000  }
0x79d: {  	[sflag:s15] =	ssyncset.done $0x0  }
0x79e: {  	s26 =	simm.s32 $0x380;
	[sflag:s15] =	ssyncadd.s32 $0xFFFFC000  }
0x79f: {  	[tilespmem:s13], [sflag:$0x2] =	stream.indirect.gather [hbm4b:s8+s12], $0x80, s26, s12, $0xb8;
	[tilespmem:$0x1D800] =	vst v63  }
0x7a0: {  	s18 =	simm.s32 $0xF00  }
0x7a1: {  	[spmem:s3] =	stream.indirect.scatter.add.f32 [tilespmem:s5], [sflag:$0x3], $0x80, s18, s12, $0xb8;
	[tilespmem:$0x1D800] =	vst v63  }
0x7a2: {  	_ =	swait.ge [sflag:s4], $0x4000  }
0x7a3: {  	[sflag:s4] =	ssyncset.done $0x0  }
0x7a4: {  	[sflag:s4] =	ssyncadd.s32 $0xFFFFC000  }
0x7a5: {  	_ =	swait.ge [sflag:s14], $0x4000  }
0x7a6: {  	[sflag:s14] =	ssyncset.done $0x0  }
0x7a7: {  	s6 =	simm.s32 $0x400;
	[sflag:s14] =	ssyncadd.s32 $0xFFFFC000  }
0x7a8: {  	[tilespmem:s5], [sflag:$0x1] =	stream.indirect.gather [hbm4b:s8+s12], $0x80, s6, s12, $0xb8;
	[tilespmem:$0x1D800] =	vst v63  }
0x7a9: {  	s17 =	simm.s32 $0xF80  }
0x7aa: {  	[spmem:s3] =	stream.indirect.scatter.add.f32 [tilespmem:s13], [sflag:$0x3], $0x80, s17, s12, $0xb8;
	[tilespmem:$0x1D800] =	vst v63  }
0x7ab: {  	_ =	swait.ge [sflag:s4], $0x4000  }
0x7ac: {  	[sflag:s4] =	ssyncset.done $0x0  }
0x7ad: {  	[sflag:s4] =	ssyncadd.s32 $0xFFFFC000  }
0x7ae: {  	_ =	swait.ge [sflag:s15], $0x4000  }
0x7af: {  	[sflag:s15] =	ssyncset.done $0x0  }
0x7b0: {  	s22 =	simm.s32 $0x480;
	[sflag:s15] =	ssyncadd.s32 $0xFFFFC000  }
0x7b1: {  	[tilespmem:s13], [sflag:$0x2] =	stream.indirect.gather [hbm4b:s8+s12], $0x80, s22, s12, $0xb8;
	[tilespmem:$0x1D800] =	vst v63  }
0x7b2: {  	s17 =	simm.s32 $0x1000  }
0x7b3: {  	[spmem:s3] =	stream.indirect.scatter.add.f32 [tilespmem:s5], [sflag:$0x3], $0x80, s17, s12, $0xb8;
	[tilespmem:$0x1D800] =	vst v63  }
0x7b4: {  	_ =	swait.ge [sflag:s4], $0x4000  }
0x7b5: {  	[sflag:s4] =	ssyncset.done $0x0  }
0x7b6: {  	[sflag:s4] =	ssyncadd.s32 $0xFFFFC000  }
0x7b7: {  	_ =	swait.ge [sflag:s14], $0x4000  }
0x7b8: {  	[sflag:s14] =	ssyncset.done $0x0  }
0x7b9: {  	s16 =	simm.s32 $0x500;
	[sflag:s14] =	ssyncadd.s32 $0xFFFFC000  }
0x7ba: {  	[tilespmem:s5], [sflag:$0x1] =	stream.indirect.gather [hbm4b:s8+s12], $0x80, s16, s12, $0xb8;
	[tilespmem:$0x1D800] =	vst v63  }
0x7bb: {  	s16 =	simm.s32 $0x1080  }
0x7bc: {  	[spmem:s3] =	stream.indirect.scatter.add.f32 [tilespmem:s13], [sflag:$0x3], $0x80, s16, s12, $0xb8;
	[tilespmem:$0x1D800] =	vst v63  }
0x7bd: {  	_ =	swait.ge [sflag:s4], $0x4000  }
0x7be: {  	[sflag:s4] =	ssyncset.done $0x0  }
0x7bf: {  	[sflag:s4] =	ssyncadd.s32 $0xFFFFC000  }
0x7c0: {  	_ =	swait.ge [sflag:s15], $0x4000  }
0x7c1: {  	[sflag:s15] =	ssyncset.done $0x0  }
0x7c2: {  	s11 =	simm.s32 $0x580;
	[sflag:s15] =	ssyncadd.s32 $0xFFFFC000  }
0x7c3: {  	[tilespmem:s13], [sflag:$0x2] =	stream.indirect.gather [hbm4b:s8+s12], $0x80, s11, s12, $0xb8;
	[tilespmem:$0x1D800] =	vst v63  }
0x7c4: {  	s6 =	simm.s32 $0x1100  }
0x7c5: {  	[spmem:s3] =	stream.indirect.scatter.add.f32 [tilespmem:s5], [sflag:$0x3], $0x80, s6, s12, $0xb8;
	[tilespmem:$0x1D800] =	vst v63  }
0x7c6: {  	_ =	swait.ge [sflag:s4], $0x4000  }
0x7c7: {  	[sflag:s4] =	ssyncset.done $0x0  }
0x7c8: {  	[sflag:s4] =	ssyncadd.s32 $0xFFFFC000  }
0x7c9: {  	_ =	swait.ge [sflag:s14], $0x4000  }
0x7ca: {  	[sflag:s14] =	ssyncset.done $0x0  }
0x7cb: {  	s11 =	simm.s32 $0x600;
	[sflag:s14] =	ssyncadd.s32 $0xFFFFC000  }
0x7cc: {  	[tilespmem:s5], [sflag:$0x1] =	stream.indirect.gather [hbm4b:s8+s12], $0x80, s11, s12, $0xb8;
	[tilespmem:$0x1D800] =	vst v63  }
0x7cd: {  	s21 =	simm.s32 $0x1180  }
0x7ce: {  	[spmem:s3] =	stream.indirect.scatter.add.f32 [tilespmem:s13], [sflag:$0x3], $0x80, s21, s12, $0xb8;
	[tilespmem:$0x1D800] =	vst v63  }
0x7cf: {  	_ =	swait.ge [sflag:s4], $0x4000  }
0x7d0: {  	[sflag:s4] =	ssyncset.done $0x0  }
0x7d1: {  	[sflag:s4] =	ssyncadd.s32 $0xFFFFC000  }
0x7d2: {  	_ =	swait.ge [sflag:s15], $0x4000  }
0x7d3: {  	[sflag:s15] =	ssyncset.done $0x0  }
0x7d4: {  	s24 =	simm.s32 $0x680;
	[sflag:s15] =	ssyncadd.s32 $0xFFFFC000  }
0x7d5: {  	[tilespmem:s13], [sflag:$0x2] =	stream.indirect.gather [hbm4b:s8+s12], $0x80, s24, s12, $0xb8;
	[tilespmem:$0x1D800] =	vst v63  }
0x7d6: {  	s28 =	simm.s32 $0x1200  }
0x7d7: {  	[spmem:s3] =	stream.indirect.scatter.add.f32 [tilespmem:s5], [sflag:$0x3], $0x80, s28, s12, $0xb8;
	[tilespmem:$0x1D800] =	vst v63  }
0x7d8: {  	_ =	swait.ge [sflag:s4], $0x4000  }
0x7d9: {  	[sflag:s4] =	ssyncset.done $0x0  }
0x7da: {  	[sflag:s4] =	ssyncadd.s32 $0xFFFFC000  }
0x7db: {  	_ =	swait.ge [sflag:s14], $0x4000  }
0x7dc: {  	[sflag:s14] =	ssyncset.done $0x0  }
0x7dd: {  	s23 =	simm.s32 $0x700;
	[sflag:s14] =	ssyncadd.s32 $0xFFFFC000  }
0x7de: {  	[tilespmem:s5], [sflag:$0x1] =	stream.indirect.gather [hbm4b:s8+s12], $0x80, s23, s12, $0xb8;
	[tilespmem:$0x1D800] =	vst v63  }
0x7df: {  	s7 =	simm.s32 $0x1280  }
0x7e0: {  	[spmem:s3] =	stream.indirect.scatter.add.f32 [tilespmem:s13], [sflag:$0x3], $0x80, s7, s12, $0xb8;
	[tilespmem:$0x1D800] =	vst v63  }
0x7e1: {  	_ =	swait.ge [sflag:s4], $0x4000  }
0x7e2: {  	[sflag:s4] =	ssyncset.done $0x0  }
0x7e3: {  	[sflag:s4] =	ssyncadd.s32 $0xFFFFC000  }
0x7e4: {  	_ =	swait.ge [sflag:s15], $0x4000  }
0x7e5: {  	[sflag:s15] =	ssyncset.done $0x0  }
0x7e6: {  	s23 =	simm.s32 $0x780;
	[sflag:s15] =	ssyncadd.s32 $0xFFFFC000  }
0x7e7: {  	[tilespmem:s13], [sflag:$0x2] =	stream.indirect.gather [hbm4b:s8+s12], $0x80, s23, s12, $0xb8;
	[tilespmem:$0x1D800] =	vst v63  }
0x7e8: {  	s25 =	simm.s32 $0x1300  }
0x7e9: {  	[spmem:s3] =	stream.indirect.scatter.add.f32 [tilespmem:s5], [sflag:$0x3], $0x80, s25, s12, $0xb8;
	[tilespmem:$0x1D800] =	vst v63  }
0x7ea: {  	_ =	swait.ge [sflag:s4], $0x4000  }
0x7eb: {  	[sflag:s4] =	ssyncset.done $0x0  }
0x7ec: {  	[sflag:s4] =	ssyncadd.s32 $0xFFFFC000  }
0x7ed: {  	_ =	swait.ge [sflag:s14], $0x4000  }
0x7ee: {  	[sflag:s14] =	ssyncset.done $0x0  }
0x7ef: {  	s21 =	simm.s32 $0x800;
	[sflag:s14] =	ssyncadd.s32 $0xFFFFC000  }
0x7f0: {  	[tilespmem:s5], [sflag:$0x1] =	stream.indirect.gather [hbm4b:s8+s12], $0x80, s21, s12, $0xb8;
	[tilespmem:$0x1D800] =	vst v63  }
0x7f1: {  	s25 =	simm.s32 $0x1380  }
0x7f2: {  	[spmem:s3] =	stream.indirect.scatter.add.f32 [tilespmem:s13], [sflag:$0x3], $0x80, s25, s12, $0xb8;
	[tilespmem:$0x1D800] =	vst v63  }
0x7f3: {  	_ =	swait.ge [sflag:s4], $0x4000  }
0x7f4: {  	[sflag:s4] =	ssyncset.done $0x0  }
0x7f5: {  	[sflag:s4] =	ssyncadd.s32 $0xFFFFC000  }
0x7f6: {  	_ =	swait.ge [sflag:s15], $0x4000  }
0x7f7: {  	[sflag:s15] =	ssyncset.done $0x0  }
0x7f8: {  	s1 =	simm.s32 $0x880;
	[sflag:s15] =	ssyncadd.s32 $0xFFFFC000  }
0x7f9: {  	[tilespmem:s13], [sflag:$0x2] =	stream.indirect.gather [hbm4b:s8+s12], $0x80, s1, s12, $0xb8;
	[tilespmem:$0x1D800] =	vst v63  }
0x7fa: {  	s29 =	simm.s32 $0x1400  }
0x7fb: {  	[spmem:s3] =	stream.indirect.scatter.add.f32 [tilespmem:s5], [sflag:$0x3], $0x80, s29, s12, $0xb8;
	[tilespmem:$0x1D800] =	vst v63  }
0x7fc: {  	_ =	swait.ge [sflag:s4], $0x4000  }
0x7fd: {  	[sflag:s4] =	ssyncset.done $0x0  }
0x7fe: {  	[sflag:s4] =	ssyncadd.s32 $0xFFFFC000  }
0x7ff: {  	_ =	swait.ge [sflag:s14], $0x4000  }
0x800: {  	[sflag:s14] =	ssyncset.done $0x0  }
0x801: {  	s29 =	simm.s32 $0x900;
	[sflag:s14] =	ssyncadd.s32 $0xFFFFC000  }
0x802: {  	[tilespmem:s5], [sflag:$0x1] =	stream.indirect.gather [hbm4b:s8+s12], $0x80, s29, s12, $0xb8;
	[tilespmem:$0x1D800] =	vst v63  }
0x803: {  	s31 =	simm.s32 $0x1480  }
0x804: {  	[spmem:s3] =	stream.indirect.scatter.add.f32 [tilespmem:s13], [sflag:$0x3], $0x80, s31, s12, $0xb8;
	[tilespmem:$0x1D800] =	vst v63  }
0x805: {  	_ =	swait.ge [sflag:s4], $0x4000  }
0x806: {  	[sflag:s4] =	ssyncset.done $0x0  }
0x807: {  	[sflag:s4] =	ssyncadd.s32 $0xFFFFC000  }
0x808: {  	_ =	swait.ge [sflag:s15], $0x4000  }
0x809: {  	[sflag:s15] =	ssyncset.done $0x0  }
0x80a: {  	s29 =	simm.s32 $0x980;
	[sflag:s15] =	ssyncadd.s32 $0xFFFFC000  }
0x80b: {  	[tilespmem:s13], [sflag:$0x2] =	stream.indirect.gather [hbm4b:s8+s12], $0x80, s29, s12, $0xb8;
	[tilespmem:$0x1D800] =	vst v63  }
0x80c: {  	s30 =	simm.s32 $0x1500  }
0x80d: {  	[spmem:s3] =	stream.indirect.scatter.add.f32 [tilespmem:s5], [sflag:$0x3], $0x80, s30, s12, $0xb8;
	[tilespmem:$0x1D800] =	vst v63  }
0x80e: {  	_ =	swait.ge [sflag:s4], $0x4000  }
0x80f: {  	[sflag:s4] =	ssyncset.done $0x0  }
0x810: {  	[sflag:s4] =	ssyncadd.s32 $0xFFFFC000  }
0x811: {  	_ =	swait.ge [sflag:s14], $0x4000  }
0x812: {  	[sflag:s14] =	ssyncset.done $0x0  }
0x813: {  	s30 =	simm.s32 $0x1580;
	[sflag:s14] =	ssyncadd.s32 $0xFFFFC000  }
0x814: {  	[spmem:s3] =	stream.indirect.scatter.add.f32 [tilespmem:s13], [sflag:$0x3], $0x80, s30, s12, $0xb8;
	[tilespmem:$0x1D800] =	vst v63  }
0x815: {  	_ =	swait.ge [sflag:s4], $0x4000  }
0x816: {  	[sflag:s4] =	ssyncset.done $0x0  }
0x817: {  	s31 =	rddreg [dreg:$0x9];
	[sflag:s4] =	ssyncadd.s32 $0xFFFFC000  }
0x818: {  	[tilespmem:s2], [sflag:$0x3] =	stream.linear.gather [hbm4b:s31+s2], $0xA00, $0x38;
	[tilespmem:$0x1D800] =	vst v63  }
0x819: {  	_ =	swait.ge [sflag:s4], $0xA00  }
0x81a: {  	[sflag:s4] =	ssyncset.done $0x0  }
0x81b: {  	s29 =	rddreg [dreg:$0xa];
	[sflag:s4] =	ssyncadd.s32 $0xFFFFF600  }
0x81c: {  	[tilespmem:s0], [sflag:$0x3] =	stream.linear.gather [hbm4b:s29+s2], $0xA00, $0x38;
	[tilespmem:$0x1D800] =	vst v63  }
0x81d: {  	_ =	swait.ge [sflag:s4], $0xA00  }
0x81e: {  	[sflag:s4] =	ssyncset.done $0x0  }
0x81f: {  	[sflag:s4] =	ssyncadd.s32 $0xFFFFF600  }
0x820: {  	[tilespmem:s5], [sflag:$0x1] =	stream.indirect.gather [hbm4b:s8+s12], $0x80, s2, s12, $0xb8;
	[tilespmem:$0x1D800] =	vst v63  }
0x821: {  	_ =	swait.ge [sflag:s15], $0x4000  }
0x822: {  	[sflag:s15] =	ssyncset.done $0x0  }
0x823: {  	[sflag:s15] =	ssyncadd.s32 $0xFFFFC000  }
0x824: {  	[tilespmem:s13], [sflag:$0x2] =	stream.indirect.gather [hbm4b:s8+s12], $0x80, s12, s12, $0xb8;
	[tilespmem:$0x1D800] =	vst v63  }
0x825: {  	_ = 	snop  }
0x826: {  	[spmem:s3] =	stream.indirect.scatter.add.f32 [tilespmem:s5], [sflag:$0x3], $0x80, s0, s12, $0xb8;
	[tilespmem:$0x1D800] =	vst v63  }
0x827: {  	_ =	swait.ge [sflag:s4], $0x4000  }
0x828: {  	[sflag:s4] =	ssyncset.done $0x0  }
0x829: {  	[sflag:s4] =	ssyncadd.s32 $0xFFFFC000  }
0x82a: {  	_ =	swait.ge [sflag:s14], $0x4000  }
0x82b: {  	[sflag:s14] =	ssyncset.done $0x0  }
0x82c: {  	s30 =	simm.s32 $0x100;
	[sflag:s14] =	ssyncadd.s32 $0xFFFFC000  }
0x82d: {  	[tilespmem:s5], [sflag:$0x1] =	stream.indirect.gather [hbm4b:s8+s12], $0x80, s30, s12, $0xb8;
	[tilespmem:$0x1D800] =	vst v63  }
0x82e: {  	s31 =	simm.s32 $0xC80  }
0x82f: {  	[spmem:s3] =	stream.indirect.scatter.add.f32 [tilespmem:s13], [sflag:$0x3], $0x80, s31, s12, $0xb8;
	[tilespmem:$0x1D800] =	vst v63  }
0x830: {  	_ =	swait.ge [sflag:s4], $0x4000  }
0x831: {  	[sflag:s4] =	ssyncset.done $0x0  }
0x832: {  	[sflag:s4] =	ssyncadd.s32 $0xFFFFC000  }
0x833: {  	_ =	swait.ge [sflag:s15], $0x4000  }
0x834: {  	[sflag:s15] =	ssyncset.done $0x0  }
0x835: {  	[sflag:s15] =	ssyncadd.s32 $0xFFFFC000  }
0x836: {  	[tilespmem:s13], [sflag:$0x2] =	stream.indirect.gather [hbm4b:s8+s12], $0x80, s10, s12, $0xb8;
	[tilespmem:$0x1D800] =	vst v63  }
0x837: {  	_ = 	snop  }
0x838: {  	[spmem:s3] =	stream.indirect.scatter.add.f32 [tilespmem:s5], [sflag:$0x3], $0x80, s20, s12, $0xb8;
	[tilespmem:$0x1D800] =	vst v63  }
0x839: {  	_ =	swait.ge [sflag:s4], $0x4000  }
0x83a: {  	[sflag:s4] =	ssyncset.done $0x0  }
0x83b: {  	[sflag:s4] =	ssyncadd.s32 $0xFFFFC000  }
0x83c: {  	_ =	swait.ge [sflag:s14], $0x4000  }
0x83d: {  	[sflag:s14] =	ssyncset.done $0x0  }
0x83e: {  	s29 =	simm.s32 $0x200;
	[sflag:s14] =	ssyncadd.s32 $0xFFFFC000  }
0x83f: {  	[tilespmem:s5], [sflag:$0x1] =	stream.indirect.gather [hbm4b:s8+s12], $0x80, s29, s12, $0xb8;
	[tilespmem:$0x1D800] =	vst v63  }
0x840: {  	s30 =	simm.s32 $0xD80  }
0x841: {  	[spmem:s3] =	stream.indirect.scatter.add.f32 [tilespmem:s13], [sflag:$0x3], $0x80, s30, s12, $0xb8;
	[tilespmem:$0x1D800] =	vst v63  }
0x842: {  	_ =	swait.ge [sflag:s4], $0x4000  }
0x843: {  	[sflag:s4] =	ssyncset.done $0x0  }
0x844: {  	[sflag:s4] =	ssyncadd.s32 $0xFFFFC000  }
0x845: {  	_ =	swait.ge [sflag:s15], $0x4000  }
0x846: {  	[sflag:s15] =	ssyncset.done $0x0  }
0x847: {  	[sflag:s15] =	ssyncadd.s32 $0xFFFFC000  }
0x848: {  	[tilespmem:s13], [sflag:$0x2] =	stream.indirect.gather [hbm4b:s8+s12], $0x80, s9, s12, $0xb8;
	[tilespmem:$0x1D800] =	vst v63  }
0x849: {  	_ = 	snop  }
0x84a: {  	[spmem:s3] =	stream.indirect.scatter.add.f32 [tilespmem:s5], [sflag:$0x3], $0x80, s19, s12, $0xb8;
	[tilespmem:$0x1D800] =	vst v63  }
0x84b: {  	_ =	swait.ge [sflag:s4], $0x4000  }
0x84c: {  	[sflag:s4] =	ssyncset.done $0x0  }
0x84d: {  	[sflag:s4] =	ssyncadd.s32 $0xFFFFC000  }
0x84e: {  	_ =	swait.ge [sflag:s14], $0x4000  }
0x84f: {  	[sflag:s14] =	ssyncset.done $0x0  }
0x850: {  	s31 =	simm.s32 $0x300;
	[sflag:s14] =	ssyncadd.s32 $0xFFFFC000  }
0x851: {  	[tilespmem:s5], [sflag:$0x1] =	stream.indirect.gather [hbm4b:s8+s12], $0x80, s31, s12, $0xb8;
	[tilespmem:$0x1D800] =	vst v63  }
0x852: {  	s29 =	simm.s32 $0xE80  }
0x853: {  	[spmem:s3] =	stream.indirect.scatter.add.f32 [tilespmem:s13], [sflag:$0x3], $0x80, s29, s12, $0xb8;
	[tilespmem:$0x1D800] =	vst v63  }
0x854: {  	_ =	swait.ge [sflag:s4], $0x4000  }
0x855: {  	[sflag:s4] =	ssyncset.done $0x0  }
0x856: {  	[sflag:s4] =	ssyncadd.s32 $0xFFFFC000  }
0x857: {  	_ =	swait.ge [sflag:s15], $0x4000  }
0x858: {  	[sflag:s15] =	ssyncset.done $0x0  }
0x859: {  	[sflag:s15] =	ssyncadd.s32 $0xFFFFC000  }
0x85a: {  	[tilespmem:s13], [sflag:$0x2] =	stream.indirect.gather [hbm4b:s8+s12], $0x80, s26, s12, $0xb8;
	[tilespmem:$0x1D800] =	vst v63  }
0x85b: {  	_ = 	snop  }
0x85c: {  	[spmem:s3] =	stream.indirect.scatter.add.f32 [tilespmem:s5], [sflag:$0x3], $0x80, s18, s12, $0xb8;
	[tilespmem:$0x1D800] =	vst v63  }
0x85d: {  	_ =	swait.ge [sflag:s4], $0x4000  }
0x85e: {  	[sflag:s4] =	ssyncset.done $0x0  }
0x85f: {  	[sflag:s4] =	ssyncadd.s32 $0xFFFFC000  }
0x860: {  	_ =	swait.ge [sflag:s14], $0x4000  }
0x861: {  	[sflag:s14] =	ssyncset.done $0x0  }
0x862: {  	s30 =	simm.s32 $0x400;
	[sflag:s14] =	ssyncadd.s32 $0xFFFFC000  }
0x863: {  	[tilespmem:s5], [sflag:$0x1] =	stream.indirect.gather [hbm4b:s8+s12], $0x80, s30, s12, $0xb8;
	[tilespmem:$0x1D800] =	vst v63  }
0x864: {  	s29 =	simm.s32 $0xF80  }
0x865: {  	[spmem:s3] =	stream.indirect.scatter.add.f32 [tilespmem:s13], [sflag:$0x3], $0x80, s29, s12, $0xb8;
	[tilespmem:$0x1D800] =	vst v63  }
0x866: {  	_ =	swait.ge [sflag:s4], $0x4000  }
0x867: {  	[sflag:s4] =	ssyncset.done $0x0  }
0x868: {  	[sflag:s4] =	ssyncadd.s32 $0xFFFFC000  }
0x869: {  	_ =	swait.ge [sflag:s15], $0x4000  }
0x86a: {  	[sflag:s15] =	ssyncset.done $0x0  }
0x86b: {  	[sflag:s15] =	ssyncadd.s32 $0xFFFFC000  }
0x86c: {  	[tilespmem:s13], [sflag:$0x2] =	stream.indirect.gather [hbm4b:s8+s12], $0x80, s22, s12, $0xb8;
	[tilespmem:$0x1D800] =	vst v63  }
0x86d: {  	_ = 	snop  }
0x86e: {  	[spmem:s3] =	stream.indirect.scatter.add.f32 [tilespmem:s5], [sflag:$0x3], $0x80, s17, s12, $0xb8;
	[tilespmem:$0x1D800] =	vst v63  }
0x86f: {  	_ =	swait.ge [sflag:s4], $0x4000  }
0x870: {  	[sflag:s4] =	ssyncset.done $0x0  }
0x871: {  	[sflag:s4] =	ssyncadd.s32 $0xFFFFC000  }
0x872: {  	_ =	swait.ge [sflag:s14], $0x4000  }
0x873: {  	[sflag:s14] =	ssyncset.done $0x0  }
0x874: {  	s29 =	simm.s32 $0x500;
	[sflag:s14] =	ssyncadd.s32 $0xFFFFC000  }
0x875: {  	[tilespmem:s5], [sflag:$0x1] =	stream.indirect.gather [hbm4b:s8+s12], $0x80, s29, s12, $0xb8;
	[tilespmem:$0x1D800] =	vst v63  }
0x876: {  	_ = 	snop  }
0x877: {  	[spmem:s3] =	stream.indirect.scatter.add.f32 [tilespmem:s13], [sflag:$0x3], $0x80, s16, s12, $0xb8;
	[tilespmem:$0x1D800] =	vst v63  }
0x878: {  	_ =	swait.ge [sflag:s4], $0x4000  }
0x879: {  	[sflag:s4] =	ssyncset.done $0x0  }
0x87a: {  	[sflag:s4] =	ssyncadd.s32 $0xFFFFC000  }
0x87b: {  	_ =	swait.ge [sflag:s15], $0x4000  }
0x87c: {  	[sflag:s15] =	ssyncset.done $0x0  }
0x87d: {  	s1 =	simm.s32 $0x580;
	[sflag:s15] =	ssyncadd.s32 $0xFFFFC000  }
0x87e: {  	[tilespmem:s13], [sflag:$0x2] =	stream.indirect.gather [hbm4b:s8+s12], $0x80, s1, s12, $0xb8;
	[tilespmem:$0x1D800] =	vst v63  }
0x87f: {  	_ = 	snop  }
0x880: {  	[spmem:s3] =	stream.indirect.scatter.add.f32 [tilespmem:s5], [sflag:$0x3], $0x80, s6, s12, $0xb8;
	[tilespmem:$0x1D800] =	vst v63  }
0x881: {  	_ =	swait.ge [sflag:s4], $0x4000  }
0x882: {  	[sflag:s4] =	ssyncset.done $0x0  }
0x883: {  	[sflag:s4] =	ssyncadd.s32 $0xFFFFC000  }
0x884: {  	_ =	swait.ge [sflag:s14], $0x4000  }
0x885: {  	[sflag:s14] =	ssyncset.done $0x0  }
0x886: {  	[sflag:s14] =	ssyncadd.s32 $0xFFFFC000  }
0x887: {  	[tilespmem:s5], [sflag:$0x1] =	stream.indirect.gather [hbm4b:s8+s12], $0x80, s11, s12, $0xb8;
	[tilespmem:$0x1D800] =	vst v63  }
0x888: {  	s1 =	simm.s32 $0x1180  }
0x889: {  	[spmem:s3] =	stream.indirect.scatter.add.f32 [tilespmem:s13], [sflag:$0x3], $0x80, s1, s12, $0xb8;
	[tilespmem:$0x1D800] =	vst v63  }
0x88a: {  	_ =	swait.ge [sflag:s4], $0x4000  }
0x88b: {  	[sflag:s4] =	ssyncset.done $0x0  }
0x88c: {  	[sflag:s4] =	ssyncadd.s32 $0xFFFFC000  }
0x88d: {  	_ =	swait.ge [sflag:s15], $0x4000  }
0x88e: {  	[sflag:s15] =	ssyncset.done $0x0  }
0x88f: {  	[sflag:s15] =	ssyncadd.s32 $0xFFFFC000  }
0x890: {  	[tilespmem:s13], [sflag:$0x2] =	stream.indirect.gather [hbm4b:s8+s12], $0x80, s24, s12, $0xb8;
	[tilespmem:$0x1D800] =	vst v63  }
0x891: {  	_ = 	snop  }
0x892: {  	[spmem:s3] =	stream.indirect.scatter.add.f32 [tilespmem:s5], [sflag:$0x3], $0x80, s28, s12, $0xb8;
	[tilespmem:$0x1D800] =	vst v63  }
0x893: {  	_ =	swait.ge [sflag:s4], $0x4000  }
0x894: {  	[sflag:s4] =	ssyncset.done $0x0  }
0x895: {  	[sflag:s4] =	ssyncadd.s32 $0xFFFFC000  }
0x896: {  	_ =	swait.ge [sflag:s14], $0x4000  }
0x897: {  	[sflag:s14] =	ssyncset.done $0x0  }
0x898: {  	s1 =	simm.s32 $0x700;
	[sflag:s14] =	ssyncadd.s32 $0xFFFFC000  }
0x899: {  	[tilespmem:s5], [sflag:$0x1] =	stream.indirect.gather [hbm4b:s8+s12], $0x80, s1, s12, $0xb8;
	[tilespmem:$0x1D800] =	vst v63  }
0x89a: {  	_ = 	snop  }
0x89b: {  	[spmem:s3] =	stream.indirect.scatter.add.f32 [tilespmem:s13], [sflag:$0x3], $0x80, s7, s12, $0xb8;
	[tilespmem:$0x1D800] =	vst v63  }
0x89c: {  	_ =	swait.ge [sflag:s4], $0x4000  }
0x89d: {  	[sflag:s4] =	ssyncset.done $0x0  }
0x89e: {  	[sflag:s4] =	ssyncadd.s32 $0xFFFFC000  }
0x89f: {  	_ =	swait.ge [sflag:s15], $0x4000  }
0x8a0: {  	[sflag:s15] =	ssyncset.done $0x0  }
0x8a1: {  	[sflag:s15] =	ssyncadd.s32 $0xFFFFC000  }
0x8a2: {  	[tilespmem:s13], [sflag:$0x2] =	stream.indirect.gather [hbm4b:s8+s12], $0x80, s23, s12, $0xb8;
	[tilespmem:$0x1D800] =	vst v63  }
0x8a3: {  	s1 =	simm.s32 $0x1300  }
0x8a4: {  	[spmem:s3] =	stream.indirect.scatter.add.f32 [tilespmem:s5], [sflag:$0x3], $0x80, s1, s12, $0xb8;
	[tilespmem:$0x1D800] =	vst v63  }
0x8a5: {  	_ =	swait.ge [sflag:s4], $0x4000  }
0x8a6: {  	[sflag:s4] =	ssyncset.done $0x0  }
0x8a7: {  	[sflag:s4] =	ssyncadd.s32 $0xFFFFC000  }
0x8a8: {  	_ =	swait.ge [sflag:s14], $0x4000  }
0x8a9: {  	[sflag:s14] =	ssyncset.done $0x0  }
0x8aa: {  	[sflag:s14] =	ssyncadd.s32 $0xFFFFC000  }
0x8ab: {  	[tilespmem:s5], [sflag:$0x1] =	stream.indirect.gather [hbm4b:s8+s12], $0x80, s21, s12, $0xb8;
	[tilespmem:$0x1D800] =	vst v63  }
0x8ac: {  	_ = 	snop  }
0x8ad: {  	[spmem:s3] =	stream.indirect.scatter.add.f32 [tilespmem:s13], [sflag:$0x3], $0x80, s25, s12, $0xb8;
	[tilespmem:$0x1D800] =	vst v63  }
0x8ae: {  	_ =	swait.ge [sflag:s4], $0x4000  }
0x8af: {  	[sflag:s4] =	ssyncset.done $0x0  }
0x8b0: {  	[sflag:s4] =	ssyncadd.s32 $0xFFFFC000  }
0x8b1: {  	_ =	swait.ge [sflag:s15], $0x4000  }
0x8b2: {  	[sflag:s15] =	ssyncset.done $0x0  }
0x8b3: {  	s1 =	simm.s32 $0x880;
	[sflag:s15] =	ssyncadd.s32 $0xFFFFC000  }
0x8b4: {  	[tilespmem:s13], [sflag:$0x2] =	stream.indirect.gather [hbm4b:s8+s12], $0x80, s1, s12, $0xb8;
	[tilespmem:$0x1D800] =	vst v63  }
0x8b5: {  	s1 =	simm.s32 $0x1400  }
0x8b6: {  	[spmem:s3] =	stream.indirect.scatter.add.f32 [tilespmem:s5], [sflag:$0x3], $0x80, s1, s12, $0xb8;
	[tilespmem:$0x1D800] =	vst v63  }
0x8b7: {  	_ =	swait.ge [sflag:s4], $0x4000  }
0x8b8: {  	[sflag:s4] =	ssyncset.done $0x0  }
0x8b9: {  	[sflag:s4] =	ssyncadd.s32 $0xFFFFC000  }
0x8ba: {  	_ =	swait.ge [sflag:s14], $0x4000  }
0x8bb: {  	[sflag:s14] =	ssyncset.done $0x0  }
0x8bc: {  	s1 =	simm.s32 $0x900;
	[sflag:s14] =	ssyncadd.s32 $0xFFFFC000  }
0x8bd: {  	[tilespmem:s5], [sflag:$0x1] =	stream.indirect.gather [hbm4b:s8+s12], $0x80, s1, s12, $0xb8;
	[tilespmem:$0x1D800] =	vst v63  }
0x8be: {  	s1 =	simm.s32 $0x1480  }
0x8bf: {  	[spmem:s3] =	stream.indirect.scatter.add.f32 [tilespmem:s13], [sflag:$0x3], $0x80, s1, s12, $0xb8;
	[tilespmem:$0x1D800] =	vst v63  }
0x8c0: {  	_ =	swait.ge [sflag:s4], $0x4000  }
0x8c1: {  	[sflag:s4] =	ssyncset.done $0x0  }
0x8c2: {  	[sflag:s4] =	ssyncadd.s32 $0xFFFFC000  }
0x8c3: {  	_ =	swait.ge [sflag:s15], $0x4000  }
0x8c4: {  	[sflag:s15] =	ssyncset.done $0x0  }
0x8c5: {  	s1 =	simm.s32 $0x980;
	[sflag:s15] =	ssyncadd.s32 $0xFFFFC000  }
0x8c6: {  	[tilespmem:s13], [sflag:$0x2] =	stream.indirect.gather [hbm4b:s8+s12], $0x80, s1, s12, $0xb8;
	[tilespmem:$0x1D800] =	vst v63  }
0x8c7: {  	s1 =	simm.s32 $0x1500  }
0x8c8: {  	[spmem:s3] =	stream.indirect.scatter.add.f32 [tilespmem:s5], [sflag:$0x3], $0x80, s1, s12, $0xb8;
	[tilespmem:$0x1D800] =	vst v63  }
0x8c9: {  	_ =	swait.ge [sflag:s4], $0x4000  }
0x8ca: {  	[sflag:s4] =	ssyncset.done $0x0  }
0x8cb: {  	[sflag:s4] =	ssyncadd.s32 $0xFFFFC000  }
0x8cc: {  	_ =	swait.ge [sflag:s14], $0x4000  }
0x8cd: {  	[sflag:s14] =	ssyncset.done $0x0  }
0x8ce: {  	s1 =	simm.s32 $0x1580;
	[sflag:s14] =	ssyncadd.s32 $0xFFFFC000  }
0x8cf: {  	[spmem:s3] =	stream.indirect.scatter.add.f32 [tilespmem:s13], [sflag:$0x3], $0x80, s1, s12, $0xb8;
	[tilespmem:$0x1D800] =	vst v63  }
0x8d0: {  	_ =	swait.ge [sflag:s4], $0x4000  }
0x8d1: {  	[sflag:s4] =	ssyncset.done $0x0  }
0x8d2: {  	s1 =	rddreg [dreg:$0xb];
	[sflag:s4] =	ssyncadd.s32 $0xFFFFC000  }
0x8d3: {  	[tilespmem:s2], [sflag:$0x3] =	stream.linear.gather [hbm4b:s1+s2], $0xA00, $0x38;
	[tilespmem:$0x1D800] =	vst v63  }
0x8d4: {  	_ =	swait.ge [sflag:s4], $0xA00  }
0x8d5: {  	[sflag:s4] =	ssyncset.done $0x0  }
0x8d6: {  	s1 =	rddreg [dreg:$0xc];
	[sflag:s4] =	ssyncadd.s32 $0xFFFFF600  }
0x8d7: {  	[tilespmem:s0], [sflag:$0x3] =	stream.linear.gather [hbm4b:s1+s2], $0xA00, $0x38;
	[tilespmem:$0x1D800] =	vst v63  }
0x8d8: {  	_ =	swait.ge [sflag:s4], $0xA00  }
0x8d9: {  	[sflag:s4] =	ssyncset.done $0x0  }
0x8da: {  	[sflag:s4] =	ssyncadd.s32 $0xFFFFF600  }
0x8db: {  	[tilespmem:s5], [sflag:$0x1] =	stream.indirect.gather [hbm4b:s8+s12], $0x80, s2, s12, $0xb8;
	[tilespmem:$0x1D800] =	vst v63  }
0x8dc: {  	_ =	swait.ge [sflag:s15], $0x4000  }
0x8dd: {  	[sflag:s15] =	ssyncset.done $0x0  }
0x8de: {  	[sflag:s15] =	ssyncadd.s32 $0xFFFFC000  }
0x8df: {  	[tilespmem:s13], [sflag:$0x2] =	stream.indirect.gather [hbm4b:s8+s12], $0x80, s12, s12, $0xb8;
	[tilespmem:$0x1D800] =	vst v63  }
0x8e0: {  	_ = 	snop  }
0x8e1: {  	[spmem:s3] =	stream.indirect.scatter.add.f32 [tilespmem:s5], [sflag:$0x3], $0x80, s0, s12, $0xb8;
	[tilespmem:$0x1D800] =	vst v63  }
0x8e2: {  	_ =	swait.ge [sflag:s4], $0x4000  }
0x8e3: {  	[sflag:s4] =	ssyncset.done $0x0  }
0x8e4: {  	[sflag:s4] =	ssyncadd.s32 $0xFFFFC000  }
0x8e5: {  	_ =	swait.ge [sflag:s14], $0x4000  }
0x8e6: {  	[sflag:s14] =	ssyncset.done $0x0  }
0x8e7: {  	s1 =	simm.s32 $0x100;
	[sflag:s14] =	ssyncadd.s32 $0xFFFFC000  }
0x8e8: {  	[tilespmem:s5], [sflag:$0x1] =	stream.indirect.gather [hbm4b:s8+s12], $0x80, s1, s12, $0xb8;
	[tilespmem:$0x1D800] =	vst v63  }
0x8e9: {  	s1 =	simm.s32 $0xC80  }
0x8ea: {  	[spmem:s3] =	stream.indirect.scatter.add.f32 [tilespmem:s13], [sflag:$0x3], $0x80, s1, s12, $0xb8;
	[tilespmem:$0x1D800] =	vst v63  }
0x8eb: {  	_ =	swait.ge [sflag:s4], $0x4000  }
0x8ec: {  	[sflag:s4] =	ssyncset.done $0x0  }
0x8ed: {  	[sflag:s4] =	ssyncadd.s32 $0xFFFFC000  }
0x8ee: {  	_ =	swait.ge [sflag:s15], $0x4000  }
0x8ef: {  	[sflag:s15] =	ssyncset.done $0x0  }
0x8f0: {  	s10 =	simm.s32 $0x180;
	[sflag:s15] =	ssyncadd.s32 $0xFFFFC000  }
0x8f1: {  	[tilespmem:s13], [sflag:$0x2] =	stream.indirect.gather [hbm4b:s8+s12], $0x80, s10, s12, $0xb8;
	[tilespmem:$0x1D800] =	vst v63  }
0x8f2: {  	s20 =	simm.s32 $0xD00  }
0x8f3: {  	[spmem:s3] =	stream.indirect.scatter.add.f32 [tilespmem:s5], [sflag:$0x3], $0x80, s20, s12, $0xb8;
	[tilespmem:$0x1D800] =	vst v63  }
0x8f4: {  	_ =	swait.ge [sflag:s4], $0x4000  }
0x8f5: {  	[sflag:s4] =	ssyncset.done $0x0  }
0x8f6: {  	[sflag:s4] =	ssyncadd.s32 $0xFFFFC000  }
0x8f7: {  	_ =	swait.ge [sflag:s14], $0x4000  }
0x8f8: {  	[sflag:s14] =	ssyncset.done $0x0  }
0x8f9: {  	s1 =	simm.s32 $0x200;
	[sflag:s14] =	ssyncadd.s32 $0xFFFFC000  }
0x8fa: {  	[tilespmem:s5], [sflag:$0x1] =	stream.indirect.gather [hbm4b:s8+s12], $0x80, s1, s12, $0xb8;
	[tilespmem:$0x1D800] =	vst v63  }
0x8fb: {  	s10 =	simm.s32 $0xD80  }
0x8fc: {  	[spmem:s3] =	stream.indirect.scatter.add.f32 [tilespmem:s13], [sflag:$0x3], $0x80, s10, s12, $0xb8;
	[tilespmem:$0x1D800] =	vst v63  }
0x8fd: {  	_ =	swait.ge [sflag:s4], $0x4000  }
0x8fe: {  	[sflag:s4] =	ssyncset.done $0x0  }
0x8ff: {  	[sflag:s4] =	ssyncadd.s32 $0xFFFFC000  }
0x900: {  	_ =	swait.ge [sflag:s15], $0x4000  }
0x901: {  	[sflag:s15] =	ssyncset.done $0x0  }
0x902: {  	s9 =	simm.s32 $0x280;
	[sflag:s15] =	ssyncadd.s32 $0xFFFFC000  }
0x903: {  	[tilespmem:s13], [sflag:$0x2] =	stream.indirect.gather [hbm4b:s8+s12], $0x80, s9, s12, $0xb8;
	[tilespmem:$0x1D800] =	vst v63  }
0x904: {  	s19 =	simm.s32 $0xE00  }
0x905: {  	[spmem:s3] =	stream.indirect.scatter.add.f32 [tilespmem:s5], [sflag:$0x3], $0x80, s19, s12, $0xb8;
	[tilespmem:$0x1D800] =	vst v63  }
0x906: {  	_ =	swait.ge [sflag:s4], $0x4000  }
0x907: {  	[sflag:s4] =	ssyncset.done $0x0  }
0x908: {  	[sflag:s4] =	ssyncadd.s32 $0xFFFFC000  }
0x909: {  	_ =	swait.ge [sflag:s14], $0x4000  }
0x90a: {  	[sflag:s14] =	ssyncset.done $0x0  }
0x90b: {  	s31 =	simm.s32 $0x300;
	[sflag:s14] =	ssyncadd.s32 $0xFFFFC000  }
0x90c: {  	[tilespmem:s5], [sflag:$0x1] =	stream.indirect.gather [hbm4b:s8+s12], $0x80, s31, s12, $0xb8;
	[tilespmem:$0x1D800] =	vst v63  }
0x90d: {  	s20 =	simm.s32 $0xE80  }
0x90e: {  	[spmem:s3] =	stream.indirect.scatter.add.f32 [tilespmem:s13], [sflag:$0x3], $0x80, s20, s12, $0xb8;
	[tilespmem:$0x1D800] =	vst v63  }
0x90f: {  	_ =	swait.ge [sflag:s4], $0x4000  }
0x910: {  	[sflag:s4] =	ssyncset.done $0x0  }
0x911: {  	[sflag:s4] =	ssyncadd.s32 $0xFFFFC000  }
0x912: {  	_ =	swait.ge [sflag:s15], $0x4000  }
0x913: {  	[sflag:s15] =	ssyncset.done $0x0  }
0x914: {  	s26 =	simm.s32 $0x380;
	[sflag:s15] =	ssyncadd.s32 $0xFFFFC000  }
0x915: {  	[tilespmem:s13], [sflag:$0x2] =	stream.indirect.gather [hbm4b:s8+s12], $0x80, s26, s12, $0xb8;
	[tilespmem:$0x1D800] =	vst v63  }
0x916: {  	s18 =	simm.s32 $0xF00  }
0x917: {  	[spmem:s3] =	stream.indirect.scatter.add.f32 [tilespmem:s5], [sflag:$0x3], $0x80, s18, s12, $0xb8;
	[tilespmem:$0x1D800] =	vst v63  }
0x918: {  	_ =	swait.ge [sflag:s4], $0x4000  }
0x919: {  	[sflag:s4] =	ssyncset.done $0x0  }
0x91a: {  	[sflag:s4] =	ssyncadd.s32 $0xFFFFC000  }
0x91b: {  	_ =	swait.ge [sflag:s14], $0x4000  }
0x91c: {  	[sflag:s14] =	ssyncset.done $0x0  }
0x91d: {  	s30 =	simm.s32 $0x400;
	[sflag:s14] =	ssyncadd.s32 $0xFFFFC000  }
0x91e: {  	[tilespmem:s5], [sflag:$0x1] =	stream.indirect.gather [hbm4b:s8+s12], $0x80, s30, s12, $0xb8;
	[tilespmem:$0x1D800] =	vst v63  }
0x91f: {  	s30 =	simm.s32 $0xF80  }
0x920: {  	[spmem:s3] =	stream.indirect.scatter.add.f32 [tilespmem:s13], [sflag:$0x3], $0x80, s30, s12, $0xb8;
	[tilespmem:$0x1D800] =	vst v63  }
0x921: {  	_ =	swait.ge [sflag:s4], $0x4000  }
0x922: {  	[sflag:s4] =	ssyncset.done $0x0  }
0x923: {  	[sflag:s4] =	ssyncadd.s32 $0xFFFFC000  }
0x924: {  	_ =	swait.ge [sflag:s15], $0x4000  }
0x925: {  	[sflag:s15] =	ssyncset.done $0x0  }
0x926: {  	s22 =	simm.s32 $0x480;
	[sflag:s15] =	ssyncadd.s32 $0xFFFFC000  }
0x927: {  	[tilespmem:s13], [sflag:$0x2] =	stream.indirect.gather [hbm4b:s8+s12], $0x80, s22, s12, $0xb8;
	[tilespmem:$0x1D800] =	vst v63  }
0x928: {  	s17 =	simm.s32 $0x1000  }
0x929: {  	[spmem:s3] =	stream.indirect.scatter.add.f32 [tilespmem:s5], [sflag:$0x3], $0x80, s17, s12, $0xb8;
	[tilespmem:$0x1D800] =	vst v63  }
0x92a: {  	_ =	swait.ge [sflag:s4], $0x4000  }
0x92b: {  	[sflag:s4] =	ssyncset.done $0x0  }
0x92c: {  	[sflag:s4] =	ssyncadd.s32 $0xFFFFC000  }
0x92d: {  	_ =	swait.ge [sflag:s14], $0x4000  }
0x92e: {  	[sflag:s14] =	ssyncset.done $0x0  }
0x92f: {  	s29 =	simm.s32 $0x500;
	[sflag:s14] =	ssyncadd.s32 $0xFFFFC000  }
0x930: {  	[tilespmem:s5], [sflag:$0x1] =	stream.indirect.gather [hbm4b:s8+s12], $0x80, s29, s12, $0xb8;
	[tilespmem:$0x1D800] =	vst v63  }
0x931: {  	s16 =	simm.s32 $0x1080  }
0x932: {  	[spmem:s3] =	stream.indirect.scatter.add.f32 [tilespmem:s13], [sflag:$0x3], $0x80, s16, s12, $0xb8;
	[tilespmem:$0x1D800] =	vst v63  }
0x933: {  	_ =	swait.ge [sflag:s4], $0x4000  }
0x934: {  	[sflag:s4] =	ssyncset.done $0x0  }
0x935: {  	[sflag:s4] =	ssyncadd.s32 $0xFFFFC000  }
0x936: {  	_ =	swait.ge [sflag:s15], $0x4000  }
0x937: {  	[sflag:s15] =	ssyncset.done $0x0  }
0x938: {  	s31 =	simm.s32 $0x580;
	[sflag:s15] =	ssyncadd.s32 $0xFFFFC000  }
0x939: {  	[tilespmem:s13], [sflag:$0x2] =	stream.indirect.gather [hbm4b:s8+s12], $0x80, s31, s12, $0xb8;
	[tilespmem:$0x1D800] =	vst v63  }
0x93a: {  	s6 =	simm.s32 $0x1100  }
0x93b: {  	[spmem:s3] =	stream.indirect.scatter.add.f32 [tilespmem:s5], [sflag:$0x3], $0x80, s6, s12, $0xb8;
	[tilespmem:$0x1D800] =	vst v63  }
0x93c: {  	_ =	swait.ge [sflag:s4], $0x4000  }
0x93d: {  	[sflag:s4] =	ssyncset.done $0x0  }
0x93e: {  	[sflag:s4] =	ssyncadd.s32 $0xFFFFC000  }
0x93f: {  	_ =	swait.ge [sflag:s14], $0x4000  }
0x940: {  	[sflag:s14] =	ssyncset.done $0x0  }
0x941: {  	s11 =	simm.s32 $0x600;
	[sflag:s14] =	ssyncadd.s32 $0xFFFFC000  }
0x942: {  	[tilespmem:s5], [sflag:$0x1] =	stream.indirect.gather [hbm4b:s8+s12], $0x80, s11, s12, $0xb8;
	[tilespmem:$0x1D800] =	vst v63  }
0x943: {  	s1 =	simm.s32 $0x1180  }
0x944: {  	[spmem:s3] =	stream.indirect.scatter.add.f32 [tilespmem:s13], [sflag:$0x3], $0x80, s1, s12, $0xb8;
	[tilespmem:$0x1D800] =	vst v63  }
0x945: {  	_ =	swait.ge [sflag:s4], $0x4000  }
0x946: {  	[sflag:s4] =	ssyncset.done $0x0  }
0x947: {  	[sflag:s4] =	ssyncadd.s32 $0xFFFFC000  }
0x948: {  	_ =	swait.ge [sflag:s15], $0x4000  }
0x949: {  	[sflag:s15] =	ssyncset.done $0x0  }
0x94a: {  	s24 =	simm.s32 $0x680;
	[sflag:s15] =	ssyncadd.s32 $0xFFFFC000  }
0x94b: {  	[tilespmem:s13], [sflag:$0x2] =	stream.indirect.gather [hbm4b:s8+s12], $0x80, s24, s12, $0xb8;
	[tilespmem:$0x1D800] =	vst v63  }
0x94c: {  	s28 =	simm.s32 $0x1200  }
0x94d: {  	[spmem:s3] =	stream.indirect.scatter.add.f32 [tilespmem:s5], [sflag:$0x3], $0x80, s28, s12, $0xb8;
	[tilespmem:$0x1D800] =	vst v63  }
0x94e: {  	_ =	swait.ge [sflag:s4], $0x4000  }
0x94f: {  	[sflag:s4] =	ssyncset.done $0x0  }
0x950: {  	[sflag:s4] =	ssyncadd.s32 $0xFFFFC000  }
0x951: {  	_ =	swait.ge [sflag:s14], $0x4000  }
0x952: {  	[sflag:s14] =	ssyncset.done $0x0  }
0x953: {  	s6 =	simm.s32 $0x700;
	[sflag:s14] =	ssyncadd.s32 $0xFFFFC000  }
0x954: {  	[tilespmem:s5], [sflag:$0x1] =	stream.indirect.gather [hbm4b:s8+s12], $0x80, s6, s12, $0xb8;
	[tilespmem:$0x1D800] =	vst v63  }
0x955: {  	s7 =	simm.s32 $0x1280  }
0x956: {  	[spmem:s3] =	stream.indirect.scatter.add.f32 [tilespmem:s13], [sflag:$0x3], $0x80, s7, s12, $0xb8;
	[tilespmem:$0x1D800] =	vst v63  }
0x957: {  	_ =	swait.ge [sflag:s4], $0x4000  }
0x958: {  	[sflag:s4] =	ssyncset.done $0x0  }
0x959: {  	[sflag:s4] =	ssyncadd.s32 $0xFFFFC000  }
0x95a: {  	_ =	swait.ge [sflag:s15], $0x4000  }
0x95b: {  	[sflag:s15] =	ssyncset.done $0x0  }
0x95c: {  	s23 =	simm.s32 $0x780;
	[sflag:s15] =	ssyncadd.s32 $0xFFFFC000  }
0x95d: {  	[tilespmem:s13], [sflag:$0x2] =	stream.indirect.gather [hbm4b:s8+s12], $0x80, s23, s12, $0xb8;
	[tilespmem:$0x1D800] =	vst v63  }
0x95e: {  	s7 =	simm.s32 $0x1300  }
0x95f: {  	[spmem:s3] =	stream.indirect.scatter.add.f32 [tilespmem:s5], [sflag:$0x3], $0x80, s7, s12, $0xb8;
	[tilespmem:$0x1D800] =	vst v63  }
0x960: {  	_ =	swait.ge [sflag:s4], $0x4000  }
0x961: {  	[sflag:s4] =	ssyncset.done $0x0  }
0x962: {  	[sflag:s4] =	ssyncadd.s32 $0xFFFFC000  }
0x963: {  	_ =	swait.ge [sflag:s14], $0x4000  }
0x964: {  	[sflag:s14] =	ssyncset.done $0x0  }
0x965: {  	s21 =	simm.s32 $0x800;
	[sflag:s14] =	ssyncadd.s32 $0xFFFFC000  }
0x966: {  	[tilespmem:s5], [sflag:$0x1] =	stream.indirect.gather [hbm4b:s8+s12], $0x80, s21, s12, $0xb8;
	[tilespmem:$0x1D800] =	vst v63  }
0x967: {  	s25 =	simm.s32 $0x1380  }
0x968: {  	[spmem:s3] =	stream.indirect.scatter.add.f32 [tilespmem:s13], [sflag:$0x3], $0x80, s25, s12, $0xb8;
	[tilespmem:$0x1D800] =	vst v63  }
0x969: {  	_ =	swait.ge [sflag:s4], $0x4000  }
0x96a: {  	[sflag:s4] =	ssyncset.done $0x0  }
0x96b: {  	[sflag:s4] =	ssyncadd.s32 $0xFFFFC000  }
0x96c: {  	_ =	swait.ge [sflag:s15], $0x4000  }
0x96d: {  	[sflag:s15] =	ssyncset.done $0x0  }
0x96e: {  	s9 =	simm.s32 $0x880;
	[sflag:s15] =	ssyncadd.s32 $0xFFFFC000  }
0x96f: {  	[tilespmem:s13], [sflag:$0x2] =	stream.indirect.gather [hbm4b:s8+s12], $0x80, s9, s12, $0xb8;
	[tilespmem:$0x1D800] =	vst v63  }
0x970: {  	s10 =	simm.s32 $0x1400  }
0x971: {  	[spmem:s3] =	stream.indirect.scatter.add.f32 [tilespmem:s5], [sflag:$0x3], $0x80, s10, s12, $0xb8;
	[tilespmem:$0x1D800] =	vst v63  }
0x972: {  	_ =	swait.ge [sflag:s4], $0x4000  }
0x973: {  	[sflag:s4] =	ssyncset.done $0x0  }
0x974: {  	[sflag:s4] =	ssyncadd.s32 $0xFFFFC000  }
0x975: {  	_ =	swait.ge [sflag:s14], $0x4000  }
0x976: {  	[sflag:s14] =	ssyncset.done $0x0  }
0x977: {  	s11 =	simm.s32 $0x900;
	[sflag:s14] =	ssyncadd.s32 $0xFFFFC000  }
0x978: {  	[tilespmem:s5], [sflag:$0x1] =	stream.indirect.gather [hbm4b:s8+s12], $0x80, s11, s12, $0xb8;
	[tilespmem:$0x1D800] =	vst v63  }
0x979: {  	s16 =	simm.s32 $0x1480  }
0x97a: {  	[spmem:s3] =	stream.indirect.scatter.add.f32 [tilespmem:s13], [sflag:$0x3], $0x80, s16, s12, $0xb8;
	[tilespmem:$0x1D800] =	vst v63  }
0x97b: {  	_ =	swait.ge [sflag:s4], $0x4000  }
0x97c: {  	[sflag:s4] =	ssyncset.done $0x0  }
0x97d: {  	[sflag:s4] =	ssyncadd.s32 $0xFFFFC000  }
0x97e: {  	_ =	swait.ge [sflag:s15], $0x4000  }
0x97f: {  	[sflag:s15] =	ssyncset.done $0x0  }
0x980: {  	s17 =	simm.s32 $0x980;
	[sflag:s15] =	ssyncadd.s32 $0xFFFFC000  }
0x981: {  	[tilespmem:s13], [sflag:$0x2] =	stream.indirect.gather [hbm4b:s8+s12], $0x80, s17, s12, $0xb8;
	[tilespmem:$0x1D800] =	vst v63  }
0x982: {  	s18 =	simm.s32 $0x1500  }
0x983: {  	[spmem:s3] =	stream.indirect.scatter.add.f32 [tilespmem:s5], [sflag:$0x3], $0x80, s18, s12, $0xb8;
	[tilespmem:$0x1D800] =	vst v63  }
0x984: {  	_ =	swait.ge [sflag:s4], $0x4000  }
0x985: {  	[sflag:s4] =	ssyncset.done $0x0  }
0x986: {  	[sflag:s4] =	ssyncadd.s32 $0xFFFFC000  }
0x987: {  	_ =	swait.ge [sflag:s14], $0x4000  }
0x988: {  	[sflag:s14] =	ssyncset.done $0x0  }
0x989: {  	s19 =	simm.s32 $0x1580;
	[sflag:s14] =	ssyncadd.s32 $0xFFFFC000  }
0x98a: {  	[spmem:s3] =	stream.indirect.scatter.add.f32 [tilespmem:s13], [sflag:$0x3], $0x80, s19, s12, $0xb8;
	[tilespmem:$0x1D800] =	vst v63  }
0x98b: {  	_ =	swait.ge [sflag:s4], $0x4000  }
0x98c: {  	[sflag:s4] =	ssyncset.done $0x0  }
0x98d: {  	[sflag:s4] =	ssyncadd.s32 $0xFFFFC000  }
0x98e: {  	[bflag:$0x0] =	sbarrier.arrive $0xFFFF  }
0x98f: {  	s20 =	rddreg [dreg:$0x12]  }
0x990: {  	[tilespmem:s5], [sflag:$0x3] =	stream.linear.gather [spmem:s20], $0x4000, $0x38;
	[tilespmem:$0x1D800] =	vst v63  }
0x991: {  	_ =	swait.ge [sflag:s4], $0x4000  }
0x992: {  	[sflag:s4] =	ssyncset.done $0x0  }
0x993: {  	s21 =	rddreg [dreg:$0xd];
	[sflag:s4] =	ssyncadd.s32 $0xFFFFC000  }
0x994: {  	[hbm4b:s21+s2] =	stream.linear.scatter [tilespmem:s5], [sflag:$0x3], $0x4000, $0x38;
	[tilespmem:$0x1D800] =	vst v63  }
0x995: {  	_ =	swait.ge [sflag:s4], $0x4000  }
0x996: {  	[sflag:s4] =	ssyncset.done $0x0  }
0x997: {  	s22 =	rddreg [dreg:$0x13];
	[sflag:s4] =	ssyncadd.s32 $0xFFFFC000  }
0x998: {  	[tilespmem:s5], [sflag:$0x3] =	stream.linear.gather [spmem:s22], $0x4000, $0x38;
	[tilespmem:$0x1D800] =	vst v63  }
0x999: {  	_ =	swait.ge [sflag:s4], $0x4000  }
0x99a: {  	[sflag:s4] =	ssyncset.done $0x0  }
0x99b: {  	s23 =	rddreg [dreg:$0xe];
	[sflag:s4] =	ssyncadd.s32 $0xFFFFC000  }
0x99c: {  	[hbm4b:s23+s2] =	stream.linear.scatter [tilespmem:s5], [sflag:$0x3], $0x4000, $0x38;
	[tilespmem:$0x1D800] =	vst v63  }
0x99d: {  	_ =	swait.ge [sflag:s4], $0x4000  }
0x99e: {  	[sflag:s4] =	ssyncset.done $0x0  }
0x99f: {  	s24 =	rddreg [dreg:$0x15];
	[sflag:s4] =	ssyncadd.s32 $0xFFFFC000  }
0x9a0: {  	[tilespmem:s5], [sflag:$0x3] =	stream.linear.gather [spmem:s24], $0x4000, $0x38;
	[tilespmem:$0x1D800] =	vst v63  }
0x9a1: {  	_ =	swait.ge [sflag:s4], $0x4000  }
0x9a2: {  	[sflag:s4] =	ssyncset.done $0x0  }
0x9a3: {  	s25 =	rddreg [dreg:$0xf];
	[sflag:s4] =	ssyncadd.s32 $0xFFFFC000  }
0x9a4: {  	[hbm4b:s25+s2] =	stream.linear.scatter [tilespmem:s5], [sflag:$0x3], $0x4000, $0x38;
	[tilespmem:$0x1D800] =	vst v63  }
0x9a5: {  	_ =	swait.ge [sflag:s4], $0x4000  }
0x9a6: {  	[sflag:s4] =	ssyncset.done $0x0  }
0x9a7: {  	s26 =	rddreg [dreg:$0x16];
	[sflag:s4] =	ssyncadd.s32 $0xFFFFC000  }
0x9a8: {  	[tilespmem:s5], [sflag:$0x3] =	stream.linear.gather [spmem:s26], $0x4000, $0x38;
	[tilespmem:$0x1D800] =	vst v63  }
0x9a9: {  	_ =	swait.ge [sflag:s4], $0x4000  }
0x9aa: {  	[sflag:s4] =	ssyncset.done $0x0  }
0x9ab: {  	s28 =	rddreg [dreg:$0x10];
	[sflag:s4] =	ssyncadd.s32 $0xFFFFC000  }
0x9ac: {  	[hbm4b:s28+s2] =	stream.linear.scatter [tilespmem:s5], [sflag:$0x3], $0x4000, $0x38;
	[tilespmem:$0x1D800] =	vst v63  }
0x9ad: {  	_ =	swait.ge [sflag:s4], $0x4000  }
0x9ae: {  	[sflag:s4] =	ssyncset.done $0x0  }
0x9af: {  	s29 =	rddreg [dreg:$0x14];
	[sflag:s4] =	ssyncadd.s32 $0xFFFFC000  }
0x9b0: {  	[tilespmem:s5], [sflag:$0x3] =	stream.linear.gather [spmem:s29], $0x4000, $0x38;
	[tilespmem:$0x1D800] =	vst v63  }
0x9b1: {  	_ =	swait.ge [sflag:s4], $0x4000  }
0x9b2: {  	[sflag:s4] =	ssyncset.done $0x0  }
0x9b3: {  	s30 =	rddreg [dreg:$0x11];
	[sflag:s4] =	ssyncadd.s32 $0xFFFFC000  }
0x9b4: {  	[hbm4b:s30+s2] =	stream.linear.scatter [tilespmem:s5], [sflag:$0x3], $0x4000, $0x38;
	[tilespmem:$0x1D800] =	vst v63  }
0x9b5: {  	_ =	swait.ge [sflag:s4], $0x4000  }
0x9b6: {  	[sflag:s4] =	ssyncset.done $0x0  }
0x9b7: {  	[sflag:s4] =	ssyncadd.s32 $0xFFFFC000  }
0x9b8: {  	_ =	sfence.sel $0x180000  }
0x9b9: {  	[bflag:$0x0] =	sbarrier.arrive $0xFFFF  }
0x9ba: {  	_ =	strace $0x9000004A  }
0x9bb: {  	s31 =	stileid.u32;
	[bflag:$0x2] =	sbarrier.arrive $0xFFFF  }
0x9bc: {  	p0 =	sne.s32 s31, $0x0;
	s0 =	rddreg [dreg:$0x3]  }
0x9bd: {  	s0 =	sadd.s32 @!p0 $0x100000, s0  }
0x9be: {  	[sflag:s0] =	ssyncadd.tile.s32 @!p0 $0x1;
	_ =	shalt  }
.LBB2_1:
.Ltmp3:
0x9bf: {  	s16 =	rddreg [dreg:$0x15];
	(pc) =	sbr.rel .LBB2_6-.Ltmp3, $4  }
0x9c0: {  	s11 =	rddreg [dreg:$0x16]  }
0x9c1: {  	s10 =	rddreg [dreg:$0x12]  }
0x9c2: {  	s9 =	rddreg [dreg:$0x13]  }
0x9c3: {  	s7 =	rddreg [dreg:$0x14]  }
.LBB2_3:
.Ltmp4:
0x9c4: {  	s16 =	rddreg [dreg:$0x15];
	(pc) =	sbr.rel .LBB2_6-.Ltmp4, $4  }
0x9c5: {  	s11 =	rddreg [dreg:$0x16]  }
0x9c6: {  	s10 =	rddreg [dreg:$0x12]  }
0x9c7: {  	s9 =	rddreg [dreg:$0x13]  }
0x9c8: {  	s7 =	rddreg [dreg:$0x14];
	s0 =	simm.s32 $0xC00  }
.Lfunc_end2:
_tile_overlayer_lowered:
.L_overlay_start_2:
0x9c9: {  	(tag) =	ssettag $0x2  }
0x9ca: {  	s0 =	rddreg [dreg:$0x0];
	s2 =	stileid.u32  }
0x9cb: {  	s1 =	rddreg [dreg:$0x1];
	p0 =	sne.s32 s2, $0x0  }
0x9cc: {  	s3 =	rddreg [dreg:$0x2];
	[bflag:$0x3] =	sbarrier.arrive $0xFFFF;
	s2 =	simm.s32 @!p0 $0x1C03  }
0x9cd: {  	[timem:s3], [sflag:s2] =	dma.local @!p0 [hbm:s0], s1  }
0x9ce: {  	s0 =	simm.s32 @!p0 $0x3  }
0x9cf: {  	_ =	swait.ge @!p0 [sflag:s0], s1  }
0x9d0: {  	s1 =	ssub.s32 @!p0 $0x0, s1;
	[sflag:s0] =	ssyncset.done @!p0 $0x0  }
0x9d1: {  	[sflag:s0] =	ssyncadd.s32 @!p0 s1  }
0x9d2: {  	[bflag:$0x3] =	sbarrier.arrive $0xFFFF  }
0x9d3: {  	_ =	shalt  }

</sc_bundles>
